<compile_context>
chip_gen: v7x
topology: tpu7x:2x2x1
jax: 0.10.2.dev20260603
libtpu: 0.0.44.dev20260713+nightly
codegen_flags: <defaults>
</compile_context>

<pallas_src>
import jax
import jax.numpy as jnp
from jax import lax
from jax.experimental import pallas as pl
from jax.experimental.pallas import tpu as pltpu
from jax.experimental.pallas import tpu_sc as plsc

N = 10000
D = 128
E = 320000
NS = 16
EPT = E // NS
CHUNK = 125
STEPS = EPT // CHUNK
G = 5
NG = STEPS // G
NQ = NG // 2
SLAB = 632
SLAB_LAST = N - 15 * SLAB
ZR = 96

_mesh = plsc.VectorSubcoreMesh(core_axis_name="c", subcore_axis_name="s")


def _make_agg(with_counts):
    out_type = [jax.ShapeDtypeStruct((2, N, D), jnp.float32)]
    scratch = [
        pltpu.VMEM_SHARED((N, D), jnp.float32),
        pltpu.VMEM((G, CHUNK), jnp.int32),
        pltpu.VMEM((G, CHUNK), jnp.int32),
        pltpu.VMEM((G, CHUNK), jnp.int32),
        pltpu.VMEM((G, CHUNK), jnp.int32),
        pltpu.VMEM((CHUNK, D), jnp.float32),
        pltpu.VMEM((CHUNK, D), jnp.float32),
        pltpu.SemaphoreType.DMA,
        pltpu.SemaphoreType.DMA,
        pltpu.SemaphoreType.DMA,
        pltpu.SemaphoreType.DMA,
        pltpu.SemaphoreType.DMA,
        pltpu.SemaphoreType.DMA,
        pltpu.SemaphoreType.DMA,
    ]
    if with_counts:
        out_type += [jax.ShapeDtypeStruct((N,), jnp.float32),
                     jax.ShapeDtypeStruct((N,), jnp.float32)]
        scratch += [
            pltpu.VMEM_SHARED((N,), jnp.float32),
            pltpu.VMEM((128,), jnp.float32),
            pltpu.VMEM((640,), jnp.float32),
        ]

    def body(x_u, x_i, si_ui, di_ui, si_iu, di_iu, *rest):
        if with_counts:
            (out_sum, cnt_i, cnt_u,
             acc, src_a, dst_a, src_b, dst_b, rows0, rows1,
             sem_g0, sem_g1, sem_s0, sem_s1, sem_c0, sem_c1, sem_i,
             cnt_acc, ones_v, zcnt) = rest
            cnt_outs = (cnt_i, cnt_u)
        else:
            (out_sum,
             acc, src_a, dst_a, src_b, dst_b, rows0, rows1,
             sem_g0, sem_g1, sem_s0, sem_s1, sem_c0, sem_c1, sem_i) = rest
            cnt_outs = cnt_acc = ones_v = zcnt = None
        rows = rows0
        c = lax.axis_index("c")
        s = lax.axis_index("s")
        base = s * SLAB

        @pl.loop(0, ZR)
        def _(i):
            @pl.loop(0, D, step=16)
            def _(j):
                rows[i, pl.ds(j, 16)] = jnp.zeros((16,), jnp.float32)

        if with_counts:
            @pl.loop(0, 128, step=16)
            def _(i):
                ones_v[pl.ds(i, 16)] = jnp.ones((16,), jnp.float32)

            @pl.loop(0, 640, step=16)
            def _(i):
                zcnt[pl.ds(i, 16)] = jnp.zeros((16,), jnp.float32)

        def zero_slab(nrows):
            @pl.loop(0, nrows // ZR)
            def _(i):
                pltpu.sync_copy(rows.at[pl.ds(0, ZR)],
                                acc.at[pl.ds(base + i * ZR, ZR)])
            rem = nrows % ZR
            pltpu.sync_copy(rows.at[pl.ds(0, rem)],
                            acc.at[pl.ds(base + (nrows // ZR) * ZR, rem)])
            if with_counts:
                pltpu.sync_copy(zcnt.at[pl.ds(0, nrows)],
                                cnt_acc.at[pl.ds(base, nrows)])

        @pl.when(s < 15)
        def _():
            zero_slab(SLAB)

        @pl.when(s == 15)
        def _():
            zero_slab(SLAB_LAST)

        plsc.subcore_barrier()
        if not with_counts:
            x_u, x_i = x_u.at[1], x_i.at[0]

        def run_rel(tab, si, di):
            bufs = ((rows0, sem_g0, sem_s0, sem_c0),
                    (rows1, sem_g1, sem_s1, sem_c1))
            pltpu.sync_copy(si.at[s, 0], src_a)
            pltpu.sync_copy(di.at[s, 0], dst_a)
            pltpu.async_copy(tab.at[src_a.at[0]], rows0, sem_g0)

            @pl.loop(0, NQ)
            def _(q):
                for j in range(2 * G):
                    sa, da = (src_a, dst_a) if j < G else (src_b, dst_b)
                    r = j % G
                    buf, sem_g, sem_s, sem_c = bufs[j % 2]
                    nbuf, nsem_g, nsem_s, nsem_c = bufs[1 - j % 2]
                    pltpu.make_async_copy(tab.at[sa.at[r]], buf, sem_g).wait()
                    pltpu.async_copy(buf, acc.at[da.at[r]], sem_s, add=True)
                    if with_counts:
                        pltpu.async_copy(ones_v.at[pl.ds(0, CHUNK)],
                                         cnt_acc.at[da.at[r]], sem_c, add=True)
                    if j == 1:
                        pltpu.async_copy(si.at[s, 2 * q + 1], src_b, sem_i)
                        pltpu.async_copy(di.at[s, 2 * q + 1], dst_b, sem_i)
                    if j == 6:
                        @pl.when(q < NQ - 1)
                        def _():
                            pltpu.async_copy(si.at[s, 2 * q + 2], src_a,
                                             sem_i)
                            pltpu.async_copy(di.at[s, 2 * q + 2], dst_a,
                                             sem_i)

                    def drain_next():
                        pltpu.make_async_copy(
                            nbuf, acc.at[da.at[r]], nsem_s).wait()
                        if with_counts:
                            pltpu.make_async_copy(
                                ones_v.at[pl.ds(0, CHUNK)],
                                cnt_acc.at[da.at[r]], nsem_c).wait()

                    if j == 0:
                        @pl.when(q > 0)
                        def _():
                            drain_next()
                        pltpu.async_copy(tab.at[sa.at[1]], nbuf, nsem_g)
                    elif j < G - 1:
                        drain_next()
                        pltpu.async_copy(tab.at[sa.at[r + 1]], nbuf, nsem_g)
                    elif j == G - 1:
                        drain_next()
                        pltpu.make_async_copy(si.at[s, 2 * q + 1], src_b,
                                              sem_i).wait()
                        pltpu.make_async_copy(di.at[s, 2 * q + 1], dst_b,
                                              sem_i).wait()
                        pltpu.async_copy(tab.at[src_b.at[0]], nbuf, nsem_g)
                    elif j < 2 * G - 1:
                        drain_next()
                        pltpu.async_copy(tab.at[sa.at[r + 1]], nbuf, nsem_g)
                    else:
                        @pl.when(q < NQ - 1)
                        def _():
                            drain_next()
                            pltpu.make_async_copy(si.at[s, 2 * q + 2], src_a,
                                                  sem_i).wait()
                            pltpu.make_async_copy(di.at[s, 2 * q + 2], dst_a,
                                                  sem_i).wait()
                            pltpu.async_copy(tab.at[src_a.at[0]], nbuf,
                                             nsem_g)

            pltpu.make_async_copy(rows0, acc.at[dst_b.at[G - 2]],
                                  sem_s0).wait()
            pltpu.make_async_copy(rows1, acc.at[dst_b.at[G - 1]],
                                  sem_s1).wait()
            if with_counts:
                pltpu.make_async_copy(ones_v.at[pl.ds(0, CHUNK)],
                                      cnt_acc.at[dst_b.at[G - 2]],
                                      sem_c0).wait()
                pltpu.make_async_copy(ones_v.at[pl.ds(0, CHUNK)],
                                      cnt_acc.at[dst_b.at[G - 1]],
                                      sem_c1).wait()

        @pl.when(c == 0)
        def _():
            run_rel(x_u, si_ui, di_ui)

        @pl.when(c == 1)
        def _():
            run_rel(x_i, si_iu, di_iu)

        plsc.subcore_barrier()

        def dump(k, nrows):
            pltpu.sync_copy(acc.at[pl.ds(base, nrows)],
                            out_sum.at[k, pl.ds(base, nrows)])
            if with_counts:
                pltpu.sync_copy(cnt_acc.at[pl.ds(base, nrows)],
                                zcnt.at[pl.ds(0, nrows)])
                pltpu.sync_copy(zcnt.at[pl.ds(0, nrows)],
                                cnt_outs[k].at[pl.ds(base, nrows)])

        for k in (0, 1):
            for last in (False, True):
                @pl.when((c == k) & ((s == 15) if last else (s < 15)))
                def _(k=k, last=last):
                    dump(k, SLAB_LAST if last else SLAB)

    return pl.kernel(body, out_type=out_type, mesh=_mesh,
                     scratch_types=scratch, name=f"sage_agg_{int(with_counts)}")


_agg_with_counts = _make_agg(True)
_agg_no_counts = _make_agg(False)

BR = 2000


def _dense_body(s_ref, c_ref, x_ref, wl_ref, b_ref, wr_ref, o_ref):
    cnt = c_ref[0]
    agg = s_ref[0] * (1.0 / jnp.maximum(cnt, 1.0))
    acc = jnp.dot(agg, wl_ref[0], preferred_element_type=jnp.float32,
                  precision=lax.Precision.HIGHEST)
    acc = acc + b_ref[0]
    acc = acc + jnp.dot(x_ref[0], wr_ref[0],
                        preferred_element_type=jnp.float32,
                        precision=lax.Precision.HIGHEST)
    o_ref[0] = jnp.maximum(acc, 0.0)


_dense_call = pl.pallas_call(
    _dense_body,
    grid=(2, N // BR),
    in_specs=[
        pl.BlockSpec((1, BR, D), lambda k, i: (k, i, 0)),
        pl.BlockSpec((1, BR, 1), lambda k, i: (k, i, 0)),
        pl.BlockSpec((1, BR, D), lambda k, i: (k, i, 0)),
        pl.BlockSpec((1, D, D), lambda k, i: (k, 0, 0)),
        pl.BlockSpec((1, 1, D), lambda k, i: (k, 0, 0)),
        pl.BlockSpec((1, D, D), lambda k, i: (k, 0, 0)),
    ],
    out_specs=pl.BlockSpec((1, BR, D), lambda k, i: (k, i, 0)),
    out_shape=jax.ShapeDtypeStruct((2, N, D), jnp.float32),
)


def _dense(S, C, X, Wl, B, Wr):
    return _dense_call(S, C.reshape(2, N, 1), X, Wl, B, Wr)


def kernel(x_user, x_item, edge_index_ui, edge_index_iu,
           W1_ui_l, b1_ui_l, W1_ui_r, W1_iu_l, b1_iu_l, W1_iu_r,
           W2_ui_l, b2_ui_l, W2_ui_r, W2_iu_l, b2_iu_l, W2_iu_r):
    si_ui = edge_index_ui[0].reshape(NS, NG, G, CHUNK)
    di_ui = edge_index_ui[1].reshape(NS, NG, G, CHUNK)
    si_iu = edge_index_iu[0].reshape(NS, NG, G, CHUNK)
    di_iu = edge_index_iu[1].reshape(NS, NG, G, CHUNK)

    Wl1 = jnp.stack([W1_ui_l.T, W1_iu_l.T])
    Wr1 = jnp.stack([W1_ui_r.T, W1_iu_r.T])
    B1 = jnp.stack([b1_ui_l, b1_iu_l]).reshape(2, 1, D)
    Wl2 = jnp.stack([W2_ui_l.T, W2_iu_l.T])
    Wr2 = jnp.stack([W2_ui_r.T, W2_iu_r.T])
    B2 = jnp.stack([b2_ui_l, b2_iu_l]).reshape(2, 1, D)
    X1 = jnp.stack([x_item, x_user])

    S1, C_i, C_u = _agg_with_counts(x_user, x_item, si_ui, di_ui, si_iu,
                                    di_iu)
    C1 = jnp.stack([C_i, C_u])
    O1 = _dense(S1, C1, X1, Wl1, B1, Wr1)
    (S2,) = _agg_no_counts(O1, O1, si_ui, di_ui, si_iu, di_iu)
    O2 = _dense(S2, C1, O1, Wl2, B2, Wr2)
    return (O2[1], O2[0])

# --- scband reference (transcript-rebuilt; emitter-appended) ---
"""Pipeline reference for scband-graph-sage-31464930410651 (READ-ONLY COPY).

The authoritative reference and input builder live on the scoring server;
editing this copy changes nothing except your own understanding.
"""

import jax, jax.numpy as jnp
import numpy as np

N_USER = 10000
N_ITEM = 10000
E = 320000
D = 128
H = 128


def _glorot(key, shape, scale):
    return jax.random.normal(key, shape, dtype=jnp.float32) * scale


def setup_inputs(seed: int = 0) -> dict:
    key = jax.random.key(seed)
    ks = jax.random.split(key, 20)
    inp = {}
    inp["x_user"] = jax.random.normal(ks[0], (N_USER, D), dtype=jnp.float32)
    inp["x_item"] = jax.random.normal(ks[1], (N_ITEM, D), dtype=jnp.float32)
    inp["edge_index_ui"] = jax.random.randint(ks[2], (2, E), 0, N_USER).astype(jnp.int32)
    inp["edge_index_iu"] = jax.random.randint(ks[3], (2, E), 0, N_ITEM).astype(jnp.int32)
    s1 = 1.0 / np.sqrt(D)
    s2 = 1.0 / np.sqrt(H)
    # conv1: SAGEConv per relation (lin_l on aggregated neighbors w/ bias, lin_r on dst, no bias)
    inp["W1_ui_l"] = _glorot(ks[4], (H, D), s1)
    inp["b1_ui_l"] = jnp.zeros((H,), dtype=jnp.float32)
    inp["W1_ui_r"] = _glorot(ks[5], (H, D), s1)
    inp["W1_iu_l"] = _glorot(ks[6], (H, D), s1)
    inp["b1_iu_l"] = jnp.zeros((H,), dtype=jnp.float32)
    inp["W1_iu_r"] = _glorot(ks[7], (H, D), s1)
    # conv2
    inp["W2_ui_l"] = _glorot(ks[8], (H, H), s2)
    inp["b2_ui_l"] = jnp.zeros((H,), dtype=jnp.float32)
    inp["W2_ui_r"] = _glorot(ks[9], (H, H), s2)
    inp["W2_iu_l"] = _glorot(ks[10], (H, H), s2)
    inp["b2_iu_l"] = jnp.zeros((H,), dtype=jnp.float32)
    inp["W2_iu_r"] = _glorot(ks[11], (H, H), s2)
    return inp


def _sage_conv(x_src, x_dst, edge_index, W_l, b_l, W_r, n_dst):
    src = edge_index[0]
    dst = edge_index[1]
    msg = jnp.take(x_src, src, axis=0)
    agg = jax.ops.segment_sum(msg, dst, num_segments=n_dst)
    cnt = jax.ops.segment_sum(jnp.ones((dst.shape[0],), dtype=x_src.dtype), dst, num_segments=n_dst)
    agg = agg / jnp.clip(cnt, 1.0)[:, None]
    return agg @ W_l.T + b_l + x_dst @ W_r.T


def reference(x_user, x_item, edge_index_ui, edge_index_iu,
              W1_ui_l, b1_ui_l, W1_ui_r, W1_iu_l, b1_iu_l, W1_iu_r,
              W2_ui_l, b2_ui_l, W2_ui_r, W2_iu_l, b2_iu_l, W2_iu_r):
    # conv1 (HeteroConv over two relations, single relation per dst type)
    item1 = jax.nn.relu(_sage_conv(x_user, x_item, edge_index_ui, W1_ui_l, b1_ui_l, W1_ui_r, N_ITEM))
    user1 = jax.nn.relu(_sage_conv(x_item, x_user, edge_index_iu, W1_iu_l, b1_iu_l, W1_iu_r, N_USER))
    # dropout is identity in eval mode
    item2 = jax.nn.relu(_sage_conv(user1, item1, edge_index_ui, W2_ui_l, b2_ui_l, W2_ui_r, N_ITEM))
    user2 = jax.nn.relu(_sage_conv(item1, user1, edge_index_iu, W2_iu_l, b2_iu_l, W2_iu_r, N_USER))
    return (user2, item2)

if __name__ == "__main__":
    import jax
    _d = setup_inputs()
    print(jax.jit(kernel)(*tuple(_d.values())))

</pallas_src>

<mosaic_0001>
#map = affine_map<(d0, d1) -> (0, 0, 0)>
#map1 = affine_map<(d0, d1) -> (0, 0, 0, 0)>
module attributes {stable_mosaic.version = 14 : i64} {
  func.func @sage_agg_0(%arg0: i32, %arg1: i32, %arg2: memref<2x10000x128xf32, #tpu.memory_space<hbm>>, %arg3: memref<2x10000x128xf32, #tpu.memory_space<hbm>>, %arg4: memref<16x32x5x125xi32, #tpu.memory_space<hbm>>, %arg5: memref<16x32x5x125xi32, #tpu.memory_space<hbm>>, %arg6: memref<16x32x5x125xi32, #tpu.memory_space<hbm>>, %arg7: memref<16x32x5x125xi32, #tpu.memory_space<hbm>>, %arg8: memref<2x10000x128xf32, #tpu.memory_space<hbm>>, %arg9: memref<10000x128xf32, #tpu.memory_space<vmem_shared>>, %arg10: memref<5x125xi32, #tpu.memory_space<vmem>>, %arg11: memref<5x125xi32, #tpu.memory_space<vmem>>, %arg12: memref<5x125xi32, #tpu.memory_space<vmem>>, %arg13: memref<5x125xi32, #tpu.memory_space<vmem>>, %arg14: memref<125x128xf32, #tpu.memory_space<vmem>>, %arg15: memref<125x128xf32, #tpu.memory_space<vmem>>, %arg16: memref<!tpu.dma_semaphore, #tpu.memory_space<semaphore_mem>>, %arg17: memref<!tpu.dma_semaphore, #tpu.memory_space<semaphore_mem>>, %arg18: memref<!tpu.dma_semaphore, #tpu.memory_space<semaphore_mem>>, %arg19: memref<!tpu.dma_semaphore, #tpu.memory_space<semaphore_mem>>, %arg20: memref<!tpu.dma_semaphore, #tpu.memory_space<semaphore_mem>>, %arg21: memref<!tpu.dma_semaphore, #tpu.memory_space<semaphore_mem>>, %arg22: memref<!tpu.dma_semaphore, #tpu.memory_space<semaphore_mem>>) attributes {dimension_semantics = [#tpu.dimension_semantics<core_parallel>, #tpu.dimension_semantics<subcore_parallel>], iteration_bounds = array<i64: 2, 16>, scalar_prefetch = 0 : i64, scratch_operands = 14 : i64, tpu.core_type = #tpu.core_type<sc_vector_subcore>, window_params = [{transform_indices = #map}, {transform_indices = #map}, {transform_indices = #map1}, {transform_indices = #map1}, {transform_indices = #map1}, {transform_indices = #map1}, {transform_indices = #map}]} {
    %mul3A = arith.constant 632 : i32
    %mul3A_0 = arith.muli %arg1, %mul3A : i32
    %scan3A = arith.constant 0 : i32
    %scan3A_1 = arith.constant 96 : i32
    %scan3A_2 = arith.addi %scan3A, %scan3A_1 : i32
    %scan3A_3 = arith.constant 1 : i32
    scf.for %scan3A_55 = %scan3A to %scan3A_2 step %scan3A_3  : i32 {
      %mul3A_56 = arith.constant 1 : i32
      %mul3A_57 = arith.muli %scan3A_55, %mul3A_56 : i32
      %add3A = arith.constant 0 : i32
      %add3A_58 = arith.addi %add3A, %mul3A_57 : i32
      %scan3A_59 = arith.constant 0 : i32
      %scan3A_60 = arith.constant 8 : i32
      %scan3A_61 = arith.addi %scan3A_59, %scan3A_60 : i32
      %scan3A_62 = arith.constant 1 : i32
      scf.for %scan3A_64 = %scan3A_59 to %scan3A_61 step %scan3A_62  : i32 {
        %mul3A_65 = arith.constant 16 : i32
        %mul3A_66 = arith.muli %scan3A_64, %mul3A_65 : i32
        %add3A_67 = arith.constant 0 : i32
        %add3A_68 = arith.addi %add3A_67, %mul3A_66 : i32
        %broadcast_in_dim3A = arith.constant 0.000000e+00 : f32
        %broadcast_in_dim3A_69 = vector.broadcast %broadcast_in_dim3A : f32 to vector<16xf32>
        %swap3A = arith.index_cast %add3A_58 : i32 to index
        %swap3A_70 = arith.index_cast %add3A_68 : i32 to index
        %swap3A_71 = tpu.vector_load %arg14[%swap3A, %swap3A_70] {strides = array<i32>} : memref<125x128xf32, #tpu.memory_space<vmem>>, vector<1x16xf32>,
        %swap3A_72 = vector.shape_cast %swap3A_71 : vector<1x16xf32> to vector<16xf32>
        %swap3A_73 = vector.shape_cast %broadcast_in_dim3A_69 : vector<16xf32> to vector<1x16xf32>
        tpu.vector_store %arg14[%swap3A, %swap3A_70], %swap3A_73 {strides = array<i32>} : memref<125x128xf32, #tpu.memory_space<vmem>>, vector<1x16xf32>,
      }
      %scan3A_63 = arith.constant 8 : i32
    }
    %scan3A_4 = arith.constant 96 : i32
    %lt3A = arith.constant 15 : i32
    %lt3A_5 = arith.cmpi slt, %arg1, %lt3A : i32
    %convert_element_type3A = arith.extui %lt3A_5 : i1 to i32
    %cond3A = arith.constant 0 : i32
    %cond3A_6 = arith.cmpi ne, %convert_element_type3A, %cond3A : i32
    scf.if %cond3A_6 {
      %scan3A_55 = arith.constant 0 : i32
      %scan3A_56 = arith.constant 6 : i32
      %scan3A_57 = arith.addi %scan3A_55, %scan3A_56 : i32
      %scan3A_58 = arith.constant 1 : i32
      scf.for %scan3A_61 = %scan3A_55 to %scan3A_57 step %scan3A_58  : i32 {
        %mul3A_62 = arith.constant 1 : i32
        %mul3A_63 = arith.muli %scan3A_61, %mul3A_62 : i32
        %add3A_64 = arith.constant 0 : i32
        %add3A_65 = arith.addi %add3A_64, %mul3A_63 : i32
        %mul3A_66 = arith.constant 96 : i32
        %mul3A_67 = arith.muli %add3A_65, %mul3A_66 : i32
        %add3A_68 = arith.addi %mul3A_0, %mul3A_67 : i32
        "tpu.region"() ({
          %run_scoped3A = tpu.sem_alloc : memref<!tpu.dma_semaphore, #tpu.memory_space<semaphore_mem>>
          %dma_start3A = arith.constant 0 : i32
          %dma_start3A_69 = arith.constant 0 : i32
          %dma_start3A_70 = tpu.memref_slice %arg14[%dma_start3A, %dma_start3A_69] : memref<125x128xf32, #tpu.memory_space<vmem>> -> memref<96x128xf32, #tpu.memory_space<vmem>>
          %dma_start3A_71 = arith.constant 0 : i32
          %dma_start3A_72 = tpu.memref_slice %arg9[%add3A_68, %dma_start3A_71] : memref<10000x128xf32, #tpu.memory_space<vmem_shared>> -> memref<96x128xf32, #tpu.memory_space<vmem_shared>>
          %dma_start3A_73 = arith.constant 0 : i32
          %dma_start3A_74 = tpu.memref_slice %arg9[%add3A_68, %dma_start3A_73] : memref<10000x128xf32, #tpu.memory_space<vmem_shared>> -> memref<96x128xf32, #tpu.memory_space<vmem_shared>>
          %dma_start3A_75 = arith.constant 0 : i32
          %dma_start3A_76 = arith.constant 0 : i32
          %dma_start3A_77 = tpu.memref_slice %arg14[%dma_start3A_75, %dma_start3A_76] : memref<125x128xf32, #tpu.memory_space<vmem>> -> memref<96x128xf32, #tpu.memory_space<vmem>>
          tpu.enqueue_dma source(%dma_start3A_77 : memref<96x128xf32, #tpu.memory_space<vmem>>) target(%dma_start3A_74 : memref<96x128xf32, #tpu.memory_space<vmem_shared>>) target_semaphore(%run_scoped3A : memref<!tpu.dma_semaphore, #tpu.memory_space<semaphore_mem>>)
          %dma_wait3A = arith.constant 0 : i32
          %dma_wait3A_78 = arith.constant 0 : i32
          %dma_wait3A_79 = tpu.memref_slice %arg14[%dma_wait3A, %dma_wait3A_78] : memref<125x128xf32, #tpu.memory_space<vmem>> -> memref<96x128xf32, #tpu.memory_space<vmem>>
          %dma_wait3A_80 = arith.constant 0 : i32
          %dma_wait3A_81 = tpu.memref_slice %arg9[%add3A_68, %dma_wait3A_80] : memref<10000x128xf32, #tpu.memory_space<vmem_shared>> -> memref<96x128xf32, #tpu.memory_space<vmem_shared>>
          %dma_wait3A_82 = arith.constant 0 : i32
          %dma_wait3A_83 = tpu.memref_slice %arg9[%add3A_68, %dma_wait3A_82] : memref<10000x128xf32, #tpu.memory_space<vmem_shared>> -> memref<96x128xf32, #tpu.memory_space<vmem_shared>>
          %dma_wait3A_84 = arith.constant 0 : i32
          %dma_wait3A_85 = arith.constant 0 : i32
          %dma_wait3A_86 = tpu.memref_slice %arg14[%dma_wait3A_84, %dma_wait3A_85] : memref<125x128xf32, #tpu.memory_space<vmem>> -> memref<96x128xf32, #tpu.memory_space<vmem>>
          tpu.wait_dma2 semaphore(%run_scoped3A : memref<!tpu.dma_semaphore, #tpu.memory_space<semaphore_mem>>) src(%dma_wait3A_86 : memref<96x128xf32, #tpu.memory_space<vmem>>) dst(%dma_wait3A_83 : memref<96x128xf32, #tpu.memory_space<vmem_shared>>)
          tpu.yield
        }) : () -> ()
      }
      %scan3A_59 = arith.constant 6 : i32
      %add3A = arith.constant 576 : i32
      %add3A_60 = arith.addi %mul3A_0, %add3A : i32
      "tpu.region"() ({
        %run_scoped3A = tpu.sem_alloc : memref<!tpu.dma_semaphore, #tpu.memory_space<semaphore_mem>>
        %dma_start3A = arith.constant 0 : i32
        %dma_start3A_61 = arith.constant 0 : i32
        %dma_start3A_62 = tpu.memref_slice %arg14[%dma_start3A, %dma_start3A_61] : memref<125x128xf32, #tpu.memory_space<vmem>> -> memref<56x128xf32, #tpu.memory_space<vmem>>
        %dma_start3A_63 = arith.constant 0 : i32
        %dma_start3A_64 = tpu.memref_slice %arg9[%add3A_60, %dma_start3A_63] : memref<10000x128xf32, #tpu.memory_space<vmem_shared>> -> memref<56x128xf32, #tpu.memory_space<vmem_shared>>
        %dma_start3A_65 = arith.constant 0 : i32
        %dma_start3A_66 = tpu.memref_slice %arg9[%add3A_60, %dma_start3A_65] : memref<10000x128xf32, #tpu.memory_space<vmem_shared>> -> memref<56x128xf32, #tpu.memory_space<vmem_shared>>
        %dma_start3A_67 = arith.constant 0 : i32
        %dma_start3A_68 = arith.constant 0 : i32
        %dma_start3A_69 = tpu.memref_slice %arg14[%dma_start3A_67, %dma_start3A_68] : memref<125x128xf32, #tpu.memory_space<vmem>> -> memref<56x128xf32, #tpu.memory_space<vmem>>
        tpu.enqueue_dma source(%dma_start3A_69 : memref<56x128xf32, #tpu.memory_space<vmem>>) target(%dma_start3A_66 : memref<56x128xf32, #tpu.memory_space<vmem_shared>>) target_semaphore(%run_scoped3A : memref<!tpu.dma_semaphore, #tpu.memory_space<semaphore_mem>>)
        %dma_wait3A = arith.constant 0 : i32
        %dma_wait3A_70 = arith.constant 0 : i32
        %dma_wait3A_71 = tpu.memref_slice %arg14[%dma_wait3A, %dma_wait3A_70] : memref<125x128xf32, #tpu.memory_space<vmem>> -> memref<56x128xf32, #tpu.memory_space<vmem>>
        %dma_wait3A_72 = arith.constant 0 : i32
        %dma_wait3A_73 = tpu.memref_slice %arg9[%add3A_60, %dma_wait3A_72] : memref<10000x128xf32, #tpu.memory_space<vmem_shared>> -> memref<56x128xf32, #tpu.memory_space<vmem_shared>>
        %dma_wait3A_74 = arith.constant 0 : i32
        %dma_wait3A_75 = tpu.memref_slice %arg9[%add3A_60, %dma_wait3A_74] : memref<10000x128xf32, #tpu.memory_space<vmem_shared>> -> memref<56x128xf32, #tpu.memory_space<vmem_shared>>
        %dma_wait3A_76 = arith.constant 0 : i32
        %dma_wait3A_77 = arith.constant 0 : i32
        %dma_wait3A_78 = tpu.memref_slice %arg14[%dma_wait3A_76, %dma_wait3A_77] : memref<125x128xf32, #tpu.memory_space<vmem>> -> memref<56x128xf32, #tpu.memory_space<vmem>>
        tpu.wait_dma2 semaphore(%run_scoped3A : memref<!tpu.dma_semaphore, #tpu.memory_space<semaphore_mem>>) src(%dma_wait3A_78 : memref<56x128xf32, #tpu.memory_space<vmem>>) dst(%dma_wait3A_75 : memref<56x128xf32, #tpu.memory_space<vmem_shared>>)
        tpu.yield
      }) : () -> ()
    } else {
    }
    %eq3A = arith.constant 15 : i32
    %eq3A_7 = arith.cmpi eq, %arg1, %eq3A : i32
    %convert_element_type3A_8 = arith.extui %eq3A_7 : i1 to i32
    %cond3A_9 = arith.constant 0 : i32
    %cond3A_10 = arith.cmpi ne, %convert_element_type3A_8, %cond3A_9 : i32
    scf.if %cond3A_10 {
      %scan3A_55 = arith.constant 0 : i32
      %scan3A_56 = arith.constant 5 : i32
      %scan3A_57 = arith.addi %scan3A_55, %scan3A_56 : i32
      %scan3A_58 = arith.constant 1 : i32
      scf.for %scan3A_61 = %scan3A_55 to %scan3A_57 step %scan3A_58  : i32 {
        %mul3A_62 = arith.constant 1 : i32
        %mul3A_63 = arith.muli %scan3A_61, %mul3A_62 : i32
        %add3A_64 = arith.constant 0 : i32
        %add3A_65 = arith.addi %add3A_64, %mul3A_63 : i32
        %mul3A_66 = arith.constant 96 : i32
        %mul3A_67 = arith.muli %add3A_65, %mul3A_66 : i32
        %add3A_68 = arith.addi %mul3A_0, %mul3A_67 : i32
        "tpu.region"() ({
          %run_scoped3A = tpu.sem_alloc : memref<!tpu.dma_semaphore, #tpu.memory_space<semaphore_mem>>
          %dma_start3A = arith.constant 0 : i32
          %dma_start3A_69 = arith.constant 0 : i32
          %dma_start3A_70 = tpu.memref_slice %arg14[%dma_start3A, %dma_start3A_69] : memref<125x128xf32, #tpu.memory_space<vmem>> -> memref<96x128xf32, #tpu.memory_space<vmem>>
          %dma_start3A_71 = arith.constant 0 : i32
          %dma_start3A_72 = tpu.memref_slice %arg9[%add3A_68, %dma_start3A_71] : memref<10000x128xf32, #tpu.memory_space<vmem_shared>> -> memref<96x128xf32, #tpu.memory_space<vmem_shared>>
          %dma_start3A_73 = arith.constant 0 : i32
          %dma_start3A_74 = tpu.memref_slice %arg9[%add3A_68, %dma_start3A_73] : memref<10000x128xf32, #tpu.memory_space<vmem_shared>> -> memref<96x128xf32, #tpu.memory_space<vmem_shared>>
          %dma_start3A_75 = arith.constant 0 : i32
          %dma_start3A_76 = arith.constant 0 : i32
          %dma_start3A_77 = tpu.memref_slice %arg14[%dma_start3A_75, %dma_start3A_76] : memref<125x128xf32, #tpu.memory_space<vmem>> -> memref<96x128xf32, #tpu.memory_space<vmem>>
          tpu.enqueue_dma source(%dma_start3A_77 : memref<96x128xf32, #tpu.memory_space<vmem>>) target(%dma_start3A_74 : memref<96x128xf32, #tpu.memory_space<vmem_shared>>) target_semaphore(%run_scoped3A : memref<!tpu.dma_semaphore, #tpu.memory_space<semaphore_mem>>)
          %dma_wait3A = arith.constant 0 : i32
          %dma_wait3A_78 = arith.constant 0 : i32
          %dma_wait3A_79 = tpu.memref_slice %arg14[%dma_wait3A, %dma_wait3A_78] : memref<125x128xf32, #tpu.memory_space<vmem>> -> memref<96x128xf32, #tpu.memory_space<vmem>>
          %dma_wait3A_80 = arith.constant 0 : i32
          %dma_wait3A_81 = tpu.memref_slice %arg9[%add3A_68, %dma_wait3A_80] : memref<10000x128xf32, #tpu.memory_space<vmem_shared>> -> memref<96x128xf32, #tpu.memory_space<vmem_shared>>
          %dma_wait3A_82 = arith.constant 0 : i32
          %dma_wait3A_83 = tpu.memref_slice %arg9[%add3A_68, %dma_wait3A_82] : memref<10000x128xf32, #tpu.memory_space<vmem_shared>> -> memref<96x128xf32, #tpu.memory_space<vmem_shared>>
          %dma_wait3A_84 = arith.constant 0 : i32
          %dma_wait3A_85 = arith.constant 0 : i32
          %dma_wait3A_86 = tpu.memref_slice %arg14[%dma_wait3A_84, %dma_wait3A_85] : memref<125x128xf32, #tpu.memory_space<vmem>> -> memref<96x128xf32, #tpu.memory_space<vmem>>
          tpu.wait_dma2 semaphore(%run_scoped3A : memref<!tpu.dma_semaphore, #tpu.memory_space<semaphore_mem>>) src(%dma_wait3A_86 : memref<96x128xf32, #tpu.memory_space<vmem>>) dst(%dma_wait3A_83 : memref<96x128xf32, #tpu.memory_space<vmem_shared>>)
          tpu.yield
        }) : () -> ()
      }
      %scan3A_59 = arith.constant 5 : i32
      %add3A = arith.constant 480 : i32
      %add3A_60 = arith.addi %mul3A_0, %add3A : i32
      "tpu.region"() ({
        %run_scoped3A = tpu.sem_alloc : memref<!tpu.dma_semaphore, #tpu.memory_space<semaphore_mem>>
        %dma_start3A = arith.constant 0 : i32
        %dma_start3A_61 = arith.constant 0 : i32
        %dma_start3A_62 = tpu.memref_slice %arg14[%dma_start3A, %dma_start3A_61] : memref<125x128xf32, #tpu.memory_space<vmem>> -> memref<40x128xf32, #tpu.memory_space<vmem>>
        %dma_start3A_63 = arith.constant 0 : i32
        %dma_start3A_64 = tpu.memref_slice %arg9[%add3A_60, %dma_start3A_63] : memref<10000x128xf32, #tpu.memory_space<vmem_shared>> -> memref<40x128xf32, #tpu.memory_space<vmem_shared>>
        %dma_start3A_65 = arith.constant 0 : i32
        %dma_start3A_66 = tpu.memref_slice %arg9[%add3A_60, %dma_start3A_65] : memref<10000x128xf32, #tpu.memory_space<vmem_shared>> -> memref<40x128xf32, #tpu.memory_space<vmem_shared>>
        %dma_start3A_67 = arith.constant 0 : i32
        %dma_start3A_68 = arith.constant 0 : i32
        %dma_start3A_69 = tpu.memref_slice %arg14[%dma_start3A_67, %dma_start3A_68] : memref<125x128xf32, #tpu.memory_space<vmem>> -> memref<40x128xf32, #tpu.memory_space<vmem>>
        tpu.enqueue_dma source(%dma_start3A_69 : memref<40x128xf32, #tpu.memory_space<vmem>>) target(%dma_start3A_66 : memref<40x128xf32, #tpu.memory_space<vmem_shared>>) target_semaphore(%run_scoped3A : memref<!tpu.dma_semaphore, #tpu.memory_space<semaphore_mem>>)
        %dma_wait3A = arith.constant 0 : i32
        %dma_wait3A_70 = arith.constant 0 : i32
        %dma_wait3A_71 = tpu.memref_slice %arg14[%dma_wait3A, %dma_wait3A_70] : memref<125x128xf32, #tpu.memory_space<vmem>> -> memref<40x128xf32, #tpu.memory_space<vmem>>
        %dma_wait3A_72 = arith.constant 0 : i32
        %dma_wait3A_73 = tpu.memref_slice %arg9[%add3A_60, %dma_wait3A_72] : memref<10000x128xf32, #tpu.memory_space<vmem_shared>> -> memref<40x128xf32, #tpu.memory_space<vmem_shared>>
        %dma_wait3A_74 = arith.constant 0 : i32
        %dma_wait3A_75 = tpu.memref_slice %arg9[%add3A_60, %dma_wait3A_74] : memref<10000x128xf32, #tpu.memory_space<vmem_shared>> -> memref<40x128xf32, #tpu.memory_space<vmem_shared>>
        %dma_wait3A_76 = arith.constant 0 : i32
        %dma_wait3A_77 = arith.constant 0 : i32
        %dma_wait3A_78 = tpu.memref_slice %arg14[%dma_wait3A_76, %dma_wait3A_77] : memref<125x128xf32, #tpu.memory_space<vmem>> -> memref<40x128xf32, #tpu.memory_space<vmem>>
        tpu.wait_dma2 semaphore(%run_scoped3A : memref<!tpu.dma_semaphore, #tpu.memory_space<semaphore_mem>>) src(%dma_wait3A_78 : memref<40x128xf32, #tpu.memory_space<vmem>>) dst(%dma_wait3A_75 : memref<40x128xf32, #tpu.memory_space<vmem_shared>>)
        tpu.yield
      }) : () -> ()
    } else {
    }
    %barrier3A = arith.constant 0 : index
    tpu.barrier barrier_id(%barrier3A)
    %eq3A_11 = arith.constant 0 : i32
    %eq3A_12 = arith.cmpi eq, %arg0, %eq3A_11 : i32
    %convert_element_type3A_13 = arith.extui %eq3A_12 : i1 to i32
    %cond3A_14 = arith.constant 1 : i32
    %cond3A_15 = arith.constant 0 : i32
    %cond3A_16 = arith.cmpi ne, %convert_element_type3A_13, %cond3A_15 : i32
    scf.if %cond3A_16 {
      %run_scoped3A = arith.constant 0 : i32
      "tpu.region"() ({
        %run_scoped3A_84 = tpu.sem_alloc : memref<!tpu.dma_semaphore, #tpu.memory_space<semaphore_mem>>
        %dma_start3A_85 = arith.constant 0 : i32
        %dma_start3A_86 = arith.constant 0 : i32
        %dma_start3A_87 = tpu.memref_slice %arg4[%arg1, %run_scoped3A, %dma_start3A_85, %dma_start3A_86] : memref<16x32x5x125xi32, #tpu.memory_space<hbm>> -> memref<1x1x5x125xi32, #tpu.memory_space<hbm>>
        %dma_start3A_88 = tpu.memref_squeeze %dma_start3A_87 : memref<1x1x5x125xi32, #tpu.memory_space<hbm>> -> memref<5x125xi32, #tpu.memory_space<hbm>>
        %dma_start3A_89 = arith.constant 0 : i32
        %dma_start3A_90 = arith.constant 0 : i32
        %dma_start3A_91 = tpu.memref_slice %arg4[%arg1, %run_scoped3A, %dma_start3A_89, %dma_start3A_90] : memref<16x32x5x125xi32, #tpu.memory_space<hbm>> -> memref<1x1x5x125xi32, #tpu.memory_space<hbm>>
        %dma_start3A_92 = tpu.memref_squeeze %dma_start3A_91 : memref<1x1x5x125xi32, #tpu.memory_space<hbm>> -> memref<5x125xi32, #tpu.memory_space<hbm>>
        tpu.enqueue_dma source(%dma_start3A_92 : memref<5x125xi32, #tpu.memory_space<hbm>>) target(%arg10 : memref<5x125xi32, #tpu.memory_space<vmem>>) target_semaphore(%run_scoped3A_84 : memref<!tpu.dma_semaphore, #tpu.memory_space<semaphore_mem>>)
        %dma_wait3A_93 = arith.constant 0 : i32
        %dma_wait3A_94 = arith.constant 0 : i32
        %dma_wait3A_95 = tpu.memref_slice %arg4[%arg1, %run_scoped3A, %dma_wait3A_93, %dma_wait3A_94] : memref<16x32x5x125xi32, #tpu.memory_space<hbm>> -> memref<1x1x5x125xi32, #tpu.memory_space<hbm>>
        %dma_wait3A_96 = tpu.memref_squeeze %dma_wait3A_95 : memref<1x1x5x125xi32, #tpu.memory_space<hbm>> -> memref<5x125xi32, #tpu.memory_space<hbm>>
        %dma_wait3A_97 = arith.constant 0 : i32
        %dma_wait3A_98 = arith.constant 0 : i32
        %dma_wait3A_99 = tpu.memref_slice %arg4[%arg1, %run_scoped3A, %dma_wait3A_97, %dma_wait3A_98] : memref<16x32x5x125xi32, #tpu.memory_space<hbm>> -> memref<1x1x5x125xi32, #tpu.memory_space<hbm>>
        %dma_wait3A_100 = tpu.memref_squeeze %dma_wait3A_99 : memref<1x1x5x125xi32, #tpu.memory_space<hbm>> -> memref<5x125xi32, #tpu.memory_space<hbm>>
        tpu.wait_dma2 semaphore(%run_scoped3A_84 : memref<!tpu.dma_semaphore, #tpu.memory_space<semaphore_mem>>) src(%dma_wait3A_100 : memref<5x125xi32, #tpu.memory_space<hbm>>) dst(%arg10 : memref<5x125xi32, #tpu.memory_space<vmem>>)
        tpu.yield
      }) : () -> ()
      %run_scoped3A_55 = arith.constant 0 : i32
      "tpu.region"() ({
        %run_scoped3A_84 = tpu.sem_alloc : memref<!tpu.dma_semaphore, #tpu.memory_space<semaphore_mem>>
        %dma_start3A_85 = arith.constant 0 : i32
        %dma_start3A_86 = arith.constant 0 : i32
        %dma_start3A_87 = tpu.memref_slice %arg5[%arg1, %run_scoped3A_55, %dma_start3A_85, %dma_start3A_86] : memref<16x32x5x125xi32, #tpu.memory_space<hbm>> -> memref<1x1x5x125xi32, #tpu.memory_space<hbm>>
        %dma_start3A_88 = tpu.memref_squeeze %dma_start3A_87 : memref<1x1x5x125xi32, #tpu.memory_space<hbm>> -> memref<5x125xi32, #tpu.memory_space<hbm>>
        %dma_start3A_89 = arith.constant 0 : i32
        %dma_start3A_90 = arith.constant 0 : i32
        %dma_start3A_91 = tpu.memref_slice %arg5[%arg1, %run_scoped3A_55, %dma_start3A_89, %dma_start3A_90] : memref<16x32x5x125xi32, #tpu.memory_space<hbm>> -> memref<1x1x5x125xi32, #tpu.memory_space<hbm>>
        %dma_start3A_92 = tpu.memref_squeeze %dma_start3A_91 : memref<1x1x5x125xi32, #tpu.memory_space<hbm>> -> memref<5x125xi32, #tpu.memory_space<hbm>>
        tpu.enqueue_dma source(%dma_start3A_92 : memref<5x125xi32, #tpu.memory_space<hbm>>) target(%arg11 : memref<5x125xi32, #tpu.memory_space<vmem>>) target_semaphore(%run_scoped3A_84 : memref<!tpu.dma_semaphore, #tpu.memory_space<semaphore_mem>>)
        %dma_wait3A_93 = arith.constant 0 : i32
        %dma_wait3A_94 = arith.constant 0 : i32
        %dma_wait3A_95 = tpu.memref_slice %arg5[%arg1, %run_scoped3A_55, %dma_wait3A_93, %dma_wait3A_94] : memref<16x32x5x125xi32, #tpu.memory_space<hbm>> -> memref<1x1x5x125xi32, #tpu.memory_space<hbm>>
        %dma_wait3A_96 = tpu.memref_squeeze %dma_wait3A_95 : memref<1x1x5x125xi32, #tpu.memory_space<hbm>> -> memref<5x125xi32, #tpu.memory_space<hbm>>
        %dma_wait3A_97 = arith.constant 0 : i32
        %dma_wait3A_98 = arith.constant 0 : i32
        %dma_wait3A_99 = tpu.memref_slice %arg5[%arg1, %run_scoped3A_55, %dma_wait3A_97, %dma_wait3A_98] : memref<16x32x5x125xi32, #tpu.memory_space<hbm>> -> memref<1x1x5x125xi32, #tpu.memory_space<hbm>>
        %dma_wait3A_100 = tpu.memref_squeeze %dma_wait3A_99 : memref<1x1x5x125xi32, #tpu.memory_space<hbm>> -> memref<5x125xi32, #tpu.memory_space<hbm>>
        tpu.wait_dma2 semaphore(%run_scoped3A_84 : memref<!tpu.dma_semaphore, #tpu.memory_space<semaphore_mem>>) src(%dma_wait3A_100 : memref<5x125xi32, #tpu.memory_space<hbm>>) dst(%arg11 : memref<5x125xi32, #tpu.memory_space<vmem>>)
        tpu.yield
      }) : () -> ()
      %dma_start3A = arith.constant 0 : i32
      %dma_start3A_56 = arith.constant 0 : i32
      %dma_start3A_57 = tpu.memref_slice %arg10[%dma_start3A, %dma_start3A_56] : memref<5x125xi32, #tpu.memory_space<vmem>> -> memref<1x125xi32, #tpu.memory_space<vmem>>
      %dma_start3A_58 = tpu.memref_squeeze %dma_start3A_57 : memref<1x125xi32, #tpu.memory_space<vmem>> -> memref<125xi32, #tpu.memory_space<vmem>>
      %dma_start3A_59 = arith.constant 0 : i32
      %dma_start3A_60 = arith.constant 0 : i32
      %dma_start3A_61 = tpu.memref_slice %arg2[%cond3A_14, %dma_start3A_59, %dma_start3A_60] : memref<2x10000x128xf32, #tpu.memory_space<hbm>> -> memref<1x10000x128xf32, #tpu.memory_space<hbm>>
      %dma_start3A_62 = tpu.memref_squeeze %dma_start3A_61 : memref<1x10000x128xf32, #tpu.memory_space<hbm>> -> memref<10000x128xf32, #tpu.memory_space<hbm>>
      %dma_start3A_63 = arith.constant 0 : i32
      %dma_start3A_64 = arith.constant 0 : i32
      %dma_start3A_65 = tpu.memref_slice %dma_start3A_62[%dma_start3A_63, %dma_start3A_64] : memref<10000x128xf32, #tpu.memory_space<hbm>> -> memref<10000x128xf32, #tpu.memory_space<hbm>>
      tpu.enqueue_indirect_dma source(%dma_start3A_65 : memref<10000x128xf32, #tpu.memory_space<hbm>>) target(%arg14 : memref<125x128xf32, #tpu.memory_space<vmem>>) offsets(%dma_start3A_58 : memref<125xi32, #tpu.memory_space<vmem>>) semaphore(%arg16 : memref<!tpu.dma_semaphore, #tpu.memory_space<semaphore_mem>>)
      %scan3A_66 = arith.constant 0 : i32
      %scan3A_67 = arith.constant 16 : i32
      %scan3A_68 = arith.addi %scan3A_66, %scan3A_67 : i32
      %scan3A_69 = arith.constant 1 : i32
      scf.for %scan3A_84 = %scan3A_66 to %scan3A_68 step %scan3A_69  : i32 {
        %mul3A_85 = arith.constant 1 : i32
        %mul3A_86 = arith.muli %scan3A_84, %mul3A_85 : i32
        %add3A = arith.constant 0 : i32
        %add3A_87 = arith.addi %add3A, %mul3A_86 : i32
        %dma_wait3A_88 = arith.constant 0 : i32
        %dma_wait3A_89 = arith.constant 0 : i32
        %dma_wait3A_90 = tpu.memref_slice %arg10[%dma_wait3A_88, %dma_wait3A_89] : memref<5x125xi32, #tpu.memory_space<vmem>> -> memref<1x125xi32, #tpu.memory_space<vmem>>
        %dma_wait3A_91 = tpu.memref_squeeze %dma_wait3A_90 : memref<1x125xi32, #tpu.memory_space<vmem>> -> memref<125xi32, #tpu.memory_space<vmem>>
        %dma_wait3A_92 = arith.constant 0 : i32
        %dma_wait3A_93 = arith.constant 0 : i32
        %dma_wait3A_94 = tpu.memref_slice %arg2[%cond3A_14, %dma_wait3A_92, %dma_wait3A_93] : memref<2x10000x128xf32, #tpu.memory_space<hbm>> -> memref<1x10000x128xf32, #tpu.memory_space<hbm>>
        %dma_wait3A_95 = tpu.memref_squeeze %dma_wait3A_94 : memref<1x10000x128xf32, #tpu.memory_space<hbm>> -> memref<10000x128xf32, #tpu.memory_space<hbm>>
        %dma_wait3A_96 = arith.constant 0 : i32
        %dma_wait3A_97 = arith.constant 0 : i32
        %dma_wait3A_98 = tpu.memref_slice %dma_wait3A_95[%dma_wait3A_96, %dma_wait3A_97] : memref<10000x128xf32, #tpu.memory_space<hbm>> -> memref<10000x128xf32, #tpu.memory_space<hbm>>
        tpu.wait_indirect_dma semaphore(%arg16 : memref<!tpu.dma_semaphore, #tpu.memory_space<semaphore_mem>>) src(%dma_wait3A_98 : memref<10000x128xf32, #tpu.memory_space<hbm>>) dst(%arg14 : memref<125x128xf32, #tpu.memory_space<vmem>>)
        %dma_start3A_99 = arith.constant 0 : i32
        %dma_start3A_100 = arith.constant 0 : i32
        %dma_start3A_101 = tpu.memref_slice %arg11[%dma_start3A_99, %dma_start3A_100] : memref<5x125xi32, #tpu.memory_space<vmem>> -> memref<1x125xi32, #tpu.memory_space<vmem>>
        %dma_start3A_102 = tpu.memref_squeeze %dma_start3A_101 : memref<1x125xi32, #tpu.memory_space<vmem>> -> memref<125xi32, #tpu.memory_space<vmem>>
        %dma_start3A_103 = arith.constant 0 : i32
        %dma_start3A_104 = arith.constant 0 : i32
        %dma_start3A_105 = tpu.memref_slice %arg9[%dma_start3A_103, %dma_start3A_104] : memref<10000x128xf32, #tpu.memory_space<vmem_shared>> -> memref<10000x128xf32, #tpu.memory_space<vmem_shared>>
        tpu.enqueue_indirect_dma source(%arg14 : memref<125x128xf32, #tpu.memory_space<vmem>>) target(%dma_start3A_105 : memref<10000x128xf32, #tpu.memory_space<vmem_shared>>) offsets(%dma_start3A_102 : memref<125xi32, #tpu.memory_space<vmem>>) semaphore(%arg18 : memref<!tpu.dma_semaphore, #tpu.memory_space<semaphore_mem>>) {add = true}
        %gt3A = arith.constant 0 : i32
        %gt3A_106 = arith.cmpi sgt, %add3A_87, %gt3A : i32
        %convert_element_type3A_107 = arith.extui %gt3A_106 : i1 to i32
        %cond3A_108 = arith.constant 0 : i32
        %cond3A_109 = arith.cmpi ne, %convert_element_type3A_107, %cond3A_108 : i32
        scf.if %cond3A_109 {
          %dma_wait3A_485 = arith.constant 0 : i32
          %dma_wait3A_486 = arith.constant 0 : i32
          %dma_wait3A_487 = tpu.memref_slice %arg11[%dma_wait3A_485, %dma_wait3A_486] : memref<5x125xi32, #tpu.memory_space<vmem>> -> memref<1x125xi32, #tpu.memory_space<vmem>>
          %dma_wait3A_488 = tpu.memref_squeeze %dma_wait3A_487 : memref<1x125xi32, #tpu.memory_space<vmem>> -> memref<125xi32, #tpu.memory_space<vmem>>
          %dma_wait3A_489 = arith.constant 0 : i32
          %dma_wait3A_490 = arith.constant 0 : i32
          %dma_wait3A_491 = tpu.memref_slice %arg9[%dma_wait3A_489, %dma_wait3A_490] : memref<10000x128xf32, #tpu.memory_space<vmem_shared>> -> memref<10000x128xf32, #tpu.memory_space<vmem_shared>>
          tpu.wait_indirect_dma semaphore(%arg19 : memref<!tpu.dma_semaphore, #tpu.memory_space<semaphore_mem>>) src(%arg15 : memref<125x128xf32, #tpu.memory_space<vmem>>) dst(%dma_wait3A_491 : memref<10000x128xf32, #tpu.memory_space<vmem_shared>>)
        } else {
        }
        %dma_start3A_110 = arith.constant 1 : i32
        %dma_start3A_111 = arith.constant 0 : i32
        %dma_start3A_112 = tpu.memref_slice %arg10[%dma_start3A_110, %dma_start3A_111] : memref<5x125xi32, #tpu.memory_space<vmem>> -> memref<1x125xi32, #tpu.memory_space<vmem>>
        %dma_start3A_113 = tpu.memref_squeeze %dma_start3A_112 : memref<1x125xi32, #tpu.memory_space<vmem>> -> memref<125xi32, #tpu.memory_space<vmem>>
        %dma_start3A_114 = arith.constant 0 : i32
        %dma_start3A_115 = arith.constant 0 : i32
        %dma_start3A_116 = tpu.memref_slice %arg2[%cond3A_14, %dma_start3A_114, %dma_start3A_115] : memref<2x10000x128xf32, #tpu.memory_space<hbm>> -> memref<1x10000x128xf32, #tpu.memory_space<hbm>>
        %dma_start3A_117 = tpu.memref_squeeze %dma_start3A_116 : memref<1x10000x128xf32, #tpu.memory_space<hbm>> -> memref<10000x128xf32, #tpu.memory_space<hbm>>
        %dma_start3A_118 = arith.constant 0 : i32
        %dma_start3A_119 = arith.constant 0 : i32
        %dma_start3A_120 = tpu.memref_slice %dma_start3A_117[%dma_start3A_118, %dma_start3A_119] : memref<10000x128xf32, #tpu.memory_space<hbm>> -> memref<10000x128xf32, #tpu.memory_space<hbm>>
        tpu.enqueue_indirect_dma source(%dma_start3A_120 : memref<10000x128xf32, #tpu.memory_space<hbm>>) target(%arg15 : memref<125x128xf32, #tpu.memory_space<vmem>>) offsets(%dma_start3A_113 : memref<125xi32, #tpu.memory_space<vmem>>) semaphore(%arg17 : memref<!tpu.dma_semaphore, #tpu.memory_space<semaphore_mem>>)
        %dma_wait3A_121 = arith.constant 1 : i32
        %dma_wait3A_122 = arith.constant 0 : i32
        %dma_wait3A_123 = tpu.memref_slice %arg10[%dma_wait3A_121, %dma_wait3A_122] : memref<5x125xi32, #tpu.memory_space<vmem>> -> memref<1x125xi32, #tpu.memory_space<vmem>>
        %dma_wait3A_124 = tpu.memref_squeeze %dma_wait3A_123 : memref<1x125xi32, #tpu.memory_space<vmem>> -> memref<125xi32, #tpu.memory_space<vmem>>
        %dma_wait3A_125 = arith.constant 0 : i32
        %dma_wait3A_126 = arith.constant 0 : i32
        %dma_wait3A_127 = tpu.memref_slice %arg2[%cond3A_14, %dma_wait3A_125, %dma_wait3A_126] : memref<2x10000x128xf32, #tpu.memory_space<hbm>> -> memref<1x10000x128xf32, #tpu.memory_space<hbm>>
        %dma_wait3A_128 = tpu.memref_squeeze %dma_wait3A_127 : memref<1x10000x128xf32, #tpu.memory_space<hbm>> -> memref<10000x128xf32, #tpu.memory_space<hbm>>
        %dma_wait3A_129 = arith.constant 0 : i32
        %dma_wait3A_130 = arith.constant 0 : i32
        %dma_wait3A_131 = tpu.memref_slice %dma_wait3A_128[%dma_wait3A_129, %dma_wait3A_130] : memref<10000x128xf32, #tpu.memory_space<hbm>> -> memref<10000x128xf32, #tpu.memory_space<hbm>>
        tpu.wait_indirect_dma semaphore(%arg17 : memref<!tpu.dma_semaphore, #tpu.memory_space<semaphore_mem>>) src(%dma_wait3A_131 : memref<10000x128xf32, #tpu.memory_space<hbm>>) dst(%arg15 : memref<125x128xf32, #tpu.memory_space<vmem>>)
        %dma_start3A_132 = arith.constant 1 : i32
        %dma_start3A_133 = arith.constant 0 : i32
        %dma_start3A_134 = tpu.memref_slice %arg11[%dma_start3A_132, %dma_start3A_133] : memref<5x125xi32, #tpu.memory_space<vmem>> -> memref<1x125xi32, #tpu.memory_space<vmem>>
        %dma_start3A_135 = tpu.memref_squeeze %dma_start3A_134 : memref<1x125xi32, #tpu.memory_space<vmem>> -> memref<125xi32, #tpu.memory_space<vmem>>
        %dma_start3A_136 = arith.constant 0 : i32
        %dma_start3A_137 = arith.constant 0 : i32
        %dma_start3A_138 = tpu.memref_slice %arg9[%dma_start3A_136, %dma_start3A_137] : memref<10000x128xf32, #tpu.memory_space<vmem_shared>> -> memref<10000x128xf32, #tpu.memory_space<vmem_shared>>
        tpu.enqueue_indirect_dma source(%arg15 : memref<125x128xf32, #tpu.memory_space<vmem>>) target(%dma_start3A_138 : memref<10000x128xf32, #tpu.memory_space<vmem_shared>>) offsets(%dma_start3A_135 : memref<125xi32, #tpu.memory_space<vmem>>) semaphore(%arg19 : memref<!tpu.dma_semaphore, #tpu.memory_space<semaphore_mem>>) {add = true}
        %mul3A_139 = arith.constant 2 : i32
        %mul3A_140 = arith.muli %mul3A_139, %add3A_87 : i32
        %add3A_141 = arith.constant 1 : i32
        %add3A_142 = arith.addi %mul3A_140, %add3A_141 : i32
        %dma_start3A_143 = arith.constant 0 : i32
        %dma_start3A_144 = arith.constant 0 : i32
        %dma_start3A_145 = tpu.memref_slice %arg4[%arg1, %add3A_142, %dma_start3A_143, %dma_start3A_144] : memref<16x32x5x125xi32, #tpu.memory_space<hbm>> -> memref<1x1x5x125xi32, #tpu.memory_space<hbm>>
        %dma_start3A_146 = tpu.memref_squeeze %dma_start3A_145 : memref<1x1x5x125xi32, #tpu.memory_space<hbm>> -> memref<5x125xi32, #tpu.memory_space<hbm>>
        %dma_start3A_147 = arith.constant 0 : i32
        %dma_start3A_148 = arith.constant 0 : i32
        %dma_start3A_149 = tpu.memref_slice %arg4[%arg1, %add3A_142, %dma_start3A_147, %dma_start3A_148] : memref<16x32x5x125xi32, #tpu.memory_space<hbm>> -> memref<1x1x5x125xi32, #tpu.memory_space<hbm>>
        %dma_start3A_150 = tpu.memref_squeeze %dma_start3A_149 : memref<1x1x5x125xi32, #tpu.memory_space<hbm>> -> memref<5x125xi32, #tpu.memory_space<hbm>>
        tpu.enqueue_dma source(%dma_start3A_150 : memref<5x125xi32, #tpu.memory_space<hbm>>) target(%arg12 : memref<5x125xi32, #tpu.memory_space<vmem>>) target_semaphore(%arg22 : memref<!tpu.dma_semaphore, #tpu.memory_space<semaphore_mem>>)
        %mul3A_151 = arith.constant 2 : i32
        %mul3A_152 = arith.muli %mul3A_151, %add3A_87 : i32
        %add3A_153 = arith.constant 1 : i32
        %add3A_154 = arith.addi %mul3A_152, %add3A_153 : i32
        %dma_start3A_155 = arith.constant 0 : i32
        %dma_start3A_156 = arith.constant 0 : i32
        %dma_start3A_157 = tpu.memref_slice %arg5[%arg1, %add3A_154, %dma_start3A_155, %dma_start3A_156] : memref<16x32x5x125xi32, #tpu.memory_space<hbm>> -> memref<1x1x5x125xi32, #tpu.memory_space<hbm>>
        %dma_start3A_158 = tpu.memref_squeeze %dma_start3A_157 : memref<1x1x5x125xi32, #tpu.memory_space<hbm>> -> memref<5x125xi32, #tpu.memory_space<hbm>>
        %dma_start3A_159 = arith.constant 0 : i32
        %dma_start3A_160 = arith.constant 0 : i32
        %dma_start3A_161 = tpu.memref_slice %arg5[%arg1, %add3A_154, %dma_start3A_159, %dma_start3A_160] : memref<16x32x5x125xi32, #tpu.memory_space<hbm>> -> memref<1x1x5x125xi32, #tpu.memory_space<hbm>>
        %dma_start3A_162 = tpu.memref_squeeze %dma_start3A_161 : memref<1x1x5x125xi32, #tpu.memory_space<hbm>> -> memref<5x125xi32, #tpu.memory_space<hbm>>
        tpu.enqueue_dma source(%dma_start3A_162 : memref<5x125xi32, #tpu.memory_space<hbm>>) target(%arg13 : memref<5x125xi32, #tpu.memory_space<vmem>>) target_semaphore(%arg22 : memref<!tpu.dma_semaphore, #tpu.memory_space<semaphore_mem>>)
        %dma_wait3A_163 = arith.constant 1 : i32
        %dma_wait3A_164 = arith.constant 0 : i32
        %dma_wait3A_165 = tpu.memref_slice %arg11[%dma_wait3A_163, %dma_wait3A_164] : memref<5x125xi32, #tpu.memory_space<vmem>> -> memref<1x125xi32, #tpu.memory_space<vmem>>
        %dma_wait3A_166 = tpu.memref_squeeze %dma_wait3A_165 : memref<1x125xi32, #tpu.memory_space<vmem>> -> memref<125xi32, #tpu.memory_space<vmem>>
        %dma_wait3A_167 = arith.constant 0 : i32
        %dma_wait3A_168 = arith.constant 0 : i32
        %dma_wait3A_169 = tpu.memref_slice %arg9[%dma_wait3A_167, %dma_wait3A_168] : memref<10000x128xf32, #tpu.memory_space<vmem_shared>> -> memref<10000x128xf32, #tpu.memory_space<vmem_shared>>
        tpu.wait_indirect_dma semaphore(%arg18 : memref<!tpu.dma_semaphore, #tpu.memory_space<semaphore_mem>>) src(%arg14 : memref<125x128xf32, #tpu.memory_space<vmem>>) dst(%dma_wait3A_169 : memref<10000x128xf32, #tpu.memory_space<vmem_shared>>)
        %dma_start3A_170 = arith.constant 2 : i32
        %dma_start3A_171 = arith.constant 0 : i32
        %dma_start3A_172 = tpu.memref_slice %arg10[%dma_start3A_170, %dma_start3A_171] : memref<5x125xi32, #tpu.memory_space<vmem>> -> memref<1x125xi32, #tpu.memory_space<vmem>>
        %dma_start3A_173 = tpu.memref_squeeze %dma_start3A_172 : memref<1x125xi32, #tpu.memory_space<vmem>> -> memref<125xi32, #tpu.memory_space<vmem>>
        %dma_start3A_174 = arith.constant 0 : i32
        %dma_start3A_175 = arith.constant 0 : i32
        %dma_start3A_176 = tpu.memref_slice %arg2[%cond3A_14, %dma_start3A_174, %dma_start3A_175] : memref<2x10000x128xf32, #tpu.memory_space<hbm>> -> memref<1x10000x128xf32, #tpu.memory_space<hbm>>
        %dma_start3A_177 = tpu.memref_squeeze %dma_start3A_176 : memref<1x10000x128xf32, #tpu.memory_space<hbm>> -> memref<10000x128xf32, #tpu.memory_space<hbm>>
        %dma_start3A_178 = arith.constant 0 : i32
        %dma_start3A_179 = arith.constant 0 : i32
        %dma_start3A_180 = tpu.memref_slice %dma_start3A_177[%dma_start3A_178, %dma_start3A_179] : memref<10000x128xf32, #tpu.memory_space<hbm>> -> memref<10000x128xf32, #tpu.memory_space<hbm>>
        tpu.enqueue_indirect_dma source(%dma_start3A_180 : memref<10000x128xf32, #tpu.memory_space<hbm>>) target(%arg14 : memref<125x128xf32, #tpu.memory_space<vmem>>) offsets(%dma_start3A_173 : memref<125xi32, #tpu.memory_space<vmem>>) semaphore(%arg16 : memref<!tpu.dma_semaphore, #tpu.memory_space<semaphore_mem>>)
        %dma_wait3A_181 = arith.constant 2 : i32
        %dma_wait3A_182 = arith.constant 0 : i32
        %dma_wait3A_183 = tpu.memref_slice %arg10[%dma_wait3A_181, %dma_wait3A_182] : memref<5x125xi32, #tpu.memory_space<vmem>> -> memref<1x125xi32, #tpu.memory_space<vmem>>
        %dma_wait3A_184 = tpu.memref_squeeze %dma_wait3A_183 : memref<1x125xi32, #tpu.memory_space<vmem>> -> memref<125xi32, #tpu.memory_space<vmem>>
        %dma_wait3A_185 = arith.constant 0 : i32
        %dma_wait3A_186 = arith.constant 0 : i32
        %dma_wait3A_187 = tpu.memref_slice %arg2[%cond3A_14, %dma_wait3A_185, %dma_wait3A_186] : memref<2x10000x128xf32, #tpu.memory_space<hbm>> -> memref<1x10000x128xf32, #tpu.memory_space<hbm>>
        %dma_wait3A_188 = tpu.memref_squeeze %dma_wait3A_187 : memref<1x10000x128xf32, #tpu.memory_space<hbm>> -> memref<10000x128xf32, #tpu.memory_space<hbm>>
        %dma_wait3A_189 = arith.constant 0 : i32
        %dma_wait3A_190 = arith.constant 0 : i32
        %dma_wait3A_191 = tpu.memref_slice %dma_wait3A_188[%dma_wait3A_189, %dma_wait3A_190] : memref<10000x128xf32, #tpu.memory_space<hbm>> -> memref<10000x128xf32, #tpu.memory_space<hbm>>
        tpu.wait_indirect_dma semaphore(%arg16 : memref<!tpu.dma_semaphore, #tpu.memory_space<semaphore_mem>>) src(%dma_wait3A_191 : memref<10000x128xf32, #tpu.memory_space<hbm>>) dst(%arg14 : memref<125x128xf32, #tpu.memory_space<vmem>>)
        %dma_start3A_192 = arith.constant 2 : i32
        %dma_start3A_193 = arith.constant 0 : i32
        %dma_start3A_194 = tpu.memref_slice %arg11[%dma_start3A_192, %dma_start3A_193] : memref<5x125xi32, #tpu.memory_space<vmem>> -> memref<1x125xi32, #tpu.memory_space<vmem>>
        %dma_start3A_195 = tpu.memref_squeeze %dma_start3A_194 : memref<1x125xi32, #tpu.memory_space<vmem>> -> memref<125xi32, #tpu.memory_space<vmem>>
        %dma_start3A_196 = arith.constant 0 : i32
        %dma_start3A_197 = arith.constant 0 : i32
        %dma_start3A_198 = tpu.memref_slice %arg9[%dma_start3A_196, %dma_start3A_197] : memref<10000x128xf32, #tpu.memory_space<vmem_shared>> -> memref<10000x128xf32, #tpu.memory_space<vmem_shared>>
        tpu.enqueue_indirect_dma source(%arg14 : memref<125x128xf32, #tpu.memory_space<vmem>>) target(%dma_start3A_198 : memref<10000x128xf32, #tpu.memory_space<vmem_shared>>) offsets(%dma_start3A_195 : memref<125xi32, #tpu.memory_space<vmem>>) semaphore(%arg18 : memref<!tpu.dma_semaphore, #tpu.memory_space<semaphore_mem>>) {add = true}
        %dma_wait3A_199 = arith.constant 2 : i32
        %dma_wait3A_200 = arith.constant 0 : i32
        %dma_wait3A_201 = tpu.memref_slice %arg11[%dma_wait3A_199, %dma_wait3A_200] : memref<5x125xi32, #tpu.memory_space<vmem>> -> memref<1x125xi32, #tpu.memory_space<vmem>>
        %dma_wait3A_202 = tpu.memref_squeeze %dma_wait3A_201 : memref<1x125xi32, #tpu.memory_space<vmem>> -> memref<125xi32, #tpu.memory_space<vmem>>
        %dma_wait3A_203 = arith.constant 0 : i32
        %dma_wait3A_204 = arith.constant 0 : i32
        %dma_wait3A_205 = tpu.memref_slice %arg9[%dma_wait3A_203, %dma_wait3A_204] : memref<10000x128xf32, #tpu.memory_space<vmem_shared>> -> memref<10000x128xf32, #tpu.memory_space<vmem_shared>>
        tpu.wait_indirect_dma semaphore(%arg19 : memref<!tpu.dma_semaphore, #tpu.memory_space<semaphore_mem>>) src(%arg15 : memref<125x128xf32, #tpu.memory_space<vmem>>) dst(%dma_wait3A_205 : memref<10000x128xf32, #tpu.memory_space<vmem_shared>>)
        %dma_start3A_206 = arith.constant 3 : i32
        %dma_start3A_207 = arith.constant 0 : i32
        %dma_start3A_208 = tpu.memref_slice %arg10[%dma_start3A_206, %dma_start3A_207] : memref<5x125xi32, #tpu.memory_space<vmem>> -> memref<1x125xi32, #tpu.memory_space<vmem>>
        %dma_start3A_209 = tpu.memref_squeeze %dma_start3A_208 : memref<1x125xi32, #tpu.memory_space<vmem>> -> memref<125xi32, #tpu.memory_space<vmem>>
        %dma_start3A_210 = arith.constant 0 : i32
        %dma_start3A_211 = arith.constant 0 : i32
        %dma_start3A_212 = tpu.memref_slice %arg2[%cond3A_14, %dma_start3A_210, %dma_start3A_211] : memref<2x10000x128xf32, #tpu.memory_space<hbm>> -> memref<1x10000x128xf32, #tpu.memory_space<hbm>>
        %dma_start3A_213 = tpu.memref_squeeze %dma_start3A_212 : memref<1x10000x128xf32, #tpu.memory_space<hbm>> -> memref<10000x128xf32, #tpu.memory_space<hbm>>
        %dma_start3A_214 = arith.constant 0 : i32
        %dma_start3A_215 = arith.constant 0 : i32
        %dma_start3A_216 = tpu.memref_slice %dma_start3A_213[%dma_start3A_214, %dma_start3A_215] : memref<10000x128xf32, #tpu.memory_space<hbm>> -> memref<10000x128xf32, #tpu.memory_space<hbm>>
        tpu.enqueue_indirect_dma source(%dma_start3A_216 : memref<10000x128xf32, #tpu.memory_space<hbm>>) target(%arg15 : memref<125x128xf32, #tpu.memory_space<vmem>>) offsets(%dma_start3A_209 : memref<125xi32, #tpu.memory_space<vmem>>) semaphore(%arg17 : memref<!tpu.dma_semaphore, #tpu.memory_space<semaphore_mem>>)
        %dma_wait3A_217 = arith.constant 3 : i32
        %dma_wait3A_218 = arith.constant 0 : i32
        %dma_wait3A_219 = tpu.memref_slice %arg10[%dma_wait3A_217, %dma_wait3A_218] : memref<5x125xi32, #tpu.memory_space<vmem>> -> memref<1x125xi32, #tpu.memory_space<vmem>>
        %dma_wait3A_220 = tpu.memref_squeeze %dma_wait3A_219 : memref<1x125xi32, #tpu.memory_space<vmem>> -> memref<125xi32, #tpu.memory_space<vmem>>
        %dma_wait3A_221 = arith.constant 0 : i32
        %dma_wait3A_222 = arith.constant 0 : i32
        %dma_wait3A_223 = tpu.memref_slice %arg2[%cond3A_14, %dma_wait3A_221, %dma_wait3A_222] : memref<2x10000x128xf32, #tpu.memory_space<hbm>> -> memref<1x10000x128xf32, #tpu.memory_space<hbm>>
        %dma_wait3A_224 = tpu.memref_squeeze %dma_wait3A_223 : memref<1x10000x128xf32, #tpu.memory_space<hbm>> -> memref<10000x128xf32, #tpu.memory_space<hbm>>
        %dma_wait3A_225 = arith.constant 0 : i32
        %dma_wait3A_226 = arith.constant 0 : i32
        %dma_wait3A_227 = tpu.memref_slice %dma_wait3A_224[%dma_wait3A_225, %dma_wait3A_226] : memref<10000x128xf32, #tpu.memory_space<hbm>> -> memref<10000x128xf32, #tpu.memory_space<hbm>>
        tpu.wait_indirect_dma semaphore(%arg17 : memref<!tpu.dma_semaphore, #tpu.memory_space<semaphore_mem>>) src(%dma_wait3A_227 : memref<10000x128xf32, #tpu.memory_space<hbm>>) dst(%arg15 : memref<125x128xf32, #tpu.memory_space<vmem>>)
        %dma_start3A_228 = arith.constant 3 : i32
        %dma_start3A_229 = arith.constant 0 : i32
        %dma_start3A_230 = tpu.memref_slice %arg11[%dma_start3A_228, %dma_start3A_229] : memref<5x125xi32, #tpu.memory_space<vmem>> -> memref<1x125xi32, #tpu.memory_space<vmem>>
        %dma_start3A_231 = tpu.memref_squeeze %dma_start3A_230 : memref<1x125xi32, #tpu.memory_space<vmem>> -> memref<125xi32, #tpu.memory_space<vmem>>
        %dma_start3A_232 = arith.constant 0 : i32
        %dma_start3A_233 = arith.constant 0 : i32
        %dma_start3A_234 = tpu.memref_slice %arg9[%dma_start3A_232, %dma_start3A_233] : memref<10000x128xf32, #tpu.memory_space<vmem_shared>> -> memref<10000x128xf32, #tpu.memory_space<vmem_shared>>
        tpu.enqueue_indirect_dma source(%arg15 : memref<125x128xf32, #tpu.memory_space<vmem>>) target(%dma_start3A_234 : memref<10000x128xf32, #tpu.memory_space<vmem_shared>>) offsets(%dma_start3A_231 : memref<125xi32, #tpu.memory_space<vmem>>) semaphore(%arg19 : memref<!tpu.dma_semaphore, #tpu.memory_space<semaphore_mem>>) {add = true}
        %dma_wait3A_235 = arith.constant 3 : i32
        %dma_wait3A_236 = arith.constant 0 : i32
        %dma_wait3A_237 = tpu.memref_slice %arg11[%dma_wait3A_235, %dma_wait3A_236] : memref<5x125xi32, #tpu.memory_space<vmem>> -> memref<1x125xi32, #tpu.memory_space<vmem>>
        %dma_wait3A_238 = tpu.memref_squeeze %dma_wait3A_237 : memref<1x125xi32, #tpu.memory_space<vmem>> -> memref<125xi32, #tpu.memory_space<vmem>>
        %dma_wait3A_239 = arith.constant 0 : i32
        %dma_wait3A_240 = arith.constant 0 : i32
        %dma_wait3A_241 = tpu.memref_slice %arg9[%dma_wait3A_239, %dma_wait3A_240] : memref<10000x128xf32, #tpu.memory_space<vmem_shared>> -> memref<10000x128xf32, #tpu.memory_space<vmem_shared>>
        tpu.wait_indirect_dma semaphore(%arg18 : memref<!tpu.dma_semaphore, #tpu.memory_space<semaphore_mem>>) src(%arg14 : memref<125x128xf32, #tpu.memory_space<vmem>>) dst(%dma_wait3A_241 : memref<10000x128xf32, #tpu.memory_space<vmem_shared>>)
        %dma_start3A_242 = arith.constant 4 : i32
        %dma_start3A_243 = arith.constant 0 : i32
        %dma_start3A_244 = tpu.memref_slice %arg10[%dma_start3A_242, %dma_start3A_243] : memref<5x125xi32, #tpu.memory_space<vmem>> -> memref<1x125xi32, #tpu.memory_space<vmem>>
        %dma_start3A_245 = tpu.memref_squeeze %dma_start3A_244 : memref<1x125xi32, #tpu.memory_space<vmem>> -> memref<125xi32, #tpu.memory_space<vmem>>
        %dma_start3A_246 = arith.constant 0 : i32
        %dma_start3A_247 = arith.constant 0 : i32
        %dma_start3A_248 = tpu.memref_slice %arg2[%cond3A_14, %dma_start3A_246, %dma_start3A_247] : memref<2x10000x128xf32, #tpu.memory_space<hbm>> -> memref<1x10000x128xf32, #tpu.memory_space<hbm>>
        %dma_start3A_249 = tpu.memref_squeeze %dma_start3A_248 : memref<1x10000x128xf32, #tpu.memory_space<hbm>> -> memref<10000x128xf32, #tpu.memory_space<hbm>>
        %dma_start3A_250 = arith.constant 0 : i32
        %dma_start3A_251 = arith.constant 0 : i32
        %dma_start3A_252 = tpu.memref_slice %dma_start3A_249[%dma_start3A_250, %dma_start3A_251] : memref<10000x128xf32, #tpu.memory_space<hbm>> -> memref<10000x128xf32, #tpu.memory_space<hbm>>
        tpu.enqueue_indirect_dma source(%dma_start3A_252 : memref<10000x128xf32, #tpu.memory_space<hbm>>) target(%arg14 : memref<125x128xf32, #tpu.memory_space<vmem>>) offsets(%dma_start3A_245 : memref<125xi32, #tpu.memory_space<vmem>>) semaphore(%arg16 : memref<!tpu.dma_semaphore, #tpu.memory_space<semaphore_mem>>)
        %dma_wait3A_253 = arith.constant 4 : i32
        %dma_wait3A_254 = arith.constant 0 : i32
        %dma_wait3A_255 = tpu.memref_slice %arg10[%dma_wait3A_253, %dma_wait3A_254] : memref<5x125xi32, #tpu.memory_space<vmem>> -> memref<1x125xi32, #tpu.memory_space<vmem>>
        %dma_wait3A_256 = tpu.memref_squeeze %dma_wait3A_255 : memref<1x125xi32, #tpu.memory_space<vmem>> -> memref<125xi32, #tpu.memory_space<vmem>>
        %dma_wait3A_257 = arith.constant 0 : i32
        %dma_wait3A_258 = arith.constant 0 : i32
        %dma_wait3A_259 = tpu.memref_slice %arg2[%cond3A_14, %dma_wait3A_257, %dma_wait3A_258] : memref<2x10000x128xf32, #tpu.memory_space<hbm>> -> memref<1x10000x128xf32, #tpu.memory_space<hbm>>
        %dma_wait3A_260 = tpu.memref_squeeze %dma_wait3A_259 : memref<1x10000x128xf32, #tpu.memory_space<hbm>> -> memref<10000x128xf32, #tpu.memory_space<hbm>>
        %dma_wait3A_261 = arith.constant 0 : i32
        %dma_wait3A_262 = arith.constant 0 : i32
        %dma_wait3A_263 = tpu.memref_slice %dma_wait3A_260[%dma_wait3A_261, %dma_wait3A_262] : memref<10000x128xf32, #tpu.memory_space<hbm>> -> memref<10000x128xf32, #tpu.memory_space<hbm>>
        tpu.wait_indirect_dma semaphore(%arg16 : memref<!tpu.dma_semaphore, #tpu.memory_space<semaphore_mem>>) src(%dma_wait3A_263 : memref<10000x128xf32, #tpu.memory_space<hbm>>) dst(%arg14 : memref<125x128xf32, #tpu.memory_space<vmem>>)
        %dma_start3A_264 = arith.constant 4 : i32
        %dma_start3A_265 = arith.constant 0 : i32
        %dma_start3A_266 = tpu.memref_slice %arg11[%dma_start3A_264, %dma_start3A_265] : memref<5x125xi32, #tpu.memory_space<vmem>> -> memref<1x125xi32, #tpu.memory_space<vmem>>
        %dma_start3A_267 = tpu.memref_squeeze %dma_start3A_266 : memref<1x125xi32, #tpu.memory_space<vmem>> -> memref<125xi32, #tpu.memory_space<vmem>>
        %dma_start3A_268 = arith.constant 0 : i32
        %dma_start3A_269 = arith.constant 0 : i32
        %dma_start3A_270 = tpu.memref_slice %arg9[%dma_start3A_268, %dma_start3A_269] : memref<10000x128xf32, #tpu.memory_space<vmem_shared>> -> memref<10000x128xf32, #tpu.memory_space<vmem_shared>>
        tpu.enqueue_indirect_dma source(%arg14 : memref<125x128xf32, #tpu.memory_space<vmem>>) target(%dma_start3A_270 : memref<10000x128xf32, #tpu.memory_space<vmem_shared>>) offsets(%dma_start3A_267 : memref<125xi32, #tpu.memory_space<vmem>>) semaphore(%arg18 : memref<!tpu.dma_semaphore, #tpu.memory_space<semaphore_mem>>) {add = true}
        %dma_wait3A_271 = arith.constant 4 : i32
        %dma_wait3A_272 = arith.constant 0 : i32
        %dma_wait3A_273 = tpu.memref_slice %arg11[%dma_wait3A_271, %dma_wait3A_272] : memref<5x125xi32, #tpu.memory_space<vmem>> -> memref<1x125xi32, #tpu.memory_space<vmem>>
        %dma_wait3A_274 = tpu.memref_squeeze %dma_wait3A_273 : memref<1x125xi32, #tpu.memory_space<vmem>> -> memref<125xi32, #tpu.memory_space<vmem>>
        %dma_wait3A_275 = arith.constant 0 : i32
        %dma_wait3A_276 = arith.constant 0 : i32
        %dma_wait3A_277 = tpu.memref_slice %arg9[%dma_wait3A_275, %dma_wait3A_276] : memref<10000x128xf32, #tpu.memory_space<vmem_shared>> -> memref<10000x128xf32, #tpu.memory_space<vmem_shared>>
        tpu.wait_indirect_dma semaphore(%arg19 : memref<!tpu.dma_semaphore, #tpu.memory_space<semaphore_mem>>) src(%arg15 : memref<125x128xf32, #tpu.memory_space<vmem>>) dst(%dma_wait3A_277 : memref<10000x128xf32, #tpu.memory_space<vmem_shared>>)
        %mul3A_278 = arith.constant 2 : i32
        %mul3A_279 = arith.muli %mul3A_278, %add3A_87 : i32
        %add3A_280 = arith.constant 1 : i32
        %add3A_281 = arith.addi %mul3A_279, %add3A_280 : i32
        %dma_wait3A_282 = arith.constant 0 : i32
        %dma_wait3A_283 = arith.constant 0 : i32
        %dma_wait3A_284 = tpu.memref_slice %arg4[%arg1, %add3A_281, %dma_wait3A_282, %dma_wait3A_283] : memref<16x32x5x125xi32, #tpu.memory_space<hbm>> -> memref<1x1x5x125xi32, #tpu.memory_space<hbm>>
        %dma_wait3A_285 = tpu.memref_squeeze %dma_wait3A_284 : memref<1x1x5x125xi32, #tpu.memory_space<hbm>> -> memref<5x125xi32, #tpu.memory_space<hbm>>
        %dma_wait3A_286 = arith.constant 0 : i32
        %dma_wait3A_287 = arith.constant 0 : i32
        %dma_wait3A_288 = tpu.memref_slice %arg4[%arg1, %add3A_281, %dma_wait3A_286, %dma_wait3A_287] : memref<16x32x5x125xi32, #tpu.memory_space<hbm>> -> memref<1x1x5x125xi32, #tpu.memory_space<hbm>>
        %dma_wait3A_289 = tpu.memref_squeeze %dma_wait3A_288 : memref<1x1x5x125xi32, #tpu.memory_space<hbm>> -> memref<5x125xi32, #tpu.memory_space<hbm>>
        tpu.wait_dma2 semaphore(%arg22 : memref<!tpu.dma_semaphore, #tpu.memory_space<semaphore_mem>>) src(%dma_wait3A_289 : memref<5x125xi32, #tpu.memory_space<hbm>>) dst(%arg12 : memref<5x125xi32, #tpu.memory_space<vmem>>)
        %mul3A_290 = arith.constant 2 : i32
        %mul3A_291 = arith.muli %mul3A_290, %add3A_87 : i32
        %add3A_292 = arith.constant 1 : i32
        %add3A_293 = arith.addi %mul3A_291, %add3A_292 : i32
        %dma_wait3A_294 = arith.constant 0 : i32
        %dma_wait3A_295 = arith.constant 0 : i32
        %dma_wait3A_296 = tpu.memref_slice %arg5[%arg1, %add3A_293, %dma_wait3A_294, %dma_wait3A_295] : memref<16x32x5x125xi32, #tpu.memory_space<hbm>> -> memref<1x1x5x125xi32, #tpu.memory_space<hbm>>
        %dma_wait3A_297 = tpu.memref_squeeze %dma_wait3A_296 : memref<1x1x5x125xi32, #tpu.memory_space<hbm>> -> memref<5x125xi32, #tpu.memory_space<hbm>>
        %dma_wait3A_298 = arith.constant 0 : i32
        %dma_wait3A_299 = arith.constant 0 : i32
        %dma_wait3A_300 = tpu.memref_slice %arg5[%arg1, %add3A_293, %dma_wait3A_298, %dma_wait3A_299] : memref<16x32x5x125xi32, #tpu.memory_space<hbm>> -> memref<1x1x5x125xi32, #tpu.memory_space<hbm>>
        %dma_wait3A_301 = tpu.memref_squeeze %dma_wait3A_300 : memref<1x1x5x125xi32, #tpu.memory_space<hbm>> -> memref<5x125xi32, #tpu.memory_space<hbm>>
        tpu.wait_dma2 semaphore(%arg22 : memref<!tpu.dma_semaphore, #tpu.memory_space<semaphore_mem>>) src(%dma_wait3A_301 : memref<5x125xi32, #tpu.memory_space<hbm>>) dst(%arg13 : memref<5x125xi32, #tpu.memory_space<vmem>>)
        %dma_start3A_302 = arith.constant 0 : i32
        %dma_start3A_303 = arith.constant 0 : i32
        %dma_start3A_304 = tpu.memref_slice %arg12[%dma_start3A_302, %dma_start3A_303] : memref<5x125xi32, #tpu.memory_space<vmem>> -> memref<1x125xi32, #tpu.memory_space<vmem>>
        %dma_start3A_305 = tpu.memref_squeeze %dma_start3A_304 : memref<1x125xi32, #tpu.memory_space<vmem>> -> memref<125xi32, #tpu.memory_space<vmem>>
        %dma_start3A_306 = arith.constant 0 : i32
        %dma_start3A_307 = arith.constant 0 : i32
        %dma_start3A_308 = tpu.memref_slice %arg2[%cond3A_14, %dma_start3A_306, %dma_start3A_307] : memref<2x10000x128xf32, #tpu.memory_space<hbm>> -> memref<1x10000x128xf32, #tpu.memory_space<hbm>>
        %dma_start3A_309 = tpu.memref_squeeze %dma_start3A_308 : memref<1x10000x128xf32, #tpu.memory_space<hbm>> -> memref<10000x128xf32, #tpu.memory_space<hbm>>
        %dma_start3A_310 = arith.constant 0 : i32
        %dma_start3A_311 = arith.constant 0 : i32
        %dma_start3A_312 = tpu.memref_slice %dma_start3A_309[%dma_start3A_310, %dma_start3A_311] : memref<10000x128xf32, #tpu.memory_space<hbm>> -> memref<10000x128xf32, #tpu.memory_space<hbm>>
        tpu.enqueue_indirect_dma source(%dma_start3A_312 : memref<10000x128xf32, #tpu.memory_space<hbm>>) target(%arg15 : memref<125x128xf32, #tpu.memory_space<vmem>>) offsets(%dma_start3A_305 : memref<125xi32, #tpu.memory_space<vmem>>) semaphore(%arg17 : memref<!tpu.dma_semaphore, #tpu.memory_space<semaphore_mem>>)
        %dma_wait3A_313 = arith.constant 0 : i32
        %dma_wait3A_314 = arith.constant 0 : i32
        %dma_wait3A_315 = tpu.memref_slice %arg12[%dma_wait3A_313, %dma_wait3A_314] : memref<5x125xi32, #tpu.memory_space<vmem>> -> memref<1x125xi32, #tpu.memory_space<vmem>>
        %dma_wait3A_316 = tpu.memref_squeeze %dma_wait3A_315 : memref<1x125xi32, #tpu.memory_space<vmem>> -> memref<125xi32, #tpu.memory_space<vmem>>
        %dma_wait3A_317 = arith.constant 0 : i32
        %dma_wait3A_318 = arith.constant 0 : i32
        %dma_wait3A_319 = tpu.memref_slice %arg2[%cond3A_14, %dma_wait3A_317, %dma_wait3A_318] : memref<2x10000x128xf32, #tpu.memory_space<hbm>> -> memref<1x10000x128xf32, #tpu.memory_space<hbm>>
        %dma_wait3A_320 = tpu.memref_squeeze %dma_wait3A_319 : memref<1x10000x128xf32, #tpu.memory_space<hbm>> -> memref<10000x128xf32, #tpu.memory_space<hbm>>
        %dma_wait3A_321 = arith.constant 0 : i32
        %dma_wait3A_322 = arith.constant 0 : i32
        %dma_wait3A_323 = tpu.memref_slice %dma_wait3A_320[%dma_wait3A_321, %dma_wait3A_322] : memref<10000x128xf32, #tpu.memory_space<hbm>> -> memref<10000x128xf32, #tpu.memory_space<hbm>>
        tpu.wait_indirect_dma semaphore(%arg17 : memref<!tpu.dma_semaphore, #tpu.memory_space<semaphore_mem>>) src(%dma_wait3A_323 : memref<10000x128xf32, #tpu.memory_space<hbm>>) dst(%arg15 : memref<125x128xf32, #tpu.memory_space<vmem>>)
        %dma_start3A_324 = arith.constant 0 : i32
        %dma_start3A_325 = arith.constant 0 : i32
        %dma_start3A_326 = tpu.memref_slice %arg13[%dma_start3A_324, %dma_start3A_325] : memref<5x125xi32, #tpu.memory_space<vmem>> -> memref<1x125xi32, #tpu.memory_space<vmem>>
        %dma_start3A_327 = tpu.memref_squeeze %dma_start3A_326 : memref<1x125xi32, #tpu.memory_space<vmem>> -> memref<125xi32, #tpu.memory_space<vmem>>
        %dma_start3A_328 = arith.constant 0 : i32
        %dma_start3A_329 = arith.constant 0 : i32
        %dma_start3A_330 = tpu.memref_slice %arg9[%dma_start3A_328, %dma_start3A_329] : memref<10000x128xf32, #tpu.memory_space<vmem_shared>> -> memref<10000x128xf32, #tpu.memory_space<vmem_shared>>
        tpu.enqueue_indirect_dma source(%arg15 : memref<125x128xf32, #tpu.memory_space<vmem>>) target(%dma_start3A_330 : memref<10000x128xf32, #tpu.memory_space<vmem_shared>>) offsets(%dma_start3A_327 : memref<125xi32, #tpu.memory_space<vmem>>) semaphore(%arg19 : memref<!tpu.dma_semaphore, #tpu.memory_space<semaphore_mem>>) {add = true}
        %dma_wait3A_331 = arith.constant 0 : i32
        %dma_wait3A_332 = arith.constant 0 : i32
        %dma_wait3A_333 = tpu.memref_slice %arg13[%dma_wait3A_331, %dma_wait3A_332] : memref<5x125xi32, #tpu.memory_space<vmem>> -> memref<1x125xi32, #tpu.memory_space<vmem>>
        %dma_wait3A_334 = tpu.memref_squeeze %dma_wait3A_333 : memref<1x125xi32, #tpu.memory_space<vmem>> -> memref<125xi32, #tpu.memory_space<vmem>>
        %dma_wait3A_335 = arith.constant 0 : i32
        %dma_wait3A_336 = arith.constant 0 : i32
        %dma_wait3A_337 = tpu.memref_slice %arg9[%dma_wait3A_335, %dma_wait3A_336] : memref<10000x128xf32, #tpu.memory_space<vmem_shared>> -> memref<10000x128xf32, #tpu.memory_space<vmem_shared>>
        tpu.wait_indirect_dma semaphore(%arg18 : memref<!tpu.dma_semaphore, #tpu.memory_space<semaphore_mem>>) src(%arg14 : memref<125x128xf32, #tpu.memory_space<vmem>>) dst(%dma_wait3A_337 : memref<10000x128xf32, #tpu.memory_space<vmem_shared>>)
        %dma_start3A_338 = arith.constant 1 : i32
        %dma_start3A_339 = arith.constant 0 : i32
        %dma_start3A_340 = tpu.memref_slice %arg12[%dma_start3A_338, %dma_start3A_339] : memref<5x125xi32, #tpu.memory_space<vmem>> -> memref<1x125xi32, #tpu.memory_space<vmem>>
        %dma_start3A_341 = tpu.memref_squeeze %dma_start3A_340 : memref<1x125xi32, #tpu.memory_space<vmem>> -> memref<125xi32, #tpu.memory_space<vmem>>
        %dma_start3A_342 = arith.constant 0 : i32
        %dma_start3A_343 = arith.constant 0 : i32
        %dma_start3A_344 = tpu.memref_slice %arg2[%cond3A_14, %dma_start3A_342, %dma_start3A_343] : memref<2x10000x128xf32, #tpu.memory_space<hbm>> -> memref<1x10000x128xf32, #tpu.memory_space<hbm>>
        %dma_start3A_345 = tpu.memref_squeeze %dma_start3A_344 : memref<1x10000x128xf32, #tpu.memory_space<hbm>> -> memref<10000x128xf32, #tpu.memory_space<hbm>>
        %dma_start3A_346 = arith.constant 0 : i32
        %dma_start3A_347 = arith.constant 0 : i32
        %dma_start3A_348 = tpu.memref_slice %dma_start3A_345[%dma_start3A_346, %dma_start3A_347] : memref<10000x128xf32, #tpu.memory_space<hbm>> -> memref<10000x128xf32, #tpu.memory_space<hbm>>
        tpu.enqueue_indirect_dma source(%dma_start3A_348 : memref<10000x128xf32, #tpu.memory_space<hbm>>) target(%arg14 : memref<125x128xf32, #tpu.memory_space<vmem>>) offsets(%dma_start3A_341 : memref<125xi32, #tpu.memory_space<vmem>>) semaphore(%arg16 : memref<!tpu.dma_semaphore, #tpu.memory_space<semaphore_mem>>)
        %dma_wait3A_349 = arith.constant 1 : i32
        %dma_wait3A_350 = arith.constant 0 : i32
        %dma_wait3A_351 = tpu.memref_slice %arg12[%dma_wait3A_349, %dma_wait3A_350] : memref<5x125xi32, #tpu.memory_space<vmem>> -> memref<1x125xi32, #tpu.memory_space<vmem>>
        %dma_wait3A_352 = tpu.memref_squeeze %dma_wait3A_351 : memref<1x125xi32, #tpu.memory_space<vmem>> -> memref<125xi32, #tpu.memory_space<vmem>>
        %dma_wait3A_353 = arith.constant 0 : i32
        %dma_wait3A_354 = arith.constant 0 : i32
        %dma_wait3A_355 = tpu.memref_slice %arg2[%cond3A_14, %dma_wait3A_353, %dma_wait3A_354] : memref<2x10000x128xf32, #tpu.memory_space<hbm>> -> memref<1x10000x128xf32, #tpu.memory_space<hbm>>
        %dma_wait3A_356 = tpu.memref_squeeze %dma_wait3A_355 : memref<1x10000x128xf32, #tpu.memory_space<hbm>> -> memref<10000x128xf32, #tpu.memory_space<hbm>>
        %dma_wait3A_357 = arith.constant 0 : i32
        %dma_wait3A_358 = arith.constant 0 : i32
        %dma_wait3A_359 = tpu.memref_slice %dma_wait3A_356[%dma_wait3A_357, %dma_wait3A_358] : memref<10000x128xf32, #tpu.memory_space<hbm>> -> memref<10000x128xf32, #tpu.memory_space<hbm>>
        tpu.wait_indirect_dma semaphore(%arg16 : memref<!tpu.dma_semaphore, #tpu.memory_space<semaphore_mem>>) src(%dma_wait3A_359 : memref<10000x128xf32, #tpu.memory_space<hbm>>) dst(%arg14 : memref<125x128xf32, #tpu.memory_space<vmem>>)
        %dma_start3A_360 = arith.constant 1 : i32
        %dma_start3A_361 = arith.constant 0 : i32
        %dma_start3A_362 = tpu.memref_slice %arg13[%dma_start3A_360, %dma_start3A_361] : memref<5x125xi32, #tpu.memory_space<vmem>> -> memref<1x125xi32, #tpu.memory_space<vmem>>
        %dma_start3A_363 = tpu.memref_squeeze %dma_start3A_362 : memref<1x125xi32, #tpu.memory_space<vmem>> -> memref<125xi32, #tpu.memory_space<vmem>>
        %dma_start3A_364 = arith.constant 0 : i32
        %dma_start3A_365 = arith.constant 0 : i32
        %dma_start3A_366 = tpu.memref_slice %arg9[%dma_start3A_364, %dma_start3A_365] : memref<10000x128xf32, #tpu.memory_space<vmem_shared>> -> memref<10000x128xf32, #tpu.memory_space<vmem_shared>>
        tpu.enqueue_indirect_dma source(%arg14 : memref<125x128xf32, #tpu.memory_space<vmem>>) target(%dma_start3A_366 : memref<10000x128xf32, #tpu.memory_space<vmem_shared>>) offsets(%dma_start3A_363 : memref<125xi32, #tpu.memory_space<vmem>>) semaphore(%arg18 : memref<!tpu.dma_semaphore, #tpu.memory_space<semaphore_mem>>) {add = true}
        %lt3A_367 = arith.constant 15 : i32
        %lt3A_368 = arith.cmpi slt, %add3A_87, %lt3A_367 : i32
        %convert_element_type3A_369 = arith.extui %lt3A_368 : i1 to i32
        %cond3A_370 = arith.constant 0 : i32
        %cond3A_371 = arith.cmpi ne, %convert_element_type3A_369, %cond3A_370 : i32
        scf.if %cond3A_371 {
          %mul3A_485 = arith.constant 2 : i32
          %mul3A_486 = arith.muli %mul3A_485, %add3A_87 : i32
          %add3A_487 = arith.constant 2 : i32
          %add3A_488 = arith.addi %mul3A_486, %add3A_487 : i32
          %dma_start3A_489 = arith.constant 0 : i32
          %dma_start3A_490 = arith.constant 0 : i32
          %dma_start3A_491 = tpu.memref_slice %arg4[%arg1, %add3A_488, %dma_start3A_489, %dma_start3A_490] : memref<16x32x5x125xi32, #tpu.memory_space<hbm>> -> memref<1x1x5x125xi32, #tpu.memory_space<hbm>>
          %dma_start3A_492 = tpu.memref_squeeze %dma_start3A_491 : memref<1x1x5x125xi32, #tpu.memory_space<hbm>> -> memref<5x125xi32, #tpu.memory_space<hbm>>
          %dma_start3A_493 = arith.constant 0 : i32
          %dma_start3A_494 = arith.constant 0 : i32
          %dma_start3A_495 = tpu.memref_slice %arg4[%arg1, %add3A_488, %dma_start3A_493, %dma_start3A_494] : memref<16x32x5x125xi32, #tpu.memory_space<hbm>> -> memref<1x1x5x125xi32, #tpu.memory_space<hbm>>
          %dma_start3A_496 = tpu.memref_squeeze %dma_start3A_495 : memref<1x1x5x125xi32, #tpu.memory_space<hbm>> -> memref<5x125xi32, #tpu.memory_space<hbm>>
          tpu.enqueue_dma source(%dma_start3A_496 : memref<5x125xi32, #tpu.memory_space<hbm>>) target(%arg10 : memref<5x125xi32, #tpu.memory_space<vmem>>) target_semaphore(%arg22 : memref<!tpu.dma_semaphore, #tpu.memory_space<semaphore_mem>>)
          %mul3A_497 = arith.constant 2 : i32
          %mul3A_498 = arith.muli %mul3A_497, %add3A_87 : i32
          %add3A_499 = arith.constant 2 : i32
          %add3A_500 = arith.addi %mul3A_498, %add3A_499 : i32
          %dma_start3A_501 = arith.constant 0 : i32
          %dma_start3A_502 = arith.constant 0 : i32
          %dma_start3A_503 = tpu.memref_slice %arg5[%arg1, %add3A_500, %dma_start3A_501, %dma_start3A_502] : memref<16x32x5x125xi32, #tpu.memory_space<hbm>> -> memref<1x1x5x125xi32, #tpu.memory_space<hbm>>
          %dma_start3A_504 = tpu.memref_squeeze %dma_start3A_503 : memref<1x1x5x125xi32, #tpu.memory_space<hbm>> -> memref<5x125xi32, #tpu.memory_space<hbm>>
          %dma_start3A_505 = arith.constant 0 : i32
          %dma_start3A_506 = arith.constant 0 : i32
          %dma_start3A_507 = tpu.memref_slice %arg5[%arg1, %add3A_500, %dma_start3A_505, %dma_start3A_506] : memref<16x32x5x125xi32, #tpu.memory_space<hbm>> -> memref<1x1x5x125xi32, #tpu.memory_space<hbm>>
          %dma_start3A_508 = tpu.memref_squeeze %dma_start3A_507 : memref<1x1x5x125xi32, #tpu.memory_space<hbm>> -> memref<5x125xi32, #tpu.memory_space<hbm>>
          tpu.enqueue_dma source(%dma_start3A_508 : memref<5x125xi32, #tpu.memory_space<hbm>>) target(%arg11 : memref<5x125xi32, #tpu.memory_space<vmem>>) target_semaphore(%arg22 : memref<!tpu.dma_semaphore, #tpu.memory_space<semaphore_mem>>)
        } else {
        }
        %dma_wait3A_372 = arith.constant 1 : i32
        %dma_wait3A_373 = arith.constant 0 : i32
        %dma_wait3A_374 = tpu.memref_slice %arg13[%dma_wait3A_372, %dma_wait3A_373] : memref<5x125xi32, #tpu.memory_space<vmem>> -> memref<1x125xi32, #tpu.memory_space<vmem>>
        %dma_wait3A_375 = tpu.memref_squeeze %dma_wait3A_374 : memref<1x125xi32, #tpu.memory_space<vmem>> -> memref<125xi32, #tpu.memory_space<vmem>>
        %dma_wait3A_376 = arith.constant 0 : i32
        %dma_wait3A_377 = arith.constant 0 : i32
        %dma_wait3A_378 = tpu.memref_slice %arg9[%dma_wait3A_376, %dma_wait3A_377] : memref<10000x128xf32, #tpu.memory_space<vmem_shared>> -> memref<10000x128xf32, #tpu.memory_space<vmem_shared>>
        tpu.wait_indirect_dma semaphore(%arg19 : memref<!tpu.dma_semaphore, #tpu.memory_space<semaphore_mem>>) src(%arg15 : memref<125x128xf32, #tpu.memory_space<vmem>>) dst(%dma_wait3A_378 : memref<10000x128xf32, #tpu.memory_space<vmem_shared>>)
        %dma_start3A_379 = arith.constant 2 : i32
        %dma_start3A_380 = arith.constant 0 : i32
        %dma_start3A_381 = tpu.memref_slice %arg12[%dma_start3A_379, %dma_start3A_380] : memref<5x125xi32, #tpu.memory_space<vmem>> -> memref<1x125xi32, #tpu.memory_space<vmem>>
        %dma_start3A_382 = tpu.memref_squeeze %dma_start3A_381 : memref<1x125xi32, #tpu.memory_space<vmem>> -> memref<125xi32, #tpu.memory_space<vmem>>
        %dma_start3A_383 = arith.constant 0 : i32
        %dma_start3A_384 = arith.constant 0 : i32
        %dma_start3A_385 = tpu.memref_slice %arg2[%cond3A_14, %dma_start3A_383, %dma_start3A_384] : memref<2x10000x128xf32, #tpu.memory_space<hbm>> -> memref<1x10000x128xf32, #tpu.memory_space<hbm>>
        %dma_start3A_386 = tpu.memref_squeeze %dma_start3A_385 : memref<1x10000x128xf32, #tpu.memory_space<hbm>> -> memref<10000x128xf32, #tpu.memory_space<hbm>>
        %dma_start3A_387 = arith.constant 0 : i32
        %dma_start3A_388 = arith.constant 0 : i32
        %dma_start3A_389 = tpu.memref_slice %dma_start3A_386[%dma_start3A_387, %dma_start3A_388] : memref<10000x128xf32, #tpu.memory_space<hbm>> -> memref<10000x128xf32, #tpu.memory_space<hbm>>
        tpu.enqueue_indirect_dma source(%dma_start3A_389 : memref<10000x128xf32, #tpu.memory_space<hbm>>) target(%arg15 : memref<125x128xf32, #tpu.memory_space<vmem>>) offsets(%dma_start3A_382 : memref<125xi32, #tpu.memory_space<vmem>>) semaphore(%arg17 : memref<!tpu.dma_semaphore, #tpu.memory_space<semaphore_mem>>)
        %dma_wait3A_390 = arith.constant 2 : i32
        %dma_wait3A_391 = arith.constant 0 : i32
        %dma_wait3A_392 = tpu.memref_slice %arg12[%dma_wait3A_390, %dma_wait3A_391] : memref<5x125xi32, #tpu.memory_space<vmem>> -> memref<1x125xi32, #tpu.memory_space<vmem>>
        %dma_wait3A_393 = tpu.memref_squeeze %dma_wait3A_392 : memref<1x125xi32, #tpu.memory_space<vmem>> -> memref<125xi32, #tpu.memory_space<vmem>>
        %dma_wait3A_394 = arith.constant 0 : i32
        %dma_wait3A_395 = arith.constant 0 : i32
        %dma_wait3A_396 = tpu.memref_slice %arg2[%cond3A_14, %dma_wait3A_394, %dma_wait3A_395] : memref<2x10000x128xf32, #tpu.memory_space<hbm>> -> memref<1x10000x128xf32, #tpu.memory_space<hbm>>
        %dma_wait3A_397 = tpu.memref_squeeze %dma_wait3A_396 : memref<1x10000x128xf32, #tpu.memory_space<hbm>> -> memref<10000x128xf32, #tpu.memory_space<hbm>>
        %dma_wait3A_398 = arith.constant 0 : i32
        %dma_wait3A_399 = arith.constant 0 : i32
        %dma_wait3A_400 = tpu.memref_slice %dma_wait3A_397[%dma_wait3A_398, %dma_wait3A_399] : memref<10000x128xf32, #tpu.memory_space<hbm>> -> memref<10000x128xf32, #tpu.memory_space<hbm>>
        tpu.wait_indirect_dma semaphore(%arg17 : memref<!tpu.dma_semaphore, #tpu.memory_space<semaphore_mem>>) src(%dma_wait3A_400 : memref<10000x128xf32, #tpu.memory_space<hbm>>) dst(%arg15 : memref<125x128xf32, #tpu.memory_space<vmem>>)
        %dma_start3A_401 = arith.constant 2 : i32
        %dma_start3A_402 = arith.constant 0 : i32
        %dma_start3A_403 = tpu.memref_slice %arg13[%dma_start3A_401, %dma_start3A_402] : memref<5x125xi32, #tpu.memory_space<vmem>> -> memref<1x125xi32, #tpu.memory_space<vmem>>
        %dma_start3A_404 = tpu.memref_squeeze %dma_start3A_403 : memref<1x125xi32, #tpu.memory_space<vmem>> -> memref<125xi32, #tpu.memory_space<vmem>>
        %dma_start3A_405 = arith.constant 0 : i32
        %dma_start3A_406 = arith.constant 0 : i32
        %dma_start3A_407 = tpu.memref_slice %arg9[%dma_start3A_405, %dma_start3A_406] : memref<10000x128xf32, #tpu.memory_space<vmem_shared>> -> memref<10000x128xf32, #tpu.memory_space<vmem_shared>>
        tpu.enqueue_indirect_dma source(%arg15 : memref<125x128xf32, #tpu.memory_space<vmem>>) target(%dma_start3A_407 : memref<10000x128xf32, #tpu.memory_space<vmem_shared>>) offsets(%dma_start3A_404 : memref<125xi32, #tpu.memory_space<vmem>>) semaphore(%arg19 : memref<!tpu.dma_semaphore, #tpu.memory_space<semaphore_mem>>) {add = true}
        %dma_wait3A_408 = arith.constant 2 : i32
        %dma_wait3A_409 = arith.constant 0 : i32
        %dma_wait3A_410 = tpu.memref_slice %arg13[%dma_wait3A_408, %dma_wait3A_409] : memref<5x125xi32, #tpu.memory_space<vmem>> -> memref<1x125xi32, #tpu.memory_space<vmem>>
        %dma_wait3A_411 = tpu.memref_squeeze %dma_wait3A_410 : memref<1x125xi32, #tpu.memory_space<vmem>> -> memref<125xi32, #tpu.memory_space<vmem>>
        %dma_wait3A_412 = arith.constant 0 : i32
        %dma_wait3A_413 = arith.constant 0 : i32
        %dma_wait3A_414 = tpu.memref_slice %arg9[%dma_wait3A_412, %dma_wait3A_413] : memref<10000x128xf32, #tpu.memory_space<vmem_shared>> -> memref<10000x128xf32, #tpu.memory_space<vmem_shared>>
        tpu.wait_indirect_dma semaphore(%arg18 : memref<!tpu.dma_semaphore, #tpu.memory_space<semaphore_mem>>) src(%arg14 : memref<125x128xf32, #tpu.memory_space<vmem>>) dst(%dma_wait3A_414 : memref<10000x128xf32, #tpu.memory_space<vmem_shared>>)
        %dma_start3A_415 = arith.constant 3 : i32
        %dma_start3A_416 = arith.constant 0 : i32
        %dma_start3A_417 = tpu.memref_slice %arg12[%dma_start3A_415, %dma_start3A_416] : memref<5x125xi32, #tpu.memory_space<vmem>> -> memref<1x125xi32, #tpu.memory_space<vmem>>
        %dma_start3A_418 = tpu.memref_squeeze %dma_start3A_417 : memref<1x125xi32, #tpu.memory_space<vmem>> -> memref<125xi32, #tpu.memory_space<vmem>>
        %dma_start3A_419 = arith.constant 0 : i32
        %dma_start3A_420 = arith.constant 0 : i32
        %dma_start3A_421 = tpu.memref_slice %arg2[%cond3A_14, %dma_start3A_419, %dma_start3A_420] : memref<2x10000x128xf32, #tpu.memory_space<hbm>> -> memref<1x10000x128xf32, #tpu.memory_space<hbm>>
        %dma_start3A_422 = tpu.memref_squeeze %dma_start3A_421 : memref<1x10000x128xf32, #tpu.memory_space<hbm>> -> memref<10000x128xf32, #tpu.memory_space<hbm>>
        %dma_start3A_423 = arith.constant 0 : i32
        %dma_start3A_424 = arith.constant 0 : i32
        %dma_start3A_425 = tpu.memref_slice %dma_start3A_422[%dma_start3A_423, %dma_start3A_424] : memref<10000x128xf32, #tpu.memory_space<hbm>> -> memref<10000x128xf32, #tpu.memory_space<hbm>>
        tpu.enqueue_indirect_dma source(%dma_start3A_425 : memref<10000x128xf32, #tpu.memory_space<hbm>>) target(%arg14 : memref<125x128xf32, #tpu.memory_space<vmem>>) offsets(%dma_start3A_418 : memref<125xi32, #tpu.memory_space<vmem>>) semaphore(%arg16 : memref<!tpu.dma_semaphore, #tpu.memory_space<semaphore_mem>>)
        %dma_wait3A_426 = arith.constant 3 : i32
        %dma_wait3A_427 = arith.constant 0 : i32
        %dma_wait3A_428 = tpu.memref_slice %arg12[%dma_wait3A_426, %dma_wait3A_427] : memref<5x125xi32, #tpu.memory_space<vmem>> -> memref<1x125xi32, #tpu.memory_space<vmem>>
        %dma_wait3A_429 = tpu.memref_squeeze %dma_wait3A_428 : memref<1x125xi32, #tpu.memory_space<vmem>> -> memref<125xi32, #tpu.memory_space<vmem>>
        %dma_wait3A_430 = arith.constant 0 : i32
        %dma_wait3A_431 = arith.constant 0 : i32
        %dma_wait3A_432 = tpu.memref_slice %arg2[%cond3A_14, %dma_wait3A_430, %dma_wait3A_431] : memref<2x10000x128xf32, #tpu.memory_space<hbm>> -> memref<1x10000x128xf32, #tpu.memory_space<hbm>>
        %dma_wait3A_433 = tpu.memref_squeeze %dma_wait3A_432 : memref<1x10000x128xf32, #tpu.memory_space<hbm>> -> memref<10000x128xf32, #tpu.memory_space<hbm>>
        %dma_wait3A_434 = arith.constant 0 : i32
        %dma_wait3A_435 = arith.constant 0 : i32
        %dma_wait3A_436 = tpu.memref_slice %dma_wait3A_433[%dma_wait3A_434, %dma_wait3A_435] : memref<10000x128xf32, #tpu.memory_space<hbm>> -> memref<10000x128xf32, #tpu.memory_space<hbm>>
        tpu.wait_indirect_dma semaphore(%arg16 : memref<!tpu.dma_semaphore, #tpu.memory_space<semaphore_mem>>) src(%dma_wait3A_436 : memref<10000x128xf32, #tpu.memory_space<hbm>>) dst(%arg14 : memref<125x128xf32, #tpu.memory_space<vmem>>)
        %dma_start3A_437 = arith.constant 3 : i32
        %dma_start3A_438 = arith.constant 0 : i32
        %dma_start3A_439 = tpu.memref_slice %arg13[%dma_start3A_437, %dma_start3A_438] : memref<5x125xi32, #tpu.memory_space<vmem>> -> memref<1x125xi32, #tpu.memory_space<vmem>>
        %dma_start3A_440 = tpu.memref_squeeze %dma_start3A_439 : memref<1x125xi32, #tpu.memory_space<vmem>> -> memref<125xi32, #tpu.memory_space<vmem>>
        %dma_start3A_441 = arith.constant 0 : i32
        %dma_start3A_442 = arith.constant 0 : i32
        %dma_start3A_443 = tpu.memref_slice %arg9[%dma_start3A_441, %dma_start3A_442] : memref<10000x128xf32, #tpu.memory_space<vmem_shared>> -> memref<10000x128xf32, #tpu.memory_space<vmem_shared>>
        tpu.enqueue_indirect_dma source(%arg14 : memref<125x128xf32, #tpu.memory_space<vmem>>) target(%dma_start3A_443 : memref<10000x128xf32, #tpu.memory_space<vmem_shared>>) offsets(%dma_start3A_440 : memref<125xi32, #tpu.memory_space<vmem>>) semaphore(%arg18 : memref<!tpu.dma_semaphore, #tpu.memory_space<semaphore_mem>>) {add = true}
        %dma_wait3A_444 = arith.constant 3 : i32
        %dma_wait3A_445 = arith.constant 0 : i32
        %dma_wait3A_446 = tpu.memref_slice %arg13[%dma_wait3A_444, %dma_wait3A_445] : memref<5x125xi32, #tpu.memory_space<vmem>> -> memref<1x125xi32, #tpu.memory_space<vmem>>
        %dma_wait3A_447 = tpu.memref_squeeze %dma_wait3A_446 : memref<1x125xi32, #tpu.memory_space<vmem>> -> memref<125xi32, #tpu.memory_space<vmem>>
        %dma_wait3A_448 = arith.constant 0 : i32
        %dma_wait3A_449 = arith.constant 0 : i32
        %dma_wait3A_450 = tpu.memref_slice %arg9[%dma_wait3A_448, %dma_wait3A_449] : memref<10000x128xf32, #tpu.memory_space<vmem_shared>> -> memref<10000x128xf32, #tpu.memory_space<vmem_shared>>
        tpu.wait_indirect_dma semaphore(%arg19 : memref<!tpu.dma_semaphore, #tpu.memory_space<semaphore_mem>>) src(%arg15 : memref<125x128xf32, #tpu.memory_space<vmem>>) dst(%dma_wait3A_450 : memref<10000x128xf32, #tpu.memory_space<vmem_shared>>)
        %dma_start3A_451 = arith.constant 4 : i32
        %dma_start3A_452 = arith.constant 0 : i32
        %dma_start3A_453 = tpu.memref_slice %arg12[%dma_start3A_451, %dma_start3A_452] : memref<5x125xi32, #tpu.memory_space<vmem>> -> memref<1x125xi32, #tpu.memory_space<vmem>>
        %dma_start3A_454 = tpu.memref_squeeze %dma_start3A_453 : memref<1x125xi32, #tpu.memory_space<vmem>> -> memref<125xi32, #tpu.memory_space<vmem>>
        %dma_start3A_455 = arith.constant 0 : i32
        %dma_start3A_456 = arith.constant 0 : i32
        %dma_start3A_457 = tpu.memref_slice %arg2[%cond3A_14, %dma_start3A_455, %dma_start3A_456] : memref<2x10000x128xf32, #tpu.memory_space<hbm>> -> memref<1x10000x128xf32, #tpu.memory_space<hbm>>
        %dma_start3A_458 = tpu.memref_squeeze %dma_start3A_457 : memref<1x10000x128xf32, #tpu.memory_space<hbm>> -> memref<10000x128xf32, #tpu.memory_space<hbm>>
        %dma_start3A_459 = arith.constant 0 : i32
        %dma_start3A_460 = arith.constant 0 : i32
        %dma_start3A_461 = tpu.memref_slice %dma_start3A_458[%dma_start3A_459, %dma_start3A_460] : memref<10000x128xf32, #tpu.memory_space<hbm>> -> memref<10000x128xf32, #tpu.memory_space<hbm>>
        tpu.enqueue_indirect_dma source(%dma_start3A_461 : memref<10000x128xf32, #tpu.memory_space<hbm>>) target(%arg15 : memref<125x128xf32, #tpu.memory_space<vmem>>) offsets(%dma_start3A_454 : memref<125xi32, #tpu.memory_space<vmem>>) semaphore(%arg17 : memref<!tpu.dma_semaphore, #tpu.memory_space<semaphore_mem>>)
        %dma_wait3A_462 = arith.constant 4 : i32
        %dma_wait3A_463 = arith.constant 0 : i32
        %dma_wait3A_464 = tpu.memref_slice %arg12[%dma_wait3A_462, %dma_wait3A_463] : memref<5x125xi32, #tpu.memory_space<vmem>> -> memref<1x125xi32, #tpu.memory_space<vmem>>
        %dma_wait3A_465 = tpu.memref_squeeze %dma_wait3A_464 : memref<1x125xi32, #tpu.memory_space<vmem>> -> memref<125xi32, #tpu.memory_space<vmem>>
        %dma_wait3A_466 = arith.constant 0 : i32
        %dma_wait3A_467 = arith.constant 0 : i32
        %dma_wait3A_468 = tpu.memref_slice %arg2[%cond3A_14, %dma_wait3A_466, %dma_wait3A_467] : memref<2x10000x128xf32, #tpu.memory_space<hbm>> -> memref<1x10000x128xf32, #tpu.memory_space<hbm>>
        %dma_wait3A_469 = tpu.memref_squeeze %dma_wait3A_468 : memref<1x10000x128xf32, #tpu.memory_space<hbm>> -> memref<10000x128xf32, #tpu.memory_space<hbm>>
        %dma_wait3A_470 = arith.constant 0 : i32
        %dma_wait3A_471 = arith.constant 0 : i32
        %dma_wait3A_472 = tpu.memref_slice %dma_wait3A_469[%dma_wait3A_470, %dma_wait3A_471] : memref<10000x128xf32, #tpu.memory_space<hbm>> -> memref<10000x128xf32, #tpu.memory_space<hbm>>
        tpu.wait_indirect_dma semaphore(%arg17 : memref<!tpu.dma_semaphore, #tpu.memory_space<semaphore_mem>>) src(%dma_wait3A_472 : memref<10000x128xf32, #tpu.memory_space<hbm>>) dst(%arg15 : memref<125x128xf32, #tpu.memory_space<vmem>>)
        %dma_start3A_473 = arith.constant 4 : i32
        %dma_start3A_474 = arith.constant 0 : i32
        %dma_start3A_475 = tpu.memref_slice %arg13[%dma_start3A_473, %dma_start3A_474] : memref<5x125xi32, #tpu.memory_space<vmem>> -> memref<1x125xi32, #tpu.memory_space<vmem>>
        %dma_start3A_476 = tpu.memref_squeeze %dma_start3A_475 : memref<1x125xi32, #tpu.memory_space<vmem>> -> memref<125xi32, #tpu.memory_space<vmem>>
        %dma_start3A_477 = arith.constant 0 : i32
        %dma_start3A_478 = arith.constant 0 : i32
        %dma_start3A_479 = tpu.memref_slice %arg9[%dma_start3A_477, %dma_start3A_478] : memref<10000x128xf32, #tpu.memory_space<vmem_shared>> -> memref<10000x128xf32, #tpu.memory_space<vmem_shared>>
        tpu.enqueue_indirect_dma source(%arg15 : memref<125x128xf32, #tpu.memory_space<vmem>>) target(%dma_start3A_479 : memref<10000x128xf32, #tpu.memory_space<vmem_shared>>) offsets(%dma_start3A_476 : memref<125xi32, #tpu.memory_space<vmem>>) semaphore(%arg19 : memref<!tpu.dma_semaphore, #tpu.memory_space<semaphore_mem>>) {add = true}
        %lt3A_480 = arith.constant 15 : i32
        %lt3A_481 = arith.cmpi slt, %add3A_87, %lt3A_480 : i32
        %convert_element_type3A_482 = arith.extui %lt3A_481 : i1 to i32
        %cond3A_483 = arith.constant 0 : i32
        %cond3A_484 = arith.cmpi ne, %convert_element_type3A_482, %cond3A_483 : i32
        scf.if %cond3A_484 {
          %dma_wait3A_485 = arith.constant 4 : i32
          %dma_wait3A_486 = arith.constant 0 : i32
          %dma_wait3A_487 = tpu.memref_slice %arg13[%dma_wait3A_485, %dma_wait3A_486] : memref<5x125xi32, #tpu.memory_space<vmem>> -> memref<1x125xi32, #tpu.memory_space<vmem>>
          %dma_wait3A_488 = tpu.memref_squeeze %dma_wait3A_487 : memref<1x125xi32, #tpu.memory_space<vmem>> -> memref<125xi32, #tpu.memory_space<vmem>>
          %dma_wait3A_489 = arith.constant 0 : i32
          %dma_wait3A_490 = arith.constant 0 : i32
          %dma_wait3A_491 = tpu.memref_slice %arg9[%dma_wait3A_489, %dma_wait3A_490] : memref<10000x128xf32, #tpu.memory_space<vmem_shared>> -> memref<10000x128xf32, #tpu.memory_space<vmem_shared>>
          tpu.wait_indirect_dma semaphore(%arg18 : memref<!tpu.dma_semaphore, #tpu.memory_space<semaphore_mem>>) src(%arg14 : memref<125x128xf32, #tpu.memory_space<vmem>>) dst(%dma_wait3A_491 : memref<10000x128xf32, #tpu.memory_space<vmem_shared>>)
          %mul3A_492 = arith.constant 2 : i32
          %mul3A_493 = arith.muli %mul3A_492, %add3A_87 : i32
          %add3A_494 = arith.constant 2 : i32
          %add3A_495 = arith.addi %mul3A_493, %add3A_494 : i32
          %dma_wait3A_496 = arith.constant 0 : i32
          %dma_wait3A_497 = arith.constant 0 : i32
          %dma_wait3A_498 = tpu.memref_slice %arg4[%arg1, %add3A_495, %dma_wait3A_496, %dma_wait3A_497] : memref<16x32x5x125xi32, #tpu.memory_space<hbm>> -> memref<1x1x5x125xi32, #tpu.memory_space<hbm>>
          %dma_wait3A_499 = tpu.memref_squeeze %dma_wait3A_498 : memref<1x1x5x125xi32, #tpu.memory_space<hbm>> -> memref<5x125xi32, #tpu.memory_space<hbm>>
          %dma_wait3A_500 = arith.constant 0 : i32
          %dma_wait3A_501 = arith.constant 0 : i32
          %dma_wait3A_502 = tpu.memref_slice %arg4[%arg1, %add3A_495, %dma_wait3A_500, %dma_wait3A_501] : memref<16x32x5x125xi32, #tpu.memory_space<hbm>> -> memref<1x1x5x125xi32, #tpu.memory_space<hbm>>
          %dma_wait3A_503 = tpu.memref_squeeze %dma_wait3A_502 : memref<1x1x5x125xi32, #tpu.memory_space<hbm>> -> memref<5x125xi32, #tpu.memory_space<hbm>>
          tpu.wait_dma2 semaphore(%arg22 : memref<!tpu.dma_semaphore, #tpu.memory_space<semaphore_mem>>) src(%dma_wait3A_503 : memref<5x125xi32, #tpu.memory_space<hbm>>) dst(%arg10 : memref<5x125xi32, #tpu.memory_space<vmem>>)
          %mul3A_504 = arith.constant 2 : i32
          %mul3A_505 = arith.muli %mul3A_504, %add3A_87 : i32
          %add3A_506 = arith.constant 2 : i32
          %add3A_507 = arith.addi %mul3A_505, %add3A_506 : i32
          %dma_wait3A_508 = arith.constant 0 : i32
          %dma_wait3A_509 = arith.constant 0 : i32
          %dma_wait3A_510 = tpu.memref_slice %arg5[%arg1, %add3A_507, %dma_wait3A_508, %dma_wait3A_509] : memref<16x32x5x125xi32, #tpu.memory_space<hbm>> -> memref<1x1x5x125xi32, #tpu.memory_space<hbm>>
          %dma_wait3A_511 = tpu.memref_squeeze %dma_wait3A_510 : memref<1x1x5x125xi32, #tpu.memory_space<hbm>> -> memref<5x125xi32, #tpu.memory_space<hbm>>
          %dma_wait3A_512 = arith.constant 0 : i32
          %dma_wait3A_513 = arith.constant 0 : i32
          %dma_wait3A_514 = tpu.memref_slice %arg5[%arg1, %add3A_507, %dma_wait3A_512, %dma_wait3A_513] : memref<16x32x5x125xi32, #tpu.memory_space<hbm>> -> memref<1x1x5x125xi32, #tpu.memory_space<hbm>>
          %dma_wait3A_515 = tpu.memref_squeeze %dma_wait3A_514 : memref<1x1x5x125xi32, #tpu.memory_space<hbm>> -> memref<5x125xi32, #tpu.memory_space<hbm>>
          tpu.wait_dma2 semaphore(%arg22 : memref<!tpu.dma_semaphore, #tpu.memory_space<semaphore_mem>>) src(%dma_wait3A_515 : memref<5x125xi32, #tpu.memory_space<hbm>>) dst(%arg11 : memref<5x125xi32, #tpu.memory_space<vmem>>)
          %dma_start3A_516 = arith.constant 0 : i32
          %dma_start3A_517 = arith.constant 0 : i32
          %dma_start3A_518 = tpu.memref_slice %arg10[%dma_start3A_516, %dma_start3A_517] : memref<5x125xi32, #tpu.memory_space<vmem>> -> memref<1x125xi32, #tpu.memory_space<vmem>>
          %dma_start3A_519 = tpu.memref_squeeze %dma_start3A_518 : memref<1x125xi32, #tpu.memory_space<vmem>> -> memref<125xi32, #tpu.memory_space<vmem>>
          %dma_start3A_520 = arith.constant 0 : i32
          %dma_start3A_521 = arith.constant 0 : i32
          %dma_start3A_522 = tpu.memref_slice %arg2[%cond3A_14, %dma_start3A_520, %dma_start3A_521] : memref<2x10000x128xf32, #tpu.memory_space<hbm>> -> memref<1x10000x128xf32, #tpu.memory_space<hbm>>
          %dma_start3A_523 = tpu.memref_squeeze %dma_start3A_522 : memref<1x10000x128xf32, #tpu.memory_space<hbm>> -> memref<10000x128xf32, #tpu.memory_space<hbm>>
          %dma_start3A_524 = arith.constant 0 : i32
          %dma_start3A_525 = arith.constant 0 : i32
          %dma_start3A_526 = tpu.memref_slice %dma_start3A_523[%dma_start3A_524, %dma_start3A_525] : memref<10000x128xf32, #tpu.memory_space<hbm>> -> memref<10000x128xf32, #tpu.memory_space<hbm>>
          tpu.enqueue_indirect_dma source(%dma_start3A_526 : memref<10000x128xf32, #tpu.memory_space<hbm>>) target(%arg14 : memref<125x128xf32, #tpu.memory_space<vmem>>) offsets(%dma_start3A_519 : memref<125xi32, #tpu.memory_space<vmem>>) semaphore(%arg16 : memref<!tpu.dma_semaphore, #tpu.memory_space<semaphore_mem>>)
        } else {
        }
      }
      %scan3A_70 = arith.constant 16 : i32
      %dma_wait3A = arith.constant 3 : i32
      %dma_wait3A_71 = arith.constant 0 : i32
      %dma_wait3A_72 = tpu.memref_slice %arg13[%dma_wait3A, %dma_wait3A_71] : memref<5x125xi32, #tpu.memory_space<vmem>> -> memref<1x125xi32, #tpu.memory_space<vmem>>
      %dma_wait3A_73 = tpu.memref_squeeze %dma_wait3A_72 : memref<1x125xi32, #tpu.memory_space<vmem>> -> memref<125xi32, #tpu.memory_space<vmem>>
      %dma_wait3A_74 = arith.constant 0 : i32
      %dma_wait3A_75 = arith.constant 0 : i32
      %dma_wait3A_76 = tpu.memref_slice %arg9[%dma_wait3A_74, %dma_wait3A_75] : memref<10000x128xf32, #tpu.memory_space<vmem_shared>> -> memref<10000x128xf32, #tpu.memory_space<vmem_shared>>
      tpu.wait_indirect_dma semaphore(%arg18 : memref<!tpu.dma_semaphore, #tpu.memory_space<semaphore_mem>>) src(%arg14 : memref<125x128xf32, #tpu.memory_space<vmem>>) dst(%dma_wait3A_76 : memref<10000x128xf32, #tpu.memory_space<vmem_shared>>)
      %dma_wait3A_77 = arith.constant 4 : i32
      %dma_wait3A_78 = arith.constant 0 : i32
      %dma_wait3A_79 = tpu.memref_slice %arg13[%dma_wait3A_77, %dma_wait3A_78] : memref<5x125xi32, #tpu.memory_space<vmem>> -> memref<1x125xi32, #tpu.memory_space<vmem>>
      %dma_wait3A_80 = tpu.memref_squeeze %dma_wait3A_79 : memref<1x125xi32, #tpu.memory_space<vmem>> -> memref<125xi32, #tpu.memory_space<vmem>>
      %dma_wait3A_81 = arith.constant 0 : i32
      %dma_wait3A_82 = arith.constant 0 : i32
      %dma_wait3A_83 = tpu.memref_slice %arg9[%dma_wait3A_81, %dma_wait3A_82] : memref<10000x128xf32, #tpu.memory_space<vmem_shared>> -> memref<10000x128xf32, #tpu.memory_space<vmem_shared>>
      tpu.wait_indirect_dma semaphore(%arg19 : memref<!tpu.dma_semaphore, #tpu.memory_space<semaphore_mem>>) src(%arg15 : memref<125x128xf32, #tpu.memory_space<vmem>>) dst(%dma_wait3A_83 : memref<10000x128xf32, #tpu.memory_space<vmem_shared>>)
    } else {
    }
    %eq3A_17 = arith.constant 1 : i32
    %eq3A_18 = arith.cmpi eq, %arg0, %eq3A_17 : i32
    %convert_element_type3A_19 = arith.extui %eq3A_18 : i1 to i32
    %cond3A_20 = arith.constant 0 : i32
    %cond3A_21 = arith.constant 0 : i32
    %cond3A_22 = arith.cmpi ne, %convert_element_type3A_19, %cond3A_21 : i32
    scf.if %cond3A_22 {
      %run_scoped3A = arith.constant 0 : i32
      "tpu.region"() ({
        %run_scoped3A_84 = tpu.sem_alloc : memref<!tpu.dma_semaphore, #tpu.memory_space<semaphore_mem>>
        %dma_start3A_85 = arith.constant 0 : i32
        %dma_start3A_86 = arith.constant 0 : i32
        %dma_start3A_87 = tpu.memref_slice %arg6[%arg1, %run_scoped3A, %dma_start3A_85, %dma_start3A_86] : memref<16x32x5x125xi32, #tpu.memory_space<hbm>> -> memref<1x1x5x125xi32, #tpu.memory_space<hbm>>
        %dma_start3A_88 = tpu.memref_squeeze %dma_start3A_87 : memref<1x1x5x125xi32, #tpu.memory_space<hbm>> -> memref<5x125xi32, #tpu.memory_space<hbm>>
        %dma_start3A_89 = arith.constant 0 : i32
        %dma_start3A_90 = arith.constant 0 : i32
        %dma_start3A_91 = tpu.memref_slice %arg6[%arg1, %run_scoped3A, %dma_start3A_89, %dma_start3A_90] : memref<16x32x5x125xi32, #tpu.memory_space<hbm>> -> memref<1x1x5x125xi32, #tpu.memory_space<hbm>>
        %dma_start3A_92 = tpu.memref_squeeze %dma_start3A_91 : memref<1x1x5x125xi32, #tpu.memory_space<hbm>> -> memref<5x125xi32, #tpu.memory_space<hbm>>
        tpu.enqueue_dma source(%dma_start3A_92 : memref<5x125xi32, #tpu.memory_space<hbm>>) target(%arg10 : memref<5x125xi32, #tpu.memory_space<vmem>>) target_semaphore(%run_scoped3A_84 : memref<!tpu.dma_semaphore, #tpu.memory_space<semaphore_mem>>)
        %dma_wait3A_93 = arith.constant 0 : i32
        %dma_wait3A_94 = arith.constant 0 : i32
        %dma_wait3A_95 = tpu.memref_slice %arg6[%arg1, %run_scoped3A, %dma_wait3A_93, %dma_wait3A_94] : memref<16x32x5x125xi32, #tpu.memory_space<hbm>> -> memref<1x1x5x125xi32, #tpu.memory_space<hbm>>
        %dma_wait3A_96 = tpu.memref_squeeze %dma_wait3A_95 : memref<1x1x5x125xi32, #tpu.memory_space<hbm>> -> memref<5x125xi32, #tpu.memory_space<hbm>>
        %dma_wait3A_97 = arith.constant 0 : i32
        %dma_wait3A_98 = arith.constant 0 : i32
        %dma_wait3A_99 = tpu.memref_slice %arg6[%arg1, %run_scoped3A, %dma_wait3A_97, %dma_wait3A_98] : memref<16x32x5x125xi32, #tpu.memory_space<hbm>> -> memref<1x1x5x125xi32, #tpu.memory_space<hbm>>
        %dma_wait3A_100 = tpu.memref_squeeze %dma_wait3A_99 : memref<1x1x5x125xi32, #tpu.memory_space<hbm>> -> memref<5x125xi32, #tpu.memory_space<hbm>>
        tpu.wait_dma2 semaphore(%run_scoped3A_84 : memref<!tpu.dma_semaphore, #tpu.memory_space<semaphore_mem>>) src(%dma_wait3A_100 : memref<5x125xi32, #tpu.memory_space<hbm>>) dst(%arg10 : memref<5x125xi32, #tpu.memory_space<vmem>>)
        tpu.yield
      }) : () -> ()
      %run_scoped3A_55 = arith.constant 0 : i32
      "tpu.region"() ({
        %run_scoped3A_84 = tpu.sem_alloc : memref<!tpu.dma_semaphore, #tpu.memory_space<semaphore_mem>>
        %dma_start3A_85 = arith.constant 0 : i32
        %dma_start3A_86 = arith.constant 0 : i32
        %dma_start3A_87 = tpu.memref_slice %arg7[%arg1, %run_scoped3A_55, %dma_start3A_85, %dma_start3A_86] : memref<16x32x5x125xi32, #tpu.memory_space<hbm>> -> memref<1x1x5x125xi32, #tpu.memory_space<hbm>>
        %dma_start3A_88 = tpu.memref_squeeze %dma_start3A_87 : memref<1x1x5x125xi32, #tpu.memory_space<hbm>> -> memref<5x125xi32, #tpu.memory_space<hbm>>
        %dma_start3A_89 = arith.constant 0 : i32
        %dma_start3A_90 = arith.constant 0 : i32
        %dma_start3A_91 = tpu.memref_slice %arg7[%arg1, %run_scoped3A_55, %dma_start3A_89, %dma_start3A_90] : memref<16x32x5x125xi32, #tpu.memory_space<hbm>> -> memref<1x1x5x125xi32, #tpu.memory_space<hbm>>
        %dma_start3A_92 = tpu.memref_squeeze %dma_start3A_91 : memref<1x1x5x125xi32, #tpu.memory_space<hbm>> -> memref<5x125xi32, #tpu.memory_space<hbm>>
        tpu.enqueue_dma source(%dma_start3A_92 : memref<5x125xi32, #tpu.memory_space<hbm>>) target(%arg11 : memref<5x125xi32, #tpu.memory_space<vmem>>) target_semaphore(%run_scoped3A_84 : memref<!tpu.dma_semaphore, #tpu.memory_space<semaphore_mem>>)
        %dma_wait3A_93 = arith.constant 0 : i32
        %dma_wait3A_94 = arith.constant 0 : i32
        %dma_wait3A_95 = tpu.memref_slice %arg7[%arg1, %run_scoped3A_55, %dma_wait3A_93, %dma_wait3A_94] : memref<16x32x5x125xi32, #tpu.memory_space<hbm>> -> memref<1x1x5x125xi32, #tpu.memory_space<hbm>>
        %dma_wait3A_96 = tpu.memref_squeeze %dma_wait3A_95 : memref<1x1x5x125xi32, #tpu.memory_space<hbm>> -> memref<5x125xi32, #tpu.memory_space<hbm>>
        %dma_wait3A_97 = arith.constant 0 : i32
        %dma_wait3A_98 = arith.constant 0 : i32
        %dma_wait3A_99 = tpu.memref_slice %arg7[%arg1, %run_scoped3A_55, %dma_wait3A_97, %dma_wait3A_98] : memref<16x32x5x125xi32, #tpu.memory_space<hbm>> -> memref<1x1x5x125xi32, #tpu.memory_space<hbm>>
        %dma_wait3A_100 = tpu.memref_squeeze %dma_wait3A_99 : memref<1x1x5x125xi32, #tpu.memory_space<hbm>> -> memref<5x125xi32, #tpu.memory_space<hbm>>
        tpu.wait_dma2 semaphore(%run_scoped3A_84 : memref<!tpu.dma_semaphore, #tpu.memory_space<semaphore_mem>>) src(%dma_wait3A_100 : memref<5x125xi32, #tpu.memory_space<hbm>>) dst(%arg11 : memref<5x125xi32, #tpu.memory_space<vmem>>)
        tpu.yield
      }) : () -> ()
      %dma_start3A = arith.constant 0 : i32
      %dma_start3A_56 = arith.constant 0 : i32
      %dma_start3A_57 = tpu.memref_slice %arg10[%dma_start3A, %dma_start3A_56] : memref<5x125xi32, #tpu.memory_space<vmem>> -> memref<1x125xi32, #tpu.memory_space<vmem>>
      %dma_start3A_58 = tpu.memref_squeeze %dma_start3A_57 : memref<1x125xi32, #tpu.memory_space<vmem>> -> memref<125xi32, #tpu.memory_space<vmem>>
      %dma_start3A_59 = arith.constant 0 : i32
      %dma_start3A_60 = arith.constant 0 : i32
      %dma_start3A_61 = tpu.memref_slice %arg3[%cond3A_20, %dma_start3A_59, %dma_start3A_60] : memref<2x10000x128xf32, #tpu.memory_space<hbm>> -> memref<1x10000x128xf32, #tpu.memory_space<hbm>>
      %dma_start3A_62 = tpu.memref_squeeze %dma_start3A_61 : memref<1x10000x128xf32, #tpu.memory_space<hbm>> -> memref<10000x128xf32, #tpu.memory_space<hbm>>
      %dma_start3A_63 = arith.constant 0 : i32
      %dma_start3A_64 = arith.constant 0 : i32
      %dma_start3A_65 = tpu.memref_slice %dma_start3A_62[%dma_start3A_63, %dma_start3A_64] : memref<10000x128xf32, #tpu.memory_space<hbm>> -> memref<10000x128xf32, #tpu.memory_space<hbm>>
      tpu.enqueue_indirect_dma source(%dma_start3A_65 : memref<10000x128xf32, #tpu.memory_space<hbm>>) target(%arg14 : memref<125x128xf32, #tpu.memory_space<vmem>>) offsets(%dma_start3A_58 : memref<125xi32, #tpu.memory_space<vmem>>) semaphore(%arg16 : memref<!tpu.dma_semaphore, #tpu.memory_space<semaphore_mem>>)
      %scan3A_66 = arith.constant 0 : i32
      %scan3A_67 = arith.constant 16 : i32
      %scan3A_68 = arith.addi %scan3A_66, %scan3A_67 : i32
      %scan3A_69 = arith.constant 1 : i32
      scf.for %scan3A_84 = %scan3A_66 to %scan3A_68 step %scan3A_69  : i32 {
        %mul3A_85 = arith.constant 1 : i32
        %mul3A_86 = arith.muli %scan3A_84, %mul3A_85 : i32
        %add3A = arith.constant 0 : i32
        %add3A_87 = arith.addi %add3A, %mul3A_86 : i32
        %dma_wait3A_88 = arith.constant 0 : i32
        %dma_wait3A_89 = arith.constant 0 : i32
        %dma_wait3A_90 = tpu.memref_slice %arg10[%dma_wait3A_88, %dma_wait3A_89] : memref<5x125xi32, #tpu.memory_space<vmem>> -> memref<1x125xi32, #tpu.memory_space<vmem>>
        %dma_wait3A_91 = tpu.memref_squeeze %dma_wait3A_90 : memref<1x125xi32, #tpu.memory_space<vmem>> -> memref<125xi32, #tpu.memory_space<vmem>>
        %dma_wait3A_92 = arith.constant 0 : i32
        %dma_wait3A_93 = arith.constant 0 : i32
        %dma_wait3A_94 = tpu.memref_slice %arg3[%cond3A_20, %dma_wait3A_92, %dma_wait3A_93] : memref<2x10000x128xf32, #tpu.memory_space<hbm>> -> memref<1x10000x128xf32, #tpu.memory_space<hbm>>
        %dma_wait3A_95 = tpu.memref_squeeze %dma_wait3A_94 : memref<1x10000x128xf32, #tpu.memory_space<hbm>> -> memref<10000x128xf32, #tpu.memory_space<hbm>>
        %dma_wait3A_96 = arith.constant 0 : i32
        %dma_wait3A_97 = arith.constant 0 : i32
        %dma_wait3A_98 = tpu.memref_slice %dma_wait3A_95[%dma_wait3A_96, %dma_wait3A_97] : memref<10000x128xf32, #tpu.memory_space<hbm>> -> memref<10000x128xf32, #tpu.memory_space<hbm>>
        tpu.wait_indirect_dma semaphore(%arg16 : memref<!tpu.dma_semaphore, #tpu.memory_space<semaphore_mem>>) src(%dma_wait3A_98 : memref<10000x128xf32, #tpu.memory_space<hbm>>) dst(%arg14 : memref<125x128xf32, #tpu.memory_space<vmem>>)
        %dma_start3A_99 = arith.constant 0 : i32
        %dma_start3A_100 = arith.constant 0 : i32
        %dma_start3A_101 = tpu.memref_slice %arg11[%dma_start3A_99, %dma_start3A_100] : memref<5x125xi32, #tpu.memory_space<vmem>> -> memref<1x125xi32, #tpu.memory_space<vmem>>
        %dma_start3A_102 = tpu.memref_squeeze %dma_start3A_101 : memref<1x125xi32, #tpu.memory_space<vmem>> -> memref<125xi32, #tpu.memory_space<vmem>>
        %dma_start3A_103 = arith.constant 0 : i32
        %dma_start3A_104 = arith.constant 0 : i32
        %dma_start3A_105 = tpu.memref_slice %arg9[%dma_start3A_103, %dma_start3A_104] : memref<10000x128xf32, #tpu.memory_space<vmem_shared>> -> memref<10000x128xf32, #tpu.memory_space<vmem_shared>>
        tpu.enqueue_indirect_dma source(%arg14 : memref<125x128xf32, #tpu.memory_space<vmem>>) target(%dma_start3A_105 : memref<10000x128xf32, #tpu.memory_space<vmem_shared>>) offsets(%dma_start3A_102 : memref<125xi32, #tpu.memory_space<vmem>>) semaphore(%arg18 : memref<!tpu.dma_semaphore, #tpu.memory_space<semaphore_mem>>) {add = true}
        %gt3A = arith.constant 0 : i32
        %gt3A_106 = arith.cmpi sgt, %add3A_87, %gt3A : i32
        %convert_element_type3A_107 = arith.extui %gt3A_106 : i1 to i32
        %cond3A_108 = arith.constant 0 : i32
        %cond3A_109 = arith.cmpi ne, %convert_element_type3A_107, %cond3A_108 : i32
        scf.if %cond3A_109 {
          %dma_wait3A_485 = arith.constant 0 : i32
          %dma_wait3A_486 = arith.constant 0 : i32
          %dma_wait3A_487 = tpu.memref_slice %arg11[%dma_wait3A_485, %dma_wait3A_486] : memref<5x125xi32, #tpu.memory_space<vmem>> -> memref<1x125xi32, #tpu.memory_space<vmem>>
          %dma_wait3A_488 = tpu.memref_squeeze %dma_wait3A_487 : memref<1x125xi32, #tpu.memory_space<vmem>> -> memref<125xi32, #tpu.memory_space<vmem>>
          %dma_wait3A_489 = arith.constant 0 : i32
          %dma_wait3A_490 = arith.constant 0 : i32
          %dma_wait3A_491 = tpu.memref_slice %arg9[%dma_wait3A_489, %dma_wait3A_490] : memref<10000x128xf32, #tpu.memory_space<vmem_shared>> -> memref<10000x128xf32, #tpu.memory_space<vmem_shared>>
          tpu.wait_indirect_dma semaphore(%arg19 : memref<!tpu.dma_semaphore, #tpu.memory_space<semaphore_mem>>) src(%arg15 : memref<125x128xf32, #tpu.memory_space<vmem>>) dst(%dma_wait3A_491 : memref<10000x128xf32, #tpu.memory_space<vmem_shared>>)
        } else {
        }
        %dma_start3A_110 = arith.constant 1 : i32
        %dma_start3A_111 = arith.constant 0 : i32
        %dma_start3A_112 = tpu.memref_slice %arg10[%dma_start3A_110, %dma_start3A_111] : memref<5x125xi32, #tpu.memory_space<vmem>> -> memref<1x125xi32, #tpu.memory_space<vmem>>
        %dma_start3A_113 = tpu.memref_squeeze %dma_start3A_112 : memref<1x125xi32, #tpu.memory_space<vmem>> -> memref<125xi32, #tpu.memory_space<vmem>>
        %dma_start3A_114 = arith.constant 0 : i32
        %dma_start3A_115 = arith.constant 0 : i32
        %dma_start3A_116 = tpu.memref_slice %arg3[%cond3A_20, %dma_start3A_114, %dma_start3A_115] : memref<2x10000x128xf32, #tpu.memory_space<hbm>> -> memref<1x10000x128xf32, #tpu.memory_space<hbm>>
        %dma_start3A_117 = tpu.memref_squeeze %dma_start3A_116 : memref<1x10000x128xf32, #tpu.memory_space<hbm>> -> memref<10000x128xf32, #tpu.memory_space<hbm>>
        %dma_start3A_118 = arith.constant 0 : i32
        %dma_start3A_119 = arith.constant 0 : i32
        %dma_start3A_120 = tpu.memref_slice %dma_start3A_117[%dma_start3A_118, %dma_start3A_119] : memref<10000x128xf32, #tpu.memory_space<hbm>> -> memref<10000x128xf32, #tpu.memory_space<hbm>>
        tpu.enqueue_indirect_dma source(%dma_start3A_120 : memref<10000x128xf32, #tpu.memory_space<hbm>>) target(%arg15 : memref<125x128xf32, #tpu.memory_space<vmem>>) offsets(%dma_start3A_113 : memref<125xi32, #tpu.memory_space<vmem>>) semaphore(%arg17 : memref<!tpu.dma_semaphore, #tpu.memory_space<semaphore_mem>>)
        %dma_wait3A_121 = arith.constant 1 : i32
        %dma_wait3A_122 = arith.constant 0 : i32
        %dma_wait3A_123 = tpu.memref_slice %arg10[%dma_wait3A_121, %dma_wait3A_122] : memref<5x125xi32, #tpu.memory_space<vmem>> -> memref<1x125xi32, #tpu.memory_space<vmem>>
        %dma_wait3A_124 = tpu.memref_squeeze %dma_wait3A_123 : memref<1x125xi32, #tpu.memory_space<vmem>> -> memref<125xi32, #tpu.memory_space<vmem>>
        %dma_wait3A_125 = arith.constant 0 : i32
        %dma_wait3A_126 = arith.constant 0 : i32
        %dma_wait3A_127 = tpu.memref_slice %arg3[%cond3A_20, %dma_wait3A_125, %dma_wait3A_126] : memref<2x10000x128xf32, #tpu.memory_space<hbm>> -> memref<1x10000x128xf32, #tpu.memory_space<hbm>>
        %dma_wait3A_128 = tpu.memref_squeeze %dma_wait3A_127 : memref<1x10000x128xf32, #tpu.memory_space<hbm>> -> memref<10000x128xf32, #tpu.memory_space<hbm>>
        %dma_wait3A_129 = arith.constant 0 : i32
        %dma_wait3A_130 = arith.constant 0 : i32
        %dma_wait3A_131 = tpu.memref_slice %dma_wait3A_128[%dma_wait3A_129, %dma_wait3A_130] : memref<10000x128xf32, #tpu.memory_space<hbm>> -> memref<10000x128xf32, #tpu.memory_space<hbm>>
        tpu.wait_indirect_dma semaphore(%arg17 : memref<!tpu.dma_semaphore, #tpu.memory_space<semaphore_mem>>) src(%dma_wait3A_131 : memref<10000x128xf32, #tpu.memory_space<hbm>>) dst(%arg15 : memref<125x128xf32, #tpu.memory_space<vmem>>)
        %dma_start3A_132 = arith.constant 1 : i32
        %dma_start3A_133 = arith.constant 0 : i32
        %dma_start3A_134 = tpu.memref_slice %arg11[%dma_start3A_132, %dma_start3A_133] : memref<5x125xi32, #tpu.memory_space<vmem>> -> memref<1x125xi32, #tpu.memory_space<vmem>>
        %dma_start3A_135 = tpu.memref_squeeze %dma_start3A_134 : memref<1x125xi32, #tpu.memory_space<vmem>> -> memref<125xi32, #tpu.memory_space<vmem>>
        %dma_start3A_136 = arith.constant 0 : i32
        %dma_start3A_137 = arith.constant 0 : i32
        %dma_start3A_138 = tpu.memref_slice %arg9[%dma_start3A_136, %dma_start3A_137] : memref<10000x128xf32, #tpu.memory_space<vmem_shared>> -> memref<10000x128xf32, #tpu.memory_space<vmem_shared>>
        tpu.enqueue_indirect_dma source(%arg15 : memref<125x128xf32, #tpu.memory_space<vmem>>) target(%dma_start3A_138 : memref<10000x128xf32, #tpu.memory_space<vmem_shared>>) offsets(%dma_start3A_135 : memref<125xi32, #tpu.memory_space<vmem>>) semaphore(%arg19 : memref<!tpu.dma_semaphore, #tpu.memory_space<semaphore_mem>>) {add = true}
        %mul3A_139 = arith.constant 2 : i32
        %mul3A_140 = arith.muli %mul3A_139, %add3A_87 : i32
        %add3A_141 = arith.constant 1 : i32
        %add3A_142 = arith.addi %mul3A_140, %add3A_141 : i32
        %dma_start3A_143 = arith.constant 0 : i32
        %dma_start3A_144 = arith.constant 0 : i32
        %dma_start3A_145 = tpu.memref_slice %arg6[%arg1, %add3A_142, %dma_start3A_143, %dma_start3A_144] : memref<16x32x5x125xi32, #tpu.memory_space<hbm>> -> memref<1x1x5x125xi32, #tpu.memory_space<hbm>>
        %dma_start3A_146 = tpu.memref_squeeze %dma_start3A_145 : memref<1x1x5x125xi32, #tpu.memory_space<hbm>> -> memref<5x125xi32, #tpu.memory_space<hbm>>
        %dma_start3A_147 = arith.constant 0 : i32
        %dma_start3A_148 = arith.constant 0 : i32
        %dma_start3A_149 = tpu.memref_slice %arg6[%arg1, %add3A_142, %dma_start3A_147, %dma_start3A_148] : memref<16x32x5x125xi32, #tpu.memory_space<hbm>> -> memref<1x1x5x125xi32, #tpu.memory_space<hbm>>
        %dma_start3A_150 = tpu.memref_squeeze %dma_start3A_149 : memref<1x1x5x125xi32, #tpu.memory_space<hbm>> -> memref<5x125xi32, #tpu.memory_space<hbm>>
        tpu.enqueue_dma source(%dma_start3A_150 : memref<5x125xi32, #tpu.memory_space<hbm>>) target(%arg12 : memref<5x125xi32, #tpu.memory_space<vmem>>) target_semaphore(%arg22 : memref<!tpu.dma_semaphore, #tpu.memory_space<semaphore_mem>>)
        %mul3A_151 = arith.constant 2 : i32
        %mul3A_152 = arith.muli %mul3A_151, %add3A_87 : i32
        %add3A_153 = arith.constant 1 : i32
        %add3A_154 = arith.addi %mul3A_152, %add3A_153 : i32
        %dma_start3A_155 = arith.constant 0 : i32
        %dma_start3A_156 = arith.constant 0 : i32
        %dma_start3A_157 = tpu.memref_slice %arg7[%arg1, %add3A_154, %dma_start3A_155, %dma_start3A_156] : memref<16x32x5x125xi32, #tpu.memory_space<hbm>> -> memref<1x1x5x125xi32, #tpu.memory_space<hbm>>
        %dma_start3A_158 = tpu.memref_squeeze %dma_start3A_157 : memref<1x1x5x125xi32, #tpu.memory_space<hbm>> -> memref<5x125xi32, #tpu.memory_space<hbm>>
        %dma_start3A_159 = arith.constant 0 : i32
        %dma_start3A_160 = arith.constant 0 : i32
        %dma_start3A_161 = tpu.memref_slice %arg7[%arg1, %add3A_154, %dma_start3A_159, %dma_start3A_160] : memref<16x32x5x125xi32, #tpu.memory_space<hbm>> -> memref<1x1x5x125xi32, #tpu.memory_space<hbm>>
        %dma_start3A_162 = tpu.memref_squeeze %dma_start3A_161 : memref<1x1x5x125xi32, #tpu.memory_space<hbm>> -> memref<5x125xi32, #tpu.memory_space<hbm>>
        tpu.enqueue_dma source(%dma_start3A_162 : memref<5x125xi32, #tpu.memory_space<hbm>>) target(%arg13 : memref<5x125xi32, #tpu.memory_space<vmem>>) target_semaphore(%arg22 : memref<!tpu.dma_semaphore, #tpu.memory_space<semaphore_mem>>)
        %dma_wait3A_163 = arith.constant 1 : i32
        %dma_wait3A_164 = arith.constant 0 : i32
        %dma_wait3A_165 = tpu.memref_slice %arg11[%dma_wait3A_163, %dma_wait3A_164] : memref<5x125xi32, #tpu.memory_space<vmem>> -> memref<1x125xi32, #tpu.memory_space<vmem>>
        %dma_wait3A_166 = tpu.memref_squeeze %dma_wait3A_165 : memref<1x125xi32, #tpu.memory_space<vmem>> -> memref<125xi32, #tpu.memory_space<vmem>>
        %dma_wait3A_167 = arith.constant 0 : i32
        %dma_wait3A_168 = arith.constant 0 : i32
        %dma_wait3A_169 = tpu.memref_slice %arg9[%dma_wait3A_167, %dma_wait3A_168] : memref<10000x128xf32, #tpu.memory_space<vmem_shared>> -> memref<10000x128xf32, #tpu.memory_space<vmem_shared>>
        tpu.wait_indirect_dma semaphore(%arg18 : memref<!tpu.dma_semaphore, #tpu.memory_space<semaphore_mem>>) src(%arg14 : memref<125x128xf32, #tpu.memory_space<vmem>>) dst(%dma_wait3A_169 : memref<10000x128xf32, #tpu.memory_space<vmem_shared>>)
        %dma_start3A_170 = arith.constant 2 : i32
        %dma_start3A_171 = arith.constant 0 : i32
        %dma_start3A_172 = tpu.memref_slice %arg10[%dma_start3A_170, %dma_start3A_171] : memref<5x125xi32, #tpu.memory_space<vmem>> -> memref<1x125xi32, #tpu.memory_space<vmem>>
        %dma_start3A_173 = tpu.memref_squeeze %dma_start3A_172 : memref<1x125xi32, #tpu.memory_space<vmem>> -> memref<125xi32, #tpu.memory_space<vmem>>
        %dma_start3A_174 = arith.constant 0 : i32
        %dma_start3A_175 = arith.constant 0 : i32
        %dma_start3A_176 = tpu.memref_slice %arg3[%cond3A_20, %dma_start3A_174, %dma_start3A_175] : memref<2x10000x128xf32, #tpu.memory_space<hbm>> -> memref<1x10000x128xf32, #tpu.memory_space<hbm>>
        %dma_start3A_177 = tpu.memref_squeeze %dma_start3A_176 : memref<1x10000x128xf32, #tpu.memory_space<hbm>> -> memref<10000x128xf32, #tpu.memory_space<hbm>>
        %dma_start3A_178 = arith.constant 0 : i32
        %dma_start3A_179 = arith.constant 0 : i32
        %dma_start3A_180 = tpu.memref_slice %dma_start3A_177[%dma_start3A_178, %dma_start3A_179] : memref<10000x128xf32, #tpu.memory_space<hbm>> -> memref<10000x128xf32, #tpu.memory_space<hbm>>
        tpu.enqueue_indirect_dma source(%dma_start3A_180 : memref<10000x128xf32, #tpu.memory_space<hbm>>) target(%arg14 : memref<125x128xf32, #tpu.memory_space<vmem>>) offsets(%dma_start3A_173 : memref<125xi32, #tpu.memory_space<vmem>>) semaphore(%arg16 : memref<!tpu.dma_semaphore, #tpu.memory_space<semaphore_mem>>)
        %dma_wait3A_181 = arith.constant 2 : i32
        %dma_wait3A_182 = arith.constant 0 : i32
        %dma_wait3A_183 = tpu.memref_slice %arg10[%dma_wait3A_181, %dma_wait3A_182] : memref<5x125xi32, #tpu.memory_space<vmem>> -> memref<1x125xi32, #tpu.memory_space<vmem>>
        %dma_wait3A_184 = tpu.memref_squeeze %dma_wait3A_183 : memref<1x125xi32, #tpu.memory_space<vmem>> -> memref<125xi32, #tpu.memory_space<vmem>>
        %dma_wait3A_185 = arith.constant 0 : i32
        %dma_wait3A_186 = arith.constant 0 : i32
        %dma_wait3A_187 = tpu.memref_slice %arg3[%cond3A_20, %dma_wait3A_185, %dma_wait3A_186] : memref<2x10000x128xf32, #tpu.memory_space<hbm>> -> memref<1x10000x128xf32, #tpu.memory_space<hbm>>
        %dma_wait3A_188 = tpu.memref_squeeze %dma_wait3A_187 : memref<1x10000x128xf32, #tpu.memory_space<hbm>> -> memref<10000x128xf32, #tpu.memory_space<hbm>>
        %dma_wait3A_189 = arith.constant 0 : i32
        %dma_wait3A_190 = arith.constant 0 : i32
        %dma_wait3A_191 = tpu.memref_slice %dma_wait3A_188[%dma_wait3A_189, %dma_wait3A_190] : memref<10000x128xf32, #tpu.memory_space<hbm>> -> memref<10000x128xf32, #tpu.memory_space<hbm>>
        tpu.wait_indirect_dma semaphore(%arg16 : memref<!tpu.dma_semaphore, #tpu.memory_space<semaphore_mem>>) src(%dma_wait3A_191 : memref<10000x128xf32, #tpu.memory_space<hbm>>) dst(%arg14 : memref<125x128xf32, #tpu.memory_space<vmem>>)
        %dma_start3A_192 = arith.constant 2 : i32
        %dma_start3A_193 = arith.constant 0 : i32
        %dma_start3A_194 = tpu.memref_slice %arg11[%dma_start3A_192, %dma_start3A_193] : memref<5x125xi32, #tpu.memory_space<vmem>> -> memref<1x125xi32, #tpu.memory_space<vmem>>
        %dma_start3A_195 = tpu.memref_squeeze %dma_start3A_194 : memref<1x125xi32, #tpu.memory_space<vmem>> -> memref<125xi32, #tpu.memory_space<vmem>>
        %dma_start3A_196 = arith.constant 0 : i32
        %dma_start3A_197 = arith.constant 0 : i32
        %dma_start3A_198 = tpu.memref_slice %arg9[%dma_start3A_196, %dma_start3A_197] : memref<10000x128xf32, #tpu.memory_space<vmem_shared>> -> memref<10000x128xf32, #tpu.memory_space<vmem_shared>>
        tpu.enqueue_indirect_dma source(%arg14 : memref<125x128xf32, #tpu.memory_space<vmem>>) target(%dma_start3A_198 : memref<10000x128xf32, #tpu.memory_space<vmem_shared>>) offsets(%dma_start3A_195 : memref<125xi32, #tpu.memory_space<vmem>>) semaphore(%arg18 : memref<!tpu.dma_semaphore, #tpu.memory_space<semaphore_mem>>) {add = true}
        %dma_wait3A_199 = arith.constant 2 : i32
        %dma_wait3A_200 = arith.constant 0 : i32
        %dma_wait3A_201 = tpu.memref_slice %arg11[%dma_wait3A_199, %dma_wait3A_200] : memref<5x125xi32, #tpu.memory_space<vmem>> -> memref<1x125xi32, #tpu.memory_space<vmem>>
        %dma_wait3A_202 = tpu.memref_squeeze %dma_wait3A_201 : memref<1x125xi32, #tpu.memory_space<vmem>> -> memref<125xi32, #tpu.memory_space<vmem>>
        %dma_wait3A_203 = arith.constant 0 : i32
        %dma_wait3A_204 = arith.constant 0 : i32
        %dma_wait3A_205 = tpu.memref_slice %arg9[%dma_wait3A_203, %dma_wait3A_204] : memref<10000x128xf32, #tpu.memory_space<vmem_shared>> -> memref<10000x128xf32, #tpu.memory_space<vmem_shared>>
        tpu.wait_indirect_dma semaphore(%arg19 : memref<!tpu.dma_semaphore, #tpu.memory_space<semaphore_mem>>) src(%arg15 : memref<125x128xf32, #tpu.memory_space<vmem>>) dst(%dma_wait3A_205 : memref<10000x128xf32, #tpu.memory_space<vmem_shared>>)
        %dma_start3A_206 = arith.constant 3 : i32
        %dma_start3A_207 = arith.constant 0 : i32
        %dma_start3A_208 = tpu.memref_slice %arg10[%dma_start3A_206, %dma_start3A_207] : memref<5x125xi32, #tpu.memory_space<vmem>> -> memref<1x125xi32, #tpu.memory_space<vmem>>
        %dma_start3A_209 = tpu.memref_squeeze %dma_start3A_208 : memref<1x125xi32, #tpu.memory_space<vmem>> -> memref<125xi32, #tpu.memory_space<vmem>>
        %dma_start3A_210 = arith.constant 0 : i32
        %dma_start3A_211 = arith.constant 0 : i32
        %dma_start3A_212 = tpu.memref_slice %arg3[%cond3A_20, %dma_start3A_210, %dma_start3A_211] : memref<2x10000x128xf32, #tpu.memory_space<hbm>> -> memref<1x10000x128xf32, #tpu.memory_space<hbm>>
        %dma_start3A_213 = tpu.memref_squeeze %dma_start3A_212 : memref<1x10000x128xf32, #tpu.memory_space<hbm>> -> memref<10000x128xf32, #tpu.memory_space<hbm>>
        %dma_start3A_214 = arith.constant 0 : i32
        %dma_start3A_215 = arith.constant 0 : i32
        %dma_start3A_216 = tpu.memref_slice %dma_start3A_213[%dma_start3A_214, %dma_start3A_215] : memref<10000x128xf32, #tpu.memory_space<hbm>> -> memref<10000x128xf32, #tpu.memory_space<hbm>>
        tpu.enqueue_indirect_dma source(%dma_start3A_216 : memref<10000x128xf32, #tpu.memory_space<hbm>>) target(%arg15 : memref<125x128xf32, #tpu.memory_space<vmem>>) offsets(%dma_start3A_209 : memref<125xi32, #tpu.memory_space<vmem>>) semaphore(%arg17 : memref<!tpu.dma_semaphore, #tpu.memory_space<semaphore_mem>>)
        %dma_wait3A_217 = arith.constant 3 : i32
        %dma_wait3A_218 = arith.constant 0 : i32
        %dma_wait3A_219 = tpu.memref_slice %arg10[%dma_wait3A_217, %dma_wait3A_218] : memref<5x125xi32, #tpu.memory_space<vmem>> -> memref<1x125xi32, #tpu.memory_space<vmem>>
        %dma_wait3A_220 = tpu.memref_squeeze %dma_wait3A_219 : memref<1x125xi32, #tpu.memory_space<vmem>> -> memref<125xi32, #tpu.memory_space<vmem>>
        %dma_wait3A_221 = arith.constant 0 : i32
        %dma_wait3A_222 = arith.constant 0 : i32
        %dma_wait3A_223 = tpu.memref_slice %arg3[%cond3A_20, %dma_wait3A_221, %dma_wait3A_222] : memref<2x10000x128xf32, #tpu.memory_space<hbm>> -> memref<1x10000x128xf32, #tpu.memory_space<hbm>>
        %dma_wait3A_224 = tpu.memref_squeeze %dma_wait3A_223 : memref<1x10000x128xf32, #tpu.memory_space<hbm>> -> memref<10000x128xf32, #tpu.memory_space<hbm>>
        %dma_wait3A_225 = arith.constant 0 : i32
        %dma_wait3A_226 = arith.constant 0 : i32
        %dma_wait3A_227 = tpu.memref_slice %dma_wait3A_224[%dma_wait3A_225, %dma_wait3A_226] : memref<10000x128xf32, #tpu.memory_space<hbm>> -> memref<10000x128xf32, #tpu.memory_space<hbm>>
        tpu.wait_indirect_dma semaphore(%arg17 : memref<!tpu.dma_semaphore, #tpu.memory_space<semaphore_mem>>) src(%dma_wait3A_227 : memref<10000x128xf32, #tpu.memory_space<hbm>>) dst(%arg15 : memref<125x128xf32, #tpu.memory_space<vmem>>)
        %dma_start3A_228 = arith.constant 3 : i32
        %dma_start3A_229 = arith.constant 0 : i32
        %dma_start3A_230 = tpu.memref_slice %arg11[%dma_start3A_228, %dma_start3A_229] : memref<5x125xi32, #tpu.memory_space<vmem>> -> memref<1x125xi32, #tpu.memory_space<vmem>>
        %dma_start3A_231 = tpu.memref_squeeze %dma_start3A_230 : memref<1x125xi32, #tpu.memory_space<vmem>> -> memref<125xi32, #tpu.memory_space<vmem>>
        %dma_start3A_232 = arith.constant 0 : i32
        %dma_start3A_233 = arith.constant 0 : i32
        %dma_start3A_234 = tpu.memref_slice %arg9[%dma_start3A_232, %dma_start3A_233] : memref<10000x128xf32, #tpu.memory_space<vmem_shared>> -> memref<10000x128xf32, #tpu.memory_space<vmem_shared>>
        tpu.enqueue_indirect_dma source(%arg15 : memref<125x128xf32, #tpu.memory_space<vmem>>) target(%dma_start3A_234 : memref<10000x128xf32, #tpu.memory_space<vmem_shared>>) offsets(%dma_start3A_231 : memref<125xi32, #tpu.memory_space<vmem>>) semaphore(%arg19 : memref<!tpu.dma_semaphore, #tpu.memory_space<semaphore_mem>>) {add = true}
        %dma_wait3A_235 = arith.constant 3 : i32
        %dma_wait3A_236 = arith.constant 0 : i32
        %dma_wait3A_237 = tpu.memref_slice %arg11[%dma_wait3A_235, %dma_wait3A_236] : memref<5x125xi32, #tpu.memory_space<vmem>> -> memref<1x125xi32, #tpu.memory_space<vmem>>
        %dma_wait3A_238 = tpu.memref_squeeze %dma_wait3A_237 : memref<1x125xi32, #tpu.memory_space<vmem>> -> memref<125xi32, #tpu.memory_space<vmem>>
        %dma_wait3A_239 = arith.constant 0 : i32
        %dma_wait3A_240 = arith.constant 0 : i32
        %dma_wait3A_241 = tpu.memref_slice %arg9[%dma_wait3A_239, %dma_wait3A_240] : memref<10000x128xf32, #tpu.memory_space<vmem_shared>> -> memref<10000x128xf32, #tpu.memory_space<vmem_shared>>
        tpu.wait_indirect_dma semaphore(%arg18 : memref<!tpu.dma_semaphore, #tpu.memory_space<semaphore_mem>>) src(%arg14 : memref<125x128xf32, #tpu.memory_space<vmem>>) dst(%dma_wait3A_241 : memref<10000x128xf32, #tpu.memory_space<vmem_shared>>)
        %dma_start3A_242 = arith.constant 4 : i32
        %dma_start3A_243 = arith.constant 0 : i32
        %dma_start3A_244 = tpu.memref_slice %arg10[%dma_start3A_242, %dma_start3A_243] : memref<5x125xi32, #tpu.memory_space<vmem>> -> memref<1x125xi32, #tpu.memory_space<vmem>>
        %dma_start3A_245 = tpu.memref_squeeze %dma_start3A_244 : memref<1x125xi32, #tpu.memory_space<vmem>> -> memref<125xi32, #tpu.memory_space<vmem>>
        %dma_start3A_246 = arith.constant 0 : i32
        %dma_start3A_247 = arith.constant 0 : i32
        %dma_start3A_248 = tpu.memref_slice %arg3[%cond3A_20, %dma_start3A_246, %dma_start3A_247] : memref<2x10000x128xf32, #tpu.memory_space<hbm>> -> memref<1x10000x128xf32, #tpu.memory_space<hbm>>
        %dma_start3A_249 = tpu.memref_squeeze %dma_start3A_248 : memref<1x10000x128xf32, #tpu.memory_space<hbm>> -> memref<10000x128xf32, #tpu.memory_space<hbm>>
        %dma_start3A_250 = arith.constant 0 : i32
        %dma_start3A_251 = arith.constant 0 : i32
        %dma_start3A_252 = tpu.memref_slice %dma_start3A_249[%dma_start3A_250, %dma_start3A_251] : memref<10000x128xf32, #tpu.memory_space<hbm>> -> memref<10000x128xf32, #tpu.memory_space<hbm>>
        tpu.enqueue_indirect_dma source(%dma_start3A_252 : memref<10000x128xf32, #tpu.memory_space<hbm>>) target(%arg14 : memref<125x128xf32, #tpu.memory_space<vmem>>) offsets(%dma_start3A_245 : memref<125xi32, #tpu.memory_space<vmem>>) semaphore(%arg16 : memref<!tpu.dma_semaphore, #tpu.memory_space<semaphore_mem>>)
        %dma_wait3A_253 = arith.constant 4 : i32
        %dma_wait3A_254 = arith.constant 0 : i32
        %dma_wait3A_255 = tpu.memref_slice %arg10[%dma_wait3A_253, %dma_wait3A_254] : memref<5x125xi32, #tpu.memory_space<vmem>> -> memref<1x125xi32, #tpu.memory_space<vmem>>
        %dma_wait3A_256 = tpu.memref_squeeze %dma_wait3A_255 : memref<1x125xi32, #tpu.memory_space<vmem>> -> memref<125xi32, #tpu.memory_space<vmem>>
        %dma_wait3A_257 = arith.constant 0 : i32
        %dma_wait3A_258 = arith.constant 0 : i32
        %dma_wait3A_259 = tpu.memref_slice %arg3[%cond3A_20, %dma_wait3A_257, %dma_wait3A_258] : memref<2x10000x128xf32, #tpu.memory_space<hbm>> -> memref<1x10000x128xf32, #tpu.memory_space<hbm>>
        %dma_wait3A_260 = tpu.memref_squeeze %dma_wait3A_259 : memref<1x10000x128xf32, #tpu.memory_space<hbm>> -> memref<10000x128xf32, #tpu.memory_space<hbm>>
        %dma_wait3A_261 = arith.constant 0 : i32
        %dma_wait3A_262 = arith.constant 0 : i32
        %dma_wait3A_263 = tpu.memref_slice %dma_wait3A_260[%dma_wait3A_261, %dma_wait3A_262] : memref<10000x128xf32, #tpu.memory_space<hbm>> -> memref<10000x128xf32, #tpu.memory_space<hbm>>
        tpu.wait_indirect_dma semaphore(%arg16 : memref<!tpu.dma_semaphore, #tpu.memory_space<semaphore_mem>>) src(%dma_wait3A_263 : memref<10000x128xf32, #tpu.memory_space<hbm>>) dst(%arg14 : memref<125x128xf32, #tpu.memory_space<vmem>>)
        %dma_start3A_264 = arith.constant 4 : i32
        %dma_start3A_265 = arith.constant 0 : i32
        %dma_start3A_266 = tpu.memref_slice %arg11[%dma_start3A_264, %dma_start3A_265] : memref<5x125xi32, #tpu.memory_space<vmem>> -> memref<1x125xi32, #tpu.memory_space<vmem>>
        %dma_start3A_267 = tpu.memref_squeeze %dma_start3A_266 : memref<1x125xi32, #tpu.memory_space<vmem>> -> memref<125xi32, #tpu.memory_space<vmem>>
        %dma_start3A_268 = arith.constant 0 : i32
        %dma_start3A_269 = arith.constant 0 : i32
        %dma_start3A_270 = tpu.memref_slice %arg9[%dma_start3A_268, %dma_start3A_269] : memref<10000x128xf32, #tpu.memory_space<vmem_shared>> -> memref<10000x128xf32, #tpu.memory_space<vmem_shared>>
        tpu.enqueue_indirect_dma source(%arg14 : memref<125x128xf32, #tpu.memory_space<vmem>>) target(%dma_start3A_270 : memref<10000x128xf32, #tpu.memory_space<vmem_shared>>) offsets(%dma_start3A_267 : memref<125xi32, #tpu.memory_space<vmem>>) semaphore(%arg18 : memref<!tpu.dma_semaphore, #tpu.memory_space<semaphore_mem>>) {add = true}
        %dma_wait3A_271 = arith.constant 4 : i32
        %dma_wait3A_272 = arith.constant 0 : i32
        %dma_wait3A_273 = tpu.memref_slice %arg11[%dma_wait3A_271, %dma_wait3A_272] : memref<5x125xi32, #tpu.memory_space<vmem>> -> memref<1x125xi32, #tpu.memory_space<vmem>>
        %dma_wait3A_274 = tpu.memref_squeeze %dma_wait3A_273 : memref<1x125xi32, #tpu.memory_space<vmem>> -> memref<125xi32, #tpu.memory_space<vmem>>
        %dma_wait3A_275 = arith.constant 0 : i32
        %dma_wait3A_276 = arith.constant 0 : i32
        %dma_wait3A_277 = tpu.memref_slice %arg9[%dma_wait3A_275, %dma_wait3A_276] : memref<10000x128xf32, #tpu.memory_space<vmem_shared>> -> memref<10000x128xf32, #tpu.memory_space<vmem_shared>>
        tpu.wait_indirect_dma semaphore(%arg19 : memref<!tpu.dma_semaphore, #tpu.memory_space<semaphore_mem>>) src(%arg15 : memref<125x128xf32, #tpu.memory_space<vmem>>) dst(%dma_wait3A_277 : memref<10000x128xf32, #tpu.memory_space<vmem_shared>>)
        %mul3A_278 = arith.constant 2 : i32
        %mul3A_279 = arith.muli %mul3A_278, %add3A_87 : i32
        %add3A_280 = arith.constant 1 : i32
        %add3A_281 = arith.addi %mul3A_279, %add3A_280 : i32
        %dma_wait3A_282 = arith.constant 0 : i32
        %dma_wait3A_283 = arith.constant 0 : i32
        %dma_wait3A_284 = tpu.memref_slice %arg6[%arg1, %add3A_281, %dma_wait3A_282, %dma_wait3A_283] : memref<16x32x5x125xi32, #tpu.memory_space<hbm>> -> memref<1x1x5x125xi32, #tpu.memory_space<hbm>>
        %dma_wait3A_285 = tpu.memref_squeeze %dma_wait3A_284 : memref<1x1x5x125xi32, #tpu.memory_space<hbm>> -> memref<5x125xi32, #tpu.memory_space<hbm>>
        %dma_wait3A_286 = arith.constant 0 : i32
        %dma_wait3A_287 = arith.constant 0 : i32
        %dma_wait3A_288 = tpu.memref_slice %arg6[%arg1, %add3A_281, %dma_wait3A_286, %dma_wait3A_287] : memref<16x32x5x125xi32, #tpu.memory_space<hbm>> -> memref<1x1x5x125xi32, #tpu.memory_space<hbm>>
        %dma_wait3A_289 = tpu.memref_squeeze %dma_wait3A_288 : memref<1x1x5x125xi32, #tpu.memory_space<hbm>> -> memref<5x125xi32, #tpu.memory_space<hbm>>
        tpu.wait_dma2 semaphore(%arg22 : memref<!tpu.dma_semaphore, #tpu.memory_space<semaphore_mem>>) src(%dma_wait3A_289 : memref<5x125xi32, #tpu.memory_space<hbm>>) dst(%arg12 : memref<5x125xi32, #tpu.memory_space<vmem>>)
        %mul3A_290 = arith.constant 2 : i32
        %mul3A_291 = arith.muli %mul3A_290, %add3A_87 : i32
        %add3A_292 = arith.constant 1 : i32
        %add3A_293 = arith.addi %mul3A_291, %add3A_292 : i32
        %dma_wait3A_294 = arith.constant 0 : i32
        %dma_wait3A_295 = arith.constant 0 : i32
        %dma_wait3A_296 = tpu.memref_slice %arg7[%arg1, %add3A_293, %dma_wait3A_294, %dma_wait3A_295] : memref<16x32x5x125xi32, #tpu.memory_space<hbm>> -> memref<1x1x5x125xi32, #tpu.memory_space<hbm>>
        %dma_wait3A_297 = tpu.memref_squeeze %dma_wait3A_296 : memref<1x1x5x125xi32, #tpu.memory_space<hbm>> -> memref<5x125xi32, #tpu.memory_space<hbm>>
        %dma_wait3A_298 = arith.constant 0 : i32
        %dma_wait3A_299 = arith.constant 0 : i32
        %dma_wait3A_300 = tpu.memref_slice %arg7[%arg1, %add3A_293, %dma_wait3A_298, %dma_wait3A_299] : memref<16x32x5x125xi32, #tpu.memory_space<hbm>> -> memref<1x1x5x125xi32, #tpu.memory_space<hbm>>
        %dma_wait3A_301 = tpu.memref_squeeze %dma_wait3A_300 : memref<1x1x5x125xi32, #tpu.memory_space<hbm>> -> memref<5x125xi32, #tpu.memory_space<hbm>>
        tpu.wait_dma2 semaphore(%arg22 : memref<!tpu.dma_semaphore, #tpu.memory_space<semaphore_mem>>) src(%dma_wait3A_301 : memref<5x125xi32, #tpu.memory_space<hbm>>) dst(%arg13 : memref<5x125xi32, #tpu.memory_space<vmem>>)
        %dma_start3A_302 = arith.constant 0 : i32
        %dma_start3A_303 = arith.constant 0 : i32
        %dma_start3A_304 = tpu.memref_slice %arg12[%dma_start3A_302, %dma_start3A_303] : memref<5x125xi32, #tpu.memory_space<vmem>> -> memref<1x125xi32, #tpu.memory_space<vmem>>
        %dma_start3A_305 = tpu.memref_squeeze %dma_start3A_304 : memref<1x125xi32, #tpu.memory_space<vmem>> -> memref<125xi32, #tpu.memory_space<vmem>>
        %dma_start3A_306 = arith.constant 0 : i32
        %dma_start3A_307 = arith.constant 0 : i32
        %dma_start3A_308 = tpu.memref_slice %arg3[%cond3A_20, %dma_start3A_306, %dma_start3A_307] : memref<2x10000x128xf32, #tpu.memory_space<hbm>> -> memref<1x10000x128xf32, #tpu.memory_space<hbm>>
        %dma_start3A_309 = tpu.memref_squeeze %dma_start3A_308 : memref<1x10000x128xf32, #tpu.memory_space<hbm>> -> memref<10000x128xf32, #tpu.memory_space<hbm>>
        %dma_start3A_310 = arith.constant 0 : i32
        %dma_start3A_311 = arith.constant 0 : i32
        %dma_start3A_312 = tpu.memref_slice %dma_start3A_309[%dma_start3A_310, %dma_start3A_311] : memref<10000x128xf32, #tpu.memory_space<hbm>> -> memref<10000x128xf32, #tpu.memory_space<hbm>>
        tpu.enqueue_indirect_dma source(%dma_start3A_312 : memref<10000x128xf32, #tpu.memory_space<hbm>>) target(%arg15 : memref<125x128xf32, #tpu.memory_space<vmem>>) offsets(%dma_start3A_305 : memref<125xi32, #tpu.memory_space<vmem>>) semaphore(%arg17 : memref<!tpu.dma_semaphore, #tpu.memory_space<semaphore_mem>>)
        %dma_wait3A_313 = arith.constant 0 : i32
        %dma_wait3A_314 = arith.constant 0 : i32
        %dma_wait3A_315 = tpu.memref_slice %arg12[%dma_wait3A_313, %dma_wait3A_314] : memref<5x125xi32, #tpu.memory_space<vmem>> -> memref<1x125xi32, #tpu.memory_space<vmem>>
        %dma_wait3A_316 = tpu.memref_squeeze %dma_wait3A_315 : memref<1x125xi32, #tpu.memory_space<vmem>> -> memref<125xi32, #tpu.memory_space<vmem>>
        %dma_wait3A_317 = arith.constant 0 : i32
        %dma_wait3A_318 = arith.constant 0 : i32
        %dma_wait3A_319 = tpu.memref_slice %arg3[%cond3A_20, %dma_wait3A_317, %dma_wait3A_318] : memref<2x10000x128xf32, #tpu.memory_space<hbm>> -> memref<1x10000x128xf32, #tpu.memory_space<hbm>>
        %dma_wait3A_320 = tpu.memref_squeeze %dma_wait3A_319 : memref<1x10000x128xf32, #tpu.memory_space<hbm>> -> memref<10000x128xf32, #tpu.memory_space<hbm>>
        %dma_wait3A_321 = arith.constant 0 : i32
        %dma_wait3A_322 = arith.constant 0 : i32
        %dma_wait3A_323 = tpu.memref_slice %dma_wait3A_320[%dma_wait3A_321, %dma_wait3A_322] : memref<10000x128xf32, #tpu.memory_space<hbm>> -> memref<10000x128xf32, #tpu.memory_space<hbm>>
        tpu.wait_indirect_dma semaphore(%arg17 : memref<!tpu.dma_semaphore, #tpu.memory_space<semaphore_mem>>) src(%dma_wait3A_323 : memref<10000x128xf32, #tpu.memory_space<hbm>>) dst(%arg15 : memref<125x128xf32, #tpu.memory_space<vmem>>)
        %dma_start3A_324 = arith.constant 0 : i32
        %dma_start3A_325 = arith.constant 0 : i32
        %dma_start3A_326 = tpu.memref_slice %arg13[%dma_start3A_324, %dma_start3A_325] : memref<5x125xi32, #tpu.memory_space<vmem>> -> memref<1x125xi32, #tpu.memory_space<vmem>>
        %dma_start3A_327 = tpu.memref_squeeze %dma_start3A_326 : memref<1x125xi32, #tpu.memory_space<vmem>> -> memref<125xi32, #tpu.memory_space<vmem>>
        %dma_start3A_328 = arith.constant 0 : i32
        %dma_start3A_329 = arith.constant 0 : i32
        %dma_start3A_330 = tpu.memref_slice %arg9[%dma_start3A_328, %dma_start3A_329] : memref<10000x128xf32, #tpu.memory_space<vmem_shared>> -> memref<10000x128xf32, #tpu.memory_space<vmem_shared>>
        tpu.enqueue_indirect_dma source(%arg15 : memref<125x128xf32, #tpu.memory_space<vmem>>) target(%dma_start3A_330 : memref<10000x128xf32, #tpu.memory_space<vmem_shared>>) offsets(%dma_start3A_327 : memref<125xi32, #tpu.memory_space<vmem>>) semaphore(%arg19 : memref<!tpu.dma_semaphore, #tpu.memory_space<semaphore_mem>>) {add = true}
        %dma_wait3A_331 = arith.constant 0 : i32
        %dma_wait3A_332 = arith.constant 0 : i32
        %dma_wait3A_333 = tpu.memref_slice %arg13[%dma_wait3A_331, %dma_wait3A_332] : memref<5x125xi32, #tpu.memory_space<vmem>> -> memref<1x125xi32, #tpu.memory_space<vmem>>
        %dma_wait3A_334 = tpu.memref_squeeze %dma_wait3A_333 : memref<1x125xi32, #tpu.memory_space<vmem>> -> memref<125xi32, #tpu.memory_space<vmem>>
        %dma_wait3A_335 = arith.constant 0 : i32
        %dma_wait3A_336 = arith.constant 0 : i32
        %dma_wait3A_337 = tpu.memref_slice %arg9[%dma_wait3A_335, %dma_wait3A_336] : memref<10000x128xf32, #tpu.memory_space<vmem_shared>> -> memref<10000x128xf32, #tpu.memory_space<vmem_shared>>
        tpu.wait_indirect_dma semaphore(%arg18 : memref<!tpu.dma_semaphore, #tpu.memory_space<semaphore_mem>>) src(%arg14 : memref<125x128xf32, #tpu.memory_space<vmem>>) dst(%dma_wait3A_337 : memref<10000x128xf32, #tpu.memory_space<vmem_shared>>)
        %dma_start3A_338 = arith.constant 1 : i32
        %dma_start3A_339 = arith.constant 0 : i32
        %dma_start3A_340 = tpu.memref_slice %arg12[%dma_start3A_338, %dma_start3A_339] : memref<5x125xi32, #tpu.memory_space<vmem>> -> memref<1x125xi32, #tpu.memory_space<vmem>>
        %dma_start3A_341 = tpu.memref_squeeze %dma_start3A_340 : memref<1x125xi32, #tpu.memory_space<vmem>> -> memref<125xi32, #tpu.memory_space<vmem>>
        %dma_start3A_342 = arith.constant 0 : i32
        %dma_start3A_343 = arith.constant 0 : i32
        %dma_start3A_344 = tpu.memref_slice %arg3[%cond3A_20, %dma_start3A_342, %dma_start3A_343] : memref<2x10000x128xf32, #tpu.memory_space<hbm>> -> memref<1x10000x128xf32, #tpu.memory_space<hbm>>
        %dma_start3A_345 = tpu.memref_squeeze %dma_start3A_344 : memref<1x10000x128xf32, #tpu.memory_space<hbm>> -> memref<10000x128xf32, #tpu.memory_space<hbm>>
        %dma_start3A_346 = arith.constant 0 : i32
        %dma_start3A_347 = arith.constant 0 : i32
        %dma_start3A_348 = tpu.memref_slice %dma_start3A_345[%dma_start3A_346, %dma_start3A_347] : memref<10000x128xf32, #tpu.memory_space<hbm>> -> memref<10000x128xf32, #tpu.memory_space<hbm>>
        tpu.enqueue_indirect_dma source(%dma_start3A_348 : memref<10000x128xf32, #tpu.memory_space<hbm>>) target(%arg14 : memref<125x128xf32, #tpu.memory_space<vmem>>) offsets(%dma_start3A_341 : memref<125xi32, #tpu.memory_space<vmem>>) semaphore(%arg16 : memref<!tpu.dma_semaphore, #tpu.memory_space<semaphore_mem>>)
        %dma_wait3A_349 = arith.constant 1 : i32
        %dma_wait3A_350 = arith.constant 0 : i32
        %dma_wait3A_351 = tpu.memref_slice %arg12[%dma_wait3A_349, %dma_wait3A_350] : memref<5x125xi32, #tpu.memory_space<vmem>> -> memref<1x125xi32, #tpu.memory_space<vmem>>
        %dma_wait3A_352 = tpu.memref_squeeze %dma_wait3A_351 : memref<1x125xi32, #tpu.memory_space<vmem>> -> memref<125xi32, #tpu.memory_space<vmem>>
        %dma_wait3A_353 = arith.constant 0 : i32
        %dma_wait3A_354 = arith.constant 0 : i32
        %dma_wait3A_355 = tpu.memref_slice %arg3[%cond3A_20, %dma_wait3A_353, %dma_wait3A_354] : memref<2x10000x128xf32, #tpu.memory_space<hbm>> -> memref<1x10000x128xf32, #tpu.memory_space<hbm>>
        %dma_wait3A_356 = tpu.memref_squeeze %dma_wait3A_355 : memref<1x10000x128xf32, #tpu.memory_space<hbm>> -> memref<10000x128xf32, #tpu.memory_space<hbm>>
        %dma_wait3A_357 = arith.constant 0 : i32
        %dma_wait3A_358 = arith.constant 0 : i32
        %dma_wait3A_359 = tpu.memref_slice %dma_wait3A_356[%dma_wait3A_357, %dma_wait3A_358] : memref<10000x128xf32, #tpu.memory_space<hbm>> -> memref<10000x128xf32, #tpu.memory_space<hbm>>
        tpu.wait_indirect_dma semaphore(%arg16 : memref<!tpu.dma_semaphore, #tpu.memory_space<semaphore_mem>>) src(%dma_wait3A_359 : memref<10000x128xf32, #tpu.memory_space<hbm>>) dst(%arg14 : memref<125x128xf32, #tpu.memory_space<vmem>>)
        %dma_start3A_360 = arith.constant 1 : i32
        %dma_start3A_361 = arith.constant 0 : i32
        %dma_start3A_362 = tpu.memref_slice %arg13[%dma_start3A_360, %dma_start3A_361] : memref<5x125xi32, #tpu.memory_space<vmem>> -> memref<1x125xi32, #tpu.memory_space<vmem>>
        %dma_start3A_363 = tpu.memref_squeeze %dma_start3A_362 : memref<1x125xi32, #tpu.memory_space<vmem>> -> memref<125xi32, #tpu.memory_space<vmem>>
        %dma_start3A_364 = arith.constant 0 : i32
        %dma_start3A_365 = arith.constant 0 : i32
        %dma_start3A_366 = tpu.memref_slice %arg9[%dma_start3A_364, %dma_start3A_365] : memref<10000x128xf32, #tpu.memory_space<vmem_shared>> -> memref<10000x128xf32, #tpu.memory_space<vmem_shared>>
        tpu.enqueue_indirect_dma source(%arg14 : memref<125x128xf32, #tpu.memory_space<vmem>>) target(%dma_start3A_366 : memref<10000x128xf32, #tpu.memory_space<vmem_shared>>) offsets(%dma_start3A_363 : memref<125xi32, #tpu.memory_space<vmem>>) semaphore(%arg18 : memref<!tpu.dma_semaphore, #tpu.memory_space<semaphore_mem>>) {add = true}
        %lt3A_367 = arith.constant 15 : i32
        %lt3A_368 = arith.cmpi slt, %add3A_87, %lt3A_367 : i32
        %convert_element_type3A_369 = arith.extui %lt3A_368 : i1 to i32
        %cond3A_370 = arith.constant 0 : i32
        %cond3A_371 = arith.cmpi ne, %convert_element_type3A_369, %cond3A_370 : i32
        scf.if %cond3A_371 {
          %mul3A_485 = arith.constant 2 : i32
          %mul3A_486 = arith.muli %mul3A_485, %add3A_87 : i32
          %add3A_487 = arith.constant 2 : i32
          %add3A_488 = arith.addi %mul3A_486, %add3A_487 : i32
          %dma_start3A_489 = arith.constant 0 : i32
          %dma_start3A_490 = arith.constant 0 : i32
          %dma_start3A_491 = tpu.memref_slice %arg6[%arg1, %add3A_488, %dma_start3A_489, %dma_start3A_490] : memref<16x32x5x125xi32, #tpu.memory_space<hbm>> -> memref<1x1x5x125xi32, #tpu.memory_space<hbm>>
          %dma_start3A_492 = tpu.memref_squeeze %dma_start3A_491 : memref<1x1x5x125xi32, #tpu.memory_space<hbm>> -> memref<5x125xi32, #tpu.memory_space<hbm>>
          %dma_start3A_493 = arith.constant 0 : i32
          %dma_start3A_494 = arith.constant 0 : i32
          %dma_start3A_495 = tpu.memref_slice %arg6[%arg1, %add3A_488, %dma_start3A_493, %dma_start3A_494] : memref<16x32x5x125xi32, #tpu.memory_space<hbm>> -> memref<1x1x5x125xi32, #tpu.memory_space<hbm>>
          %dma_start3A_496 = tpu.memref_squeeze %dma_start3A_495 : memref<1x1x5x125xi32, #tpu.memory_space<hbm>> -> memref<5x125xi32, #tpu.memory_space<hbm>>
          tpu.enqueue_dma source(%dma_start3A_496 : memref<5x125xi32, #tpu.memory_space<hbm>>) target(%arg10 : memref<5x125xi32, #tpu.memory_space<vmem>>) target_semaphore(%arg22 : memref<!tpu.dma_semaphore, #tpu.memory_space<semaphore_mem>>)
          %mul3A_497 = arith.constant 2 : i32
          %mul3A_498 = arith.muli %mul3A_497, %add3A_87 : i32
          %add3A_499 = arith.constant 2 : i32
          %add3A_500 = arith.addi %mul3A_498, %add3A_499 : i32
          %dma_start3A_501 = arith.constant 0 : i32
          %dma_start3A_502 = arith.constant 0 : i32
          %dma_start3A_503 = tpu.memref_slice %arg7[%arg1, %add3A_500, %dma_start3A_501, %dma_start3A_502] : memref<16x32x5x125xi32, #tpu.memory_space<hbm>> -> memref<1x1x5x125xi32, #tpu.memory_space<hbm>>
          %dma_start3A_504 = tpu.memref_squeeze %dma_start3A_503 : memref<1x1x5x125xi32, #tpu.memory_space<hbm>> -> memref<5x125xi32, #tpu.memory_space<hbm>>
          %dma_start3A_505 = arith.constant 0 : i32
          %dma_start3A_506 = arith.constant 0 : i32
          %dma_start3A_507 = tpu.memref_slice %arg7[%arg1, %add3A_500, %dma_start3A_505, %dma_start3A_506] : memref<16x32x5x125xi32, #tpu.memory_space<hbm>> -> memref<1x1x5x125xi32, #tpu.memory_space<hbm>>
          %dma_start3A_508 = tpu.memref_squeeze %dma_start3A_507 : memref<1x1x5x125xi32, #tpu.memory_space<hbm>> -> memref<5x125xi32, #tpu.memory_space<hbm>>
          tpu.enqueue_dma source(%dma_start3A_508 : memref<5x125xi32, #tpu.memory_space<hbm>>) target(%arg11 : memref<5x125xi32, #tpu.memory_space<vmem>>) target_semaphore(%arg22 : memref<!tpu.dma_semaphore, #tpu.memory_space<semaphore_mem>>)
        } else {
        }
        %dma_wait3A_372 = arith.constant 1 : i32
        %dma_wait3A_373 = arith.constant 0 : i32
        %dma_wait3A_374 = tpu.memref_slice %arg13[%dma_wait3A_372, %dma_wait3A_373] : memref<5x125xi32, #tpu.memory_space<vmem>> -> memref<1x125xi32, #tpu.memory_space<vmem>>
        %dma_wait3A_375 = tpu.memref_squeeze %dma_wait3A_374 : memref<1x125xi32, #tpu.memory_space<vmem>> -> memref<125xi32, #tpu.memory_space<vmem>>
        %dma_wait3A_376 = arith.constant 0 : i32
        %dma_wait3A_377 = arith.constant 0 : i32
        %dma_wait3A_378 = tpu.memref_slice %arg9[%dma_wait3A_376, %dma_wait3A_377] : memref<10000x128xf32, #tpu.memory_space<vmem_shared>> -> memref<10000x128xf32, #tpu.memory_space<vmem_shared>>
        tpu.wait_indirect_dma semaphore(%arg19 : memref<!tpu.dma_semaphore, #tpu.memory_space<semaphore_mem>>) src(%arg15 : memref<125x128xf32, #tpu.memory_space<vmem>>) dst(%dma_wait3A_378 : memref<10000x128xf32, #tpu.memory_space<vmem_shared>>)
        %dma_start3A_379 = arith.constant 2 : i32
        %dma_start3A_380 = arith.constant 0 : i32
        %dma_start3A_381 = tpu.memref_slice %arg12[%dma_start3A_379, %dma_start3A_380] : memref<5x125xi32, #tpu.memory_space<vmem>> -> memref<1x125xi32, #tpu.memory_space<vmem>>
        %dma_start3A_382 = tpu.memref_squeeze %dma_start3A_381 : memref<1x125xi32, #tpu.memory_space<vmem>> -> memref<125xi32, #tpu.memory_space<vmem>>
        %dma_start3A_383 = arith.constant 0 : i32
        %dma_start3A_384 = arith.constant 0 : i32
        %dma_start3A_385 = tpu.memref_slice %arg3[%cond3A_20, %dma_start3A_383, %dma_start3A_384] : memref<2x10000x128xf32, #tpu.memory_space<hbm>> -> memref<1x10000x128xf32, #tpu.memory_space<hbm>>
        %dma_start3A_386 = tpu.memref_squeeze %dma_start3A_385 : memref<1x10000x128xf32, #tpu.memory_space<hbm>> -> memref<10000x128xf32, #tpu.memory_space<hbm>>
        %dma_start3A_387 = arith.constant 0 : i32
        %dma_start3A_388 = arith.constant 0 : i32
        %dma_start3A_389 = tpu.memref_slice %dma_start3A_386[%dma_start3A_387, %dma_start3A_388] : memref<10000x128xf32, #tpu.memory_space<hbm>> -> memref<10000x128xf32, #tpu.memory_space<hbm>>
        tpu.enqueue_indirect_dma source(%dma_start3A_389 : memref<10000x128xf32, #tpu.memory_space<hbm>>) target(%arg15 : memref<125x128xf32, #tpu.memory_space<vmem>>) offsets(%dma_start3A_382 : memref<125xi32, #tpu.memory_space<vmem>>) semaphore(%arg17 : memref<!tpu.dma_semaphore, #tpu.memory_space<semaphore_mem>>)
        %dma_wait3A_390 = arith.constant 2 : i32
        %dma_wait3A_391 = arith.constant 0 : i32
        %dma_wait3A_392 = tpu.memref_slice %arg12[%dma_wait3A_390, %dma_wait3A_391] : memref<5x125xi32, #tpu.memory_space<vmem>> -> memref<1x125xi32, #tpu.memory_space<vmem>>
        %dma_wait3A_393 = tpu.memref_squeeze %dma_wait3A_392 : memref<1x125xi32, #tpu.memory_space<vmem>> -> memref<125xi32, #tpu.memory_space<vmem>>
        %dma_wait3A_394 = arith.constant 0 : i32
        %dma_wait3A_395 = arith.constant 0 : i32
        %dma_wait3A_396 = tpu.memref_slice %arg3[%cond3A_20, %dma_wait3A_394, %dma_wait3A_395] : memref<2x10000x128xf32, #tpu.memory_space<hbm>> -> memref<1x10000x128xf32, #tpu.memory_space<hbm>>
        %dma_wait3A_397 = tpu.memref_squeeze %dma_wait3A_396 : memref<1x10000x128xf32, #tpu.memory_space<hbm>> -> memref<10000x128xf32, #tpu.memory_space<hbm>>
        %dma_wait3A_398 = arith.constant 0 : i32
        %dma_wait3A_399 = arith.constant 0 : i32
        %dma_wait3A_400 = tpu.memref_slice %dma_wait3A_397[%dma_wait3A_398, %dma_wait3A_399] : memref<10000x128xf32, #tpu.memory_space<hbm>> -> memref<10000x128xf32, #tpu.memory_space<hbm>>
        tpu.wait_indirect_dma semaphore(%arg17 : memref<!tpu.dma_semaphore, #tpu.memory_space<semaphore_mem>>) src(%dma_wait3A_400 : memref<10000x128xf32, #tpu.memory_space<hbm>>) dst(%arg15 : memref<125x128xf32, #tpu.memory_space<vmem>>)
        %dma_start3A_401 = arith.constant 2 : i32
        %dma_start3A_402 = arith.constant 0 : i32
        %dma_start3A_403 = tpu.memref_slice %arg13[%dma_start3A_401, %dma_start3A_402] : memref<5x125xi32, #tpu.memory_space<vmem>> -> memref<1x125xi32, #tpu.memory_space<vmem>>
        %dma_start3A_404 = tpu.memref_squeeze %dma_start3A_403 : memref<1x125xi32, #tpu.memory_space<vmem>> -> memref<125xi32, #tpu.memory_space<vmem>>
        %dma_start3A_405 = arith.constant 0 : i32
        %dma_start3A_406 = arith.constant 0 : i32
        %dma_start3A_407 = tpu.memref_slice %arg9[%dma_start3A_405, %dma_start3A_406] : memref<10000x128xf32, #tpu.memory_space<vmem_shared>> -> memref<10000x128xf32, #tpu.memory_space<vmem_shared>>
        tpu.enqueue_indirect_dma source(%arg15 : memref<125x128xf32, #tpu.memory_space<vmem>>) target(%dma_start3A_407 : memref<10000x128xf32, #tpu.memory_space<vmem_shared>>) offsets(%dma_start3A_404 : memref<125xi32, #tpu.memory_space<vmem>>) semaphore(%arg19 : memref<!tpu.dma_semaphore, #tpu.memory_space<semaphore_mem>>) {add = true}
        %dma_wait3A_408 = arith.constant 2 : i32
        %dma_wait3A_409 = arith.constant 0 : i32
        %dma_wait3A_410 = tpu.memref_slice %arg13[%dma_wait3A_408, %dma_wait3A_409] : memref<5x125xi32, #tpu.memory_space<vmem>> -> memref<1x125xi32, #tpu.memory_space<vmem>>
        %dma_wait3A_411 = tpu.memref_squeeze %dma_wait3A_410 : memref<1x125xi32, #tpu.memory_space<vmem>> -> memref<125xi32, #tpu.memory_space<vmem>>
        %dma_wait3A_412 = arith.constant 0 : i32
        %dma_wait3A_413 = arith.constant 0 : i32
        %dma_wait3A_414 = tpu.memref_slice %arg9[%dma_wait3A_412, %dma_wait3A_413] : memref<10000x128xf32, #tpu.memory_space<vmem_shared>> -> memref<10000x128xf32, #tpu.memory_space<vmem_shared>>
        tpu.wait_indirect_dma semaphore(%arg18 : memref<!tpu.dma_semaphore, #tpu.memory_space<semaphore_mem>>) src(%arg14 : memref<125x128xf32, #tpu.memory_space<vmem>>) dst(%dma_wait3A_414 : memref<10000x128xf32, #tpu.memory_space<vmem_shared>>)
        %dma_start3A_415 = arith.constant 3 : i32
        %dma_start3A_416 = arith.constant 0 : i32
        %dma_start3A_417 = tpu.memref_slice %arg12[%dma_start3A_415, %dma_start3A_416] : memref<5x125xi32, #tpu.memory_space<vmem>> -> memref<1x125xi32, #tpu.memory_space<vmem>>
        %dma_start3A_418 = tpu.memref_squeeze %dma_start3A_417 : memref<1x125xi32, #tpu.memory_space<vmem>> -> memref<125xi32, #tpu.memory_space<vmem>>
        %dma_start3A_419 = arith.constant 0 : i32
        %dma_start3A_420 = arith.constant 0 : i32
        %dma_start3A_421 = tpu.memref_slice %arg3[%cond3A_20, %dma_start3A_419, %dma_start3A_420] : memref<2x10000x128xf32, #tpu.memory_space<hbm>> -> memref<1x10000x128xf32, #tpu.memory_space<hbm>>
        %dma_start3A_422 = tpu.memref_squeeze %dma_start3A_421 : memref<1x10000x128xf32, #tpu.memory_space<hbm>> -> memref<10000x128xf32, #tpu.memory_space<hbm>>
        %dma_start3A_423 = arith.constant 0 : i32
        %dma_start3A_424 = arith.constant 0 : i32
        %dma_start3A_425 = tpu.memref_slice %dma_start3A_422[%dma_start3A_423, %dma_start3A_424] : memref<10000x128xf32, #tpu.memory_space<hbm>> -> memref<10000x128xf32, #tpu.memory_space<hbm>>
        tpu.enqueue_indirect_dma source(%dma_start3A_425 : memref<10000x128xf32, #tpu.memory_space<hbm>>) target(%arg14 : memref<125x128xf32, #tpu.memory_space<vmem>>) offsets(%dma_start3A_418 : memref<125xi32, #tpu.memory_space<vmem>>) semaphore(%arg16 : memref<!tpu.dma_semaphore, #tpu.memory_space<semaphore_mem>>)
        %dma_wait3A_426 = arith.constant 3 : i32
        %dma_wait3A_427 = arith.constant 0 : i32
        %dma_wait3A_428 = tpu.memref_slice %arg12[%dma_wait3A_426, %dma_wait3A_427] : memref<5x125xi32, #tpu.memory_space<vmem>> -> memref<1x125xi32, #tpu.memory_space<vmem>>
        %dma_wait3A_429 = tpu.memref_squeeze %dma_wait3A_428 : memref<1x125xi32, #tpu.memory_space<vmem>> -> memref<125xi32, #tpu.memory_space<vmem>>
        %dma_wait3A_430 = arith.constant 0 : i32
        %dma_wait3A_431 = arith.constant 0 : i32
        %dma_wait3A_432 = tpu.memref_slice %arg3[%cond3A_20, %dma_wait3A_430, %dma_wait3A_431] : memref<2x10000x128xf32, #tpu.memory_space<hbm>> -> memref<1x10000x128xf32, #tpu.memory_space<hbm>>
        %dma_wait3A_433 = tpu.memref_squeeze %dma_wait3A_432 : memref<1x10000x128xf32, #tpu.memory_space<hbm>> -> memref<10000x128xf32, #tpu.memory_space<hbm>>
        %dma_wait3A_434 = arith.constant 0 : i32
        %dma_wait3A_435 = arith.constant 0 : i32
        %dma_wait3A_436 = tpu.memref_slice %dma_wait3A_433[%dma_wait3A_434, %dma_wait3A_435] : memref<10000x128xf32, #tpu.memory_space<hbm>> -> memref<10000x128xf32, #tpu.memory_space<hbm>>
        tpu.wait_indirect_dma semaphore(%arg16 : memref<!tpu.dma_semaphore, #tpu.memory_space<semaphore_mem>>) src(%dma_wait3A_436 : memref<10000x128xf32, #tpu.memory_space<hbm>>) dst(%arg14 : memref<125x128xf32, #tpu.memory_space<vmem>>)
        %dma_start3A_437 = arith.constant 3 : i32
        %dma_start3A_438 = arith.constant 0 : i32
        %dma_start3A_439 = tpu.memref_slice %arg13[%dma_start3A_437, %dma_start3A_438] : memref<5x125xi32, #tpu.memory_space<vmem>> -> memref<1x125xi32, #tpu.memory_space<vmem>>
        %dma_start3A_440 = tpu.memref_squeeze %dma_start3A_439 : memref<1x125xi32, #tpu.memory_space<vmem>> -> memref<125xi32, #tpu.memory_space<vmem>>
        %dma_start3A_441 = arith.constant 0 : i32
        %dma_start3A_442 = arith.constant 0 : i32
        %dma_start3A_443 = tpu.memref_slice %arg9[%dma_start3A_441, %dma_start3A_442] : memref<10000x128xf32, #tpu.memory_space<vmem_shared>> -> memref<10000x128xf32, #tpu.memory_space<vmem_shared>>
        tpu.enqueue_indirect_dma source(%arg14 : memref<125x128xf32, #tpu.memory_space<vmem>>) target(%dma_start3A_443 : memref<10000x128xf32, #tpu.memory_space<vmem_shared>>) offsets(%dma_start3A_440 : memref<125xi32, #tpu.memory_space<vmem>>) semaphore(%arg18 : memref<!tpu.dma_semaphore, #tpu.memory_space<semaphore_mem>>) {add = true}
        %dma_wait3A_444 = arith.constant 3 : i32
        %dma_wait3A_445 = arith.constant 0 : i32
        %dma_wait3A_446 = tpu.memref_slice %arg13[%dma_wait3A_444, %dma_wait3A_445] : memref<5x125xi32, #tpu.memory_space<vmem>> -> memref<1x125xi32, #tpu.memory_space<vmem>>
        %dma_wait3A_447 = tpu.memref_squeeze %dma_wait3A_446 : memref<1x125xi32, #tpu.memory_space<vmem>> -> memref<125xi32, #tpu.memory_space<vmem>>
        %dma_wait3A_448 = arith.constant 0 : i32
        %dma_wait3A_449 = arith.constant 0 : i32
        %dma_wait3A_450 = tpu.memref_slice %arg9[%dma_wait3A_448, %dma_wait3A_449] : memref<10000x128xf32, #tpu.memory_space<vmem_shared>> -> memref<10000x128xf32, #tpu.memory_space<vmem_shared>>
        tpu.wait_indirect_dma semaphore(%arg19 : memref<!tpu.dma_semaphore, #tpu.memory_space<semaphore_mem>>) src(%arg15 : memref<125x128xf32, #tpu.memory_space<vmem>>) dst(%dma_wait3A_450 : memref<10000x128xf32, #tpu.memory_space<vmem_shared>>)
        %dma_start3A_451 = arith.constant 4 : i32
        %dma_start3A_452 = arith.constant 0 : i32
        %dma_start3A_453 = tpu.memref_slice %arg12[%dma_start3A_451, %dma_start3A_452] : memref<5x125xi32, #tpu.memory_space<vmem>> -> memref<1x125xi32, #tpu.memory_space<vmem>>
        %dma_start3A_454 = tpu.memref_squeeze %dma_start3A_453 : memref<1x125xi32, #tpu.memory_space<vmem>> -> memref<125xi32, #tpu.memory_space<vmem>>
        %dma_start3A_455 = arith.constant 0 : i32
        %dma_start3A_456 = arith.constant 0 : i32
        %dma_start3A_457 = tpu.memref_slice %arg3[%cond3A_20, %dma_start3A_455, %dma_start3A_456] : memref<2x10000x128xf32, #tpu.memory_space<hbm>> -> memref<1x10000x128xf32, #tpu.memory_space<hbm>>
        %dma_start3A_458 = tpu.memref_squeeze %dma_start3A_457 : memref<1x10000x128xf32, #tpu.memory_space<hbm>> -> memref<10000x128xf32, #tpu.memory_space<hbm>>
        %dma_start3A_459 = arith.constant 0 : i32
        %dma_start3A_460 = arith.constant 0 : i32
        %dma_start3A_461 = tpu.memref_slice %dma_start3A_458[%dma_start3A_459, %dma_start3A_460] : memref<10000x128xf32, #tpu.memory_space<hbm>> -> memref<10000x128xf32, #tpu.memory_space<hbm>>
        tpu.enqueue_indirect_dma source(%dma_start3A_461 : memref<10000x128xf32, #tpu.memory_space<hbm>>) target(%arg15 : memref<125x128xf32, #tpu.memory_space<vmem>>) offsets(%dma_start3A_454 : memref<125xi32, #tpu.memory_space<vmem>>) semaphore(%arg17 : memref<!tpu.dma_semaphore, #tpu.memory_space<semaphore_mem>>)
        %dma_wait3A_462 = arith.constant 4 : i32
        %dma_wait3A_463 = arith.constant 0 : i32
        %dma_wait3A_464 = tpu.memref_slice %arg12[%dma_wait3A_462, %dma_wait3A_463] : memref<5x125xi32, #tpu.memory_space<vmem>> -> memref<1x125xi32, #tpu.memory_space<vmem>>
        %dma_wait3A_465 = tpu.memref_squeeze %dma_wait3A_464 : memref<1x125xi32, #tpu.memory_space<vmem>> -> memref<125xi32, #tpu.memory_space<vmem>>
        %dma_wait3A_466 = arith.constant 0 : i32
        %dma_wait3A_467 = arith.constant 0 : i32
        %dma_wait3A_468 = tpu.memref_slice %arg3[%cond3A_20, %dma_wait3A_466, %dma_wait3A_467] : memref<2x10000x128xf32, #tpu.memory_space<hbm>> -> memref<1x10000x128xf32, #tpu.memory_space<hbm>>
        %dma_wait3A_469 = tpu.memref_squeeze %dma_wait3A_468 : memref<1x10000x128xf32, #tpu.memory_space<hbm>> -> memref<10000x128xf32, #tpu.memory_space<hbm>>
        %dma_wait3A_470 = arith.constant 0 : i32
        %dma_wait3A_471 = arith.constant 0 : i32
        %dma_wait3A_472 = tpu.memref_slice %dma_wait3A_469[%dma_wait3A_470, %dma_wait3A_471] : memref<10000x128xf32, #tpu.memory_space<hbm>> -> memref<10000x128xf32, #tpu.memory_space<hbm>>
        tpu.wait_indirect_dma semaphore(%arg17 : memref<!tpu.dma_semaphore, #tpu.memory_space<semaphore_mem>>) src(%dma_wait3A_472 : memref<10000x128xf32, #tpu.memory_space<hbm>>) dst(%arg15 : memref<125x128xf32, #tpu.memory_space<vmem>>)
        %dma_start3A_473 = arith.constant 4 : i32
        %dma_start3A_474 = arith.constant 0 : i32
        %dma_start3A_475 = tpu.memref_slice %arg13[%dma_start3A_473, %dma_start3A_474] : memref<5x125xi32, #tpu.memory_space<vmem>> -> memref<1x125xi32, #tpu.memory_space<vmem>>
        %dma_start3A_476 = tpu.memref_squeeze %dma_start3A_475 : memref<1x125xi32, #tpu.memory_space<vmem>> -> memref<125xi32, #tpu.memory_space<vmem>>
        %dma_start3A_477 = arith.constant 0 : i32
        %dma_start3A_478 = arith.constant 0 : i32
        %dma_start3A_479 = tpu.memref_slice %arg9[%dma_start3A_477, %dma_start3A_478] : memref<10000x128xf32, #tpu.memory_space<vmem_shared>> -> memref<10000x128xf32, #tpu.memory_space<vmem_shared>>
        tpu.enqueue_indirect_dma source(%arg15 : memref<125x128xf32, #tpu.memory_space<vmem>>) target(%dma_start3A_479 : memref<10000x128xf32, #tpu.memory_space<vmem_shared>>) offsets(%dma_start3A_476 : memref<125xi32, #tpu.memory_space<vmem>>) semaphore(%arg19 : memref<!tpu.dma_semaphore, #tpu.memory_space<semaphore_mem>>) {add = true}
        %lt3A_480 = arith.constant 15 : i32
        %lt3A_481 = arith.cmpi slt, %add3A_87, %lt3A_480 : i32
        %convert_element_type3A_482 = arith.extui %lt3A_481 : i1 to i32
        %cond3A_483 = arith.constant 0 : i32
        %cond3A_484 = arith.cmpi ne, %convert_element_type3A_482, %cond3A_483 : i32
        scf.if %cond3A_484 {
          %dma_wait3A_485 = arith.constant 4 : i32
          %dma_wait3A_486 = arith.constant 0 : i32
          %dma_wait3A_487 = tpu.memref_slice %arg13[%dma_wait3A_485, %dma_wait3A_486] : memref<5x125xi32, #tpu.memory_space<vmem>> -> memref<1x125xi32, #tpu.memory_space<vmem>>
          %dma_wait3A_488 = tpu.memref_squeeze %dma_wait3A_487 : memref<1x125xi32, #tpu.memory_space<vmem>> -> memref<125xi32, #tpu.memory_space<vmem>>
          %dma_wait3A_489 = arith.constant 0 : i32
          %dma_wait3A_490 = arith.constant 0 : i32
          %dma_wait3A_491 = tpu.memref_slice %arg9[%dma_wait3A_489, %dma_wait3A_490] : memref<10000x128xf32, #tpu.memory_space<vmem_shared>> -> memref<10000x128xf32, #tpu.memory_space<vmem_shared>>
          tpu.wait_indirect_dma semaphore(%arg18 : memref<!tpu.dma_semaphore, #tpu.memory_space<semaphore_mem>>) src(%arg14 : memref<125x128xf32, #tpu.memory_space<vmem>>) dst(%dma_wait3A_491 : memref<10000x128xf32, #tpu.memory_space<vmem_shared>>)
          %mul3A_492 = arith.constant 2 : i32
          %mul3A_493 = arith.muli %mul3A_492, %add3A_87 : i32
          %add3A_494 = arith.constant 2 : i32
          %add3A_495 = arith.addi %mul3A_493, %add3A_494 : i32
          %dma_wait3A_496 = arith.constant 0 : i32
          %dma_wait3A_497 = arith.constant 0 : i32
          %dma_wait3A_498 = tpu.memref_slice %arg6[%arg1, %add3A_495, %dma_wait3A_496, %dma_wait3A_497] : memref<16x32x5x125xi32, #tpu.memory_space<hbm>> -> memref<1x1x5x125xi32, #tpu.memory_space<hbm>>
          %dma_wait3A_499 = tpu.memref_squeeze %dma_wait3A_498 : memref<1x1x5x125xi32, #tpu.memory_space<hbm>> -> memref<5x125xi32, #tpu.memory_space<hbm>>
          %dma_wait3A_500 = arith.constant 0 : i32
          %dma_wait3A_501 = arith.constant 0 : i32
          %dma_wait3A_502 = tpu.memref_slice %arg6[%arg1, %add3A_495, %dma_wait3A_500, %dma_wait3A_501] : memref<16x32x5x125xi32, #tpu.memory_space<hbm>> -> memref<1x1x5x125xi32, #tpu.memory_space<hbm>>
          %dma_wait3A_503 = tpu.memref_squeeze %dma_wait3A_502 : memref<1x1x5x125xi32, #tpu.memory_space<hbm>> -> memref<5x125xi32, #tpu.memory_space<hbm>>
          tpu.wait_dma2 semaphore(%arg22 : memref<!tpu.dma_semaphore, #tpu.memory_space<semaphore_mem>>) src(%dma_wait3A_503 : memref<5x125xi32, #tpu.memory_space<hbm>>) dst(%arg10 : memref<5x125xi32, #tpu.memory_space<vmem>>)
          %mul3A_504 = arith.constant 2 : i32
          %mul3A_505 = arith.muli %mul3A_504, %add3A_87 : i32
          %add3A_506 = arith.constant 2 : i32
          %add3A_507 = arith.addi %mul3A_505, %add3A_506 : i32
          %dma_wait3A_508 = arith.constant 0 : i32
          %dma_wait3A_509 = arith.constant 0 : i32
          %dma_wait3A_510 = tpu.memref_slice %arg7[%arg1, %add3A_507, %dma_wait3A_508, %dma_wait3A_509] : memref<16x32x5x125xi32, #tpu.memory_space<hbm>> -> memref<1x1x5x125xi32, #tpu.memory_space<hbm>>
          %dma_wait3A_511 = tpu.memref_squeeze %dma_wait3A_510 : memref<1x1x5x125xi32, #tpu.memory_space<hbm>> -> memref<5x125xi32, #tpu.memory_space<hbm>>
          %dma_wait3A_512 = arith.constant 0 : i32
          %dma_wait3A_513 = arith.constant 0 : i32
          %dma_wait3A_514 = tpu.memref_slice %arg7[%arg1, %add3A_507, %dma_wait3A_512, %dma_wait3A_513] : memref<16x32x5x125xi32, #tpu.memory_space<hbm>> -> memref<1x1x5x125xi32, #tpu.memory_space<hbm>>
          %dma_wait3A_515 = tpu.memref_squeeze %dma_wait3A_514 : memref<1x1x5x125xi32, #tpu.memory_space<hbm>> -> memref<5x125xi32, #tpu.memory_space<hbm>>
          tpu.wait_dma2 semaphore(%arg22 : memref<!tpu.dma_semaphore, #tpu.memory_space<semaphore_mem>>) src(%dma_wait3A_515 : memref<5x125xi32, #tpu.memory_space<hbm>>) dst(%arg11 : memref<5x125xi32, #tpu.memory_space<vmem>>)
          %dma_start3A_516 = arith.constant 0 : i32
          %dma_start3A_517 = arith.constant 0 : i32
          %dma_start3A_518 = tpu.memref_slice %arg10[%dma_start3A_516, %dma_start3A_517] : memref<5x125xi32, #tpu.memory_space<vmem>> -> memref<1x125xi32, #tpu.memory_space<vmem>>
          %dma_start3A_519 = tpu.memref_squeeze %dma_start3A_518 : memref<1x125xi32, #tpu.memory_space<vmem>> -> memref<125xi32, #tpu.memory_space<vmem>>
          %dma_start3A_520 = arith.constant 0 : i32
          %dma_start3A_521 = arith.constant 0 : i32
          %dma_start3A_522 = tpu.memref_slice %arg3[%cond3A_20, %dma_start3A_520, %dma_start3A_521] : memref<2x10000x128xf32, #tpu.memory_space<hbm>> -> memref<1x10000x128xf32, #tpu.memory_space<hbm>>
          %dma_start3A_523 = tpu.memref_squeeze %dma_start3A_522 : memref<1x10000x128xf32, #tpu.memory_space<hbm>> -> memref<10000x128xf32, #tpu.memory_space<hbm>>
          %dma_start3A_524 = arith.constant 0 : i32
          %dma_start3A_525 = arith.constant 0 : i32
          %dma_start3A_526 = tpu.memref_slice %dma_start3A_523[%dma_start3A_524, %dma_start3A_525] : memref<10000x128xf32, #tpu.memory_space<hbm>> -> memref<10000x128xf32, #tpu.memory_space<hbm>>
          tpu.enqueue_indirect_dma source(%dma_start3A_526 : memref<10000x128xf32, #tpu.memory_space<hbm>>) target(%arg14 : memref<125x128xf32, #tpu.memory_space<vmem>>) offsets(%dma_start3A_519 : memref<125xi32, #tpu.memory_space<vmem>>) semaphore(%arg16 : memref<!tpu.dma_semaphore, #tpu.memory_space<semaphore_mem>>)
        } else {
        }
      }
      %scan3A_70 = arith.constant 16 : i32
      %dma_wait3A = arith.constant 3 : i32
      %dma_wait3A_71 = arith.constant 0 : i32
      %dma_wait3A_72 = tpu.memref_slice %arg13[%dma_wait3A, %dma_wait3A_71] : memref<5x125xi32, #tpu.memory_space<vmem>> -> memref<1x125xi32, #tpu.memory_space<vmem>>
      %dma_wait3A_73 = tpu.memref_squeeze %dma_wait3A_72 : memref<1x125xi32, #tpu.memory_space<vmem>> -> memref<125xi32, #tpu.memory_space<vmem>>
      %dma_wait3A_74 = arith.constant 0 : i32
      %dma_wait3A_75 = arith.constant 0 : i32
      %dma_wait3A_76 = tpu.memref_slice %arg9[%dma_wait3A_74, %dma_wait3A_75] : memref<10000x128xf32, #tpu.memory_space<vmem_shared>> -> memref<10000x128xf32, #tpu.memory_space<vmem_shared>>
      tpu.wait_indirect_dma semaphore(%arg18 : memref<!tpu.dma_semaphore, #tpu.memory_space<semaphore_mem>>) src(%arg14 : memref<125x128xf32, #tpu.memory_space<vmem>>) dst(%dma_wait3A_76 : memref<10000x128xf32, #tpu.memory_space<vmem_shared>>)
      %dma_wait3A_77 = arith.constant 4 : i32
      %dma_wait3A_78 = arith.constant 0 : i32
      %dma_wait3A_79 = tpu.memref_slice %arg13[%dma_wait3A_77, %dma_wait3A_78] : memref<5x125xi32, #tpu.memory_space<vmem>> -> memref<1x125xi32, #tpu.memory_space<vmem>>
      %dma_wait3A_80 = tpu.memref_squeeze %dma_wait3A_79 : memref<1x125xi32, #tpu.memory_space<vmem>> -> memref<125xi32, #tpu.memory_space<vmem>>
      %dma_wait3A_81 = arith.constant 0 : i32
      %dma_wait3A_82 = arith.constant 0 : i32
      %dma_wait3A_83 = tpu.memref_slice %arg9[%dma_wait3A_81, %dma_wait3A_82] : memref<10000x128xf32, #tpu.memory_space<vmem_shared>> -> memref<10000x128xf32, #tpu.memory_space<vmem_shared>>
      tpu.wait_indirect_dma semaphore(%arg19 : memref<!tpu.dma_semaphore, #tpu.memory_space<semaphore_mem>>) src(%arg15 : memref<125x128xf32, #tpu.memory_space<vmem>>) dst(%dma_wait3A_83 : memref<10000x128xf32, #tpu.memory_space<vmem_shared>>)
    } else {
    }
    %barrier3A_23 = arith.constant 0 : index
    tpu.barrier barrier_id(%barrier3A_23)
    %eq3A_24 = arith.constant 0 : i32
    %eq3A_25 = arith.cmpi eq, %arg0, %eq3A_24 : i32
    %lt3A_26 = arith.constant 15 : i32
    %lt3A_27 = arith.cmpi slt, %arg1, %lt3A_26 : i32
    %and3A = arith.andi %eq3A_25, %lt3A_27 : i1
    %convert_element_type3A_28 = arith.extui %and3A : i1 to i32
    %cond3A_29 = arith.constant 0 : i32
    %cond3A_30 = arith.cmpi ne, %convert_element_type3A_28, %cond3A_29 : i32
    scf.if %cond3A_30 {
      %run_scoped3A = arith.constant 0 : i32
      "tpu.region"() ({
        %run_scoped3A_55 = tpu.sem_alloc : memref<!tpu.dma_semaphore, #tpu.memory_space<semaphore_mem>>
        %dma_start3A = arith.constant 0 : i32
        %dma_start3A_56 = tpu.memref_slice %arg8[%run_scoped3A, %mul3A_0, %dma_start3A] : memref<2x10000x128xf32, #tpu.memory_space<hbm>> -> memref<1x632x128xf32, #tpu.memory_space<hbm>>
        %dma_start3A_57 = tpu.memref_squeeze %dma_start3A_56 : memref<1x632x128xf32, #tpu.memory_space<hbm>> -> memref<632x128xf32, #tpu.memory_space<hbm>>
        %dma_start3A_58 = arith.constant 0 : i32
        %dma_start3A_59 = tpu.memref_slice %arg9[%mul3A_0, %dma_start3A_58] : memref<10000x128xf32, #tpu.memory_space<vmem_shared>> -> memref<632x128xf32, #tpu.memory_space<vmem_shared>>
        tpu.enqueue_dma source(%dma_start3A_59 : memref<632x128xf32, #tpu.memory_space<vmem_shared>>) target(%dma_start3A_57 : memref<632x128xf32, #tpu.memory_space<hbm>>) target_semaphore(%run_scoped3A_55 : memref<!tpu.dma_semaphore, #tpu.memory_space<semaphore_mem>>)
        %dma_wait3A = arith.constant 0 : i32
        %dma_wait3A_60 = tpu.memref_slice %arg8[%run_scoped3A, %mul3A_0, %dma_wait3A] : memref<2x10000x128xf32, #tpu.memory_space<hbm>> -> memref<1x632x128xf32, #tpu.memory_space<hbm>>
        %dma_wait3A_61 = tpu.memref_squeeze %dma_wait3A_60 : memref<1x632x128xf32, #tpu.memory_space<hbm>> -> memref<632x128xf32, #tpu.memory_space<hbm>>
        %dma_wait3A_62 = arith.constant 0 : i32
        %dma_wait3A_63 = tpu.memref_slice %arg9[%mul3A_0, %dma_wait3A_62] : memref<10000x128xf32, #tpu.memory_space<vmem_shared>> -> memref<632x128xf32, #tpu.memory_space<vmem_shared>>
        tpu.wait_dma2 semaphore(%run_scoped3A_55 : memref<!tpu.dma_semaphore, #tpu.memory_space<semaphore_mem>>) src(%dma_wait3A_63 : memref<632x128xf32, #tpu.memory_space<vmem_shared>>) dst(%dma_wait3A_61 : memref<632x128xf32, #tpu.memory_space<hbm>>)
        tpu.yield
      }) : () -> ()
    } else {
    }
    %eq3A_31 = arith.constant 0 : i32
    %eq3A_32 = arith.cmpi eq, %arg0, %eq3A_31 : i32
    %eq3A_33 = arith.constant 15 : i32
    %eq3A_34 = arith.cmpi eq, %arg1, %eq3A_33 : i32
    %and3A_35 = arith.andi %eq3A_32, %eq3A_34 : i1
    %convert_element_type3A_36 = arith.extui %and3A_35 : i1 to i32
    %cond3A_37 = arith.constant 0 : i32
    %cond3A_38 = arith.cmpi ne, %convert_element_type3A_36, %cond3A_37 : i32
    scf.if %cond3A_38 {
      %run_scoped3A = arith.constant 0 : i32
      "tpu.region"() ({
        %run_scoped3A_55 = tpu.sem_alloc : memref<!tpu.dma_semaphore, #tpu.memory_space<semaphore_mem>>
        %dma_start3A = arith.constant 0 : i32
        %dma_start3A_56 = tpu.memref_slice %arg8[%run_scoped3A, %mul3A_0, %dma_start3A] : memref<2x10000x128xf32, #tpu.memory_space<hbm>> -> memref<1x520x128xf32, #tpu.memory_space<hbm>>
        %dma_start3A_57 = tpu.memref_squeeze %dma_start3A_56 : memref<1x520x128xf32, #tpu.memory_space<hbm>> -> memref<520x128xf32, #tpu.memory_space<hbm>>
        %dma_start3A_58 = arith.constant 0 : i32
        %dma_start3A_59 = tpu.memref_slice %arg9[%mul3A_0, %dma_start3A_58] : memref<10000x128xf32, #tpu.memory_space<vmem_shared>> -> memref<520x128xf32, #tpu.memory_space<vmem_shared>>
        tpu.enqueue_dma source(%dma_start3A_59 : memref<520x128xf32, #tpu.memory_space<vmem_shared>>) target(%dma_start3A_57 : memref<520x128xf32, #tpu.memory_space<hbm>>) target_semaphore(%run_scoped3A_55 : memref<!tpu.dma_semaphore, #tpu.memory_space<semaphore_mem>>)
        %dma_wait3A = arith.constant 0 : i32
        %dma_wait3A_60 = tpu.memref_slice %arg8[%run_scoped3A, %mul3A_0, %dma_wait3A] : memref<2x10000x128xf32, #tpu.memory_space<hbm>> -> memref<1x520x128xf32, #tpu.memory_space<hbm>>
        %dma_wait3A_61 = tpu.memref_squeeze %dma_wait3A_60 : memref<1x520x128xf32, #tpu.memory_space<hbm>> -> memref<520x128xf32, #tpu.memory_space<hbm>>
        %dma_wait3A_62 = arith.constant 0 : i32
        %dma_wait3A_63 = tpu.memref_slice %arg9[%mul3A_0, %dma_wait3A_62] : memref<10000x128xf32, #tpu.memory_space<vmem_shared>> -> memref<520x128xf32, #tpu.memory_space<vmem_shared>>
        tpu.wait_dma2 semaphore(%run_scoped3A_55 : memref<!tpu.dma_semaphore, #tpu.memory_space<semaphore_mem>>) src(%dma_wait3A_63 : memref<520x128xf32, #tpu.memory_space<vmem_shared>>) dst(%dma_wait3A_61 : memref<520x128xf32, #tpu.memory_space<hbm>>)
        tpu.yield
      }) : () -> ()
    } else {
    }
    %eq3A_39 = arith.constant 1 : i32
    %eq3A_40 = arith.cmpi eq, %arg0, %eq3A_39 : i32
    %lt3A_41 = arith.constant 15 : i32
    %lt3A_42 = arith.cmpi slt, %arg1, %lt3A_41 : i32
    %and3A_43 = arith.andi %eq3A_40, %lt3A_42 : i1
    %convert_element_type3A_44 = arith.extui %and3A_43 : i1 to i32
    %cond3A_45 = arith.constant 0 : i32
    %cond3A_46 = arith.cmpi ne, %convert_element_type3A_44, %cond3A_45 : i32
    scf.if %cond3A_46 {
      %run_scoped3A = arith.constant 1 : i32
      "tpu.region"() ({
        %run_scoped3A_55 = tpu.sem_alloc : memref<!tpu.dma_semaphore, #tpu.memory_space<semaphore_mem>>
        %dma_start3A = arith.constant 0 : i32
        %dma_start3A_56 = tpu.memref_slice %arg8[%run_scoped3A, %mul3A_0, %dma_start3A] : memref<2x10000x128xf32, #tpu.memory_space<hbm>> -> memref<1x632x128xf32, #tpu.memory_space<hbm>>
        %dma_start3A_57 = tpu.memref_squeeze %dma_start3A_56 : memref<1x632x128xf32, #tpu.memory_space<hbm>> -> memref<632x128xf32, #tpu.memory_space<hbm>>
        %dma_start3A_58 = arith.constant 0 : i32
        %dma_start3A_59 = tpu.memref_slice %arg9[%mul3A_0, %dma_start3A_58] : memref<10000x128xf32, #tpu.memory_space<vmem_shared>> -> memref<632x128xf32, #tpu.memory_space<vmem_shared>>
        tpu.enqueue_dma source(%dma_start3A_59 : memref<632x128xf32, #tpu.memory_space<vmem_shared>>) target(%dma_start3A_57 : memref<632x128xf32, #tpu.memory_space<hbm>>) target_semaphore(%run_scoped3A_55 : memref<!tpu.dma_semaphore, #tpu.memory_space<semaphore_mem>>)
        %dma_wait3A = arith.constant 0 : i32
        %dma_wait3A_60 = tpu.memref_slice %arg8[%run_scoped3A, %mul3A_0, %dma_wait3A] : memref<2x10000x128xf32, #tpu.memory_space<hbm>> -> memref<1x632x128xf32, #tpu.memory_space<hbm>>
        %dma_wait3A_61 = tpu.memref_squeeze %dma_wait3A_60 : memref<1x632x128xf32, #tpu.memory_space<hbm>> -> memref<632x128xf32, #tpu.memory_space<hbm>>
        %dma_wait3A_62 = arith.constant 0 : i32
        %dma_wait3A_63 = tpu.memref_slice %arg9[%mul3A_0, %dma_wait3A_62] : memref<10000x128xf32, #tpu.memory_space<vmem_shared>> -> memref<632x128xf32, #tpu.memory_space<vmem_shared>>
        tpu.wait_dma2 semaphore(%run_scoped3A_55 : memref<!tpu.dma_semaphore, #tpu.memory_space<semaphore_mem>>) src(%dma_wait3A_63 : memref<632x128xf32, #tpu.memory_space<vmem_shared>>) dst(%dma_wait3A_61 : memref<632x128xf32, #tpu.memory_space<hbm>>)
        tpu.yield
      }) : () -> ()
    } else {
    }
    %eq3A_47 = arith.constant 1 : i32
    %eq3A_48 = arith.cmpi eq, %arg0, %eq3A_47 : i32
    %eq3A_49 = arith.constant 15 : i32
    %eq3A_50 = arith.cmpi eq, %arg1, %eq3A_49 : i32
    %and3A_51 = arith.andi %eq3A_48, %eq3A_50 : i1
    %convert_element_type3A_52 = arith.extui %and3A_51 : i1 to i32
    %cond3A_53 = arith.constant 0 : i32
    %cond3A_54 = arith.cmpi ne, %convert_element_type3A_52, %cond3A_53 : i32
    scf.if %cond3A_54 {
      %run_scoped3A = arith.constant 1 : i32
      "tpu.region"() ({
        %run_scoped3A_55 = tpu.sem_alloc : memref<!tpu.dma_semaphore, #tpu.memory_space<semaphore_mem>>
        %dma_start3A = arith.constant 0 : i32
        %dma_start3A_56 = tpu.memref_slice %arg8[%run_scoped3A, %mul3A_0, %dma_start3A] : memref<2x10000x128xf32, #tpu.memory_space<hbm>> -> memref<1x520x128xf32, #tpu.memory_space<hbm>>
        %dma_start3A_57 = tpu.memref_squeeze %dma_start3A_56 : memref<1x520x128xf32, #tpu.memory_space<hbm>> -> memref<520x128xf32, #tpu.memory_space<hbm>>
        %dma_start3A_58 = arith.constant 0 : i32
        %dma_start3A_59 = tpu.memref_slice %arg9[%mul3A_0, %dma_start3A_58] : memref<10000x128xf32, #tpu.memory_space<vmem_shared>> -> memref<520x128xf32, #tpu.memory_space<vmem_shared>>
        tpu.enqueue_dma source(%dma_start3A_59 : memref<520x128xf32, #tpu.memory_space<vmem_shared>>) target(%dma_start3A_57 : memref<520x128xf32, #tpu.memory_space<hbm>>) target_semaphore(%run_scoped3A_55 : memref<!tpu.dma_semaphore, #tpu.memory_space<semaphore_mem>>)
        %dma_wait3A = arith.constant 0 : i32
        %dma_wait3A_60 = tpu.memref_slice %arg8[%run_scoped3A, %mul3A_0, %dma_wait3A] : memref<2x10000x128xf32, #tpu.memory_space<hbm>> -> memref<1x520x128xf32, #tpu.memory_space<hbm>>
        %dma_wait3A_61 = tpu.memref_squeeze %dma_wait3A_60 : memref<1x520x128xf32, #tpu.memory_space<hbm>> -> memref<520x128xf32, #tpu.memory_space<hbm>>
        %dma_wait3A_62 = arith.constant 0 : i32
        %dma_wait3A_63 = tpu.memref_slice %arg9[%mul3A_0, %dma_wait3A_62] : memref<10000x128xf32, #tpu.memory_space<vmem_shared>> -> memref<520x128xf32, #tpu.memory_space<vmem_shared>>
        tpu.wait_dma2 semaphore(%run_scoped3A_55 : memref<!tpu.dma_semaphore, #tpu.memory_space<semaphore_mem>>) src(%dma_wait3A_63 : memref<520x128xf32, #tpu.memory_space<vmem_shared>>) dst(%dma_wait3A_61 : memref<520x128xf32, #tpu.memory_space<hbm>>)
        tpu.yield
      }) : () -> ()
    } else {
    }
    return
  }
}

#map = affine_map<(d0, d1) -> (0, 0)>
#map1 = affine_map<(d0, d1) -> (0, 0, 0, 0)>
#map2 = affine_map<(d0, d1) -> (0, 0, 0)>
#map3 = affine_map<(d0, d1) -> (0)>
module attributes {stable_mosaic.version = 14 : i64} {
  func.func @sage_agg_1(%arg0: i32, %arg1: i32, %arg2: memref<10000x128xf32, #tpu.memory_space<hbm>>, %arg3: memref<10000x128xf32, #tpu.memory_space<hbm>>, %arg4: memref<16x32x5x125xi32, #tpu.memory_space<hbm>>, %arg5: memref<16x32x5x125xi32, #tpu.memory_space<hbm>>, %arg6: memref<16x32x5x125xi32, #tpu.memory_space<hbm>>, %arg7: memref<16x32x5x125xi32, #tpu.memory_space<hbm>>, %arg8: memref<2x10000x128xf32, #tpu.memory_space<hbm>>, %arg9: memref<10000xf32, #tpu.memory_space<hbm>>, %arg10: memref<10000xf32, #tpu.memory_space<hbm>>, %arg11: memref<10000x128xf32, #tpu.memory_space<vmem_shared>>, %arg12: memref<5x125xi32, #tpu.memory_space<vmem>>, %arg13: memref<5x125xi32, #tpu.memory_space<vmem>>, %arg14: memref<5x125xi32, #tpu.memory_space<vmem>>, %arg15: memref<5x125xi32, #tpu.memory_space<vmem>>, %arg16: memref<125x128xf32, #tpu.memory_space<vmem>>, %arg17: memref<125x128xf32, #tpu.memory_space<vmem>>, %arg18: memref<!tpu.dma_semaphore, #tpu.memory_space<semaphore_mem>>, %arg19: memref<!tpu.dma_semaphore, #tpu.memory_space<semaphore_mem>>, %arg20: memref<!tpu.dma_semaphore, #tpu.memory_space<semaphore_mem>>, %arg21: memref<!tpu.dma_semaphore, #tpu.memory_space<semaphore_mem>>, %arg22: memref<!tpu.dma_semaphore, #tpu.memory_space<semaphore_mem>>, %arg23: memref<!tpu.dma_semaphore, #tpu.memory_space<semaphore_mem>>, %arg24: memref<!tpu.dma_semaphore, #tpu.memory_space<semaphore_mem>>, %arg25: memref<10000xf32, #tpu.memory_space<vmem_shared>>, %arg26: memref<128xf32, #tpu.memory_space<vmem>>, %arg27: memref<640xf32, #tpu.memory_space<vmem>>) attributes {dimension_semantics = [#tpu.dimension_semantics<core_parallel>, #tpu.dimension_semantics<subcore_parallel>], iteration_bounds = array<i64: 2, 16>, scalar_prefetch = 0 : i64, scratch_operands = 17 : i64, tpu.core_type = #tpu.core_type<sc_vector_subcore>, window_params = [{transform_indices = #map}, {transform_indices = #map}, {transform_indices = #map1}, {transform_indices = #map1}, {transform_indices = #map1}, {transform_indices = #map1}, {transform_indices = #map2}, {transform_indices = #map3}, {transform_indices = #map3}]} {
    %mul3A = arith.constant 632 : i32
    %mul3A_0 = arith.muli %arg1, %mul3A : i32
    %scan3A = arith.constant 0 : i32
    %scan3A_1 = arith.constant 96 : i32
    %scan3A_2 = arith.addi %scan3A, %scan3A_1 : i32
    %scan3A_3 = arith.constant 1 : i32
    scf.for %scan3A_63 = %scan3A to %scan3A_2 step %scan3A_3  : i32 {
      %mul3A_64 = arith.constant 1 : i32
      %mul3A_65 = arith.muli %scan3A_63, %mul3A_64 : i32
      %add3A = arith.constant 0 : i32
      %add3A_66 = arith.addi %add3A, %mul3A_65 : i32
      %scan3A_67 = arith.constant 0 : i32
      %scan3A_68 = arith.constant 8 : i32
      %scan3A_69 = arith.addi %scan3A_67, %scan3A_68 : i32
      %scan3A_70 = arith.constant 1 : i32
      scf.for %scan3A_72 = %scan3A_67 to %scan3A_69 step %scan3A_70  : i32 {
        %mul3A_73 = arith.constant 16 : i32
        %mul3A_74 = arith.muli %scan3A_72, %mul3A_73 : i32
        %add3A_75 = arith.constant 0 : i32
        %add3A_76 = arith.addi %add3A_75, %mul3A_74 : i32
        %broadcast_in_dim3A = arith.constant 0.000000e+00 : f32
        %broadcast_in_dim3A_77 = vector.broadcast %broadcast_in_dim3A : f32 to vector<16xf32>
        %swap3A = arith.index_cast %add3A_66 : i32 to index
        %swap3A_78 = arith.index_cast %add3A_76 : i32 to index
        %swap3A_79 = tpu.vector_load %arg16[%swap3A, %swap3A_78] {strides = array<i32>} : memref<125x128xf32, #tpu.memory_space<vmem>>, vector<1x16xf32>,
        %swap3A_80 = vector.shape_cast %swap3A_79 : vector<1x16xf32> to vector<16xf32>
        %swap3A_81 = vector.shape_cast %broadcast_in_dim3A_77 : vector<16xf32> to vector<1x16xf32>
        tpu.vector_store %arg16[%swap3A, %swap3A_78], %swap3A_81 {strides = array<i32>} : memref<125x128xf32, #tpu.memory_space<vmem>>, vector<1x16xf32>,
      }
      %scan3A_71 = arith.constant 8 : i32
    }
    %scan3A_4 = arith.constant 96 : i32
    %scan3A_5 = arith.constant 0 : i32
    %scan3A_6 = arith.constant 8 : i32
    %scan3A_7 = arith.addi %scan3A_5, %scan3A_6 : i32
    %scan3A_8 = arith.constant 1 : i32
    scf.for %scan3A_63 = %scan3A_5 to %scan3A_7 step %scan3A_8  : i32 {
      %mul3A_64 = arith.constant 16 : i32
      %mul3A_65 = arith.muli %scan3A_63, %mul3A_64 : i32
      %add3A = arith.constant 0 : i32
      %add3A_66 = arith.addi %add3A, %mul3A_65 : i32
      %broadcast_in_dim3A = arith.constant 1.000000e+00 : f32
      %broadcast_in_dim3A_67 = vector.broadcast %broadcast_in_dim3A : f32 to vector<16xf32>
      %swap3A = arith.index_cast %add3A_66 : i32 to index
      %swap3A_68 = tpu.vector_load %arg26[%swap3A] {strides = array<i32>} : memref<128xf32, #tpu.memory_space<vmem>>, vector<16xf32>,
      %swap3A_69 = vector.shape_cast %swap3A_68 : vector<16xf32> to vector<16xf32>
      %swap3A_70 = vector.shape_cast %broadcast_in_dim3A_67 : vector<16xf32> to vector<16xf32>
      tpu.vector_store %arg26[%swap3A], %swap3A_70 {strides = array<i32>} : memref<128xf32, #tpu.memory_space<vmem>>, vector<16xf32>,
    }
    %scan3A_9 = arith.constant 8 : i32
    %scan3A_10 = arith.constant 0 : i32
    %scan3A_11 = arith.constant 40 : i32
    %scan3A_12 = arith.addi %scan3A_10, %scan3A_11 : i32
    %scan3A_13 = arith.constant 1 : i32
    scf.for %scan3A_63 = %scan3A_10 to %scan3A_12 step %scan3A_13  : i32 {
      %mul3A_64 = arith.constant 16 : i32
      %mul3A_65 = arith.muli %scan3A_63, %mul3A_64 : i32
      %add3A = arith.constant 0 : i32
      %add3A_66 = arith.addi %add3A, %mul3A_65 : i32
      %broadcast_in_dim3A = arith.constant 0.000000e+00 : f32
      %broadcast_in_dim3A_67 = vector.broadcast %broadcast_in_dim3A : f32 to vector<16xf32>
      %swap3A = arith.index_cast %add3A_66 : i32 to index
      %swap3A_68 = tpu.vector_load %arg27[%swap3A] {strides = array<i32>} : memref<640xf32, #tpu.memory_space<vmem>>, vector<16xf32>,
      %swap3A_69 = vector.shape_cast %swap3A_68 : vector<16xf32> to vector<16xf32>
      %swap3A_70 = vector.shape_cast %broadcast_in_dim3A_67 : vector<16xf32> to vector<16xf32>
      tpu.vector_store %arg27[%swap3A], %swap3A_70 {strides = array<i32>} : memref<640xf32, #tpu.memory_space<vmem>>, vector<16xf32>,
    }
    %scan3A_14 = arith.constant 40 : i32
    %lt3A = arith.constant 15 : i32
    %lt3A_15 = arith.cmpi slt, %arg1, %lt3A : i32
    %convert_element_type3A = arith.extui %lt3A_15 : i1 to i32
    %cond3A = arith.constant 0 : i32
    %cond3A_16 = arith.cmpi ne, %convert_element_type3A, %cond3A : i32
    scf.if %cond3A_16 {
      %scan3A_63 = arith.constant 0 : i32
      %scan3A_64 = arith.constant 6 : i32
      %scan3A_65 = arith.addi %scan3A_63, %scan3A_64 : i32
      %scan3A_66 = arith.constant 1 : i32
      scf.for %scan3A_69 = %scan3A_63 to %scan3A_65 step %scan3A_66  : i32 {
        %mul3A_70 = arith.constant 1 : i32
        %mul3A_71 = arith.muli %scan3A_69, %mul3A_70 : i32
        %add3A_72 = arith.constant 0 : i32
        %add3A_73 = arith.addi %add3A_72, %mul3A_71 : i32
        %mul3A_74 = arith.constant 96 : i32
        %mul3A_75 = arith.muli %add3A_73, %mul3A_74 : i32
        %add3A_76 = arith.addi %mul3A_0, %mul3A_75 : i32
        "tpu.region"() ({
          %run_scoped3A = tpu.sem_alloc : memref<!tpu.dma_semaphore, #tpu.memory_space<semaphore_mem>>
          %dma_start3A = arith.constant 0 : i32
          %dma_start3A_77 = arith.constant 0 : i32
          %dma_start3A_78 = tpu.memref_slice %arg16[%dma_start3A, %dma_start3A_77] : memref<125x128xf32, #tpu.memory_space<vmem>> -> memref<96x128xf32, #tpu.memory_space<vmem>>
          %dma_start3A_79 = arith.constant 0 : i32
          %dma_start3A_80 = tpu.memref_slice %arg11[%add3A_76, %dma_start3A_79] : memref<10000x128xf32, #tpu.memory_space<vmem_shared>> -> memref<96x128xf32, #tpu.memory_space<vmem_shared>>
          %dma_start3A_81 = arith.constant 0 : i32
          %dma_start3A_82 = tpu.memref_slice %arg11[%add3A_76, %dma_start3A_81] : memref<10000x128xf32, #tpu.memory_space<vmem_shared>> -> memref<96x128xf32, #tpu.memory_space<vmem_shared>>
          %dma_start3A_83 = arith.constant 0 : i32
          %dma_start3A_84 = arith.constant 0 : i32
          %dma_start3A_85 = tpu.memref_slice %arg16[%dma_start3A_83, %dma_start3A_84] : memref<125x128xf32, #tpu.memory_space<vmem>> -> memref<96x128xf32, #tpu.memory_space<vmem>>
          tpu.enqueue_dma source(%dma_start3A_85 : memref<96x128xf32, #tpu.memory_space<vmem>>) target(%dma_start3A_82 : memref<96x128xf32, #tpu.memory_space<vmem_shared>>) target_semaphore(%run_scoped3A : memref<!tpu.dma_semaphore, #tpu.memory_space<semaphore_mem>>)
          %dma_wait3A = arith.constant 0 : i32
          %dma_wait3A_86 = arith.constant 0 : i32
          %dma_wait3A_87 = tpu.memref_slice %arg16[%dma_wait3A, %dma_wait3A_86] : memref<125x128xf32, #tpu.memory_space<vmem>> -> memref<96x128xf32, #tpu.memory_space<vmem>>
          %dma_wait3A_88 = arith.constant 0 : i32
          %dma_wait3A_89 = tpu.memref_slice %arg11[%add3A_76, %dma_wait3A_88] : memref<10000x128xf32, #tpu.memory_space<vmem_shared>> -> memref<96x128xf32, #tpu.memory_space<vmem_shared>>
          %dma_wait3A_90 = arith.constant 0 : i32
          %dma_wait3A_91 = tpu.memref_slice %arg11[%add3A_76, %dma_wait3A_90] : memref<10000x128xf32, #tpu.memory_space<vmem_shared>> -> memref<96x128xf32, #tpu.memory_space<vmem_shared>>
          %dma_wait3A_92 = arith.constant 0 : i32
          %dma_wait3A_93 = arith.constant 0 : i32
          %dma_wait3A_94 = tpu.memref_slice %arg16[%dma_wait3A_92, %dma_wait3A_93] : memref<125x128xf32, #tpu.memory_space<vmem>> -> memref<96x128xf32, #tpu.memory_space<vmem>>
          tpu.wait_dma2 semaphore(%run_scoped3A : memref<!tpu.dma_semaphore, #tpu.memory_space<semaphore_mem>>) src(%dma_wait3A_94 : memref<96x128xf32, #tpu.memory_space<vmem>>) dst(%dma_wait3A_91 : memref<96x128xf32, #tpu.memory_space<vmem_shared>>)
          tpu.yield
        }) : () -> ()
      }
      %scan3A_67 = arith.constant 6 : i32
      %add3A = arith.constant 576 : i32
      %add3A_68 = arith.addi %mul3A_0, %add3A : i32
      "tpu.region"() ({
        %run_scoped3A = tpu.sem_alloc : memref<!tpu.dma_semaphore, #tpu.memory_space<semaphore_mem>>
        %dma_start3A = arith.constant 0 : i32
        %dma_start3A_69 = arith.constant 0 : i32
        %dma_start3A_70 = tpu.memref_slice %arg16[%dma_start3A, %dma_start3A_69] : memref<125x128xf32, #tpu.memory_space<vmem>> -> memref<56x128xf32, #tpu.memory_space<vmem>>
        %dma_start3A_71 = arith.constant 0 : i32
        %dma_start3A_72 = tpu.memref_slice %arg11[%add3A_68, %dma_start3A_71] : memref<10000x128xf32, #tpu.memory_space<vmem_shared>> -> memref<56x128xf32, #tpu.memory_space<vmem_shared>>
        %dma_start3A_73 = arith.constant 0 : i32
        %dma_start3A_74 = tpu.memref_slice %arg11[%add3A_68, %dma_start3A_73] : memref<10000x128xf32, #tpu.memory_space<vmem_shared>> -> memref<56x128xf32, #tpu.memory_space<vmem_shared>>
        %dma_start3A_75 = arith.constant 0 : i32
        %dma_start3A_76 = arith.constant 0 : i32
        %dma_start3A_77 = tpu.memref_slice %arg16[%dma_start3A_75, %dma_start3A_76] : memref<125x128xf32, #tpu.memory_space<vmem>> -> memref<56x128xf32, #tpu.memory_space<vmem>>
        tpu.enqueue_dma source(%dma_start3A_77 : memref<56x128xf32, #tpu.memory_space<vmem>>) target(%dma_start3A_74 : memref<56x128xf32, #tpu.memory_space<vmem_shared>>) target_semaphore(%run_scoped3A : memref<!tpu.dma_semaphore, #tpu.memory_space<semaphore_mem>>)
        %dma_wait3A = arith.constant 0 : i32
        %dma_wait3A_78 = arith.constant 0 : i32
        %dma_wait3A_79 = tpu.memref_slice %arg16[%dma_wait3A, %dma_wait3A_78] : memref<125x128xf32, #tpu.memory_space<vmem>> -> memref<56x128xf32, #tpu.memory_space<vmem>>
        %dma_wait3A_80 = arith.constant 0 : i32
        %dma_wait3A_81 = tpu.memref_slice %arg11[%add3A_68, %dma_wait3A_80] : memref<10000x128xf32, #tpu.memory_space<vmem_shared>> -> memref<56x128xf32, #tpu.memory_space<vmem_shared>>
        %dma_wait3A_82 = arith.constant 0 : i32
        %dma_wait3A_83 = tpu.memref_slice %arg11[%add3A_68, %dma_wait3A_82] : memref<10000x128xf32, #tpu.memory_space<vmem_shared>> -> memref<56x128xf32, #tpu.memory_space<vmem_shared>>
        %dma_wait3A_84 = arith.constant 0 : i32
        %dma_wait3A_85 = arith.constant 0 : i32
        %dma_wait3A_86 = tpu.memref_slice %arg16[%dma_wait3A_84, %dma_wait3A_85] : memref<125x128xf32, #tpu.memory_space<vmem>> -> memref<56x128xf32, #tpu.memory_space<vmem>>
        tpu.wait_dma2 semaphore(%run_scoped3A : memref<!tpu.dma_semaphore, #tpu.memory_space<semaphore_mem>>) src(%dma_wait3A_86 : memref<56x128xf32, #tpu.memory_space<vmem>>) dst(%dma_wait3A_83 : memref<56x128xf32, #tpu.memory_space<vmem_shared>>)
        tpu.yield
      }) : () -> ()
      "tpu.region"() ({
        %run_scoped3A = tpu.sem_alloc : memref<!tpu.dma_semaphore, #tpu.memory_space<semaphore_mem>>
        %dma_start3A = arith.constant 0 : i32
        %dma_start3A_69 = tpu.memref_slice %arg27[%dma_start3A] : memref<640xf32, #tpu.memory_space<vmem>> -> memref<632xf32, #tpu.memory_space<vmem>>
        %dma_start3A_70 = tpu.memref_slice %arg25[%mul3A_0] : memref<10000xf32, #tpu.memory_space<vmem_shared>> -> memref<632xf32, #tpu.memory_space<vmem_shared>>
        %dma_start3A_71 = tpu.memref_slice %arg25[%mul3A_0] : memref<10000xf32, #tpu.memory_space<vmem_shared>> -> memref<632xf32, #tpu.memory_space<vmem_shared>>
        %dma_start3A_72 = arith.constant 0 : i32
        %dma_start3A_73 = tpu.memref_slice %arg27[%dma_start3A_72] : memref<640xf32, #tpu.memory_space<vmem>> -> memref<632xf32, #tpu.memory_space<vmem>>
        tpu.enqueue_dma source(%dma_start3A_73 : memref<632xf32, #tpu.memory_space<vmem>>) target(%dma_start3A_71 : memref<632xf32, #tpu.memory_space<vmem_shared>>) target_semaphore(%run_scoped3A : memref<!tpu.dma_semaphore, #tpu.memory_space<semaphore_mem>>)
        %dma_wait3A = arith.constant 0 : i32
        %dma_wait3A_74 = tpu.memref_slice %arg27[%dma_wait3A] : memref<640xf32, #tpu.memory_space<vmem>> -> memref<632xf32, #tpu.memory_space<vmem>>
        %dma_wait3A_75 = tpu.memref_slice %arg25[%mul3A_0] : memref<10000xf32, #tpu.memory_space<vmem_shared>> -> memref<632xf32, #tpu.memory_space<vmem_shared>>
        %dma_wait3A_76 = tpu.memref_slice %arg25[%mul3A_0] : memref<10000xf32, #tpu.memory_space<vmem_shared>> -> memref<632xf32, #tpu.memory_space<vmem_shared>>
        %dma_wait3A_77 = arith.constant 0 : i32
        %dma_wait3A_78 = tpu.memref_slice %arg27[%dma_wait3A_77] : memref<640xf32, #tpu.memory_space<vmem>> -> memref<632xf32, #tpu.memory_space<vmem>>
        tpu.wait_dma2 semaphore(%run_scoped3A : memref<!tpu.dma_semaphore, #tpu.memory_space<semaphore_mem>>) src(%dma_wait3A_78 : memref<632xf32, #tpu.memory_space<vmem>>) dst(%dma_wait3A_76 : memref<632xf32, #tpu.memory_space<vmem_shared>>)
        tpu.yield
      }) : () -> ()
    } else {
    }
    %eq3A = arith.constant 15 : i32
    %eq3A_17 = arith.cmpi eq, %arg1, %eq3A : i32
    %convert_element_type3A_18 = arith.extui %eq3A_17 : i1 to i32
    %cond3A_19 = arith.constant 0 : i32
    %cond3A_20 = arith.cmpi ne, %convert_element_type3A_18, %cond3A_19 : i32
    scf.if %cond3A_20 {
      %scan3A_63 = arith.constant 0 : i32
      %scan3A_64 = arith.constant 5 : i32
      %scan3A_65 = arith.addi %scan3A_63, %scan3A_64 : i32
      %scan3A_66 = arith.constant 1 : i32
      scf.for %scan3A_69 = %scan3A_63 to %scan3A_65 step %scan3A_66  : i32 {
        %mul3A_70 = arith.constant 1 : i32
        %mul3A_71 = arith.muli %scan3A_69, %mul3A_70 : i32
        %add3A_72 = arith.constant 0 : i32
        %add3A_73 = arith.addi %add3A_72, %mul3A_71 : i32
        %mul3A_74 = arith.constant 96 : i32
        %mul3A_75 = arith.muli %add3A_73, %mul3A_74 : i32
        %add3A_76 = arith.addi %mul3A_0, %mul3A_75 : i32
        "tpu.region"() ({
          %run_scoped3A = tpu.sem_alloc : memref<!tpu.dma_semaphore, #tpu.memory_space<semaphore_mem>>
          %dma_start3A = arith.constant 0 : i32
          %dma_start3A_77 = arith.constant 0 : i32
          %dma_start3A_78 = tpu.memref_slice %arg16[%dma_start3A, %dma_start3A_77] : memref<125x128xf32, #tpu.memory_space<vmem>> -> memref<96x128xf32, #tpu.memory_space<vmem>>
          %dma_start3A_79 = arith.constant 0 : i32
          %dma_start3A_80 = tpu.memref_slice %arg11[%add3A_76, %dma_start3A_79] : memref<10000x128xf32, #tpu.memory_space<vmem_shared>> -> memref<96x128xf32, #tpu.memory_space<vmem_shared>>
          %dma_start3A_81 = arith.constant 0 : i32
          %dma_start3A_82 = tpu.memref_slice %arg11[%add3A_76, %dma_start3A_81] : memref<10000x128xf32, #tpu.memory_space<vmem_shared>> -> memref<96x128xf32, #tpu.memory_space<vmem_shared>>
          %dma_start3A_83 = arith.constant 0 : i32
          %dma_start3A_84 = arith.constant 0 : i32
          %dma_start3A_85 = tpu.memref_slice %arg16[%dma_start3A_83, %dma_start3A_84] : memref<125x128xf32, #tpu.memory_space<vmem>> -> memref<96x128xf32, #tpu.memory_space<vmem>>
          tpu.enqueue_dma source(%dma_start3A_85 : memref<96x128xf32, #tpu.memory_space<vmem>>) target(%dma_start3A_82 : memref<96x128xf32, #tpu.memory_space<vmem_shared>>) target_semaphore(%run_scoped3A : memref<!tpu.dma_semaphore, #tpu.memory_space<semaphore_mem>>)
          %dma_wait3A = arith.constant 0 : i32
          %dma_wait3A_86 = arith.constant 0 : i32
          %dma_wait3A_87 = tpu.memref_slice %arg16[%dma_wait3A, %dma_wait3A_86] : memref<125x128xf32, #tpu.memory_space<vmem>> -> memref<96x128xf32, #tpu.memory_space<vmem>>
          %dma_wait3A_88 = arith.constant 0 : i32
          %dma_wait3A_89 = tpu.memref_slice %arg11[%add3A_76, %dma_wait3A_88] : memref<10000x128xf32, #tpu.memory_space<vmem_shared>> -> memref<96x128xf32, #tpu.memory_space<vmem_shared>>
          %dma_wait3A_90 = arith.constant 0 : i32
          %dma_wait3A_91 = tpu.memref_slice %arg11[%add3A_76, %dma_wait3A_90] : memref<10000x128xf32, #tpu.memory_space<vmem_shared>> -> memref<96x128xf32, #tpu.memory_space<vmem_shared>>
          %dma_wait3A_92 = arith.constant 0 : i32
          %dma_wait3A_93 = arith.constant 0 : i32
          %dma_wait3A_94 = tpu.memref_slice %arg16[%dma_wait3A_92, %dma_wait3A_93] : memref<125x128xf32, #tpu.memory_space<vmem>> -> memref<96x128xf32, #tpu.memory_space<vmem>>
          tpu.wait_dma2 semaphore(%run_scoped3A : memref<!tpu.dma_semaphore, #tpu.memory_space<semaphore_mem>>) src(%dma_wait3A_94 : memref<96x128xf32, #tpu.memory_space<vmem>>) dst(%dma_wait3A_91 : memref<96x128xf32, #tpu.memory_space<vmem_shared>>)
          tpu.yield
        }) : () -> ()
      }
      %scan3A_67 = arith.constant 5 : i32
      %add3A = arith.constant 480 : i32
      %add3A_68 = arith.addi %mul3A_0, %add3A : i32
      "tpu.region"() ({
        %run_scoped3A = tpu.sem_alloc : memref<!tpu.dma_semaphore, #tpu.memory_space<semaphore_mem>>
        %dma_start3A = arith.constant 0 : i32
        %dma_start3A_69 = arith.constant 0 : i32
        %dma_start3A_70 = tpu.memref_slice %arg16[%dma_start3A, %dma_start3A_69] : memref<125x128xf32, #tpu.memory_space<vmem>> -> memref<40x128xf32, #tpu.memory_space<vmem>>
        %dma_start3A_71 = arith.constant 0 : i32
        %dma_start3A_72 = tpu.memref_slice %arg11[%add3A_68, %dma_start3A_71] : memref<10000x128xf32, #tpu.memory_space<vmem_shared>> -> memref<40x128xf32, #tpu.memory_space<vmem_shared>>
        %dma_start3A_73 = arith.constant 0 : i32
        %dma_start3A_74 = tpu.memref_slice %arg11[%add3A_68, %dma_start3A_73] : memref<10000x128xf32, #tpu.memory_space<vmem_shared>> -> memref<40x128xf32, #tpu.memory_space<vmem_shared>>
        %dma_start3A_75 = arith.constant 0 : i32
        %dma_start3A_76 = arith.constant 0 : i32
        %dma_start3A_77 = tpu.memref_slice %arg16[%dma_start3A_75, %dma_start3A_76] : memref<125x128xf32, #tpu.memory_space<vmem>> -> memref<40x128xf32, #tpu.memory_space<vmem>>
        tpu.enqueue_dma source(%dma_start3A_77 : memref<40x128xf32, #tpu.memory_space<vmem>>) target(%dma_start3A_74 : memref<40x128xf32, #tpu.memory_space<vmem_shared>>) target_semaphore(%run_scoped3A : memref<!tpu.dma_semaphore, #tpu.memory_space<semaphore_mem>>)
        %dma_wait3A = arith.constant 0 : i32
        %dma_wait3A_78 = arith.constant 0 : i32
        %dma_wait3A_79 = tpu.memref_slice %arg16[%dma_wait3A, %dma_wait3A_78] : memref<125x128xf32, #tpu.memory_space<vmem>> -> memref<40x128xf32, #tpu.memory_space<vmem>>
        %dma_wait3A_80 = arith.constant 0 : i32
        %dma_wait3A_81 = tpu.memref_slice %arg11[%add3A_68, %dma_wait3A_80] : memref<10000x128xf32, #tpu.memory_space<vmem_shared>> -> memref<40x128xf32, #tpu.memory_space<vmem_shared>>
        %dma_wait3A_82 = arith.constant 0 : i32
        %dma_wait3A_83 = tpu.memref_slice %arg11[%add3A_68, %dma_wait3A_82] : memref<10000x128xf32, #tpu.memory_space<vmem_shared>> -> memref<40x128xf32, #tpu.memory_space<vmem_shared>>
        %dma_wait3A_84 = arith.constant 0 : i32
        %dma_wait3A_85 = arith.constant 0 : i32
        %dma_wait3A_86 = tpu.memref_slice %arg16[%dma_wait3A_84, %dma_wait3A_85] : memref<125x128xf32, #tpu.memory_space<vmem>> -> memref<40x128xf32, #tpu.memory_space<vmem>>
        tpu.wait_dma2 semaphore(%run_scoped3A : memref<!tpu.dma_semaphore, #tpu.memory_space<semaphore_mem>>) src(%dma_wait3A_86 : memref<40x128xf32, #tpu.memory_space<vmem>>) dst(%dma_wait3A_83 : memref<40x128xf32, #tpu.memory_space<vmem_shared>>)
        tpu.yield
      }) : () -> ()
      "tpu.region"() ({
        %run_scoped3A = tpu.sem_alloc : memref<!tpu.dma_semaphore, #tpu.memory_space<semaphore_mem>>
        %dma_start3A = arith.constant 0 : i32
        %dma_start3A_69 = tpu.memref_slice %arg27[%dma_start3A] : memref<640xf32, #tpu.memory_space<vmem>> -> memref<520xf32, #tpu.memory_space<vmem>>
        %dma_start3A_70 = tpu.memref_slice %arg25[%mul3A_0] : memref<10000xf32, #tpu.memory_space<vmem_shared>> -> memref<520xf32, #tpu.memory_space<vmem_shared>>
        %dma_start3A_71 = tpu.memref_slice %arg25[%mul3A_0] : memref<10000xf32, #tpu.memory_space<vmem_shared>> -> memref<520xf32, #tpu.memory_space<vmem_shared>>
        %dma_start3A_72 = arith.constant 0 : i32
        %dma_start3A_73 = tpu.memref_slice %arg27[%dma_start3A_72] : memref<640xf32, #tpu.memory_space<vmem>> -> memref<520xf32, #tpu.memory_space<vmem>>
        tpu.enqueue_dma source(%dma_start3A_73 : memref<520xf32, #tpu.memory_space<vmem>>) target(%dma_start3A_71 : memref<520xf32, #tpu.memory_space<vmem_shared>>) target_semaphore(%run_scoped3A : memref<!tpu.dma_semaphore, #tpu.memory_space<semaphore_mem>>)
        %dma_wait3A = arith.constant 0 : i32
        %dma_wait3A_74 = tpu.memref_slice %arg27[%dma_wait3A] : memref<640xf32, #tpu.memory_space<vmem>> -> memref<520xf32, #tpu.memory_space<vmem>>
        %dma_wait3A_75 = tpu.memref_slice %arg25[%mul3A_0] : memref<10000xf32, #tpu.memory_space<vmem_shared>> -> memref<520xf32, #tpu.memory_space<vmem_shared>>
        %dma_wait3A_76 = tpu.memref_slice %arg25[%mul3A_0] : memref<10000xf32, #tpu.memory_space<vmem_shared>> -> memref<520xf32, #tpu.memory_space<vmem_shared>>
        %dma_wait3A_77 = arith.constant 0 : i32
        %dma_wait3A_78 = tpu.memref_slice %arg27[%dma_wait3A_77] : memref<640xf32, #tpu.memory_space<vmem>> -> memref<520xf32, #tpu.memory_space<vmem>>
        tpu.wait_dma2 semaphore(%run_scoped3A : memref<!tpu.dma_semaphore, #tpu.memory_space<semaphore_mem>>) src(%dma_wait3A_78 : memref<520xf32, #tpu.memory_space<vmem>>) dst(%dma_wait3A_76 : memref<520xf32, #tpu.memory_space<vmem_shared>>)
        tpu.yield
      }) : () -> ()
    } else {
    }
    %barrier3A = arith.constant 0 : index
    tpu.barrier barrier_id(%barrier3A)
    %eq3A_21 = arith.constant 0 : i32
    %eq3A_22 = arith.cmpi eq, %arg0, %eq3A_21 : i32
    %convert_element_type3A_23 = arith.extui %eq3A_22 : i1 to i32
    %cond3A_24 = arith.constant 0 : i32
    %cond3A_25 = arith.cmpi ne, %convert_element_type3A_23, %cond3A_24 : i32
    scf.if %cond3A_25 {
      %run_scoped3A = arith.constant 0 : i32
      "tpu.region"() ({
        %run_scoped3A_104 = tpu.sem_alloc : memref<!tpu.dma_semaphore, #tpu.memory_space<semaphore_mem>>
        %dma_start3A_105 = arith.constant 0 : i32
        %dma_start3A_106 = arith.constant 0 : i32
        %dma_start3A_107 = tpu.memref_slice %arg4[%arg1, %run_scoped3A, %dma_start3A_105, %dma_start3A_106] : memref<16x32x5x125xi32, #tpu.memory_space<hbm>> -> memref<1x1x5x125xi32, #tpu.memory_space<hbm>>
        %dma_start3A_108 = tpu.memref_squeeze %dma_start3A_107 : memref<1x1x5x125xi32, #tpu.memory_space<hbm>> -> memref<5x125xi32, #tpu.memory_space<hbm>>
        %dma_start3A_109 = arith.constant 0 : i32
        %dma_start3A_110 = arith.constant 0 : i32
        %dma_start3A_111 = tpu.memref_slice %arg4[%arg1, %run_scoped3A, %dma_start3A_109, %dma_start3A_110] : memref<16x32x5x125xi32, #tpu.memory_space<hbm>> -> memref<1x1x5x125xi32, #tpu.memory_space<hbm>>
        %dma_start3A_112 = tpu.memref_squeeze %dma_start3A_111 : memref<1x1x5x125xi32, #tpu.memory_space<hbm>> -> memref<5x125xi32, #tpu.memory_space<hbm>>
        tpu.enqueue_dma source(%dma_start3A_112 : memref<5x125xi32, #tpu.memory_space<hbm>>) target(%arg12 : memref<5x125xi32, #tpu.memory_space<vmem>>) target_semaphore(%run_scoped3A_104 : memref<!tpu.dma_semaphore, #tpu.memory_space<semaphore_mem>>)
        %dma_wait3A_113 = arith.constant 0 : i32
        %dma_wait3A_114 = arith.constant 0 : i32
        %dma_wait3A_115 = tpu.memref_slice %arg4[%arg1, %run_scoped3A, %dma_wait3A_113, %dma_wait3A_114] : memref<16x32x5x125xi32, #tpu.memory_space<hbm>> -> memref<1x1x5x125xi32, #tpu.memory_space<hbm>>
        %dma_wait3A_116 = tpu.memref_squeeze %dma_wait3A_115 : memref<1x1x5x125xi32, #tpu.memory_space<hbm>> -> memref<5x125xi32, #tpu.memory_space<hbm>>
        %dma_wait3A_117 = arith.constant 0 : i32
        %dma_wait3A_118 = arith.constant 0 : i32
        %dma_wait3A_119 = tpu.memref_slice %arg4[%arg1, %run_scoped3A, %dma_wait3A_117, %dma_wait3A_118] : memref<16x32x5x125xi32, #tpu.memory_space<hbm>> -> memref<1x1x5x125xi32, #tpu.memory_space<hbm>>
        %dma_wait3A_120 = tpu.memref_squeeze %dma_wait3A_119 : memref<1x1x5x125xi32, #tpu.memory_space<hbm>> -> memref<5x125xi32, #tpu.memory_space<hbm>>
        tpu.wait_dma2 semaphore(%run_scoped3A_104 : memref<!tpu.dma_semaphore, #tpu.memory_space<semaphore_mem>>) src(%dma_wait3A_120 : memref<5x125xi32, #tpu.memory_space<hbm>>) dst(%arg12 : memref<5x125xi32, #tpu.memory_space<vmem>>)
        tpu.yield
      }) : () -> ()
      %run_scoped3A_63 = arith.constant 0 : i32
      "tpu.region"() ({
        %run_scoped3A_104 = tpu.sem_alloc : memref<!tpu.dma_semaphore, #tpu.memory_space<semaphore_mem>>
        %dma_start3A_105 = arith.constant 0 : i32
        %dma_start3A_106 = arith.constant 0 : i32
        %dma_start3A_107 = tpu.memref_slice %arg5[%arg1, %run_scoped3A_63, %dma_start3A_105, %dma_start3A_106] : memref<16x32x5x125xi32, #tpu.memory_space<hbm>> -> memref<1x1x5x125xi32, #tpu.memory_space<hbm>>
        %dma_start3A_108 = tpu.memref_squeeze %dma_start3A_107 : memref<1x1x5x125xi32, #tpu.memory_space<hbm>> -> memref<5x125xi32, #tpu.memory_space<hbm>>
        %dma_start3A_109 = arith.constant 0 : i32
        %dma_start3A_110 = arith.constant 0 : i32
        %dma_start3A_111 = tpu.memref_slice %arg5[%arg1, %run_scoped3A_63, %dma_start3A_109, %dma_start3A_110] : memref<16x32x5x125xi32, #tpu.memory_space<hbm>> -> memref<1x1x5x125xi32, #tpu.memory_space<hbm>>
        %dma_start3A_112 = tpu.memref_squeeze %dma_start3A_111 : memref<1x1x5x125xi32, #tpu.memory_space<hbm>> -> memref<5x125xi32, #tpu.memory_space<hbm>>
        tpu.enqueue_dma source(%dma_start3A_112 : memref<5x125xi32, #tpu.memory_space<hbm>>) target(%arg13 : memref<5x125xi32, #tpu.memory_space<vmem>>) target_semaphore(%run_scoped3A_104 : memref<!tpu.dma_semaphore, #tpu.memory_space<semaphore_mem>>)
        %dma_wait3A_113 = arith.constant 0 : i32
        %dma_wait3A_114 = arith.constant 0 : i32
        %dma_wait3A_115 = tpu.memref_slice %arg5[%arg1, %run_scoped3A_63, %dma_wait3A_113, %dma_wait3A_114] : memref<16x32x5x125xi32, #tpu.memory_space<hbm>> -> memref<1x1x5x125xi32, #tpu.memory_space<hbm>>
        %dma_wait3A_116 = tpu.memref_squeeze %dma_wait3A_115 : memref<1x1x5x125xi32, #tpu.memory_space<hbm>> -> memref<5x125xi32, #tpu.memory_space<hbm>>
        %dma_wait3A_117 = arith.constant 0 : i32
        %dma_wait3A_118 = arith.constant 0 : i32
        %dma_wait3A_119 = tpu.memref_slice %arg5[%arg1, %run_scoped3A_63, %dma_wait3A_117, %dma_wait3A_118] : memref<16x32x5x125xi32, #tpu.memory_space<hbm>> -> memref<1x1x5x125xi32, #tpu.memory_space<hbm>>
        %dma_wait3A_120 = tpu.memref_squeeze %dma_wait3A_119 : memref<1x1x5x125xi32, #tpu.memory_space<hbm>> -> memref<5x125xi32, #tpu.memory_space<hbm>>
        tpu.wait_dma2 semaphore(%run_scoped3A_104 : memref<!tpu.dma_semaphore, #tpu.memory_space<semaphore_mem>>) src(%dma_wait3A_120 : memref<5x125xi32, #tpu.memory_space<hbm>>) dst(%arg13 : memref<5x125xi32, #tpu.memory_space<vmem>>)
        tpu.yield
      }) : () -> ()
      %dma_start3A = arith.constant 0 : i32
      %dma_start3A_64 = arith.constant 0 : i32
      %dma_start3A_65 = tpu.memref_slice %arg12[%dma_start3A, %dma_start3A_64] : memref<5x125xi32, #tpu.memory_space<vmem>> -> memref<1x125xi32, #tpu.memory_space<vmem>>
      %dma_start3A_66 = tpu.memref_squeeze %dma_start3A_65 : memref<1x125xi32, #tpu.memory_space<vmem>> -> memref<125xi32, #tpu.memory_space<vmem>>
      %dma_start3A_67 = arith.constant 0 : i32
      %dma_start3A_68 = arith.constant 0 : i32
      %dma_start3A_69 = tpu.memref_slice %arg2[%dma_start3A_67, %dma_start3A_68] : memref<10000x128xf32, #tpu.memory_space<hbm>> -> memref<10000x128xf32, #tpu.memory_space<hbm>>
      tpu.enqueue_indirect_dma source(%dma_start3A_69 : memref<10000x128xf32, #tpu.memory_space<hbm>>) target(%arg16 : memref<125x128xf32, #tpu.memory_space<vmem>>) offsets(%dma_start3A_66 : memref<125xi32, #tpu.memory_space<vmem>>) semaphore(%arg18 : memref<!tpu.dma_semaphore, #tpu.memory_space<semaphore_mem>>)
      %scan3A_70 = arith.constant 0 : i32
      %scan3A_71 = arith.constant 16 : i32
      %scan3A_72 = arith.addi %scan3A_70, %scan3A_71 : i32
      %scan3A_73 = arith.constant 1 : i32
      scf.for %scan3A_104 = %scan3A_70 to %scan3A_72 step %scan3A_73  : i32 {
        %mul3A_105 = arith.constant 1 : i32
        %mul3A_106 = arith.muli %scan3A_104, %mul3A_105 : i32
        %add3A = arith.constant 0 : i32
        %add3A_107 = arith.addi %add3A, %mul3A_106 : i32
        %dma_wait3A_108 = arith.constant 0 : i32
        %dma_wait3A_109 = arith.constant 0 : i32
        %dma_wait3A_110 = tpu.memref_slice %arg12[%dma_wait3A_108, %dma_wait3A_109] : memref<5x125xi32, #tpu.memory_space<vmem>> -> memref<1x125xi32, #tpu.memory_space<vmem>>
        %dma_wait3A_111 = tpu.memref_squeeze %dma_wait3A_110 : memref<1x125xi32, #tpu.memory_space<vmem>> -> memref<125xi32, #tpu.memory_space<vmem>>
        %dma_wait3A_112 = arith.constant 0 : i32
        %dma_wait3A_113 = arith.constant 0 : i32
        %dma_wait3A_114 = tpu.memref_slice %arg2[%dma_wait3A_112, %dma_wait3A_113] : memref<10000x128xf32, #tpu.memory_space<hbm>> -> memref<10000x128xf32, #tpu.memory_space<hbm>>
        tpu.wait_indirect_dma semaphore(%arg18 : memref<!tpu.dma_semaphore, #tpu.memory_space<semaphore_mem>>) src(%dma_wait3A_114 : memref<10000x128xf32, #tpu.memory_space<hbm>>) dst(%arg16 : memref<125x128xf32, #tpu.memory_space<vmem>>)
        %dma_start3A_115 = arith.constant 0 : i32
        %dma_start3A_116 = arith.constant 0 : i32
        %dma_start3A_117 = tpu.memref_slice %arg13[%dma_start3A_115, %dma_start3A_116] : memref<5x125xi32, #tpu.memory_space<vmem>> -> memref<1x125xi32, #tpu.memory_space<vmem>>
        %dma_start3A_118 = tpu.memref_squeeze %dma_start3A_117 : memref<1x125xi32, #tpu.memory_space<vmem>> -> memref<125xi32, #tpu.memory_space<vmem>>
        %dma_start3A_119 = arith.constant 0 : i32
        %dma_start3A_120 = arith.constant 0 : i32
        %dma_start3A_121 = tpu.memref_slice %arg11[%dma_start3A_119, %dma_start3A_120] : memref<10000x128xf32, #tpu.memory_space<vmem_shared>> -> memref<10000x128xf32, #tpu.memory_space<vmem_shared>>
        tpu.enqueue_indirect_dma source(%arg16 : memref<125x128xf32, #tpu.memory_space<vmem>>) target(%dma_start3A_121 : memref<10000x128xf32, #tpu.memory_space<vmem_shared>>) offsets(%dma_start3A_118 : memref<125xi32, #tpu.memory_space<vmem>>) semaphore(%arg20 : memref<!tpu.dma_semaphore, #tpu.memory_space<semaphore_mem>>) {add = true}
        %dma_start3A_122 = arith.constant 0 : i32
        %dma_start3A_123 = arith.constant 0 : i32
        %dma_start3A_124 = tpu.memref_slice %arg26[%dma_start3A_123] : memref<128xf32, #tpu.memory_space<vmem>> -> memref<125xf32, #tpu.memory_space<vmem>>
        %dma_start3A_125 = arith.constant 0 : i32
        %dma_start3A_126 = tpu.memref_slice %arg13[%dma_start3A_122, %dma_start3A_125] : memref<5x125xi32, #tpu.memory_space<vmem>> -> memref<1x125xi32, #tpu.memory_space<vmem>>
        %dma_start3A_127 = tpu.memref_squeeze %dma_start3A_126 : memref<1x125xi32, #tpu.memory_space<vmem>> -> memref<125xi32, #tpu.memory_space<vmem>>
        %dma_start3A_128 = arith.constant 0 : i32
        %dma_start3A_129 = tpu.memref_slice %arg25[%dma_start3A_128] : memref<10000xf32, #tpu.memory_space<vmem_shared>> -> memref<10000xf32, #tpu.memory_space<vmem_shared>>
        tpu.enqueue_indirect_dma source(%dma_start3A_124 : memref<125xf32, #tpu.memory_space<vmem>>) target(%dma_start3A_129 : memref<10000xf32, #tpu.memory_space<vmem_shared>>) offsets(%dma_start3A_127 : memref<125xi32, #tpu.memory_space<vmem>>) semaphore(%arg22 : memref<!tpu.dma_semaphore, #tpu.memory_space<semaphore_mem>>) {add = true}
        %gt3A = arith.constant 0 : i32
        %gt3A_130 = arith.cmpi sgt, %add3A_107, %gt3A : i32
        %convert_element_type3A_131 = arith.extui %gt3A_130 : i1 to i32
        %cond3A_132 = arith.constant 0 : i32
        %cond3A_133 = arith.cmpi ne, %convert_element_type3A_131, %cond3A_132 : i32
        scf.if %cond3A_133 {
          %dma_wait3A_573 = arith.constant 0 : i32
          %dma_wait3A_574 = arith.constant 0 : i32
          %dma_wait3A_575 = tpu.memref_slice %arg13[%dma_wait3A_573, %dma_wait3A_574] : memref<5x125xi32, #tpu.memory_space<vmem>> -> memref<1x125xi32, #tpu.memory_space<vmem>>
          %dma_wait3A_576 = tpu.memref_squeeze %dma_wait3A_575 : memref<1x125xi32, #tpu.memory_space<vmem>> -> memref<125xi32, #tpu.memory_space<vmem>>
          %dma_wait3A_577 = arith.constant 0 : i32
          %dma_wait3A_578 = arith.constant 0 : i32
          %dma_wait3A_579 = tpu.memref_slice %arg11[%dma_wait3A_577, %dma_wait3A_578] : memref<10000x128xf32, #tpu.memory_space<vmem_shared>> -> memref<10000x128xf32, #tpu.memory_space<vmem_shared>>
          tpu.wait_indirect_dma semaphore(%arg21 : memref<!tpu.dma_semaphore, #tpu.memory_space<semaphore_mem>>) src(%arg17 : memref<125x128xf32, #tpu.memory_space<vmem>>) dst(%dma_wait3A_579 : memref<10000x128xf32, #tpu.memory_space<vmem_shared>>)
          %dma_wait3A_580 = arith.constant 0 : i32
          %dma_wait3A_581 = arith.constant 0 : i32
          %dma_wait3A_582 = tpu.memref_slice %arg26[%dma_wait3A_581] : memref<128xf32, #tpu.memory_space<vmem>> -> memref<125xf32, #tpu.memory_space<vmem>>
          %dma_wait3A_583 = arith.constant 0 : i32
          %dma_wait3A_584 = tpu.memref_slice %arg13[%dma_wait3A_580, %dma_wait3A_583] : memref<5x125xi32, #tpu.memory_space<vmem>> -> memref<1x125xi32, #tpu.memory_space<vmem>>
          %dma_wait3A_585 = tpu.memref_squeeze %dma_wait3A_584 : memref<1x125xi32, #tpu.memory_space<vmem>> -> memref<125xi32, #tpu.memory_space<vmem>>
          %dma_wait3A_586 = arith.constant 0 : i32
          %dma_wait3A_587 = tpu.memref_slice %arg25[%dma_wait3A_586] : memref<10000xf32, #tpu.memory_space<vmem_shared>> -> memref<10000xf32, #tpu.memory_space<vmem_shared>>
          tpu.wait_indirect_dma semaphore(%arg23 : memref<!tpu.dma_semaphore, #tpu.memory_space<semaphore_mem>>) src(%dma_wait3A_582 : memref<125xf32, #tpu.memory_space<vmem>>) dst(%dma_wait3A_587 : memref<10000xf32, #tpu.memory_space<vmem_shared>>)
        } else {
        }
        %dma_start3A_134 = arith.constant 1 : i32
        %dma_start3A_135 = arith.constant 0 : i32
        %dma_start3A_136 = tpu.memref_slice %arg12[%dma_start3A_134, %dma_start3A_135] : memref<5x125xi32, #tpu.memory_space<vmem>> -> memref<1x125xi32, #tpu.memory_space<vmem>>
        %dma_start3A_137 = tpu.memref_squeeze %dma_start3A_136 : memref<1x125xi32, #tpu.memory_space<vmem>> -> memref<125xi32, #tpu.memory_space<vmem>>
        %dma_start3A_138 = arith.constant 0 : i32
        %dma_start3A_139 = arith.constant 0 : i32
        %dma_start3A_140 = tpu.memref_slice %arg2[%dma_start3A_138, %dma_start3A_139] : memref<10000x128xf32, #tpu.memory_space<hbm>> -> memref<10000x128xf32, #tpu.memory_space<hbm>>
        tpu.enqueue_indirect_dma source(%dma_start3A_140 : memref<10000x128xf32, #tpu.memory_space<hbm>>) target(%arg17 : memref<125x128xf32, #tpu.memory_space<vmem>>) offsets(%dma_start3A_137 : memref<125xi32, #tpu.memory_space<vmem>>) semaphore(%arg19 : memref<!tpu.dma_semaphore, #tpu.memory_space<semaphore_mem>>)
        %dma_wait3A_141 = arith.constant 1 : i32
        %dma_wait3A_142 = arith.constant 0 : i32
        %dma_wait3A_143 = tpu.memref_slice %arg12[%dma_wait3A_141, %dma_wait3A_142] : memref<5x125xi32, #tpu.memory_space<vmem>> -> memref<1x125xi32, #tpu.memory_space<vmem>>
        %dma_wait3A_144 = tpu.memref_squeeze %dma_wait3A_143 : memref<1x125xi32, #tpu.memory_space<vmem>> -> memref<125xi32, #tpu.memory_space<vmem>>
        %dma_wait3A_145 = arith.constant 0 : i32
        %dma_wait3A_146 = arith.constant 0 : i32
        %dma_wait3A_147 = tpu.memref_slice %arg2[%dma_wait3A_145, %dma_wait3A_146] : memref<10000x128xf32, #tpu.memory_space<hbm>> -> memref<10000x128xf32, #tpu.memory_space<hbm>>
        tpu.wait_indirect_dma semaphore(%arg19 : memref<!tpu.dma_semaphore, #tpu.memory_space<semaphore_mem>>) src(%dma_wait3A_147 : memref<10000x128xf32, #tpu.memory_space<hbm>>) dst(%arg17 : memref<125x128xf32, #tpu.memory_space<vmem>>)
        %dma_start3A_148 = arith.constant 1 : i32
        %dma_start3A_149 = arith.constant 0 : i32
        %dma_start3A_150 = tpu.memref_slice %arg13[%dma_start3A_148, %dma_start3A_149] : memref<5x125xi32, #tpu.memory_space<vmem>> -> memref<1x125xi32, #tpu.memory_space<vmem>>
        %dma_start3A_151 = tpu.memref_squeeze %dma_start3A_150 : memref<1x125xi32, #tpu.memory_space<vmem>> -> memref<125xi32, #tpu.memory_space<vmem>>
        %dma_start3A_152 = arith.constant 0 : i32
        %dma_start3A_153 = arith.constant 0 : i32
        %dma_start3A_154 = tpu.memref_slice %arg11[%dma_start3A_152, %dma_start3A_153] : memref<10000x128xf32, #tpu.memory_space<vmem_shared>> -> memref<10000x128xf32, #tpu.memory_space<vmem_shared>>
        tpu.enqueue_indirect_dma source(%arg17 : memref<125x128xf32, #tpu.memory_space<vmem>>) target(%dma_start3A_154 : memref<10000x128xf32, #tpu.memory_space<vmem_shared>>) offsets(%dma_start3A_151 : memref<125xi32, #tpu.memory_space<vmem>>) semaphore(%arg21 : memref<!tpu.dma_semaphore, #tpu.memory_space<semaphore_mem>>) {add = true}
        %dma_start3A_155 = arith.constant 1 : i32
        %dma_start3A_156 = arith.constant 0 : i32
        %dma_start3A_157 = tpu.memref_slice %arg26[%dma_start3A_156] : memref<128xf32, #tpu.memory_space<vmem>> -> memref<125xf32, #tpu.memory_space<vmem>>
        %dma_start3A_158 = arith.constant 0 : i32
        %dma_start3A_159 = tpu.memref_slice %arg13[%dma_start3A_155, %dma_start3A_158] : memref<5x125xi32, #tpu.memory_space<vmem>> -> memref<1x125xi32, #tpu.memory_space<vmem>>
        %dma_start3A_160 = tpu.memref_squeeze %dma_start3A_159 : memref<1x125xi32, #tpu.memory_space<vmem>> -> memref<125xi32, #tpu.memory_space<vmem>>
        %dma_start3A_161 = arith.constant 0 : i32
        %dma_start3A_162 = tpu.memref_slice %arg25[%dma_start3A_161] : memref<10000xf32, #tpu.memory_space<vmem_shared>> -> memref<10000xf32, #tpu.memory_space<vmem_shared>>
        tpu.enqueue_indirect_dma source(%dma_start3A_157 : memref<125xf32, #tpu.memory_space<vmem>>) target(%dma_start3A_162 : memref<10000xf32, #tpu.memory_space<vmem_shared>>) offsets(%dma_start3A_160 : memref<125xi32, #tpu.memory_space<vmem>>) semaphore(%arg23 : memref<!tpu.dma_semaphore, #tpu.memory_space<semaphore_mem>>) {add = true}
        %mul3A_163 = arith.constant 2 : i32
        %mul3A_164 = arith.muli %mul3A_163, %add3A_107 : i32
        %add3A_165 = arith.constant 1 : i32
        %add3A_166 = arith.addi %mul3A_164, %add3A_165 : i32
        %dma_start3A_167 = arith.constant 0 : i32
        %dma_start3A_168 = arith.constant 0 : i32
        %dma_start3A_169 = tpu.memref_slice %arg4[%arg1, %add3A_166, %dma_start3A_167, %dma_start3A_168] : memref<16x32x5x125xi32, #tpu.memory_space<hbm>> -> memref<1x1x5x125xi32, #tpu.memory_space<hbm>>
        %dma_start3A_170 = tpu.memref_squeeze %dma_start3A_169 : memref<1x1x5x125xi32, #tpu.memory_space<hbm>> -> memref<5x125xi32, #tpu.memory_space<hbm>>
        %dma_start3A_171 = arith.constant 0 : i32
        %dma_start3A_172 = arith.constant 0 : i32
        %dma_start3A_173 = tpu.memref_slice %arg4[%arg1, %add3A_166, %dma_start3A_171, %dma_start3A_172] : memref<16x32x5x125xi32, #tpu.memory_space<hbm>> -> memref<1x1x5x125xi32, #tpu.memory_space<hbm>>
        %dma_start3A_174 = tpu.memref_squeeze %dma_start3A_173 : memref<1x1x5x125xi32, #tpu.memory_space<hbm>> -> memref<5x125xi32, #tpu.memory_space<hbm>>
        tpu.enqueue_dma source(%dma_start3A_174 : memref<5x125xi32, #tpu.memory_space<hbm>>) target(%arg14 : memref<5x125xi32, #tpu.memory_space<vmem>>) target_semaphore(%arg24 : memref<!tpu.dma_semaphore, #tpu.memory_space<semaphore_mem>>)
        %mul3A_175 = arith.constant 2 : i32
        %mul3A_176 = arith.muli %mul3A_175, %add3A_107 : i32
        %add3A_177 = arith.constant 1 : i32
        %add3A_178 = arith.addi %mul3A_176, %add3A_177 : i32
        %dma_start3A_179 = arith.constant 0 : i32
        %dma_start3A_180 = arith.constant 0 : i32
        %dma_start3A_181 = tpu.memref_slice %arg5[%arg1, %add3A_178, %dma_start3A_179, %dma_start3A_180] : memref<16x32x5x125xi32, #tpu.memory_space<hbm>> -> memref<1x1x5x125xi32, #tpu.memory_space<hbm>>
        %dma_start3A_182 = tpu.memref_squeeze %dma_start3A_181 : memref<1x1x5x125xi32, #tpu.memory_space<hbm>> -> memref<5x125xi32, #tpu.memory_space<hbm>>
        %dma_start3A_183 = arith.constant 0 : i32
        %dma_start3A_184 = arith.constant 0 : i32
        %dma_start3A_185 = tpu.memref_slice %arg5[%arg1, %add3A_178, %dma_start3A_183, %dma_start3A_184] : memref<16x32x5x125xi32, #tpu.memory_space<hbm>> -> memref<1x1x5x125xi32, #tpu.memory_space<hbm>>
        %dma_start3A_186 = tpu.memref_squeeze %dma_start3A_185 : memref<1x1x5x125xi32, #tpu.memory_space<hbm>> -> memref<5x125xi32, #tpu.memory_space<hbm>>
        tpu.enqueue_dma source(%dma_start3A_186 : memref<5x125xi32, #tpu.memory_space<hbm>>) target(%arg15 : memref<5x125xi32, #tpu.memory_space<vmem>>) target_semaphore(%arg24 : memref<!tpu.dma_semaphore, #tpu.memory_space<semaphore_mem>>)
        %dma_wait3A_187 = arith.constant 1 : i32
        %dma_wait3A_188 = arith.constant 0 : i32
        %dma_wait3A_189 = tpu.memref_slice %arg13[%dma_wait3A_187, %dma_wait3A_188] : memref<5x125xi32, #tpu.memory_space<vmem>> -> memref<1x125xi32, #tpu.memory_space<vmem>>
        %dma_wait3A_190 = tpu.memref_squeeze %dma_wait3A_189 : memref<1x125xi32, #tpu.memory_space<vmem>> -> memref<125xi32, #tpu.memory_space<vmem>>
        %dma_wait3A_191 = arith.constant 0 : i32
        %dma_wait3A_192 = arith.constant 0 : i32
        %dma_wait3A_193 = tpu.memref_slice %arg11[%dma_wait3A_191, %dma_wait3A_192] : memref<10000x128xf32, #tpu.memory_space<vmem_shared>> -> memref<10000x128xf32, #tpu.memory_space<vmem_shared>>
        tpu.wait_indirect_dma semaphore(%arg20 : memref<!tpu.dma_semaphore, #tpu.memory_space<semaphore_mem>>) src(%arg16 : memref<125x128xf32, #tpu.memory_space<vmem>>) dst(%dma_wait3A_193 : memref<10000x128xf32, #tpu.memory_space<vmem_shared>>)
        %dma_wait3A_194 = arith.constant 1 : i32
        %dma_wait3A_195 = arith.constant 0 : i32
        %dma_wait3A_196 = tpu.memref_slice %arg26[%dma_wait3A_195] : memref<128xf32, #tpu.memory_space<vmem>> -> memref<125xf32, #tpu.memory_space<vmem>>
        %dma_wait3A_197 = arith.constant 0 : i32
        %dma_wait3A_198 = tpu.memref_slice %arg13[%dma_wait3A_194, %dma_wait3A_197] : memref<5x125xi32, #tpu.memory_space<vmem>> -> memref<1x125xi32, #tpu.memory_space<vmem>>
        %dma_wait3A_199 = tpu.memref_squeeze %dma_wait3A_198 : memref<1x125xi32, #tpu.memory_space<vmem>> -> memref<125xi32, #tpu.memory_space<vmem>>
        %dma_wait3A_200 = arith.constant 0 : i32
        %dma_wait3A_201 = tpu.memref_slice %arg25[%dma_wait3A_200] : memref<10000xf32, #tpu.memory_space<vmem_shared>> -> memref<10000xf32, #tpu.memory_space<vmem_shared>>
        tpu.wait_indirect_dma semaphore(%arg22 : memref<!tpu.dma_semaphore, #tpu.memory_space<semaphore_mem>>) src(%dma_wait3A_196 : memref<125xf32, #tpu.memory_space<vmem>>) dst(%dma_wait3A_201 : memref<10000xf32, #tpu.memory_space<vmem_shared>>)
        %dma_start3A_202 = arith.constant 2 : i32
        %dma_start3A_203 = arith.constant 0 : i32
        %dma_start3A_204 = tpu.memref_slice %arg12[%dma_start3A_202, %dma_start3A_203] : memref<5x125xi32, #tpu.memory_space<vmem>> -> memref<1x125xi32, #tpu.memory_space<vmem>>
        %dma_start3A_205 = tpu.memref_squeeze %dma_start3A_204 : memref<1x125xi32, #tpu.memory_space<vmem>> -> memref<125xi32, #tpu.memory_space<vmem>>
        %dma_start3A_206 = arith.constant 0 : i32
        %dma_start3A_207 = arith.constant 0 : i32
        %dma_start3A_208 = tpu.memref_slice %arg2[%dma_start3A_206, %dma_start3A_207] : memref<10000x128xf32, #tpu.memory_space<hbm>> -> memref<10000x128xf32, #tpu.memory_space<hbm>>
        tpu.enqueue_indirect_dma source(%dma_start3A_208 : memref<10000x128xf32, #tpu.memory_space<hbm>>) target(%arg16 : memref<125x128xf32, #tpu.memory_space<vmem>>) offsets(%dma_start3A_205 : memref<125xi32, #tpu.memory_space<vmem>>) semaphore(%arg18 : memref<!tpu.dma_semaphore, #tpu.memory_space<semaphore_mem>>)
        %dma_wait3A_209 = arith.constant 2 : i32
        %dma_wait3A_210 = arith.constant 0 : i32
        %dma_wait3A_211 = tpu.memref_slice %arg12[%dma_wait3A_209, %dma_wait3A_210] : memref<5x125xi32, #tpu.memory_space<vmem>> -> memref<1x125xi32, #tpu.memory_space<vmem>>
        %dma_wait3A_212 = tpu.memref_squeeze %dma_wait3A_211 : memref<1x125xi32, #tpu.memory_space<vmem>> -> memref<125xi32, #tpu.memory_space<vmem>>
        %dma_wait3A_213 = arith.constant 0 : i32
        %dma_wait3A_214 = arith.constant 0 : i32
        %dma_wait3A_215 = tpu.memref_slice %arg2[%dma_wait3A_213, %dma_wait3A_214] : memref<10000x128xf32, #tpu.memory_space<hbm>> -> memref<10000x128xf32, #tpu.memory_space<hbm>>
        tpu.wait_indirect_dma semaphore(%arg18 : memref<!tpu.dma_semaphore, #tpu.memory_space<semaphore_mem>>) src(%dma_wait3A_215 : memref<10000x128xf32, #tpu.memory_space<hbm>>) dst(%arg16 : memref<125x128xf32, #tpu.memory_space<vmem>>)
        %dma_start3A_216 = arith.constant 2 : i32
        %dma_start3A_217 = arith.constant 0 : i32
        %dma_start3A_218 = tpu.memref_slice %arg13[%dma_start3A_216, %dma_start3A_217] : memref<5x125xi32, #tpu.memory_space<vmem>> -> memref<1x125xi32, #tpu.memory_space<vmem>>
        %dma_start3A_219 = tpu.memref_squeeze %dma_start3A_218 : memref<1x125xi32, #tpu.memory_space<vmem>> -> memref<125xi32, #tpu.memory_space<vmem>>
        %dma_start3A_220 = arith.constant 0 : i32
        %dma_start3A_221 = arith.constant 0 : i32
        %dma_start3A_222 = tpu.memref_slice %arg11[%dma_start3A_220, %dma_start3A_221] : memref<10000x128xf32, #tpu.memory_space<vmem_shared>> -> memref<10000x128xf32, #tpu.memory_space<vmem_shared>>
        tpu.enqueue_indirect_dma source(%arg16 : memref<125x128xf32, #tpu.memory_space<vmem>>) target(%dma_start3A_222 : memref<10000x128xf32, #tpu.memory_space<vmem_shared>>) offsets(%dma_start3A_219 : memref<125xi32, #tpu.memory_space<vmem>>) semaphore(%arg20 : memref<!tpu.dma_semaphore, #tpu.memory_space<semaphore_mem>>) {add = true}
        %dma_start3A_223 = arith.constant 2 : i32
        %dma_start3A_224 = arith.constant 0 : i32
        %dma_start3A_225 = tpu.memref_slice %arg26[%dma_start3A_224] : memref<128xf32, #tpu.memory_space<vmem>> -> memref<125xf32, #tpu.memory_space<vmem>>
        %dma_start3A_226 = arith.constant 0 : i32
        %dma_start3A_227 = tpu.memref_slice %arg13[%dma_start3A_223, %dma_start3A_226] : memref<5x125xi32, #tpu.memory_space<vmem>> -> memref<1x125xi32, #tpu.memory_space<vmem>>
        %dma_start3A_228 = tpu.memref_squeeze %dma_start3A_227 : memref<1x125xi32, #tpu.memory_space<vmem>> -> memref<125xi32, #tpu.memory_space<vmem>>
        %dma_start3A_229 = arith.constant 0 : i32
        %dma_start3A_230 = tpu.memref_slice %arg25[%dma_start3A_229] : memref<10000xf32, #tpu.memory_space<vmem_shared>> -> memref<10000xf32, #tpu.memory_space<vmem_shared>>
        tpu.enqueue_indirect_dma source(%dma_start3A_225 : memref<125xf32, #tpu.memory_space<vmem>>) target(%dma_start3A_230 : memref<10000xf32, #tpu.memory_space<vmem_shared>>) offsets(%dma_start3A_228 : memref<125xi32, #tpu.memory_space<vmem>>) semaphore(%arg22 : memref<!tpu.dma_semaphore, #tpu.memory_space<semaphore_mem>>) {add = true}
        %dma_wait3A_231 = arith.constant 2 : i32
        %dma_wait3A_232 = arith.constant 0 : i32
        %dma_wait3A_233 = tpu.memref_slice %arg13[%dma_wait3A_231, %dma_wait3A_232] : memref<5x125xi32, #tpu.memory_space<vmem>> -> memref<1x125xi32, #tpu.memory_space<vmem>>
        %dma_wait3A_234 = tpu.memref_squeeze %dma_wait3A_233 : memref<1x125xi32, #tpu.memory_space<vmem>> -> memref<125xi32, #tpu.memory_space<vmem>>
        %dma_wait3A_235 = arith.constant 0 : i32
        %dma_wait3A_236 = arith.constant 0 : i32
        %dma_wait3A_237 = tpu.memref_slice %arg11[%dma_wait3A_235, %dma_wait3A_236] : memref<10000x128xf32, #tpu.memory_space<vmem_shared>> -> memref<10000x128xf32, #tpu.memory_space<vmem_shared>>
        tpu.wait_indirect_dma semaphore(%arg21 : memref<!tpu.dma_semaphore, #tpu.memory_space<semaphore_mem>>) src(%arg17 : memref<125x128xf32, #tpu.memory_space<vmem>>) dst(%dma_wait3A_237 : memref<10000x128xf32, #tpu.memory_space<vmem_shared>>)
        %dma_wait3A_238 = arith.constant 2 : i32
        %dma_wait3A_239 = arith.constant 0 : i32
        %dma_wait3A_240 = tpu.memref_slice %arg26[%dma_wait3A_239] : memref<128xf32, #tpu.memory_space<vmem>> -> memref<125xf32, #tpu.memory_space<vmem>>
        %dma_wait3A_241 = arith.constant 0 : i32
        %dma_wait3A_242 = tpu.memref_slice %arg13[%dma_wait3A_238, %dma_wait3A_241] : memref<5x125xi32, #tpu.memory_space<vmem>> -> memref<1x125xi32, #tpu.memory_space<vmem>>
        %dma_wait3A_243 = tpu.memref_squeeze %dma_wait3A_242 : memref<1x125xi32, #tpu.memory_space<vmem>> -> memref<125xi32, #tpu.memory_space<vmem>>
        %dma_wait3A_244 = arith.constant 0 : i32
        %dma_wait3A_245 = tpu.memref_slice %arg25[%dma_wait3A_244] : memref<10000xf32, #tpu.memory_space<vmem_shared>> -> memref<10000xf32, #tpu.memory_space<vmem_shared>>
        tpu.wait_indirect_dma semaphore(%arg23 : memref<!tpu.dma_semaphore, #tpu.memory_space<semaphore_mem>>) src(%dma_wait3A_240 : memref<125xf32, #tpu.memory_space<vmem>>) dst(%dma_wait3A_245 : memref<10000xf32, #tpu.memory_space<vmem_shared>>)
        %dma_start3A_246 = arith.constant 3 : i32
        %dma_start3A_247 = arith.constant 0 : i32
        %dma_start3A_248 = tpu.memref_slice %arg12[%dma_start3A_246, %dma_start3A_247] : memref<5x125xi32, #tpu.memory_space<vmem>> -> memref<1x125xi32, #tpu.memory_space<vmem>>
        %dma_start3A_249 = tpu.memref_squeeze %dma_start3A_248 : memref<1x125xi32, #tpu.memory_space<vmem>> -> memref<125xi32, #tpu.memory_space<vmem>>
        %dma_start3A_250 = arith.constant 0 : i32
        %dma_start3A_251 = arith.constant 0 : i32
        %dma_start3A_252 = tpu.memref_slice %arg2[%dma_start3A_250, %dma_start3A_251] : memref<10000x128xf32, #tpu.memory_space<hbm>> -> memref<10000x128xf32, #tpu.memory_space<hbm>>
        tpu.enqueue_indirect_dma source(%dma_start3A_252 : memref<10000x128xf32, #tpu.memory_space<hbm>>) target(%arg17 : memref<125x128xf32, #tpu.memory_space<vmem>>) offsets(%dma_start3A_249 : memref<125xi32, #tpu.memory_space<vmem>>) semaphore(%arg19 : memref<!tpu.dma_semaphore, #tpu.memory_space<semaphore_mem>>)
        %dma_wait3A_253 = arith.constant 3 : i32
        %dma_wait3A_254 = arith.constant 0 : i32
        %dma_wait3A_255 = tpu.memref_slice %arg12[%dma_wait3A_253, %dma_wait3A_254] : memref<5x125xi32, #tpu.memory_space<vmem>> -> memref<1x125xi32, #tpu.memory_space<vmem>>
        %dma_wait3A_256 = tpu.memref_squeeze %dma_wait3A_255 : memref<1x125xi32, #tpu.memory_space<vmem>> -> memref<125xi32, #tpu.memory_space<vmem>>
        %dma_wait3A_257 = arith.constant 0 : i32
        %dma_wait3A_258 = arith.constant 0 : i32
        %dma_wait3A_259 = tpu.memref_slice %arg2[%dma_wait3A_257, %dma_wait3A_258] : memref<10000x128xf32, #tpu.memory_space<hbm>> -> memref<10000x128xf32, #tpu.memory_space<hbm>>
        tpu.wait_indirect_dma semaphore(%arg19 : memref<!tpu.dma_semaphore, #tpu.memory_space<semaphore_mem>>) src(%dma_wait3A_259 : memref<10000x128xf32, #tpu.memory_space<hbm>>) dst(%arg17 : memref<125x128xf32, #tpu.memory_space<vmem>>)
        %dma_start3A_260 = arith.constant 3 : i32
        %dma_start3A_261 = arith.constant 0 : i32
        %dma_start3A_262 = tpu.memref_slice %arg13[%dma_start3A_260, %dma_start3A_261] : memref<5x125xi32, #tpu.memory_space<vmem>> -> memref<1x125xi32, #tpu.memory_space<vmem>>
        %dma_start3A_263 = tpu.memref_squeeze %dma_start3A_262 : memref<1x125xi32, #tpu.memory_space<vmem>> -> memref<125xi32, #tpu.memory_space<vmem>>
        %dma_start3A_264 = arith.constant 0 : i32
        %dma_start3A_265 = arith.constant 0 : i32
        %dma_start3A_266 = tpu.memref_slice %arg11[%dma_start3A_264, %dma_start3A_265] : memref<10000x128xf32, #tpu.memory_space<vmem_shared>> -> memref<10000x128xf32, #tpu.memory_space<vmem_shared>>
        tpu.enqueue_indirect_dma source(%arg17 : memref<125x128xf32, #tpu.memory_space<vmem>>) target(%dma_start3A_266 : memref<10000x128xf32, #tpu.memory_space<vmem_shared>>) offsets(%dma_start3A_263 : memref<125xi32, #tpu.memory_space<vmem>>) semaphore(%arg21 : memref<!tpu.dma_semaphore, #tpu.memory_space<semaphore_mem>>) {add = true}
        %dma_start3A_267 = arith.constant 3 : i32
        %dma_start3A_268 = arith.constant 0 : i32
        %dma_start3A_269 = tpu.memref_slice %arg26[%dma_start3A_268] : memref<128xf32, #tpu.memory_space<vmem>> -> memref<125xf32, #tpu.memory_space<vmem>>
        %dma_start3A_270 = arith.constant 0 : i32
        %dma_start3A_271 = tpu.memref_slice %arg13[%dma_start3A_267, %dma_start3A_270] : memref<5x125xi32, #tpu.memory_space<vmem>> -> memref<1x125xi32, #tpu.memory_space<vmem>>
        %dma_start3A_272 = tpu.memref_squeeze %dma_start3A_271 : memref<1x125xi32, #tpu.memory_space<vmem>> -> memref<125xi32, #tpu.memory_space<vmem>>
        %dma_start3A_273 = arith.constant 0 : i32
        %dma_start3A_274 = tpu.memref_slice %arg25[%dma_start3A_273] : memref<10000xf32, #tpu.memory_space<vmem_shared>> -> memref<10000xf32, #tpu.memory_space<vmem_shared>>
        tpu.enqueue_indirect_dma source(%dma_start3A_269 : memref<125xf32, #tpu.memory_space<vmem>>) target(%dma_start3A_274 : memref<10000xf32, #tpu.memory_space<vmem_shared>>) offsets(%dma_start3A_272 : memref<125xi32, #tpu.memory_space<vmem>>) semaphore(%arg23 : memref<!tpu.dma_semaphore, #tpu.memory_space<semaphore_mem>>) {add = true}
        %dma_wait3A_275 = arith.constant 3 : i32
        %dma_wait3A_276 = arith.constant 0 : i32
        %dma_wait3A_277 = tpu.memref_slice %arg13[%dma_wait3A_275, %dma_wait3A_276] : memref<5x125xi32, #tpu.memory_space<vmem>> -> memref<1x125xi32, #tpu.memory_space<vmem>>
        %dma_wait3A_278 = tpu.memref_squeeze %dma_wait3A_277 : memref<1x125xi32, #tpu.memory_space<vmem>> -> memref<125xi32, #tpu.memory_space<vmem>>
        %dma_wait3A_279 = arith.constant 0 : i32
        %dma_wait3A_280 = arith.constant 0 : i32
        %dma_wait3A_281 = tpu.memref_slice %arg11[%dma_wait3A_279, %dma_wait3A_280] : memref<10000x128xf32, #tpu.memory_space<vmem_shared>> -> memref<10000x128xf32, #tpu.memory_space<vmem_shared>>
        tpu.wait_indirect_dma semaphore(%arg20 : memref<!tpu.dma_semaphore, #tpu.memory_space<semaphore_mem>>) src(%arg16 : memref<125x128xf32, #tpu.memory_space<vmem>>) dst(%dma_wait3A_281 : memref<10000x128xf32, #tpu.memory_space<vmem_shared>>)
        %dma_wait3A_282 = arith.constant 3 : i32
        %dma_wait3A_283 = arith.constant 0 : i32
        %dma_wait3A_284 = tpu.memref_slice %arg26[%dma_wait3A_283] : memref<128xf32, #tpu.memory_space<vmem>> -> memref<125xf32, #tpu.memory_space<vmem>>
        %dma_wait3A_285 = arith.constant 0 : i32
        %dma_wait3A_286 = tpu.memref_slice %arg13[%dma_wait3A_282, %dma_wait3A_285] : memref<5x125xi32, #tpu.memory_space<vmem>> -> memref<1x125xi32, #tpu.memory_space<vmem>>
        %dma_wait3A_287 = tpu.memref_squeeze %dma_wait3A_286 : memref<1x125xi32, #tpu.memory_space<vmem>> -> memref<125xi32, #tpu.memory_space<vmem>>
        %dma_wait3A_288 = arith.constant 0 : i32
        %dma_wait3A_289 = tpu.memref_slice %arg25[%dma_wait3A_288] : memref<10000xf32, #tpu.memory_space<vmem_shared>> -> memref<10000xf32, #tpu.memory_space<vmem_shared>>
        tpu.wait_indirect_dma semaphore(%arg22 : memref<!tpu.dma_semaphore, #tpu.memory_space<semaphore_mem>>) src(%dma_wait3A_284 : memref<125xf32, #tpu.memory_space<vmem>>) dst(%dma_wait3A_289 : memref<10000xf32, #tpu.memory_space<vmem_shared>>)
        %dma_start3A_290 = arith.constant 4 : i32
        %dma_start3A_291 = arith.constant 0 : i32
        %dma_start3A_292 = tpu.memref_slice %arg12[%dma_start3A_290, %dma_start3A_291] : memref<5x125xi32, #tpu.memory_space<vmem>> -> memref<1x125xi32, #tpu.memory_space<vmem>>
        %dma_start3A_293 = tpu.memref_squeeze %dma_start3A_292 : memref<1x125xi32, #tpu.memory_space<vmem>> -> memref<125xi32, #tpu.memory_space<vmem>>
        %dma_start3A_294 = arith.constant 0 : i32
        %dma_start3A_295 = arith.constant 0 : i32
        %dma_start3A_296 = tpu.memref_slice %arg2[%dma_start3A_294, %dma_start3A_295] : memref<10000x128xf32, #tpu.memory_space<hbm>> -> memref<10000x128xf32, #tpu.memory_space<hbm>>
        tpu.enqueue_indirect_dma source(%dma_start3A_296 : memref<10000x128xf32, #tpu.memory_space<hbm>>) target(%arg16 : memref<125x128xf32, #tpu.memory_space<vmem>>) offsets(%dma_start3A_293 : memref<125xi32, #tpu.memory_space<vmem>>) semaphore(%arg18 : memref<!tpu.dma_semaphore, #tpu.memory_space<semaphore_mem>>)
        %dma_wait3A_297 = arith.constant 4 : i32
        %dma_wait3A_298 = arith.constant 0 : i32
        %dma_wait3A_299 = tpu.memref_slice %arg12[%dma_wait3A_297, %dma_wait3A_298] : memref<5x125xi32, #tpu.memory_space<vmem>> -> memref<1x125xi32, #tpu.memory_space<vmem>>
        %dma_wait3A_300 = tpu.memref_squeeze %dma_wait3A_299 : memref<1x125xi32, #tpu.memory_space<vmem>> -> memref<125xi32, #tpu.memory_space<vmem>>
        %dma_wait3A_301 = arith.constant 0 : i32
        %dma_wait3A_302 = arith.constant 0 : i32
        %dma_wait3A_303 = tpu.memref_slice %arg2[%dma_wait3A_301, %dma_wait3A_302] : memref<10000x128xf32, #tpu.memory_space<hbm>> -> memref<10000x128xf32, #tpu.memory_space<hbm>>
        tpu.wait_indirect_dma semaphore(%arg18 : memref<!tpu.dma_semaphore, #tpu.memory_space<semaphore_mem>>) src(%dma_wait3A_303 : memref<10000x128xf32, #tpu.memory_space<hbm>>) dst(%arg16 : memref<125x128xf32, #tpu.memory_space<vmem>>)
        %dma_start3A_304 = arith.constant 4 : i32
        %dma_start3A_305 = arith.constant 0 : i32
        %dma_start3A_306 = tpu.memref_slice %arg13[%dma_start3A_304, %dma_start3A_305] : memref<5x125xi32, #tpu.memory_space<vmem>> -> memref<1x125xi32, #tpu.memory_space<vmem>>
        %dma_start3A_307 = tpu.memref_squeeze %dma_start3A_306 : memref<1x125xi32, #tpu.memory_space<vmem>> -> memref<125xi32, #tpu.memory_space<vmem>>
        %dma_start3A_308 = arith.constant 0 : i32
        %dma_start3A_309 = arith.constant 0 : i32
        %dma_start3A_310 = tpu.memref_slice %arg11[%dma_start3A_308, %dma_start3A_309] : memref<10000x128xf32, #tpu.memory_space<vmem_shared>> -> memref<10000x128xf32, #tpu.memory_space<vmem_shared>>
        tpu.enqueue_indirect_dma source(%arg16 : memref<125x128xf32, #tpu.memory_space<vmem>>) target(%dma_start3A_310 : memref<10000x128xf32, #tpu.memory_space<vmem_shared>>) offsets(%dma_start3A_307 : memref<125xi32, #tpu.memory_space<vmem>>) semaphore(%arg20 : memref<!tpu.dma_semaphore, #tpu.memory_space<semaphore_mem>>) {add = true}
        %dma_start3A_311 = arith.constant 4 : i32
        %dma_start3A_312 = arith.constant 0 : i32
        %dma_start3A_313 = tpu.memref_slice %arg26[%dma_start3A_312] : memref<128xf32, #tpu.memory_space<vmem>> -> memref<125xf32, #tpu.memory_space<vmem>>
        %dma_start3A_314 = arith.constant 0 : i32
        %dma_start3A_315 = tpu.memref_slice %arg13[%dma_start3A_311, %dma_start3A_314] : memref<5x125xi32, #tpu.memory_space<vmem>> -> memref<1x125xi32, #tpu.memory_space<vmem>>
        %dma_start3A_316 = tpu.memref_squeeze %dma_start3A_315 : memref<1x125xi32, #tpu.memory_space<vmem>> -> memref<125xi32, #tpu.memory_space<vmem>>
        %dma_start3A_317 = arith.constant 0 : i32
        %dma_start3A_318 = tpu.memref_slice %arg25[%dma_start3A_317] : memref<10000xf32, #tpu.memory_space<vmem_shared>> -> memref<10000xf32, #tpu.memory_space<vmem_shared>>
        tpu.enqueue_indirect_dma source(%dma_start3A_313 : memref<125xf32, #tpu.memory_space<vmem>>) target(%dma_start3A_318 : memref<10000xf32, #tpu.memory_space<vmem_shared>>) offsets(%dma_start3A_316 : memref<125xi32, #tpu.memory_space<vmem>>) semaphore(%arg22 : memref<!tpu.dma_semaphore, #tpu.memory_space<semaphore_mem>>) {add = true}
        %dma_wait3A_319 = arith.constant 4 : i32
        %dma_wait3A_320 = arith.constant 0 : i32
        %dma_wait3A_321 = tpu.memref_slice %arg13[%dma_wait3A_319, %dma_wait3A_320] : memref<5x125xi32, #tpu.memory_space<vmem>> -> memref<1x125xi32, #tpu.memory_space<vmem>>
        %dma_wait3A_322 = tpu.memref_squeeze %dma_wait3A_321 : memref<1x125xi32, #tpu.memory_space<vmem>> -> memref<125xi32, #tpu.memory_space<vmem>>
        %dma_wait3A_323 = arith.constant 0 : i32
        %dma_wait3A_324 = arith.constant 0 : i32
        %dma_wait3A_325 = tpu.memref_slice %arg11[%dma_wait3A_323, %dma_wait3A_324] : memref<10000x128xf32, #tpu.memory_space<vmem_shared>> -> memref<10000x128xf32, #tpu.memory_space<vmem_shared>>
        tpu.wait_indirect_dma semaphore(%arg21 : memref<!tpu.dma_semaphore, #tpu.memory_space<semaphore_mem>>) src(%arg17 : memref<125x128xf32, #tpu.memory_space<vmem>>) dst(%dma_wait3A_325 : memref<10000x128xf32, #tpu.memory_space<vmem_shared>>)
        %dma_wait3A_326 = arith.constant 4 : i32
        %dma_wait3A_327 = arith.constant 0 : i32
        %dma_wait3A_328 = tpu.memref_slice %arg26[%dma_wait3A_327] : memref<128xf32, #tpu.memory_space<vmem>> -> memref<125xf32, #tpu.memory_space<vmem>>
        %dma_wait3A_329 = arith.constant 0 : i32
        %dma_wait3A_330 = tpu.memref_slice %arg13[%dma_wait3A_326, %dma_wait3A_329] : memref<5x125xi32, #tpu.memory_space<vmem>> -> memref<1x125xi32, #tpu.memory_space<vmem>>
        %dma_wait3A_331 = tpu.memref_squeeze %dma_wait3A_330 : memref<1x125xi32, #tpu.memory_space<vmem>> -> memref<125xi32, #tpu.memory_space<vmem>>
        %dma_wait3A_332 = arith.constant 0 : i32
        %dma_wait3A_333 = tpu.memref_slice %arg25[%dma_wait3A_332] : memref<10000xf32, #tpu.memory_space<vmem_shared>> -> memref<10000xf32, #tpu.memory_space<vmem_shared>>
        tpu.wait_indirect_dma semaphore(%arg23 : memref<!tpu.dma_semaphore, #tpu.memory_space<semaphore_mem>>) src(%dma_wait3A_328 : memref<125xf32, #tpu.memory_space<vmem>>) dst(%dma_wait3A_333 : memref<10000xf32, #tpu.memory_space<vmem_shared>>)
        %mul3A_334 = arith.constant 2 : i32
        %mul3A_335 = arith.muli %mul3A_334, %add3A_107 : i32
        %add3A_336 = arith.constant 1 : i32
        %add3A_337 = arith.addi %mul3A_335, %add3A_336 : i32
        %dma_wait3A_338 = arith.constant 0 : i32
        %dma_wait3A_339 = arith.constant 0 : i32
        %dma_wait3A_340 = tpu.memref_slice %arg4[%arg1, %add3A_337, %dma_wait3A_338, %dma_wait3A_339] : memref<16x32x5x125xi32, #tpu.memory_space<hbm>> -> memref<1x1x5x125xi32, #tpu.memory_space<hbm>>
        %dma_wait3A_341 = tpu.memref_squeeze %dma_wait3A_340 : memref<1x1x5x125xi32, #tpu.memory_space<hbm>> -> memref<5x125xi32, #tpu.memory_space<hbm>>
        %dma_wait3A_342 = arith.constant 0 : i32
        %dma_wait3A_343 = arith.constant 0 : i32
        %dma_wait3A_344 = tpu.memref_slice %arg4[%arg1, %add3A_337, %dma_wait3A_342, %dma_wait3A_343] : memref<16x32x5x125xi32, #tpu.memory_space<hbm>> -> memref<1x1x5x125xi32, #tpu.memory_space<hbm>>
        %dma_wait3A_345 = tpu.memref_squeeze %dma_wait3A_344 : memref<1x1x5x125xi32, #tpu.memory_space<hbm>> -> memref<5x125xi32, #tpu.memory_space<hbm>>
        tpu.wait_dma2 semaphore(%arg24 : memref<!tpu.dma_semaphore, #tpu.memory_space<semaphore_mem>>) src(%dma_wait3A_345 : memref<5x125xi32, #tpu.memory_space<hbm>>) dst(%arg14 : memref<5x125xi32, #tpu.memory_space<vmem>>)
        %mul3A_346 = arith.constant 2 : i32
        %mul3A_347 = arith.muli %mul3A_346, %add3A_107 : i32
        %add3A_348 = arith.constant 1 : i32
        %add3A_349 = arith.addi %mul3A_347, %add3A_348 : i32
        %dma_wait3A_350 = arith.constant 0 : i32
        %dma_wait3A_351 = arith.constant 0 : i32
        %dma_wait3A_352 = tpu.memref_slice %arg5[%arg1, %add3A_349, %dma_wait3A_350, %dma_wait3A_351] : memref<16x32x5x125xi32, #tpu.memory_space<hbm>> -> memref<1x1x5x125xi32, #tpu.memory_space<hbm>>
        %dma_wait3A_353 = tpu.memref_squeeze %dma_wait3A_352 : memref<1x1x5x125xi32, #tpu.memory_space<hbm>> -> memref<5x125xi32, #tpu.memory_space<hbm>>
        %dma_wait3A_354 = arith.constant 0 : i32
        %dma_wait3A_355 = arith.constant 0 : i32
        %dma_wait3A_356 = tpu.memref_slice %arg5[%arg1, %add3A_349, %dma_wait3A_354, %dma_wait3A_355] : memref<16x32x5x125xi32, #tpu.memory_space<hbm>> -> memref<1x1x5x125xi32, #tpu.memory_space<hbm>>
        %dma_wait3A_357 = tpu.memref_squeeze %dma_wait3A_356 : memref<1x1x5x125xi32, #tpu.memory_space<hbm>> -> memref<5x125xi32, #tpu.memory_space<hbm>>
        tpu.wait_dma2 semaphore(%arg24 : memref<!tpu.dma_semaphore, #tpu.memory_space<semaphore_mem>>) src(%dma_wait3A_357 : memref<5x125xi32, #tpu.memory_space<hbm>>) dst(%arg15 : memref<5x125xi32, #tpu.memory_space<vmem>>)
        %dma_start3A_358 = arith.constant 0 : i32
        %dma_start3A_359 = arith.constant 0 : i32
        %dma_start3A_360 = tpu.memref_slice %arg14[%dma_start3A_358, %dma_start3A_359] : memref<5x125xi32, #tpu.memory_space<vmem>> -> memref<1x125xi32, #tpu.memory_space<vmem>>
        %dma_start3A_361 = tpu.memref_squeeze %dma_start3A_360 : memref<1x125xi32, #tpu.memory_space<vmem>> -> memref<125xi32, #tpu.memory_space<vmem>>
        %dma_start3A_362 = arith.constant 0 : i32
        %dma_start3A_363 = arith.constant 0 : i32
        %dma_start3A_364 = tpu.memref_slice %arg2[%dma_start3A_362, %dma_start3A_363] : memref<10000x128xf32, #tpu.memory_space<hbm>> -> memref<10000x128xf32, #tpu.memory_space<hbm>>
        tpu.enqueue_indirect_dma source(%dma_start3A_364 : memref<10000x128xf32, #tpu.memory_space<hbm>>) target(%arg17 : memref<125x128xf32, #tpu.memory_space<vmem>>) offsets(%dma_start3A_361 : memref<125xi32, #tpu.memory_space<vmem>>) semaphore(%arg19 : memref<!tpu.dma_semaphore, #tpu.memory_space<semaphore_mem>>)
        %dma_wait3A_365 = arith.constant 0 : i32
        %dma_wait3A_366 = arith.constant 0 : i32
        %dma_wait3A_367 = tpu.memref_slice %arg14[%dma_wait3A_365, %dma_wait3A_366] : memref<5x125xi32, #tpu.memory_space<vmem>> -> memref<1x125xi32, #tpu.memory_space<vmem>>
        %dma_wait3A_368 = tpu.memref_squeeze %dma_wait3A_367 : memref<1x125xi32, #tpu.memory_space<vmem>> -> memref<125xi32, #tpu.memory_space<vmem>>
        %dma_wait3A_369 = arith.constant 0 : i32
        %dma_wait3A_370 = arith.constant 0 : i32
        %dma_wait3A_371 = tpu.memref_slice %arg2[%dma_wait3A_369, %dma_wait3A_370] : memref<10000x128xf32, #tpu.memory_space<hbm>> -> memref<10000x128xf32, #tpu.memory_space<hbm>>
        tpu.wait_indirect_dma semaphore(%arg19 : memref<!tpu.dma_semaphore, #tpu.memory_space<semaphore_mem>>) src(%dma_wait3A_371 : memref<10000x128xf32, #tpu.memory_space<hbm>>) dst(%arg17 : memref<125x128xf32, #tpu.memory_space<vmem>>)
        %dma_start3A_372 = arith.constant 0 : i32
        %dma_start3A_373 = arith.constant 0 : i32
        %dma_start3A_374 = tpu.memref_slice %arg15[%dma_start3A_372, %dma_start3A_373] : memref<5x125xi32, #tpu.memory_space<vmem>> -> memref<1x125xi32, #tpu.memory_space<vmem>>
        %dma_start3A_375 = tpu.memref_squeeze %dma_start3A_374 : memref<1x125xi32, #tpu.memory_space<vmem>> -> memref<125xi32, #tpu.memory_space<vmem>>
        %dma_start3A_376 = arith.constant 0 : i32
        %dma_start3A_377 = arith.constant 0 : i32
        %dma_start3A_378 = tpu.memref_slice %arg11[%dma_start3A_376, %dma_start3A_377] : memref<10000x128xf32, #tpu.memory_space<vmem_shared>> -> memref<10000x128xf32, #tpu.memory_space<vmem_shared>>
        tpu.enqueue_indirect_dma source(%arg17 : memref<125x128xf32, #tpu.memory_space<vmem>>) target(%dma_start3A_378 : memref<10000x128xf32, #tpu.memory_space<vmem_shared>>) offsets(%dma_start3A_375 : memref<125xi32, #tpu.memory_space<vmem>>) semaphore(%arg21 : memref<!tpu.dma_semaphore, #tpu.memory_space<semaphore_mem>>) {add = true}
        %dma_start3A_379 = arith.constant 0 : i32
        %dma_start3A_380 = arith.constant 0 : i32
        %dma_start3A_381 = tpu.memref_slice %arg26[%dma_start3A_380] : memref<128xf32, #tpu.memory_space<vmem>> -> memref<125xf32, #tpu.memory_space<vmem>>
        %dma_start3A_382 = arith.constant 0 : i32
        %dma_start3A_383 = tpu.memref_slice %arg15[%dma_start3A_379, %dma_start3A_382] : memref<5x125xi32, #tpu.memory_space<vmem>> -> memref<1x125xi32, #tpu.memory_space<vmem>>
        %dma_start3A_384 = tpu.memref_squeeze %dma_start3A_383 : memref<1x125xi32, #tpu.memory_space<vmem>> -> memref<125xi32, #tpu.memory_space<vmem>>
        %dma_start3A_385 = arith.constant 0 : i32
        %dma_start3A_386 = tpu.memref_slice %arg25[%dma_start3A_385] : memref<10000xf32, #tpu.memory_space<vmem_shared>> -> memref<10000xf32, #tpu.memory_space<vmem_shared>>
        tpu.enqueue_indirect_dma source(%dma_start3A_381 : memref<125xf32, #tpu.memory_space<vmem>>) target(%dma_start3A_386 : memref<10000xf32, #tpu.memory_space<vmem_shared>>) offsets(%dma_start3A_384 : memref<125xi32, #tpu.memory_space<vmem>>) semaphore(%arg23 : memref<!tpu.dma_semaphore, #tpu.memory_space<semaphore_mem>>) {add = true}
        %dma_wait3A_387 = arith.constant 0 : i32
        %dma_wait3A_388 = arith.constant 0 : i32
        %dma_wait3A_389 = tpu.memref_slice %arg15[%dma_wait3A_387, %dma_wait3A_388] : memref<5x125xi32, #tpu.memory_space<vmem>> -> memref<1x125xi32, #tpu.memory_space<vmem>>
        %dma_wait3A_390 = tpu.memref_squeeze %dma_wait3A_389 : memref<1x125xi32, #tpu.memory_space<vmem>> -> memref<125xi32, #tpu.memory_space<vmem>>
        %dma_wait3A_391 = arith.constant 0 : i32
        %dma_wait3A_392 = arith.constant 0 : i32
        %dma_wait3A_393 = tpu.memref_slice %arg11[%dma_wait3A_391, %dma_wait3A_392] : memref<10000x128xf32, #tpu.memory_space<vmem_shared>> -> memref<10000x128xf32, #tpu.memory_space<vmem_shared>>
        tpu.wait_indirect_dma semaphore(%arg20 : memref<!tpu.dma_semaphore, #tpu.memory_space<semaphore_mem>>) src(%arg16 : memref<125x128xf32, #tpu.memory_space<vmem>>) dst(%dma_wait3A_393 : memref<10000x128xf32, #tpu.memory_space<vmem_shared>>)
        %dma_wait3A_394 = arith.constant 0 : i32
        %dma_wait3A_395 = arith.constant 0 : i32
        %dma_wait3A_396 = tpu.memref_slice %arg26[%dma_wait3A_395] : memref<128xf32, #tpu.memory_space<vmem>> -> memref<125xf32, #tpu.memory_space<vmem>>
        %dma_wait3A_397 = arith.constant 0 : i32
        %dma_wait3A_398 = tpu.memref_slice %arg15[%dma_wait3A_394, %dma_wait3A_397] : memref<5x125xi32, #tpu.memory_space<vmem>> -> memref<1x125xi32, #tpu.memory_space<vmem>>
        %dma_wait3A_399 = tpu.memref_squeeze %dma_wait3A_398 : memref<1x125xi32, #tpu.memory_space<vmem>> -> memref<125xi32, #tpu.memory_space<vmem>>
        %dma_wait3A_400 = arith.constant 0 : i32
        %dma_wait3A_401 = tpu.memref_slice %arg25[%dma_wait3A_400] : memref<10000xf32, #tpu.memory_space<vmem_shared>> -> memref<10000xf32, #tpu.memory_space<vmem_shared>>
        tpu.wait_indirect_dma semaphore(%arg22 : memref<!tpu.dma_semaphore, #tpu.memory_space<semaphore_mem>>) src(%dma_wait3A_396 : memref<125xf32, #tpu.memory_space<vmem>>) dst(%dma_wait3A_401 : memref<10000xf32, #tpu.memory_space<vmem_shared>>)
        %dma_start3A_402 = arith.constant 1 : i32
        %dma_start3A_403 = arith.constant 0 : i32
        %dma_start3A_404 = tpu.memref_slice %arg14[%dma_start3A_402, %dma_start3A_403] : memref<5x125xi32, #tpu.memory_space<vmem>> -> memref<1x125xi32, #tpu.memory_space<vmem>>
        %dma_start3A_405 = tpu.memref_squeeze %dma_start3A_404 : memref<1x125xi32, #tpu.memory_space<vmem>> -> memref<125xi32, #tpu.memory_space<vmem>>
        %dma_start3A_406 = arith.constant 0 : i32
        %dma_start3A_407 = arith.constant 0 : i32
        %dma_start3A_408 = tpu.memref_slice %arg2[%dma_start3A_406, %dma_start3A_407] : memref<10000x128xf32, #tpu.memory_space<hbm>> -> memref<10000x128xf32, #tpu.memory_space<hbm>>
        tpu.enqueue_indirect_dma source(%dma_start3A_408 : memref<10000x128xf32, #tpu.memory_space<hbm>>) target(%arg16 : memref<125x128xf32, #tpu.memory_space<vmem>>) offsets(%dma_start3A_405 : memref<125xi32, #tpu.memory_space<vmem>>) semaphore(%arg18 : memref<!tpu.dma_semaphore, #tpu.memory_space<semaphore_mem>>)
        %dma_wait3A_409 = arith.constant 1 : i32
        %dma_wait3A_410 = arith.constant 0 : i32
        %dma_wait3A_411 = tpu.memref_slice %arg14[%dma_wait3A_409, %dma_wait3A_410] : memref<5x125xi32, #tpu.memory_space<vmem>> -> memref<1x125xi32, #tpu.memory_space<vmem>>
        %dma_wait3A_412 = tpu.memref_squeeze %dma_wait3A_411 : memref<1x125xi32, #tpu.memory_space<vmem>> -> memref<125xi32, #tpu.memory_space<vmem>>
        %dma_wait3A_413 = arith.constant 0 : i32
        %dma_wait3A_414 = arith.constant 0 : i32
        %dma_wait3A_415 = tpu.memref_slice %arg2[%dma_wait3A_413, %dma_wait3A_414] : memref<10000x128xf32, #tpu.memory_space<hbm>> -> memref<10000x128xf32, #tpu.memory_space<hbm>>
        tpu.wait_indirect_dma semaphore(%arg18 : memref<!tpu.dma_semaphore, #tpu.memory_space<semaphore_mem>>) src(%dma_wait3A_415 : memref<10000x128xf32, #tpu.memory_space<hbm>>) dst(%arg16 : memref<125x128xf32, #tpu.memory_space<vmem>>)
        %dma_start3A_416 = arith.constant 1 : i32
        %dma_start3A_417 = arith.constant 0 : i32
        %dma_start3A_418 = tpu.memref_slice %arg15[%dma_start3A_416, %dma_start3A_417] : memref<5x125xi32, #tpu.memory_space<vmem>> -> memref<1x125xi32, #tpu.memory_space<vmem>>
        %dma_start3A_419 = tpu.memref_squeeze %dma_start3A_418 : memref<1x125xi32, #tpu.memory_space<vmem>> -> memref<125xi32, #tpu.memory_space<vmem>>
        %dma_start3A_420 = arith.constant 0 : i32
        %dma_start3A_421 = arith.constant 0 : i32
        %dma_start3A_422 = tpu.memref_slice %arg11[%dma_start3A_420, %dma_start3A_421] : memref<10000x128xf32, #tpu.memory_space<vmem_shared>> -> memref<10000x128xf32, #tpu.memory_space<vmem_shared>>
        tpu.enqueue_indirect_dma source(%arg16 : memref<125x128xf32, #tpu.memory_space<vmem>>) target(%dma_start3A_422 : memref<10000x128xf32, #tpu.memory_space<vmem_shared>>) offsets(%dma_start3A_419 : memref<125xi32, #tpu.memory_space<vmem>>) semaphore(%arg20 : memref<!tpu.dma_semaphore, #tpu.memory_space<semaphore_mem>>) {add = true}
        %dma_start3A_423 = arith.constant 1 : i32
        %dma_start3A_424 = arith.constant 0 : i32
        %dma_start3A_425 = tpu.memref_slice %arg26[%dma_start3A_424] : memref<128xf32, #tpu.memory_space<vmem>> -> memref<125xf32, #tpu.memory_space<vmem>>
        %dma_start3A_426 = arith.constant 0 : i32
        %dma_start3A_427 = tpu.memref_slice %arg15[%dma_start3A_423, %dma_start3A_426] : memref<5x125xi32, #tpu.memory_space<vmem>> -> memref<1x125xi32, #tpu.memory_space<vmem>>
        %dma_start3A_428 = tpu.memref_squeeze %dma_start3A_427 : memref<1x125xi32, #tpu.memory_space<vmem>> -> memref<125xi32, #tpu.memory_space<vmem>>
        %dma_start3A_429 = arith.constant 0 : i32
        %dma_start3A_430 = tpu.memref_slice %arg25[%dma_start3A_429] : memref<10000xf32, #tpu.memory_space<vmem_shared>> -> memref<10000xf32, #tpu.memory_space<vmem_shared>>
        tpu.enqueue_indirect_dma source(%dma_start3A_425 : memref<125xf32, #tpu.memory_space<vmem>>) target(%dma_start3A_430 : memref<10000xf32, #tpu.memory_space<vmem_shared>>) offsets(%dma_start3A_428 : memref<125xi32, #tpu.memory_space<vmem>>) semaphore(%arg22 : memref<!tpu.dma_semaphore, #tpu.memory_space<semaphore_mem>>) {add = true}
        %lt3A_431 = arith.constant 15 : i32
        %lt3A_432 = arith.cmpi slt, %add3A_107, %lt3A_431 : i32
        %convert_element_type3A_433 = arith.extui %lt3A_432 : i1 to i32
        %cond3A_434 = arith.constant 0 : i32
        %cond3A_435 = arith.cmpi ne, %convert_element_type3A_433, %cond3A_434 : i32
        scf.if %cond3A_435 {
          %mul3A_573 = arith.constant 2 : i32
          %mul3A_574 = arith.muli %mul3A_573, %add3A_107 : i32
          %add3A_575 = arith.constant 2 : i32
          %add3A_576 = arith.addi %mul3A_574, %add3A_575 : i32
          %dma_start3A_577 = arith.constant 0 : i32
          %dma_start3A_578 = arith.constant 0 : i32
          %dma_start3A_579 = tpu.memref_slice %arg4[%arg1, %add3A_576, %dma_start3A_577, %dma_start3A_578] : memref<16x32x5x125xi32, #tpu.memory_space<hbm>> -> memref<1x1x5x125xi32, #tpu.memory_space<hbm>>
          %dma_start3A_580 = tpu.memref_squeeze %dma_start3A_579 : memref<1x1x5x125xi32, #tpu.memory_space<hbm>> -> memref<5x125xi32, #tpu.memory_space<hbm>>
          %dma_start3A_581 = arith.constant 0 : i32
          %dma_start3A_582 = arith.constant 0 : i32
          %dma_start3A_583 = tpu.memref_slice %arg4[%arg1, %add3A_576, %dma_start3A_581, %dma_start3A_582] : memref<16x32x5x125xi32, #tpu.memory_space<hbm>> -> memref<1x1x5x125xi32, #tpu.memory_space<hbm>>
          %dma_start3A_584 = tpu.memref_squeeze %dma_start3A_583 : memref<1x1x5x125xi32, #tpu.memory_space<hbm>> -> memref<5x125xi32, #tpu.memory_space<hbm>>
          tpu.enqueue_dma source(%dma_start3A_584 : memref<5x125xi32, #tpu.memory_space<hbm>>) target(%arg12 : memref<5x125xi32, #tpu.memory_space<vmem>>) target_semaphore(%arg24 : memref<!tpu.dma_semaphore, #tpu.memory_space<semaphore_mem>>)
          %mul3A_585 = arith.constant 2 : i32
          %mul3A_586 = arith.muli %mul3A_585, %add3A_107 : i32
          %add3A_587 = arith.constant 2 : i32
          %add3A_588 = arith.addi %mul3A_586, %add3A_587 : i32
          %dma_start3A_589 = arith.constant 0 : i32
          %dma_start3A_590 = arith.constant 0 : i32
          %dma_start3A_591 = tpu.memref_slice %arg5[%arg1, %add3A_588, %dma_start3A_589, %dma_start3A_590] : memref<16x32x5x125xi32, #tpu.memory_space<hbm>> -> memref<1x1x5x125xi32, #tpu.memory_space<hbm>>
          %dma_start3A_592 = tpu.memref_squeeze %dma_start3A_591 : memref<1x1x5x125xi32, #tpu.memory_space<hbm>> -> memref<5x125xi32, #tpu.memory_space<hbm>>
          %dma_start3A_593 = arith.constant 0 : i32
          %dma_start3A_594 = arith.constant 0 : i32
          %dma_start3A_595 = tpu.memref_slice %arg5[%arg1, %add3A_588, %dma_start3A_593, %dma_start3A_594] : memref<16x32x5x125xi32, #tpu.memory_space<hbm>> -> memref<1x1x5x125xi32, #tpu.memory_space<hbm>>
          %dma_start3A_596 = tpu.memref_squeeze %dma_start3A_595 : memref<1x1x5x125xi32, #tpu.memory_space<hbm>> -> memref<5x125xi32, #tpu.memory_space<hbm>>
          tpu.enqueue_dma source(%dma_start3A_596 : memref<5x125xi32, #tpu.memory_space<hbm>>) target(%arg13 : memref<5x125xi32, #tpu.memory_space<vmem>>) target_semaphore(%arg24 : memref<!tpu.dma_semaphore, #tpu.memory_space<semaphore_mem>>)
        } else {
        }
        %dma_wait3A_436 = arith.constant 1 : i32
        %dma_wait3A_437 = arith.constant 0 : i32
        %dma_wait3A_438 = tpu.memref_slice %arg15[%dma_wait3A_436, %dma_wait3A_437] : memref<5x125xi32, #tpu.memory_space<vmem>> -> memref<1x125xi32, #tpu.memory_space<vmem>>
        %dma_wait3A_439 = tpu.memref_squeeze %dma_wait3A_438 : memref<1x125xi32, #tpu.memory_space<vmem>> -> memref<125xi32, #tpu.memory_space<vmem>>
        %dma_wait3A_440 = arith.constant 0 : i32
        %dma_wait3A_441 = arith.constant 0 : i32
        %dma_wait3A_442 = tpu.memref_slice %arg11[%dma_wait3A_440, %dma_wait3A_441] : memref<10000x128xf32, #tpu.memory_space<vmem_shared>> -> memref<10000x128xf32, #tpu.memory_space<vmem_shared>>
        tpu.wait_indirect_dma semaphore(%arg21 : memref<!tpu.dma_semaphore, #tpu.memory_space<semaphore_mem>>) src(%arg17 : memref<125x128xf32, #tpu.memory_space<vmem>>) dst(%dma_wait3A_442 : memref<10000x128xf32, #tpu.memory_space<vmem_shared>>)
        %dma_wait3A_443 = arith.constant 1 : i32
        %dma_wait3A_444 = arith.constant 0 : i32
        %dma_wait3A_445 = tpu.memref_slice %arg26[%dma_wait3A_444] : memref<128xf32, #tpu.memory_space<vmem>> -> memref<125xf32, #tpu.memory_space<vmem>>
        %dma_wait3A_446 = arith.constant 0 : i32
        %dma_wait3A_447 = tpu.memref_slice %arg15[%dma_wait3A_443, %dma_wait3A_446] : memref<5x125xi32, #tpu.memory_space<vmem>> -> memref<1x125xi32, #tpu.memory_space<vmem>>
        %dma_wait3A_448 = tpu.memref_squeeze %dma_wait3A_447 : memref<1x125xi32, #tpu.memory_space<vmem>> -> memref<125xi32, #tpu.memory_space<vmem>>
        %dma_wait3A_449 = arith.constant 0 : i32
        %dma_wait3A_450 = tpu.memref_slice %arg25[%dma_wait3A_449] : memref<10000xf32, #tpu.memory_space<vmem_shared>> -> memref<10000xf32, #tpu.memory_space<vmem_shared>>
        tpu.wait_indirect_dma semaphore(%arg23 : memref<!tpu.dma_semaphore, #tpu.memory_space<semaphore_mem>>) src(%dma_wait3A_445 : memref<125xf32, #tpu.memory_space<vmem>>) dst(%dma_wait3A_450 : memref<10000xf32, #tpu.memory_space<vmem_shared>>)
        %dma_start3A_451 = arith.constant 2 : i32
        %dma_start3A_452 = arith.constant 0 : i32
        %dma_start3A_453 = tpu.memref_slice %arg14[%dma_start3A_451, %dma_start3A_452] : memref<5x125xi32, #tpu.memory_space<vmem>> -> memref<1x125xi32, #tpu.memory_space<vmem>>
        %dma_start3A_454 = tpu.memref_squeeze %dma_start3A_453 : memref<1x125xi32, #tpu.memory_space<vmem>> -> memref<125xi32, #tpu.memory_space<vmem>>
        %dma_start3A_455 = arith.constant 0 : i32
        %dma_start3A_456 = arith.constant 0 : i32
        %dma_start3A_457 = tpu.memref_slice %arg2[%dma_start3A_455, %dma_start3A_456] : memref<10000x128xf32, #tpu.memory_space<hbm>> -> memref<10000x128xf32, #tpu.memory_space<hbm>>
        tpu.enqueue_indirect_dma source(%dma_start3A_457 : memref<10000x128xf32, #tpu.memory_space<hbm>>) target(%arg17 : memref<125x128xf32, #tpu.memory_space<vmem>>) offsets(%dma_start3A_454 : memref<125xi32, #tpu.memory_space<vmem>>) semaphore(%arg19 : memref<!tpu.dma_semaphore, #tpu.memory_space<semaphore_mem>>)
        %dma_wait3A_458 = arith.constant 2 : i32
        %dma_wait3A_459 = arith.constant 0 : i32
        %dma_wait3A_460 = tpu.memref_slice %arg14[%dma_wait3A_458, %dma_wait3A_459] : memref<5x125xi32, #tpu.memory_space<vmem>> -> memref<1x125xi32, #tpu.memory_space<vmem>>
        %dma_wait3A_461 = tpu.memref_squeeze %dma_wait3A_460 : memref<1x125xi32, #tpu.memory_space<vmem>> -> memref<125xi32, #tpu.memory_space<vmem>>
        %dma_wait3A_462 = arith.constant 0 : i32
        %dma_wait3A_463 = arith.constant 0 : i32
        %dma_wait3A_464 = tpu.memref_slice %arg2[%dma_wait3A_462, %dma_wait3A_463] : memref<10000x128xf32, #tpu.memory_space<hbm>> -> memref<10000x128xf32, #tpu.memory_space<hbm>>
        tpu.wait_indirect_dma semaphore(%arg19 : memref<!tpu.dma_semaphore, #tpu.memory_space<semaphore_mem>>) src(%dma_wait3A_464 : memref<10000x128xf32, #tpu.memory_space<hbm>>) dst(%arg17 : memref<125x128xf32, #tpu.memory_space<vmem>>)
        %dma_start3A_465 = arith.constant 2 : i32
        %dma_start3A_466 = arith.constant 0 : i32
        %dma_start3A_467 = tpu.memref_slice %arg15[%dma_start3A_465, %dma_start3A_466] : memref<5x125xi32, #tpu.memory_space<vmem>> -> memref<1x125xi32, #tpu.memory_space<vmem>>
        %dma_start3A_468 = tpu.memref_squeeze %dma_start3A_467 : memref<1x125xi32, #tpu.memory_space<vmem>> -> memref<125xi32, #tpu.memory_space<vmem>>
        %dma_start3A_469 = arith.constant 0 : i32
        %dma_start3A_470 = arith.constant 0 : i32
        %dma_start3A_471 = tpu.memref_slice %arg11[%dma_start3A_469, %dma_start3A_470] : memref<10000x128xf32, #tpu.memory_space<vmem_shared>> -> memref<10000x128xf32, #tpu.memory_space<vmem_shared>>
        tpu.enqueue_indirect_dma source(%arg17 : memref<125x128xf32, #tpu.memory_space<vmem>>) target(%dma_start3A_471 : memref<10000x128xf32, #tpu.memory_space<vmem_shared>>) offsets(%dma_start3A_468 : memref<125xi32, #tpu.memory_space<vmem>>) semaphore(%arg21 : memref<!tpu.dma_semaphore, #tpu.memory_space<semaphore_mem>>) {add = true}
        %dma_start3A_472 = arith.constant 2 : i32
        %dma_start3A_473 = arith.constant 0 : i32
        %dma_start3A_474 = tpu.memref_slice %arg26[%dma_start3A_473] : memref<128xf32, #tpu.memory_space<vmem>> -> memref<125xf32, #tpu.memory_space<vmem>>
        %dma_start3A_475 = arith.constant 0 : i32
        %dma_start3A_476 = tpu.memref_slice %arg15[%dma_start3A_472, %dma_start3A_475] : memref<5x125xi32, #tpu.memory_space<vmem>> -> memref<1x125xi32, #tpu.memory_space<vmem>>
        %dma_start3A_477 = tpu.memref_squeeze %dma_start3A_476 : memref<1x125xi32, #tpu.memory_space<vmem>> -> memref<125xi32, #tpu.memory_space<vmem>>
        %dma_start3A_478 = arith.constant 0 : i32
        %dma_start3A_479 = tpu.memref_slice %arg25[%dma_start3A_478] : memref<10000xf32, #tpu.memory_space<vmem_shared>> -> memref<10000xf32, #tpu.memory_space<vmem_shared>>
        tpu.enqueue_indirect_dma source(%dma_start3A_474 : memref<125xf32, #tpu.memory_space<vmem>>) target(%dma_start3A_479 : memref<10000xf32, #tpu.memory_space<vmem_shared>>) offsets(%dma_start3A_477 : memref<125xi32, #tpu.memory_space<vmem>>) semaphore(%arg23 : memref<!tpu.dma_semaphore, #tpu.memory_space<semaphore_mem>>) {add = true}
        %dma_wait3A_480 = arith.constant 2 : i32
        %dma_wait3A_481 = arith.constant 0 : i32
        %dma_wait3A_482 = tpu.memref_slice %arg15[%dma_wait3A_480, %dma_wait3A_481] : memref<5x125xi32, #tpu.memory_space<vmem>> -> memref<1x125xi32, #tpu.memory_space<vmem>>
        %dma_wait3A_483 = tpu.memref_squeeze %dma_wait3A_482 : memref<1x125xi32, #tpu.memory_space<vmem>> -> memref<125xi32, #tpu.memory_space<vmem>>
        %dma_wait3A_484 = arith.constant 0 : i32
        %dma_wait3A_485 = arith.constant 0 : i32
        %dma_wait3A_486 = tpu.memref_slice %arg11[%dma_wait3A_484, %dma_wait3A_485] : memref<10000x128xf32, #tpu.memory_space<vmem_shared>> -> memref<10000x128xf32, #tpu.memory_space<vmem_shared>>
        tpu.wait_indirect_dma semaphore(%arg20 : memref<!tpu.dma_semaphore, #tpu.memory_space<semaphore_mem>>) src(%arg16 : memref<125x128xf32, #tpu.memory_space<vmem>>) dst(%dma_wait3A_486 : memref<10000x128xf32, #tpu.memory_space<vmem_shared>>)
        %dma_wait3A_487 = arith.constant 2 : i32
        %dma_wait3A_488 = arith.constant 0 : i32
        %dma_wait3A_489 = tpu.memref_slice %arg26[%dma_wait3A_488] : memref<128xf32, #tpu.memory_space<vmem>> -> memref<125xf32, #tpu.memory_space<vmem>>
        %dma_wait3A_490 = arith.constant 0 : i32
        %dma_wait3A_491 = tpu.memref_slice %arg15[%dma_wait3A_487, %dma_wait3A_490] : memref<5x125xi32, #tpu.memory_space<vmem>> -> memref<1x125xi32, #tpu.memory_space<vmem>>
        %dma_wait3A_492 = tpu.memref_squeeze %dma_wait3A_491 : memref<1x125xi32, #tpu.memory_space<vmem>> -> memref<125xi32, #tpu.memory_space<vmem>>
        %dma_wait3A_493 = arith.constant 0 : i32
        %dma_wait3A_494 = tpu.memref_slice %arg25[%dma_wait3A_493] : memref<10000xf32, #tpu.memory_space<vmem_shared>> -> memref<10000xf32, #tpu.memory_space<vmem_shared>>
        tpu.wait_indirect_dma semaphore(%arg22 : memref<!tpu.dma_semaphore, #tpu.memory_space<semaphore_mem>>) src(%dma_wait3A_489 : memref<125xf32, #tpu.memory_space<vmem>>) dst(%dma_wait3A_494 : memref<10000xf32, #tpu.memory_space<vmem_shared>>)
        %dma_start3A_495 = arith.constant 3 : i32
        %dma_start3A_496 = arith.constant 0 : i32
        %dma_start3A_497 = tpu.memref_slice %arg14[%dma_start3A_495, %dma_start3A_496] : memref<5x125xi32, #tpu.memory_space<vmem>> -> memref<1x125xi32, #tpu.memory_space<vmem>>
        %dma_start3A_498 = tpu.memref_squeeze %dma_start3A_497 : memref<1x125xi32, #tpu.memory_space<vmem>> -> memref<125xi32, #tpu.memory_space<vmem>>
        %dma_start3A_499 = arith.constant 0 : i32
        %dma_start3A_500 = arith.constant 0 : i32
        %dma_start3A_501 = tpu.memref_slice %arg2[%dma_start3A_499, %dma_start3A_500] : memref<10000x128xf32, #tpu.memory_space<hbm>> -> memref<10000x128xf32, #tpu.memory_space<hbm>>
        tpu.enqueue_indirect_dma source(%dma_start3A_501 : memref<10000x128xf32, #tpu.memory_space<hbm>>) target(%arg16 : memref<125x128xf32, #tpu.memory_space<vmem>>) offsets(%dma_start3A_498 : memref<125xi32, #tpu.memory_space<vmem>>) semaphore(%arg18 : memref<!tpu.dma_semaphore, #tpu.memory_space<semaphore_mem>>)
        %dma_wait3A_502 = arith.constant 3 : i32
        %dma_wait3A_503 = arith.constant 0 : i32
        %dma_wait3A_504 = tpu.memref_slice %arg14[%dma_wait3A_502, %dma_wait3A_503] : memref<5x125xi32, #tpu.memory_space<vmem>> -> memref<1x125xi32, #tpu.memory_space<vmem>>
        %dma_wait3A_505 = tpu.memref_squeeze %dma_wait3A_504 : memref<1x125xi32, #tpu.memory_space<vmem>> -> memref<125xi32, #tpu.memory_space<vmem>>
        %dma_wait3A_506 = arith.constant 0 : i32
        %dma_wait3A_507 = arith.constant 0 : i32
        %dma_wait3A_508 = tpu.memref_slice %arg2[%dma_wait3A_506, %dma_wait3A_507] : memref<10000x128xf32, #tpu.memory_space<hbm>> -> memref<10000x128xf32, #tpu.memory_space<hbm>>
        tpu.wait_indirect_dma semaphore(%arg18 : memref<!tpu.dma_semaphore, #tpu.memory_space<semaphore_mem>>) src(%dma_wait3A_508 : memref<10000x128xf32, #tpu.memory_space<hbm>>) dst(%arg16 : memref<125x128xf32, #tpu.memory_space<vmem>>)
        %dma_start3A_509 = arith.constant 3 : i32
        %dma_start3A_510 = arith.constant 0 : i32
        %dma_start3A_511 = tpu.memref_slice %arg15[%dma_start3A_509, %dma_start3A_510] : memref<5x125xi32, #tpu.memory_space<vmem>> -> memref<1x125xi32, #tpu.memory_space<vmem>>
        %dma_start3A_512 = tpu.memref_squeeze %dma_start3A_511 : memref<1x125xi32, #tpu.memory_space<vmem>> -> memref<125xi32, #tpu.memory_space<vmem>>
        %dma_start3A_513 = arith.constant 0 : i32
        %dma_start3A_514 = arith.constant 0 : i32
        %dma_start3A_515 = tpu.memref_slice %arg11[%dma_start3A_513, %dma_start3A_514] : memref<10000x128xf32, #tpu.memory_space<vmem_shared>> -> memref<10000x128xf32, #tpu.memory_space<vmem_shared>>
        tpu.enqueue_indirect_dma source(%arg16 : memref<125x128xf32, #tpu.memory_space<vmem>>) target(%dma_start3A_515 : memref<10000x128xf32, #tpu.memory_space<vmem_shared>>) offsets(%dma_start3A_512 : memref<125xi32, #tpu.memory_space<vmem>>) semaphore(%arg20 : memref<!tpu.dma_semaphore, #tpu.memory_space<semaphore_mem>>) {add = true}
        %dma_start3A_516 = arith.constant 3 : i32
        %dma_start3A_517 = arith.constant 0 : i32
        %dma_start3A_518 = tpu.memref_slice %arg26[%dma_start3A_517] : memref<128xf32, #tpu.memory_space<vmem>> -> memref<125xf32, #tpu.memory_space<vmem>>
        %dma_start3A_519 = arith.constant 0 : i32
        %dma_start3A_520 = tpu.memref_slice %arg15[%dma_start3A_516, %dma_start3A_519] : memref<5x125xi32, #tpu.memory_space<vmem>> -> memref<1x125xi32, #tpu.memory_space<vmem>>
        %dma_start3A_521 = tpu.memref_squeeze %dma_start3A_520 : memref<1x125xi32, #tpu.memory_space<vmem>> -> memref<125xi32, #tpu.memory_space<vmem>>
        %dma_start3A_522 = arith.constant 0 : i32
        %dma_start3A_523 = tpu.memref_slice %arg25[%dma_start3A_522] : memref<10000xf32, #tpu.memory_space<vmem_shared>> -> memref<10000xf32, #tpu.memory_space<vmem_shared>>
        tpu.enqueue_indirect_dma source(%dma_start3A_518 : memref<125xf32, #tpu.memory_space<vmem>>) target(%dma_start3A_523 : memref<10000xf32, #tpu.memory_space<vmem_shared>>) offsets(%dma_start3A_521 : memref<125xi32, #tpu.memory_space<vmem>>) semaphore(%arg22 : memref<!tpu.dma_semaphore, #tpu.memory_space<semaphore_mem>>) {add = true}
        %dma_wait3A_524 = arith.constant 3 : i32
        %dma_wait3A_525 = arith.constant 0 : i32
        %dma_wait3A_526 = tpu.memref_slice %arg15[%dma_wait3A_524, %dma_wait3A_525] : memref<5x125xi32, #tpu.memory_space<vmem>> -> memref<1x125xi32, #tpu.memory_space<vmem>>
        %dma_wait3A_527 = tpu.memref_squeeze %dma_wait3A_526 : memref<1x125xi32, #tpu.memory_space<vmem>> -> memref<125xi32, #tpu.memory_space<vmem>>
        %dma_wait3A_528 = arith.constant 0 : i32
        %dma_wait3A_529 = arith.constant 0 : i32
        %dma_wait3A_530 = tpu.memref_slice %arg11[%dma_wait3A_528, %dma_wait3A_529] : memref<10000x128xf32, #tpu.memory_space<vmem_shared>> -> memref<10000x128xf32, #tpu.memory_space<vmem_shared>>
        tpu.wait_indirect_dma semaphore(%arg21 : memref<!tpu.dma_semaphore, #tpu.memory_space<semaphore_mem>>) src(%arg17 : memref<125x128xf32, #tpu.memory_space<vmem>>) dst(%dma_wait3A_530 : memref<10000x128xf32, #tpu.memory_space<vmem_shared>>)
        %dma_wait3A_531 = arith.constant 3 : i32
        %dma_wait3A_532 = arith.constant 0 : i32
        %dma_wait3A_533 = tpu.memref_slice %arg26[%dma_wait3A_532] : memref<128xf32, #tpu.memory_space<vmem>> -> memref<125xf32, #tpu.memory_space<vmem>>
        %dma_wait3A_534 = arith.constant 0 : i32
        %dma_wait3A_535 = tpu.memref_slice %arg15[%dma_wait3A_531, %dma_wait3A_534] : memref<5x125xi32, #tpu.memory_space<vmem>> -> memref<1x125xi32, #tpu.memory_space<vmem>>
        %dma_wait3A_536 = tpu.memref_squeeze %dma_wait3A_535 : memref<1x125xi32, #tpu.memory_space<vmem>> -> memref<125xi32, #tpu.memory_space<vmem>>
        %dma_wait3A_537 = arith.constant 0 : i32
        %dma_wait3A_538 = tpu.memref_slice %arg25[%dma_wait3A_537] : memref<10000xf32, #tpu.memory_space<vmem_shared>> -> memref<10000xf32, #tpu.memory_space<vmem_shared>>
        tpu.wait_indirect_dma semaphore(%arg23 : memref<!tpu.dma_semaphore, #tpu.memory_space<semaphore_mem>>) src(%dma_wait3A_533 : memref<125xf32, #tpu.memory_space<vmem>>) dst(%dma_wait3A_538 : memref<10000xf32, #tpu.memory_space<vmem_shared>>)
        %dma_start3A_539 = arith.constant 4 : i32
        %dma_start3A_540 = arith.constant 0 : i32
        %dma_start3A_541 = tpu.memref_slice %arg14[%dma_start3A_539, %dma_start3A_540] : memref<5x125xi32, #tpu.memory_space<vmem>> -> memref<1x125xi32, #tpu.memory_space<vmem>>
        %dma_start3A_542 = tpu.memref_squeeze %dma_start3A_541 : memref<1x125xi32, #tpu.memory_space<vmem>> -> memref<125xi32, #tpu.memory_space<vmem>>
        %dma_start3A_543 = arith.constant 0 : i32
        %dma_start3A_544 = arith.constant 0 : i32
        %dma_start3A_545 = tpu.memref_slice %arg2[%dma_start3A_543, %dma_start3A_544] : memref<10000x128xf32, #tpu.memory_space<hbm>> -> memref<10000x128xf32, #tpu.memory_space<hbm>>
        tpu.enqueue_indirect_dma source(%dma_start3A_545 : memref<10000x128xf32, #tpu.memory_space<hbm>>) target(%arg17 : memref<125x128xf32, #tpu.memory_space<vmem>>) offsets(%dma_start3A_542 : memref<125xi32, #tpu.memory_space<vmem>>) semaphore(%arg19 : memref<!tpu.dma_semaphore, #tpu.memory_space<semaphore_mem>>)
        %dma_wait3A_546 = arith.constant 4 : i32
        %dma_wait3A_547 = arith.constant 0 : i32
        %dma_wait3A_548 = tpu.memref_slice %arg14[%dma_wait3A_546, %dma_wait3A_547] : memref<5x125xi32, #tpu.memory_space<vmem>> -> memref<1x125xi32, #tpu.memory_space<vmem>>
        %dma_wait3A_549 = tpu.memref_squeeze %dma_wait3A_548 : memref<1x125xi32, #tpu.memory_space<vmem>> -> memref<125xi32, #tpu.memory_space<vmem>>
        %dma_wait3A_550 = arith.constant 0 : i32
        %dma_wait3A_551 = arith.constant 0 : i32
        %dma_wait3A_552 = tpu.memref_slice %arg2[%dma_wait3A_550, %dma_wait3A_551] : memref<10000x128xf32, #tpu.memory_space<hbm>> -> memref<10000x128xf32, #tpu.memory_space<hbm>>
        tpu.wait_indirect_dma semaphore(%arg19 : memref<!tpu.dma_semaphore, #tpu.memory_space<semaphore_mem>>) src(%dma_wait3A_552 : memref<10000x128xf32, #tpu.memory_space<hbm>>) dst(%arg17 : memref<125x128xf32, #tpu.memory_space<vmem>>)
        %dma_start3A_553 = arith.constant 4 : i32
        %dma_start3A_554 = arith.constant 0 : i32
        %dma_start3A_555 = tpu.memref_slice %arg15[%dma_start3A_553, %dma_start3A_554] : memref<5x125xi32, #tpu.memory_space<vmem>> -> memref<1x125xi32, #tpu.memory_space<vmem>>
        %dma_start3A_556 = tpu.memref_squeeze %dma_start3A_555 : memref<1x125xi32, #tpu.memory_space<vmem>> -> memref<125xi32, #tpu.memory_space<vmem>>
        %dma_start3A_557 = arith.constant 0 : i32
        %dma_start3A_558 = arith.constant 0 : i32
        %dma_start3A_559 = tpu.memref_slice %arg11[%dma_start3A_557, %dma_start3A_558] : memref<10000x128xf32, #tpu.memory_space<vmem_shared>> -> memref<10000x128xf32, #tpu.memory_space<vmem_shared>>
        tpu.enqueue_indirect_dma source(%arg17 : memref<125x128xf32, #tpu.memory_space<vmem>>) target(%dma_start3A_559 : memref<10000x128xf32, #tpu.memory_space<vmem_shared>>) offsets(%dma_start3A_556 : memref<125xi32, #tpu.memory_space<vmem>>) semaphore(%arg21 : memref<!tpu.dma_semaphore, #tpu.memory_space<semaphore_mem>>) {add = true}
        %dma_start3A_560 = arith.constant 4 : i32
        %dma_start3A_561 = arith.constant 0 : i32
        %dma_start3A_562 = tpu.memref_slice %arg26[%dma_start3A_561] : memref<128xf32, #tpu.memory_space<vmem>> -> memref<125xf32, #tpu.memory_space<vmem>>
        %dma_start3A_563 = arith.constant 0 : i32
        %dma_start3A_564 = tpu.memref_slice %arg15[%dma_start3A_560, %dma_start3A_563] : memref<5x125xi32, #tpu.memory_space<vmem>> -> memref<1x125xi32, #tpu.memory_space<vmem>>
        %dma_start3A_565 = tpu.memref_squeeze %dma_start3A_564 : memref<1x125xi32, #tpu.memory_space<vmem>> -> memref<125xi32, #tpu.memory_space<vmem>>
        %dma_start3A_566 = arith.constant 0 : i32
        %dma_start3A_567 = tpu.memref_slice %arg25[%dma_start3A_566] : memref<10000xf32, #tpu.memory_space<vmem_shared>> -> memref<10000xf32, #tpu.memory_space<vmem_shared>>
        tpu.enqueue_indirect_dma source(%dma_start3A_562 : memref<125xf32, #tpu.memory_space<vmem>>) target(%dma_start3A_567 : memref<10000xf32, #tpu.memory_space<vmem_shared>>) offsets(%dma_start3A_565 : memref<125xi32, #tpu.memory_space<vmem>>) semaphore(%arg23 : memref<!tpu.dma_semaphore, #tpu.memory_space<semaphore_mem>>) {add = true}
        %lt3A_568 = arith.constant 15 : i32
        %lt3A_569 = arith.cmpi slt, %add3A_107, %lt3A_568 : i32
        %convert_element_type3A_570 = arith.extui %lt3A_569 : i1 to i32
        %cond3A_571 = arith.constant 0 : i32
        %cond3A_572 = arith.cmpi ne, %convert_element_type3A_570, %cond3A_571 : i32
        scf.if %cond3A_572 {
          %dma_wait3A_573 = arith.constant 4 : i32
          %dma_wait3A_574 = arith.constant 0 : i32
          %dma_wait3A_575 = tpu.memref_slice %arg15[%dma_wait3A_573, %dma_wait3A_574] : memref<5x125xi32, #tpu.memory_space<vmem>> -> memref<1x125xi32, #tpu.memory_space<vmem>>
          %dma_wait3A_576 = tpu.memref_squeeze %dma_wait3A_575 : memref<1x125xi32, #tpu.memory_space<vmem>> -> memref<125xi32, #tpu.memory_space<vmem>>
          %dma_wait3A_577 = arith.constant 0 : i32
          %dma_wait3A_578 = arith.constant 0 : i32
          %dma_wait3A_579 = tpu.memref_slice %arg11[%dma_wait3A_577, %dma_wait3A_578] : memref<10000x128xf32, #tpu.memory_space<vmem_shared>> -> memref<10000x128xf32, #tpu.memory_space<vmem_shared>>
          tpu.wait_indirect_dma semaphore(%arg20 : memref<!tpu.dma_semaphore, #tpu.memory_space<semaphore_mem>>) src(%arg16 : memref<125x128xf32, #tpu.memory_space<vmem>>) dst(%dma_wait3A_579 : memref<10000x128xf32, #tpu.memory_space<vmem_shared>>)
          %dma_wait3A_580 = arith.constant 4 : i32
          %dma_wait3A_581 = arith.constant 0 : i32
          %dma_wait3A_582 = tpu.memref_slice %arg26[%dma_wait3A_581] : memref<128xf32, #tpu.memory_space<vmem>> -> memref<125xf32, #tpu.memory_space<vmem>>
          %dma_wait3A_583 = arith.constant 0 : i32
          %dma_wait3A_584 = tpu.memref_slice %arg15[%dma_wait3A_580, %dma_wait3A_583] : memref<5x125xi32, #tpu.memory_space<vmem>> -> memref<1x125xi32, #tpu.memory_space<vmem>>
          %dma_wait3A_585 = tpu.memref_squeeze %dma_wait3A_584 : memref<1x125xi32, #tpu.memory_space<vmem>> -> memref<125xi32, #tpu.memory_space<vmem>>
          %dma_wait3A_586 = arith.constant 0 : i32
          %dma_wait3A_587 = tpu.memref_slice %arg25[%dma_wait3A_586] : memref<10000xf32, #tpu.memory_space<vmem_shared>> -> memref<10000xf32, #tpu.memory_space<vmem_shared>>
          tpu.wait_indirect_dma semaphore(%arg22 : memref<!tpu.dma_semaphore, #tpu.memory_space<semaphore_mem>>) src(%dma_wait3A_582 : memref<125xf32, #tpu.memory_space<vmem>>) dst(%dma_wait3A_587 : memref<10000xf32, #tpu.memory_space<vmem_shared>>)
          %mul3A_588 = arith.constant 2 : i32
          %mul3A_589 = arith.muli %mul3A_588, %add3A_107 : i32
          %add3A_590 = arith.constant 2 : i32
          %add3A_591 = arith.addi %mul3A_589, %add3A_590 : i32
          %dma_wait3A_592 = arith.constant 0 : i32
          %dma_wait3A_593 = arith.constant 0 : i32
          %dma_wait3A_594 = tpu.memref_slice %arg4[%arg1, %add3A_591, %dma_wait3A_592, %dma_wait3A_593] : memref<16x32x5x125xi32, #tpu.memory_space<hbm>> -> memref<1x1x5x125xi32, #tpu.memory_space<hbm>>
          %dma_wait3A_595 = tpu.memref_squeeze %dma_wait3A_594 : memref<1x1x5x125xi32, #tpu.memory_space<hbm>> -> memref<5x125xi32, #tpu.memory_space<hbm>>
          %dma_wait3A_596 = arith.constant 0 : i32
          %dma_wait3A_597 = arith.constant 0 : i32
          %dma_wait3A_598 = tpu.memref_slice %arg4[%arg1, %add3A_591, %dma_wait3A_596, %dma_wait3A_597] : memref<16x32x5x125xi32, #tpu.memory_space<hbm>> -> memref<1x1x5x125xi32, #tpu.memory_space<hbm>>
          %dma_wait3A_599 = tpu.memref_squeeze %dma_wait3A_598 : memref<1x1x5x125xi32, #tpu.memory_space<hbm>> -> memref<5x125xi32, #tpu.memory_space<hbm>>
          tpu.wait_dma2 semaphore(%arg24 : memref<!tpu.dma_semaphore, #tpu.memory_space<semaphore_mem>>) src(%dma_wait3A_599 : memref<5x125xi32, #tpu.memory_space<hbm>>) dst(%arg12 : memref<5x125xi32, #tpu.memory_space<vmem>>)
          %mul3A_600 = arith.constant 2 : i32
          %mul3A_601 = arith.muli %mul3A_600, %add3A_107 : i32
          %add3A_602 = arith.constant 2 : i32
          %add3A_603 = arith.addi %mul3A_601, %add3A_602 : i32
          %dma_wait3A_604 = arith.constant 0 : i32
          %dma_wait3A_605 = arith.constant 0 : i32
          %dma_wait3A_606 = tpu.memref_slice %arg5[%arg1, %add3A_603, %dma_wait3A_604, %dma_wait3A_605] : memref<16x32x5x125xi32, #tpu.memory_space<hbm>> -> memref<1x1x5x125xi32, #tpu.memory_space<hbm>>
          %dma_wait3A_607 = tpu.memref_squeeze %dma_wait3A_606 : memref<1x1x5x125xi32, #tpu.memory_space<hbm>> -> memref<5x125xi32, #tpu.memory_space<hbm>>
          %dma_wait3A_608 = arith.constant 0 : i32
          %dma_wait3A_609 = arith.constant 0 : i32
          %dma_wait3A_610 = tpu.memref_slice %arg5[%arg1, %add3A_603, %dma_wait3A_608, %dma_wait3A_609] : memref<16x32x5x125xi32, #tpu.memory_space<hbm>> -> memref<1x1x5x125xi32, #tpu.memory_space<hbm>>
          %dma_wait3A_611 = tpu.memref_squeeze %dma_wait3A_610 : memref<1x1x5x125xi32, #tpu.memory_space<hbm>> -> memref<5x125xi32, #tpu.memory_space<hbm>>
          tpu.wait_dma2 semaphore(%arg24 : memref<!tpu.dma_semaphore, #tpu.memory_space<semaphore_mem>>) src(%dma_wait3A_611 : memref<5x125xi32, #tpu.memory_space<hbm>>) dst(%arg13 : memref<5x125xi32, #tpu.memory_space<vmem>>)
          %dma_start3A_612 = arith.constant 0 : i32
          %dma_start3A_613 = arith.constant 0 : i32
          %dma_start3A_614 = tpu.memref_slice %arg12[%dma_start3A_612, %dma_start3A_613] : memref<5x125xi32, #tpu.memory_space<vmem>> -> memref<1x125xi32, #tpu.memory_space<vmem>>
          %dma_start3A_615 = tpu.memref_squeeze %dma_start3A_614 : memref<1x125xi32, #tpu.memory_space<vmem>> -> memref<125xi32, #tpu.memory_space<vmem>>
          %dma_start3A_616 = arith.constant 0 : i32
          %dma_start3A_617 = arith.constant 0 : i32
          %dma_start3A_618 = tpu.memref_slice %arg2[%dma_start3A_616, %dma_start3A_617] : memref<10000x128xf32, #tpu.memory_space<hbm>> -> memref<10000x128xf32, #tpu.memory_space<hbm>>
          tpu.enqueue_indirect_dma source(%dma_start3A_618 : memref<10000x128xf32, #tpu.memory_space<hbm>>) target(%arg16 : memref<125x128xf32, #tpu.memory_space<vmem>>) offsets(%dma_start3A_615 : memref<125xi32, #tpu.memory_space<vmem>>) semaphore(%arg18 : memref<!tpu.dma_semaphore, #tpu.memory_space<semaphore_mem>>)
        } else {
        }
      }
      %scan3A_74 = arith.constant 16 : i32
      %dma_wait3A = arith.constant 3 : i32
      %dma_wait3A_75 = arith.constant 0 : i32
      %dma_wait3A_76 = tpu.memref_slice %arg15[%dma_wait3A, %dma_wait3A_75] : memref<5x125xi32, #tpu.memory_space<vmem>> -> memref<1x125xi32, #tpu.memory_space<vmem>>
      %dma_wait3A_77 = tpu.memref_squeeze %dma_wait3A_76 : memref<1x125xi32, #tpu.memory_space<vmem>> -> memref<125xi32, #tpu.memory_space<vmem>>
      %dma_wait3A_78 = arith.constant 0 : i32
      %dma_wait3A_79 = arith.constant 0 : i32
      %dma_wait3A_80 = tpu.memref_slice %arg11[%dma_wait3A_78, %dma_wait3A_79] : memref<10000x128xf32, #tpu.memory_space<vmem_shared>> -> memref<10000x128xf32, #tpu.memory_space<vmem_shared>>
      tpu.wait_indirect_dma semaphore(%arg20 : memref<!tpu.dma_semaphore, #tpu.memory_space<semaphore_mem>>) src(%arg16 : memref<125x128xf32, #tpu.memory_space<vmem>>) dst(%dma_wait3A_80 : memref<10000x128xf32, #tpu.memory_space<vmem_shared>>)
      %dma_wait3A_81 = arith.constant 4 : i32
      %dma_wait3A_82 = arith.constant 0 : i32
      %dma_wait3A_83 = tpu.memref_slice %arg15[%dma_wait3A_81, %dma_wait3A_82] : memref<5x125xi32, #tpu.memory_space<vmem>> -> memref<1x125xi32, #tpu.memory_space<vmem>>
      %dma_wait3A_84 = tpu.memref_squeeze %dma_wait3A_83 : memref<1x125xi32, #tpu.memory_space<vmem>> -> memref<125xi32, #tpu.memory_space<vmem>>
      %dma_wait3A_85 = arith.constant 0 : i32
      %dma_wait3A_86 = arith.constant 0 : i32
      %dma_wait3A_87 = tpu.memref_slice %arg11[%dma_wait3A_85, %dma_wait3A_86] : memref<10000x128xf32, #tpu.memory_space<vmem_shared>> -> memref<10000x128xf32, #tpu.memory_space<vmem_shared>>
      tpu.wait_indirect_dma semaphore(%arg21 : memref<!tpu.dma_semaphore, #tpu.memory_space<semaphore_mem>>) src(%arg17 : memref<125x128xf32, #tpu.memory_space<vmem>>) dst(%dma_wait3A_87 : memref<10000x128xf32, #tpu.memory_space<vmem_shared>>)
      %dma_wait3A_88 = arith.constant 3 : i32
      %dma_wait3A_89 = arith.constant 0 : i32
      %dma_wait3A_90 = tpu.memref_slice %arg26[%dma_wait3A_89] : memref<128xf32, #tpu.memory_space<vmem>> -> memref<125xf32, #tpu.memory_space<vmem>>
      %dma_wait3A_91 = arith.constant 0 : i32
      %dma_wait3A_92 = tpu.memref_slice %arg15[%dma_wait3A_88, %dma_wait3A_91] : memref<5x125xi32, #tpu.memory_space<vmem>> -> memref<1x125xi32, #tpu.memory_space<vmem>>
      %dma_wait3A_93 = tpu.memref_squeeze %dma_wait3A_92 : memref<1x125xi32, #tpu.memory_space<vmem>> -> memref<125xi32, #tpu.memory_space<vmem>>
      %dma_wait3A_94 = arith.constant 0 : i32
      %dma_wait3A_95 = tpu.memref_slice %arg25[%dma_wait3A_94] : memref<10000xf32, #tpu.memory_space<vmem_shared>> -> memref<10000xf32, #tpu.memory_space<vmem_shared>>
      tpu.wait_indirect_dma semaphore(%arg22 : memref<!tpu.dma_semaphore, #tpu.memory_space<semaphore_mem>>) src(%dma_wait3A_90 : memref<125xf32, #tpu.memory_space<vmem>>) dst(%dma_wait3A_95 : memref<10000xf32, #tpu.memory_space<vmem_shared>>)
      %dma_wait3A_96 = arith.constant 4 : i32
      %dma_wait3A_97 = arith.constant 0 : i32
      %dma_wait3A_98 = tpu.memref_slice %arg26[%dma_wait3A_97] : memref<128xf32, #tpu.memory_space<vmem>> -> memref<125xf32, #tpu.memory_space<vmem>>
      %dma_wait3A_99 = arith.constant 0 : i32
      %dma_wait3A_100 = tpu.memref_slice %arg15[%dma_wait3A_96, %dma_wait3A_99] : memref<5x125xi32, #tpu.memory_space<vmem>> -> memref<1x125xi32, #tpu.memory_space<vmem>>
      %dma_wait3A_101 = tpu.memref_squeeze %dma_wait3A_100 : memref<1x125xi32, #tpu.memory_space<vmem>> -> memref<125xi32, #tpu.memory_space<vmem>>
      %dma_wait3A_102 = arith.constant 0 : i32
      %dma_wait3A_103 = tpu.memref_slice %arg25[%dma_wait3A_102] : memref<10000xf32, #tpu.memory_space<vmem_shared>> -> memref<10000xf32, #tpu.memory_space<vmem_shared>>
      tpu.wait_indirect_dma semaphore(%arg23 : memref<!tpu.dma_semaphore, #tpu.memory_space<semaphore_mem>>) src(%dma_wait3A_98 : memref<125xf32, #tpu.memory_space<vmem>>) dst(%dma_wait3A_103 : memref<10000xf32, #tpu.memory_space<vmem_shared>>)
    } else {
    }
    %eq3A_26 = arith.constant 1 : i32
    %eq3A_27 = arith.cmpi eq, %arg0, %eq3A_26 : i32
    %convert_element_type3A_28 = arith.extui %eq3A_27 : i1 to i32
    %cond3A_29 = arith.constant 0 : i32
    %cond3A_30 = arith.cmpi ne, %convert_element_type3A_28, %cond3A_29 : i32
    scf.if %cond3A_30 {
      %run_scoped3A = arith.constant 0 : i32
      "tpu.region"() ({
        %run_scoped3A_104 = tpu.sem_alloc : memref<!tpu.dma_semaphore, #tpu.memory_space<semaphore_mem>>
        %dma_start3A_105 = arith.constant 0 : i32
        %dma_start3A_106 = arith.constant 0 : i32
        %dma_start3A_107 = tpu.memref_slice %arg6[%arg1, %run_scoped3A, %dma_start3A_105, %dma_start3A_106] : memref<16x32x5x125xi32, #tpu.memory_space<hbm>> -> memref<1x1x5x125xi32, #tpu.memory_space<hbm>>
        %dma_start3A_108 = tpu.memref_squeeze %dma_start3A_107 : memref<1x1x5x125xi32, #tpu.memory_space<hbm>> -> memref<5x125xi32, #tpu.memory_space<hbm>>
        %dma_start3A_109 = arith.constant 0 : i32
        %dma_start3A_110 = arith.constant 0 : i32
        %dma_start3A_111 = tpu.memref_slice %arg6[%arg1, %run_scoped3A, %dma_start3A_109, %dma_start3A_110] : memref<16x32x5x125xi32, #tpu.memory_space<hbm>> -> memref<1x1x5x125xi32, #tpu.memory_space<hbm>>
        %dma_start3A_112 = tpu.memref_squeeze %dma_start3A_111 : memref<1x1x5x125xi32, #tpu.memory_space<hbm>> -> memref<5x125xi32, #tpu.memory_space<hbm>>
        tpu.enqueue_dma source(%dma_start3A_112 : memref<5x125xi32, #tpu.memory_space<hbm>>) target(%arg12 : memref<5x125xi32, #tpu.memory_space<vmem>>) target_semaphore(%run_scoped3A_104 : memref<!tpu.dma_semaphore, #tpu.memory_space<semaphore_mem>>)
        %dma_wait3A_113 = arith.constant 0 : i32
        %dma_wait3A_114 = arith.constant 0 : i32
        %dma_wait3A_115 = tpu.memref_slice %arg6[%arg1, %run_scoped3A, %dma_wait3A_113, %dma_wait3A_114] : memref<16x32x5x125xi32, #tpu.memory_space<hbm>> -> memref<1x1x5x125xi32, #tpu.memory_space<hbm>>
        %dma_wait3A_116 = tpu.memref_squeeze %dma_wait3A_115 : memref<1x1x5x125xi32, #tpu.memory_space<hbm>> -> memref<5x125xi32, #tpu.memory_space<hbm>>
        %dma_wait3A_117 = arith.constant 0 : i32
        %dma_wait3A_118 = arith.constant 0 : i32
        %dma_wait3A_119 = tpu.memref_slice %arg6[%arg1, %run_scoped3A, %dma_wait3A_117, %dma_wait3A_118] : memref<16x32x5x125xi32, #tpu.memory_space<hbm>> -> memref<1x1x5x125xi32, #tpu.memory_space<hbm>>
        %dma_wait3A_120 = tpu.memref_squeeze %dma_wait3A_119 : memref<1x1x5x125xi32, #tpu.memory_space<hbm>> -> memref<5x125xi32, #tpu.memory_space<hbm>>
        tpu.wait_dma2 semaphore(%run_scoped3A_104 : memref<!tpu.dma_semaphore, #tpu.memory_space<semaphore_mem>>) src(%dma_wait3A_120 : memref<5x125xi32, #tpu.memory_space<hbm>>) dst(%arg12 : memref<5x125xi32, #tpu.memory_space<vmem>>)
        tpu.yield
      }) : () -> ()
      %run_scoped3A_63 = arith.constant 0 : i32
      "tpu.region"() ({
        %run_scoped3A_104 = tpu.sem_alloc : memref<!tpu.dma_semaphore, #tpu.memory_space<semaphore_mem>>
        %dma_start3A_105 = arith.constant 0 : i32
        %dma_start3A_106 = arith.constant 0 : i32
        %dma_start3A_107 = tpu.memref_slice %arg7[%arg1, %run_scoped3A_63, %dma_start3A_105, %dma_start3A_106] : memref<16x32x5x125xi32, #tpu.memory_space<hbm>> -> memref<1x1x5x125xi32, #tpu.memory_space<hbm>>
        %dma_start3A_108 = tpu.memref_squeeze %dma_start3A_107 : memref<1x1x5x125xi32, #tpu.memory_space<hbm>> -> memref<5x125xi32, #tpu.memory_space<hbm>>
        %dma_start3A_109 = arith.constant 0 : i32
        %dma_start3A_110 = arith.constant 0 : i32
        %dma_start3A_111 = tpu.memref_slice %arg7[%arg1, %run_scoped3A_63, %dma_start3A_109, %dma_start3A_110] : memref<16x32x5x125xi32, #tpu.memory_space<hbm>> -> memref<1x1x5x125xi32, #tpu.memory_space<hbm>>
        %dma_start3A_112 = tpu.memref_squeeze %dma_start3A_111 : memref<1x1x5x125xi32, #tpu.memory_space<hbm>> -> memref<5x125xi32, #tpu.memory_space<hbm>>
        tpu.enqueue_dma source(%dma_start3A_112 : memref<5x125xi32, #tpu.memory_space<hbm>>) target(%arg13 : memref<5x125xi32, #tpu.memory_space<vmem>>) target_semaphore(%run_scoped3A_104 : memref<!tpu.dma_semaphore, #tpu.memory_space<semaphore_mem>>)
        %dma_wait3A_113 = arith.constant 0 : i32
        %dma_wait3A_114 = arith.constant 0 : i32
        %dma_wait3A_115 = tpu.memref_slice %arg7[%arg1, %run_scoped3A_63, %dma_wait3A_113, %dma_wait3A_114] : memref<16x32x5x125xi32, #tpu.memory_space<hbm>> -> memref<1x1x5x125xi32, #tpu.memory_space<hbm>>
        %dma_wait3A_116 = tpu.memref_squeeze %dma_wait3A_115 : memref<1x1x5x125xi32, #tpu.memory_space<hbm>> -> memref<5x125xi32, #tpu.memory_space<hbm>>
        %dma_wait3A_117 = arith.constant 0 : i32
        %dma_wait3A_118 = arith.constant 0 : i32
        %dma_wait3A_119 = tpu.memref_slice %arg7[%arg1, %run_scoped3A_63, %dma_wait3A_117, %dma_wait3A_118] : memref<16x32x5x125xi32, #tpu.memory_space<hbm>> -> memref<1x1x5x125xi32, #tpu.memory_space<hbm>>
        %dma_wait3A_120 = tpu.memref_squeeze %dma_wait3A_119 : memref<1x1x5x125xi32, #tpu.memory_space<hbm>> -> memref<5x125xi32, #tpu.memory_space<hbm>>
        tpu.wait_dma2 semaphore(%run_scoped3A_104 : memref<!tpu.dma_semaphore, #tpu.memory_space<semaphore_mem>>) src(%dma_wait3A_120 : memref<5x125xi32, #tpu.memory_space<hbm>>) dst(%arg13 : memref<5x125xi32, #tpu.memory_space<vmem>>)
        tpu.yield
      }) : () -> ()
      %dma_start3A = arith.constant 0 : i32
      %dma_start3A_64 = arith.constant 0 : i32
      %dma_start3A_65 = tpu.memref_slice %arg12[%dma_start3A, %dma_start3A_64] : memref<5x125xi32, #tpu.memory_space<vmem>> -> memref<1x125xi32, #tpu.memory_space<vmem>>
      %dma_start3A_66 = tpu.memref_squeeze %dma_start3A_65 : memref<1x125xi32, #tpu.memory_space<vmem>> -> memref<125xi32, #tpu.memory_space<vmem>>
      %dma_start3A_67 = arith.constant 0 : i32
      %dma_start3A_68 = arith.constant 0 : i32
      %dma_start3A_69 = tpu.memref_slice %arg3[%dma_start3A_67, %dma_start3A_68] : memref<10000x128xf32, #tpu.memory_space<hbm>> -> memref<10000x128xf32, #tpu.memory_space<hbm>>
      tpu.enqueue_indirect_dma source(%dma_start3A_69 : memref<10000x128xf32, #tpu.memory_space<hbm>>) target(%arg16 : memref<125x128xf32, #tpu.memory_space<vmem>>) offsets(%dma_start3A_66 : memref<125xi32, #tpu.memory_space<vmem>>) semaphore(%arg18 : memref<!tpu.dma_semaphore, #tpu.memory_space<semaphore_mem>>)
      %scan3A_70 = arith.constant 0 : i32
      %scan3A_71 = arith.constant 16 : i32
      %scan3A_72 = arith.addi %scan3A_70, %scan3A_71 : i32
      %scan3A_73 = arith.constant 1 : i32
      scf.for %scan3A_104 = %scan3A_70 to %scan3A_72 step %scan3A_73  : i32 {
        %mul3A_105 = arith.constant 1 : i32
        %mul3A_106 = arith.muli %scan3A_104, %mul3A_105 : i32
        %add3A = arith.constant 0 : i32
        %add3A_107 = arith.addi %add3A, %mul3A_106 : i32
        %dma_wait3A_108 = arith.constant 0 : i32
        %dma_wait3A_109 = arith.constant 0 : i32
        %dma_wait3A_110 = tpu.memref_slice %arg12[%dma_wait3A_108, %dma_wait3A_109] : memref<5x125xi32, #tpu.memory_space<vmem>> -> memref<1x125xi32, #tpu.memory_space<vmem>>
        %dma_wait3A_111 = tpu.memref_squeeze %dma_wait3A_110 : memref<1x125xi32, #tpu.memory_space<vmem>> -> memref<125xi32, #tpu.memory_space<vmem>>
        %dma_wait3A_112 = arith.constant 0 : i32
        %dma_wait3A_113 = arith.constant 0 : i32
        %dma_wait3A_114 = tpu.memref_slice %arg3[%dma_wait3A_112, %dma_wait3A_113] : memref<10000x128xf32, #tpu.memory_space<hbm>> -> memref<10000x128xf32, #tpu.memory_space<hbm>>
        tpu.wait_indirect_dma semaphore(%arg18 : memref<!tpu.dma_semaphore, #tpu.memory_space<semaphore_mem>>) src(%dma_wait3A_114 : memref<10000x128xf32, #tpu.memory_space<hbm>>) dst(%arg16 : memref<125x128xf32, #tpu.memory_space<vmem>>)
        %dma_start3A_115 = arith.constant 0 : i32
        %dma_start3A_116 = arith.constant 0 : i32
        %dma_start3A_117 = tpu.memref_slice %arg13[%dma_start3A_115, %dma_start3A_116] : memref<5x125xi32, #tpu.memory_space<vmem>> -> memref<1x125xi32, #tpu.memory_space<vmem>>
        %dma_start3A_118 = tpu.memref_squeeze %dma_start3A_117 : memref<1x125xi32, #tpu.memory_space<vmem>> -> memref<125xi32, #tpu.memory_space<vmem>>
        %dma_start3A_119 = arith.constant 0 : i32
        %dma_start3A_120 = arith.constant 0 : i32
        %dma_start3A_121 = tpu.memref_slice %arg11[%dma_start3A_119, %dma_start3A_120] : memref<10000x128xf32, #tpu.memory_space<vmem_shared>> -> memref<10000x128xf32, #tpu.memory_space<vmem_shared>>
        tpu.enqueue_indirect_dma source(%arg16 : memref<125x128xf32, #tpu.memory_space<vmem>>) target(%dma_start3A_121 : memref<10000x128xf32, #tpu.memory_space<vmem_shared>>) offsets(%dma_start3A_118 : memref<125xi32, #tpu.memory_space<vmem>>) semaphore(%arg20 : memref<!tpu.dma_semaphore, #tpu.memory_space<semaphore_mem>>) {add = true}
        %dma_start3A_122 = arith.constant 0 : i32
        %dma_start3A_123 = arith.constant 0 : i32
        %dma_start3A_124 = tpu.memref_slice %arg26[%dma_start3A_123] : memref<128xf32, #tpu.memory_space<vmem>> -> memref<125xf32, #tpu.memory_space<vmem>>
        %dma_start3A_125 = arith.constant 0 : i32
        %dma_start3A_126 = tpu.memref_slice %arg13[%dma_start3A_122, %dma_start3A_125] : memref<5x125xi32, #tpu.memory_space<vmem>> -> memref<1x125xi32, #tpu.memory_space<vmem>>
        %dma_start3A_127 = tpu.memref_squeeze %dma_start3A_126 : memref<1x125xi32, #tpu.memory_space<vmem>> -> memref<125xi32, #tpu.memory_space<vmem>>
        %dma_start3A_128 = arith.constant 0 : i32
        %dma_start3A_129 = tpu.memref_slice %arg25[%dma_start3A_128] : memref<10000xf32, #tpu.memory_space<vmem_shared>> -> memref<10000xf32, #tpu.memory_space<vmem_shared>>
        tpu.enqueue_indirect_dma source(%dma_start3A_124 : memref<125xf32, #tpu.memory_space<vmem>>) target(%dma_start3A_129 : memref<10000xf32, #tpu.memory_space<vmem_shared>>) offsets(%dma_start3A_127 : memref<125xi32, #tpu.memory_space<vmem>>) semaphore(%arg22 : memref<!tpu.dma_semaphore, #tpu.memory_space<semaphore_mem>>) {add = true}
        %gt3A = arith.constant 0 : i32
        %gt3A_130 = arith.cmpi sgt, %add3A_107, %gt3A : i32
        %convert_element_type3A_131 = arith.extui %gt3A_130 : i1 to i32
        %cond3A_132 = arith.constant 0 : i32
        %cond3A_133 = arith.cmpi ne, %convert_element_type3A_131, %cond3A_132 : i32
        scf.if %cond3A_133 {
          %dma_wait3A_573 = arith.constant 0 : i32
          %dma_wait3A_574 = arith.constant 0 : i32
          %dma_wait3A_575 = tpu.memref_slice %arg13[%dma_wait3A_573, %dma_wait3A_574] : memref<5x125xi32, #tpu.memory_space<vmem>> -> memref<1x125xi32, #tpu.memory_space<vmem>>
          %dma_wait3A_576 = tpu.memref_squeeze %dma_wait3A_575 : memref<1x125xi32, #tpu.memory_space<vmem>> -> memref<125xi32, #tpu.memory_space<vmem>>
          %dma_wait3A_577 = arith.constant 0 : i32
          %dma_wait3A_578 = arith.constant 0 : i32
          %dma_wait3A_579 = tpu.memref_slice %arg11[%dma_wait3A_577, %dma_wait3A_578] : memref<10000x128xf32, #tpu.memory_space<vmem_shared>> -> memref<10000x128xf32, #tpu.memory_space<vmem_shared>>
          tpu.wait_indirect_dma semaphore(%arg21 : memref<!tpu.dma_semaphore, #tpu.memory_space<semaphore_mem>>) src(%arg17 : memref<125x128xf32, #tpu.memory_space<vmem>>) dst(%dma_wait3A_579 : memref<10000x128xf32, #tpu.memory_space<vmem_shared>>)
          %dma_wait3A_580 = arith.constant 0 : i32
          %dma_wait3A_581 = arith.constant 0 : i32
          %dma_wait3A_582 = tpu.memref_slice %arg26[%dma_wait3A_581] : memref<128xf32, #tpu.memory_space<vmem>> -> memref<125xf32, #tpu.memory_space<vmem>>
          %dma_wait3A_583 = arith.constant 0 : i32
          %dma_wait3A_584 = tpu.memref_slice %arg13[%dma_wait3A_580, %dma_wait3A_583] : memref<5x125xi32, #tpu.memory_space<vmem>> -> memref<1x125xi32, #tpu.memory_space<vmem>>
          %dma_wait3A_585 = tpu.memref_squeeze %dma_wait3A_584 : memref<1x125xi32, #tpu.memory_space<vmem>> -> memref<125xi32, #tpu.memory_space<vmem>>
          %dma_wait3A_586 = arith.constant 0 : i32
          %dma_wait3A_587 = tpu.memref_slice %arg25[%dma_wait3A_586] : memref<10000xf32, #tpu.memory_space<vmem_shared>> -> memref<10000xf32, #tpu.memory_space<vmem_shared>>
          tpu.wait_indirect_dma semaphore(%arg23 : memref<!tpu.dma_semaphore, #tpu.memory_space<semaphore_mem>>) src(%dma_wait3A_582 : memref<125xf32, #tpu.memory_space<vmem>>) dst(%dma_wait3A_587 : memref<10000xf32, #tpu.memory_space<vmem_shared>>)
        } else {
        }
        %dma_start3A_134 = arith.constant 1 : i32
        %dma_start3A_135 = arith.constant 0 : i32
        %dma_start3A_136 = tpu.memref_slice %arg12[%dma_start3A_134, %dma_start3A_135] : memref<5x125xi32, #tpu.memory_space<vmem>> -> memref<1x125xi32, #tpu.memory_space<vmem>>
        %dma_start3A_137 = tpu.memref_squeeze %dma_start3A_136 : memref<1x125xi32, #tpu.memory_space<vmem>> -> memref<125xi32, #tpu.memory_space<vmem>>
        %dma_start3A_138 = arith.constant 0 : i32
        %dma_start3A_139 = arith.constant 0 : i32
        %dma_start3A_140 = tpu.memref_slice %arg3[%dma_start3A_138, %dma_start3A_139] : memref<10000x128xf32, #tpu.memory_space<hbm>> -> memref<10000x128xf32, #tpu.memory_space<hbm>>
        tpu.enqueue_indirect_dma source(%dma_start3A_140 : memref<10000x128xf32, #tpu.memory_space<hbm>>) target(%arg17 : memref<125x128xf32, #tpu.memory_space<vmem>>) offsets(%dma_start3A_137 : memref<125xi32, #tpu.memory_space<vmem>>) semaphore(%arg19 : memref<!tpu.dma_semaphore, #tpu.memory_space<semaphore_mem>>)
        %dma_wait3A_141 = arith.constant 1 : i32
        %dma_wait3A_142 = arith.constant 0 : i32
        %dma_wait3A_143 = tpu.memref_slice %arg12[%dma_wait3A_141, %dma_wait3A_142] : memref<5x125xi32, #tpu.memory_space<vmem>> -> memref<1x125xi32, #tpu.memory_space<vmem>>
        %dma_wait3A_144 = tpu.memref_squeeze %dma_wait3A_143 : memref<1x125xi32, #tpu.memory_space<vmem>> -> memref<125xi32, #tpu.memory_space<vmem>>
        %dma_wait3A_145 = arith.constant 0 : i32
        %dma_wait3A_146 = arith.constant 0 : i32
        %dma_wait3A_147 = tpu.memref_slice %arg3[%dma_wait3A_145, %dma_wait3A_146] : memref<10000x128xf32, #tpu.memory_space<hbm>> -> memref<10000x128xf32, #tpu.memory_space<hbm>>
        tpu.wait_indirect_dma semaphore(%arg19 : memref<!tpu.dma_semaphore, #tpu.memory_space<semaphore_mem>>) src(%dma_wait3A_147 : memref<10000x128xf32, #tpu.memory_space<hbm>>) dst(%arg17 : memref<125x128xf32, #tpu.memory_space<vmem>>)
        %dma_start3A_148 = arith.constant 1 : i32
        %dma_start3A_149 = arith.constant 0 : i32
        %dma_start3A_150 = tpu.memref_slice %arg13[%dma_start3A_148, %dma_start3A_149] : memref<5x125xi32, #tpu.memory_space<vmem>> -> memref<1x125xi32, #tpu.memory_space<vmem>>
        %dma_start3A_151 = tpu.memref_squeeze %dma_start3A_150 : memref<1x125xi32, #tpu.memory_space<vmem>> -> memref<125xi32, #tpu.memory_space<vmem>>
        %dma_start3A_152 = arith.constant 0 : i32
        %dma_start3A_153 = arith.constant 0 : i32
        %dma_start3A_154 = tpu.memref_slice %arg11[%dma_start3A_152, %dma_start3A_153] : memref<10000x128xf32, #tpu.memory_space<vmem_shared>> -> memref<10000x128xf32, #tpu.memory_space<vmem_shared>>
        tpu.enqueue_indirect_dma source(%arg17 : memref<125x128xf32, #tpu.memory_space<vmem>>) target(%dma_start3A_154 : memref<10000x128xf32, #tpu.memory_space<vmem_shared>>) offsets(%dma_start3A_151 : memref<125xi32, #tpu.memory_space<vmem>>) semaphore(%arg21 : memref<!tpu.dma_semaphore, #tpu.memory_space<semaphore_mem>>) {add = true}
        %dma_start3A_155 = arith.constant 1 : i32
        %dma_start3A_156 = arith.constant 0 : i32
        %dma_start3A_157 = tpu.memref_slice %arg26[%dma_start3A_156] : memref<128xf32, #tpu.memory_space<vmem>> -> memref<125xf32, #tpu.memory_space<vmem>>
        %dma_start3A_158 = arith.constant 0 : i32
        %dma_start3A_159 = tpu.memref_slice %arg13[%dma_start3A_155, %dma_start3A_158] : memref<5x125xi32, #tpu.memory_space<vmem>> -> memref<1x125xi32, #tpu.memory_space<vmem>>
        %dma_start3A_160 = tpu.memref_squeeze %dma_start3A_159 : memref<1x125xi32, #tpu.memory_space<vmem>> -> memref<125xi32, #tpu.memory_space<vmem>>
        %dma_start3A_161 = arith.constant 0 : i32
        %dma_start3A_162 = tpu.memref_slice %arg25[%dma_start3A_161] : memref<10000xf32, #tpu.memory_space<vmem_shared>> -> memref<10000xf32, #tpu.memory_space<vmem_shared>>
        tpu.enqueue_indirect_dma source(%dma_start3A_157 : memref<125xf32, #tpu.memory_space<vmem>>) target(%dma_start3A_162 : memref<10000xf32, #tpu.memory_space<vmem_shared>>) offsets(%dma_start3A_160 : memref<125xi32, #tpu.memory_space<vmem>>) semaphore(%arg23 : memref<!tpu.dma_semaphore, #tpu.memory_space<semaphore_mem>>) {add = true}
        %mul3A_163 = arith.constant 2 : i32
        %mul3A_164 = arith.muli %mul3A_163, %add3A_107 : i32
        %add3A_165 = arith.constant 1 : i32
        %add3A_166 = arith.addi %mul3A_164, %add3A_165 : i32
        %dma_start3A_167 = arith.constant 0 : i32
        %dma_start3A_168 = arith.constant 0 : i32
        %dma_start3A_169 = tpu.memref_slice %arg6[%arg1, %add3A_166, %dma_start3A_167, %dma_start3A_168] : memref<16x32x5x125xi32, #tpu.memory_space<hbm>> -> memref<1x1x5x125xi32, #tpu.memory_space<hbm>>
        %dma_start3A_170 = tpu.memref_squeeze %dma_start3A_169 : memref<1x1x5x125xi32, #tpu.memory_space<hbm>> -> memref<5x125xi32, #tpu.memory_space<hbm>>
        %dma_start3A_171 = arith.constant 0 : i32
        %dma_start3A_172 = arith.constant 0 : i32
        %dma_start3A_173 = tpu.memref_slice %arg6[%arg1, %add3A_166, %dma_start3A_171, %dma_start3A_172] : memref<16x32x5x125xi32, #tpu.memory_space<hbm>> -> memref<1x1x5x125xi32, #tpu.memory_space<hbm>>
        %dma_start3A_174 = tpu.memref_squeeze %dma_start3A_173 : memref<1x1x5x125xi32, #tpu.memory_space<hbm>> -> memref<5x125xi32, #tpu.memory_space<hbm>>
        tpu.enqueue_dma source(%dma_start3A_174 : memref<5x125xi32, #tpu.memory_space<hbm>>) target(%arg14 : memref<5x125xi32, #tpu.memory_space<vmem>>) target_semaphore(%arg24 : memref<!tpu.dma_semaphore, #tpu.memory_space<semaphore_mem>>)
        %mul3A_175 = arith.constant 2 : i32
        %mul3A_176 = arith.muli %mul3A_175, %add3A_107 : i32
        %add3A_177 = arith.constant 1 : i32
        %add3A_178 = arith.addi %mul3A_176, %add3A_177 : i32
        %dma_start3A_179 = arith.constant 0 : i32
        %dma_start3A_180 = arith.constant 0 : i32
        %dma_start3A_181 = tpu.memref_slice %arg7[%arg1, %add3A_178, %dma_start3A_179, %dma_start3A_180] : memref<16x32x5x125xi32, #tpu.memory_space<hbm>> -> memref<1x1x5x125xi32, #tpu.memory_space<hbm>>
        %dma_start3A_182 = tpu.memref_squeeze %dma_start3A_181 : memref<1x1x5x125xi32, #tpu.memory_space<hbm>> -> memref<5x125xi32, #tpu.memory_space<hbm>>
        %dma_start3A_183 = arith.constant 0 : i32
        %dma_start3A_184 = arith.constant 0 : i32
        %dma_start3A_185 = tpu.memref_slice %arg7[%arg1, %add3A_178, %dma_start3A_183, %dma_start3A_184] : memref<16x32x5x125xi32, #tpu.memory_space<hbm>> -> memref<1x1x5x125xi32, #tpu.memory_space<hbm>>
        %dma_start3A_186 = tpu.memref_squeeze %dma_start3A_185 : memref<1x1x5x125xi32, #tpu.memory_space<hbm>> -> memref<5x125xi32, #tpu.memory_space<hbm>>
        tpu.enqueue_dma source(%dma_start3A_186 : memref<5x125xi32, #tpu.memory_space<hbm>>) target(%arg15 : memref<5x125xi32, #tpu.memory_space<vmem>>) target_semaphore(%arg24 : memref<!tpu.dma_semaphore, #tpu.memory_space<semaphore_mem>>)
        %dma_wait3A_187 = arith.constant 1 : i32
        %dma_wait3A_188 = arith.constant 0 : i32
        %dma_wait3A_189 = tpu.memref_slice %arg13[%dma_wait3A_187, %dma_wait3A_188] : memref<5x125xi32, #tpu.memory_space<vmem>> -> memref<1x125xi32, #tpu.memory_space<vmem>>
        %dma_wait3A_190 = tpu.memref_squeeze %dma_wait3A_189 : memref<1x125xi32, #tpu.memory_space<vmem>> -> memref<125xi32, #tpu.memory_space<vmem>>
        %dma_wait3A_191 = arith.constant 0 : i32
        %dma_wait3A_192 = arith.constant 0 : i32
        %dma_wait3A_193 = tpu.memref_slice %arg11[%dma_wait3A_191, %dma_wait3A_192] : memref<10000x128xf32, #tpu.memory_space<vmem_shared>> -> memref<10000x128xf32, #tpu.memory_space<vmem_shared>>
        tpu.wait_indirect_dma semaphore(%arg20 : memref<!tpu.dma_semaphore, #tpu.memory_space<semaphore_mem>>) src(%arg16 : memref<125x128xf32, #tpu.memory_space<vmem>>) dst(%dma_wait3A_193 : memref<10000x128xf32, #tpu.memory_space<vmem_shared>>)
        %dma_wait3A_194 = arith.constant 1 : i32
        %dma_wait3A_195 = arith.constant 0 : i32
        %dma_wait3A_196 = tpu.memref_slice %arg26[%dma_wait3A_195] : memref<128xf32, #tpu.memory_space<vmem>> -> memref<125xf32, #tpu.memory_space<vmem>>
        %dma_wait3A_197 = arith.constant 0 : i32
        %dma_wait3A_198 = tpu.memref_slice %arg13[%dma_wait3A_194, %dma_wait3A_197] : memref<5x125xi32, #tpu.memory_space<vmem>> -> memref<1x125xi32, #tpu.memory_space<vmem>>
        %dma_wait3A_199 = tpu.memref_squeeze %dma_wait3A_198 : memref<1x125xi32, #tpu.memory_space<vmem>> -> memref<125xi32, #tpu.memory_space<vmem>>
        %dma_wait3A_200 = arith.constant 0 : i32
        %dma_wait3A_201 = tpu.memref_slice %arg25[%dma_wait3A_200] : memref<10000xf32, #tpu.memory_space<vmem_shared>> -> memref<10000xf32, #tpu.memory_space<vmem_shared>>
        tpu.wait_indirect_dma semaphore(%arg22 : memref<!tpu.dma_semaphore, #tpu.memory_space<semaphore_mem>>) src(%dma_wait3A_196 : memref<125xf32, #tpu.memory_space<vmem>>) dst(%dma_wait3A_201 : memref<10000xf32, #tpu.memory_space<vmem_shared>>)
        %dma_start3A_202 = arith.constant 2 : i32
        %dma_start3A_203 = arith.constant 0 : i32
        %dma_start3A_204 = tpu.memref_slice %arg12[%dma_start3A_202, %dma_start3A_203] : memref<5x125xi32, #tpu.memory_space<vmem>> -> memref<1x125xi32, #tpu.memory_space<vmem>>
        %dma_start3A_205 = tpu.memref_squeeze %dma_start3A_204 : memref<1x125xi32, #tpu.memory_space<vmem>> -> memref<125xi32, #tpu.memory_space<vmem>>
        %dma_start3A_206 = arith.constant 0 : i32
        %dma_start3A_207 = arith.constant 0 : i32
        %dma_start3A_208 = tpu.memref_slice %arg3[%dma_start3A_206, %dma_start3A_207] : memref<10000x128xf32, #tpu.memory_space<hbm>> -> memref<10000x128xf32, #tpu.memory_space<hbm>>
        tpu.enqueue_indirect_dma source(%dma_start3A_208 : memref<10000x128xf32, #tpu.memory_space<hbm>>) target(%arg16 : memref<125x128xf32, #tpu.memory_space<vmem>>) offsets(%dma_start3A_205 : memref<125xi32, #tpu.memory_space<vmem>>) semaphore(%arg18 : memref<!tpu.dma_semaphore, #tpu.memory_space<semaphore_mem>>)
        %dma_wait3A_209 = arith.constant 2 : i32
        %dma_wait3A_210 = arith.constant 0 : i32
        %dma_wait3A_211 = tpu.memref_slice %arg12[%dma_wait3A_209, %dma_wait3A_210] : memref<5x125xi32, #tpu.memory_space<vmem>> -> memref<1x125xi32, #tpu.memory_space<vmem>>
        %dma_wait3A_212 = tpu.memref_squeeze %dma_wait3A_211 : memref<1x125xi32, #tpu.memory_space<vmem>> -> memref<125xi32, #tpu.memory_space<vmem>>
        %dma_wait3A_213 = arith.constant 0 : i32
        %dma_wait3A_214 = arith.constant 0 : i32
        %dma_wait3A_215 = tpu.memref_slice %arg3[%dma_wait3A_213, %dma_wait3A_214] : memref<10000x128xf32, #tpu.memory_space<hbm>> -> memref<10000x128xf32, #tpu.memory_space<hbm>>
        tpu.wait_indirect_dma semaphore(%arg18 : memref<!tpu.dma_semaphore, #tpu.memory_space<semaphore_mem>>) src(%dma_wait3A_215 : memref<10000x128xf32, #tpu.memory_space<hbm>>) dst(%arg16 : memref<125x128xf32, #tpu.memory_space<vmem>>)
        %dma_start3A_216 = arith.constant 2 : i32
        %dma_start3A_217 = arith.constant 0 : i32
        %dma_start3A_218 = tpu.memref_slice %arg13[%dma_start3A_216, %dma_start3A_217] : memref<5x125xi32, #tpu.memory_space<vmem>> -> memref<1x125xi32, #tpu.memory_space<vmem>>
        %dma_start3A_219 = tpu.memref_squeeze %dma_start3A_218 : memref<1x125xi32, #tpu.memory_space<vmem>> -> memref<125xi32, #tpu.memory_space<vmem>>
        %dma_start3A_220 = arith.constant 0 : i32
        %dma_start3A_221 = arith.constant 0 : i32
        %dma_start3A_222 = tpu.memref_slice %arg11[%dma_start3A_220, %dma_start3A_221] : memref<10000x128xf32, #tpu.memory_space<vmem_shared>> -> memref<10000x128xf32, #tpu.memory_space<vmem_shared>>
        tpu.enqueue_indirect_dma source(%arg16 : memref<125x128xf32, #tpu.memory_space<vmem>>) target(%dma_start3A_222 : memref<10000x128xf32, #tpu.memory_space<vmem_shared>>) offsets(%dma_start3A_219 : memref<125xi32, #tpu.memory_space<vmem>>) semaphore(%arg20 : memref<!tpu.dma_semaphore, #tpu.memory_space<semaphore_mem>>) {add = true}
        %dma_start3A_223 = arith.constant 2 : i32
        %dma_start3A_224 = arith.constant 0 : i32
        %dma_start3A_225 = tpu.memref_slice %arg26[%dma_start3A_224] : memref<128xf32, #tpu.memory_space<vmem>> -> memref<125xf32, #tpu.memory_space<vmem>>
        %dma_start3A_226 = arith.constant 0 : i32
        %dma_start3A_227 = tpu.memref_slice %arg13[%dma_start3A_223, %dma_start3A_226] : memref<5x125xi32, #tpu.memory_space<vmem>> -> memref<1x125xi32, #tpu.memory_space<vmem>>
        %dma_start3A_228 = tpu.memref_squeeze %dma_start3A_227 : memref<1x125xi32, #tpu.memory_space<vmem>> -> memref<125xi32, #tpu.memory_space<vmem>>
        %dma_start3A_229 = arith.constant 0 : i32
        %dma_start3A_230 = tpu.memref_slice %arg25[%dma_start3A_229] : memref<10000xf32, #tpu.memory_space<vmem_shared>> -> memref<10000xf32, #tpu.memory_space<vmem_shared>>
        tpu.enqueue_indirect_dma source(%dma_start3A_225 : memref<125xf32, #tpu.memory_space<vmem>>) target(%dma_start3A_230 : memref<10000xf32, #tpu.memory_space<vmem_shared>>) offsets(%dma_start3A_228 : memref<125xi32, #tpu.memory_space<vmem>>) semaphore(%arg22 : memref<!tpu.dma_semaphore, #tpu.memory_space<semaphore_mem>>) {add = true}
        %dma_wait3A_231 = arith.constant 2 : i32
        %dma_wait3A_232 = arith.constant 0 : i32
        %dma_wait3A_233 = tpu.memref_slice %arg13[%dma_wait3A_231, %dma_wait3A_232] : memref<5x125xi32, #tpu.memory_space<vmem>> -> memref<1x125xi32, #tpu.memory_space<vmem>>
        %dma_wait3A_234 = tpu.memref_squeeze %dma_wait3A_233 : memref<1x125xi32, #tpu.memory_space<vmem>> -> memref<125xi32, #tpu.memory_space<vmem>>
        %dma_wait3A_235 = arith.constant 0 : i32
        %dma_wait3A_236 = arith.constant 0 : i32
        %dma_wait3A_237 = tpu.memref_slice %arg11[%dma_wait3A_235, %dma_wait3A_236] : memref<10000x128xf32, #tpu.memory_space<vmem_shared>> -> memref<10000x128xf32, #tpu.memory_space<vmem_shared>>
        tpu.wait_indirect_dma semaphore(%arg21 : memref<!tpu.dma_semaphore, #tpu.memory_space<semaphore_mem>>) src(%arg17 : memref<125x128xf32, #tpu.memory_space<vmem>>) dst(%dma_wait3A_237 : memref<10000x128xf32, #tpu.memory_space<vmem_shared>>)
        %dma_wait3A_238 = arith.constant 2 : i32
        %dma_wait3A_239 = arith.constant 0 : i32
        %dma_wait3A_240 = tpu.memref_slice %arg26[%dma_wait3A_239] : memref<128xf32, #tpu.memory_space<vmem>> -> memref<125xf32, #tpu.memory_space<vmem>>
        %dma_wait3A_241 = arith.constant 0 : i32
        %dma_wait3A_242 = tpu.memref_slice %arg13[%dma_wait3A_238, %dma_wait3A_241] : memref<5x125xi32, #tpu.memory_space<vmem>> -> memref<1x125xi32, #tpu.memory_space<vmem>>
        %dma_wait3A_243 = tpu.memref_squeeze %dma_wait3A_242 : memref<1x125xi32, #tpu.memory_space<vmem>> -> memref<125xi32, #tpu.memory_space<vmem>>
        %dma_wait3A_244 = arith.constant 0 : i32
        %dma_wait3A_245 = tpu.memref_slice %arg25[%dma_wait3A_244] : memref<10000xf32, #tpu.memory_space<vmem_shared>> -> memref<10000xf32, #tpu.memory_space<vmem_shared>>
        tpu.wait_indirect_dma semaphore(%arg23 : memref<!tpu.dma_semaphore, #tpu.memory_space<semaphore_mem>>) src(%dma_wait3A_240 : memref<125xf32, #tpu.memory_space<vmem>>) dst(%dma_wait3A_245 : memref<10000xf32, #tpu.memory_space<vmem_shared>>)
        %dma_start3A_246 = arith.constant 3 : i32
        %dma_start3A_247 = arith.constant 0 : i32
        %dma_start3A_248 = tpu.memref_slice %arg12[%dma_start3A_246, %dma_start3A_247] : memref<5x125xi32, #tpu.memory_space<vmem>> -> memref<1x125xi32, #tpu.memory_space<vmem>>
        %dma_start3A_249 = tpu.memref_squeeze %dma_start3A_248 : memref<1x125xi32, #tpu.memory_space<vmem>> -> memref<125xi32, #tpu.memory_space<vmem>>
        %dma_start3A_250 = arith.constant 0 : i32
        %dma_start3A_251 = arith.constant 0 : i32
        %dma_start3A_252 = tpu.memref_slice %arg3[%dma_start3A_250, %dma_start3A_251] : memref<10000x128xf32, #tpu.memory_space<hbm>> -> memref<10000x128xf32, #tpu.memory_space<hbm>>
        tpu.enqueue_indirect_dma source(%dma_start3A_252 : memref<10000x128xf32, #tpu.memory_space<hbm>>) target(%arg17 : memref<125x128xf32, #tpu.memory_space<vmem>>) offsets(%dma_start3A_249 : memref<125xi32, #tpu.memory_space<vmem>>) semaphore(%arg19 : memref<!tpu.dma_semaphore, #tpu.memory_space<semaphore_mem>>)
        %dma_wait3A_253 = arith.constant 3 : i32
        %dma_wait3A_254 = arith.constant 0 : i32
        %dma_wait3A_255 = tpu.memref_slice %arg12[%dma_wait3A_253, %dma_wait3A_254] : memref<5x125xi32, #tpu.memory_space<vmem>> -> memref<1x125xi32, #tpu.memory_space<vmem>>
        %dma_wait3A_256 = tpu.memref_squeeze %dma_wait3A_255 : memref<1x125xi32, #tpu.memory_space<vmem>> -> memref<125xi32, #tpu.memory_space<vmem>>
        %dma_wait3A_257 = arith.constant 0 : i32
        %dma_wait3A_258 = arith.constant 0 : i32
        %dma_wait3A_259 = tpu.memref_slice %arg3[%dma_wait3A_257, %dma_wait3A_258] : memref<10000x128xf32, #tpu.memory_space<hbm>> -> memref<10000x128xf32, #tpu.memory_space<hbm>>
        tpu.wait_indirect_dma semaphore(%arg19 : memref<!tpu.dma_semaphore, #tpu.memory_space<semaphore_mem>>) src(%dma_wait3A_259 : memref<10000x128xf32, #tpu.memory_space<hbm>>) dst(%arg17 : memref<125x128xf32, #tpu.memory_space<vmem>>)
        %dma_start3A_260 = arith.constant 3 : i32
        %dma_start3A_261 = arith.constant 0 : i32
        %dma_start3A_262 = tpu.memref_slice %arg13[%dma_start3A_260, %dma_start3A_261] : memref<5x125xi32, #tpu.memory_space<vmem>> -> memref<1x125xi32, #tpu.memory_space<vmem>>
        %dma_start3A_263 = tpu.memref_squeeze %dma_start3A_262 : memref<1x125xi32, #tpu.memory_space<vmem>> -> memref<125xi32, #tpu.memory_space<vmem>>
        %dma_start3A_264 = arith.constant 0 : i32
        %dma_start3A_265 = arith.constant 0 : i32
        %dma_start3A_266 = tpu.memref_slice %arg11[%dma_start3A_264, %dma_start3A_265] : memref<10000x128xf32, #tpu.memory_space<vmem_shared>> -> memref<10000x128xf32, #tpu.memory_space<vmem_shared>>
        tpu.enqueue_indirect_dma source(%arg17 : memref<125x128xf32, #tpu.memory_space<vmem>>) target(%dma_start3A_266 : memref<10000x128xf32, #tpu.memory_space<vmem_shared>>) offsets(%dma_start3A_263 : memref<125xi32, #tpu.memory_space<vmem>>) semaphore(%arg21 : memref<!tpu.dma_semaphore, #tpu.memory_space<semaphore_mem>>) {add = true}
        %dma_start3A_267 = arith.constant 3 : i32
        %dma_start3A_268 = arith.constant 0 : i32
        %dma_start3A_269 = tpu.memref_slice %arg26[%dma_start3A_268] : memref<128xf32, #tpu.memory_space<vmem>> -> memref<125xf32, #tpu.memory_space<vmem>>
        %dma_start3A_270 = arith.constant 0 : i32
        %dma_start3A_271 = tpu.memref_slice %arg13[%dma_start3A_267, %dma_start3A_270] : memref<5x125xi32, #tpu.memory_space<vmem>> -> memref<1x125xi32, #tpu.memory_space<vmem>>
        %dma_start3A_272 = tpu.memref_squeeze %dma_start3A_271 : memref<1x125xi32, #tpu.memory_space<vmem>> -> memref<125xi32, #tpu.memory_space<vmem>>
        %dma_start3A_273 = arith.constant 0 : i32
        %dma_start3A_274 = tpu.memref_slice %arg25[%dma_start3A_273] : memref<10000xf32, #tpu.memory_space<vmem_shared>> -> memref<10000xf32, #tpu.memory_space<vmem_shared>>
        tpu.enqueue_indirect_dma source(%dma_start3A_269 : memref<125xf32, #tpu.memory_space<vmem>>) target(%dma_start3A_274 : memref<10000xf32, #tpu.memory_space<vmem_shared>>) offsets(%dma_start3A_272 : memref<125xi32, #tpu.memory_space<vmem>>) semaphore(%arg23 : memref<!tpu.dma_semaphore, #tpu.memory_space<semaphore_mem>>) {add = true}
        %dma_wait3A_275 = arith.constant 3 : i32
        %dma_wait3A_276 = arith.constant 0 : i32
        %dma_wait3A_277 = tpu.memref_slice %arg13[%dma_wait3A_275, %dma_wait3A_276] : memref<5x125xi32, #tpu.memory_space<vmem>> -> memref<1x125xi32, #tpu.memory_space<vmem>>
        %dma_wait3A_278 = tpu.memref_squeeze %dma_wait3A_277 : memref<1x125xi32, #tpu.memory_space<vmem>> -> memref<125xi32, #tpu.memory_space<vmem>>
        %dma_wait3A_279 = arith.constant 0 : i32
        %dma_wait3A_280 = arith.constant 0 : i32
        %dma_wait3A_281 = tpu.memref_slice %arg11[%dma_wait3A_279, %dma_wait3A_280] : memref<10000x128xf32, #tpu.memory_space<vmem_shared>> -> memref<10000x128xf32, #tpu.memory_space<vmem_shared>>
        tpu.wait_indirect_dma semaphore(%arg20 : memref<!tpu.dma_semaphore, #tpu.memory_space<semaphore_mem>>) src(%arg16 : memref<125x128xf32, #tpu.memory_space<vmem>>) dst(%dma_wait3A_281 : memref<10000x128xf32, #tpu.memory_space<vmem_shared>>)
        %dma_wait3A_282 = arith.constant 3 : i32
        %dma_wait3A_283 = arith.constant 0 : i32
        %dma_wait3A_284 = tpu.memref_slice %arg26[%dma_wait3A_283] : memref<128xf32, #tpu.memory_space<vmem>> -> memref<125xf32, #tpu.memory_space<vmem>>
        %dma_wait3A_285 = arith.constant 0 : i32
        %dma_wait3A_286 = tpu.memref_slice %arg13[%dma_wait3A_282, %dma_wait3A_285] : memref<5x125xi32, #tpu.memory_space<vmem>> -> memref<1x125xi32, #tpu.memory_space<vmem>>
        %dma_wait3A_287 = tpu.memref_squeeze %dma_wait3A_286 : memref<1x125xi32, #tpu.memory_space<vmem>> -> memref<125xi32, #tpu.memory_space<vmem>>
        %dma_wait3A_288 = arith.constant 0 : i32
        %dma_wait3A_289 = tpu.memref_slice %arg25[%dma_wait3A_288] : memref<10000xf32, #tpu.memory_space<vmem_shared>> -> memref<10000xf32, #tpu.memory_space<vmem_shared>>
        tpu.wait_indirect_dma semaphore(%arg22 : memref<!tpu.dma_semaphore, #tpu.memory_space<semaphore_mem>>) src(%dma_wait3A_284 : memref<125xf32, #tpu.memory_space<vmem>>) dst(%dma_wait3A_289 : memref<10000xf32, #tpu.memory_space<vmem_shared>>)
        %dma_start3A_290 = arith.constant 4 : i32
        %dma_start3A_291 = arith.constant 0 : i32
        %dma_start3A_292 = tpu.memref_slice %arg12[%dma_start3A_290, %dma_start3A_291] : memref<5x125xi32, #tpu.memory_space<vmem>> -> memref<1x125xi32, #tpu.memory_space<vmem>>
        %dma_start3A_293 = tpu.memref_squeeze %dma_start3A_292 : memref<1x125xi32, #tpu.memory_space<vmem>> -> memref<125xi32, #tpu.memory_space<vmem>>
        %dma_start3A_294 = arith.constant 0 : i32
        %dma_start3A_295 = arith.constant 0 : i32
        %dma_start3A_296 = tpu.memref_slice %arg3[%dma_start3A_294, %dma_start3A_295] : memref<10000x128xf32, #tpu.memory_space<hbm>> -> memref<10000x128xf32, #tpu.memory_space<hbm>>
        tpu.enqueue_indirect_dma source(%dma_start3A_296 : memref<10000x128xf32, #tpu.memory_space<hbm>>) target(%arg16 : memref<125x128xf32, #tpu.memory_space<vmem>>) offsets(%dma_start3A_293 : memref<125xi32, #tpu.memory_space<vmem>>) semaphore(%arg18 : memref<!tpu.dma_semaphore, #tpu.memory_space<semaphore_mem>>)
        %dma_wait3A_297 = arith.constant 4 : i32
        %dma_wait3A_298 = arith.constant 0 : i32
        %dma_wait3A_299 = tpu.memref_slice %arg12[%dma_wait3A_297, %dma_wait3A_298] : memref<5x125xi32, #tpu.memory_space<vmem>> -> memref<1x125xi32, #tpu.memory_space<vmem>>
        %dma_wait3A_300 = tpu.memref_squeeze %dma_wait3A_299 : memref<1x125xi32, #tpu.memory_space<vmem>> -> memref<125xi32, #tpu.memory_space<vmem>>
        %dma_wait3A_301 = arith.constant 0 : i32
        %dma_wait3A_302 = arith.constant 0 : i32
        %dma_wait3A_303 = tpu.memref_slice %arg3[%dma_wait3A_301, %dma_wait3A_302] : memref<10000x128xf32, #tpu.memory_space<hbm>> -> memref<10000x128xf32, #tpu.memory_space<hbm>>
        tpu.wait_indirect_dma semaphore(%arg18 : memref<!tpu.dma_semaphore, #tpu.memory_space<semaphore_mem>>) src(%dma_wait3A_303 : memref<10000x128xf32, #tpu.memory_space<hbm>>) dst(%arg16 : memref<125x128xf32, #tpu.memory_space<vmem>>)
        %dma_start3A_304 = arith.constant 4 : i32
        %dma_start3A_305 = arith.constant 0 : i32
        %dma_start3A_306 = tpu.memref_slice %arg13[%dma_start3A_304, %dma_start3A_305] : memref<5x125xi32, #tpu.memory_space<vmem>> -> memref<1x125xi32, #tpu.memory_space<vmem>>
        %dma_start3A_307 = tpu.memref_squeeze %dma_start3A_306 : memref<1x125xi32, #tpu.memory_space<vmem>> -> memref<125xi32, #tpu.memory_space<vmem>>
        %dma_start3A_308 = arith.constant 0 : i32
        %dma_start3A_309 = arith.constant 0 : i32
        %dma_start3A_310 = tpu.memref_slice %arg11[%dma_start3A_308, %dma_start3A_309] : memref<10000x128xf32, #tpu.memory_space<vmem_shared>> -> memref<10000x128xf32, #tpu.memory_space<vmem_shared>>
        tpu.enqueue_indirect_dma source(%arg16 : memref<125x128xf32, #tpu.memory_space<vmem>>) target(%dma_start3A_310 : memref<10000x128xf32, #tpu.memory_space<vmem_shared>>) offsets(%dma_start3A_307 : memref<125xi32, #tpu.memory_space<vmem>>) semaphore(%arg20 : memref<!tpu.dma_semaphore, #tpu.memory_space<semaphore_mem>>) {add = true}
        %dma_start3A_311 = arith.constant 4 : i32
        %dma_start3A_312 = arith.constant 0 : i32
        %dma_start3A_313 = tpu.memref_slice %arg26[%dma_start3A_312] : memref<128xf32, #tpu.memory_space<vmem>> -> memref<125xf32, #tpu.memory_space<vmem>>
        %dma_start3A_314 = arith.constant 0 : i32
        %dma_start3A_315 = tpu.memref_slice %arg13[%dma_start3A_311, %dma_start3A_314] : memref<5x125xi32, #tpu.memory_space<vmem>> -> memref<1x125xi32, #tpu.memory_space<vmem>>
        %dma_start3A_316 = tpu.memref_squeeze %dma_start3A_315 : memref<1x125xi32, #tpu.memory_space<vmem>> -> memref<125xi32, #tpu.memory_space<vmem>>
        %dma_start3A_317 = arith.constant 0 : i32
        %dma_start3A_318 = tpu.memref_slice %arg25[%dma_start3A_317] : memref<10000xf32, #tpu.memory_space<vmem_shared>> -> memref<10000xf32, #tpu.memory_space<vmem_shared>>
        tpu.enqueue_indirect_dma source(%dma_start3A_313 : memref<125xf32, #tpu.memory_space<vmem>>) target(%dma_start3A_318 : memref<10000xf32, #tpu.memory_space<vmem_shared>>) offsets(%dma_start3A_316 : memref<125xi32, #tpu.memory_space<vmem>>) semaphore(%arg22 : memref<!tpu.dma_semaphore, #tpu.memory_space<semaphore_mem>>) {add = true}
        %dma_wait3A_319 = arith.constant 4 : i32
        %dma_wait3A_320 = arith.constant 0 : i32
        %dma_wait3A_321 = tpu.memref_slice %arg13[%dma_wait3A_319, %dma_wait3A_320] : memref<5x125xi32, #tpu.memory_space<vmem>> -> memref<1x125xi32, #tpu.memory_space<vmem>>
        %dma_wait3A_322 = tpu.memref_squeeze %dma_wait3A_321 : memref<1x125xi32, #tpu.memory_space<vmem>> -> memref<125xi32, #tpu.memory_space<vmem>>
        %dma_wait3A_323 = arith.constant 0 : i32
        %dma_wait3A_324 = arith.constant 0 : i32
        %dma_wait3A_325 = tpu.memref_slice %arg11[%dma_wait3A_323, %dma_wait3A_324] : memref<10000x128xf32, #tpu.memory_space<vmem_shared>> -> memref<10000x128xf32, #tpu.memory_space<vmem_shared>>
        tpu.wait_indirect_dma semaphore(%arg21 : memref<!tpu.dma_semaphore, #tpu.memory_space<semaphore_mem>>) src(%arg17 : memref<125x128xf32, #tpu.memory_space<vmem>>) dst(%dma_wait3A_325 : memref<10000x128xf32, #tpu.memory_space<vmem_shared>>)
        %dma_wait3A_326 = arith.constant 4 : i32
        %dma_wait3A_327 = arith.constant 0 : i32
        %dma_wait3A_328 = tpu.memref_slice %arg26[%dma_wait3A_327] : memref<128xf32, #tpu.memory_space<vmem>> -> memref<125xf32, #tpu.memory_space<vmem>>
        %dma_wait3A_329 = arith.constant 0 : i32
        %dma_wait3A_330 = tpu.memref_slice %arg13[%dma_wait3A_326, %dma_wait3A_329] : memref<5x125xi32, #tpu.memory_space<vmem>> -> memref<1x125xi32, #tpu.memory_space<vmem>>
        %dma_wait3A_331 = tpu.memref_squeeze %dma_wait3A_330 : memref<1x125xi32, #tpu.memory_space<vmem>> -> memref<125xi32, #tpu.memory_space<vmem>>
        %dma_wait3A_332 = arith.constant 0 : i32
        %dma_wait3A_333 = tpu.memref_slice %arg25[%dma_wait3A_332] : memref<10000xf32, #tpu.memory_space<vmem_shared>> -> memref<10000xf32, #tpu.memory_space<vmem_shared>>
        tpu.wait_indirect_dma semaphore(%arg23 : memref<!tpu.dma_semaphore, #tpu.memory_space<semaphore_mem>>) src(%dma_wait3A_328 : memref<125xf32, #tpu.memory_space<vmem>>) dst(%dma_wait3A_333 : memref<10000xf32, #tpu.memory_space<vmem_shared>>)
        %mul3A_334 = arith.constant 2 : i32
        %mul3A_335 = arith.muli %mul3A_334, %add3A_107 : i32
        %add3A_336 = arith.constant 1 : i32
        %add3A_337 = arith.addi %mul3A_335, %add3A_336 : i32
        %dma_wait3A_338 = arith.constant 0 : i32
        %dma_wait3A_339 = arith.constant 0 : i32
        %dma_wait3A_340 = tpu.memref_slice %arg6[%arg1, %add3A_337, %dma_wait3A_338, %dma_wait3A_339] : memref<16x32x5x125xi32, #tpu.memory_space<hbm>> -> memref<1x1x5x125xi32, #tpu.memory_space<hbm>>
        %dma_wait3A_341 = tpu.memref_squeeze %dma_wait3A_340 : memref<1x1x5x125xi32, #tpu.memory_space<hbm>> -> memref<5x125xi32, #tpu.memory_space<hbm>>
        %dma_wait3A_342 = arith.constant 0 : i32
        %dma_wait3A_343 = arith.constant 0 : i32
        %dma_wait3A_344 = tpu.memref_slice %arg6[%arg1, %add3A_337, %dma_wait3A_342, %dma_wait3A_343] : memref<16x32x5x125xi32, #tpu.memory_space<hbm>> -> memref<1x1x5x125xi32, #tpu.memory_space<hbm>>
        %dma_wait3A_345 = tpu.memref_squeeze %dma_wait3A_344 : memref<1x1x5x125xi32, #tpu.memory_space<hbm>> -> memref<5x125xi32, #tpu.memory_space<hbm>>
        tpu.wait_dma2 semaphore(%arg24 : memref<!tpu.dma_semaphore, #tpu.memory_space<semaphore_mem>>) src(%dma_wait3A_345 : memref<5x125xi32, #tpu.memory_space<hbm>>) dst(%arg14 : memref<5x125xi32, #tpu.memory_space<vmem>>)
        %mul3A_346 = arith.constant 2 : i32
        %mul3A_347 = arith.muli %mul3A_346, %add3A_107 : i32
        %add3A_348 = arith.constant 1 : i32
        %add3A_349 = arith.addi %mul3A_347, %add3A_348 : i32
        %dma_wait3A_350 = arith.constant 0 : i32
        %dma_wait3A_351 = arith.constant 0 : i32
        %dma_wait3A_352 = tpu.memref_slice %arg7[%arg1, %add3A_349, %dma_wait3A_350, %dma_wait3A_351] : memref<16x32x5x125xi32, #tpu.memory_space<hbm>> -> memref<1x1x5x125xi32, #tpu.memory_space<hbm>>
        %dma_wait3A_353 = tpu.memref_squeeze %dma_wait3A_352 : memref<1x1x5x125xi32, #tpu.memory_space<hbm>> -> memref<5x125xi32, #tpu.memory_space<hbm>>
        %dma_wait3A_354 = arith.constant 0 : i32
        %dma_wait3A_355 = arith.constant 0 : i32
        %dma_wait3A_356 = tpu.memref_slice %arg7[%arg1, %add3A_349, %dma_wait3A_354, %dma_wait3A_355] : memref<16x32x5x125xi32, #tpu.memory_space<hbm>> -> memref<1x1x5x125xi32, #tpu.memory_space<hbm>>
        %dma_wait3A_357 = tpu.memref_squeeze %dma_wait3A_356 : memref<1x1x5x125xi32, #tpu.memory_space<hbm>> -> memref<5x125xi32, #tpu.memory_space<hbm>>
        tpu.wait_dma2 semaphore(%arg24 : memref<!tpu.dma_semaphore, #tpu.memory_space<semaphore_mem>>) src(%dma_wait3A_357 : memref<5x125xi32, #tpu.memory_space<hbm>>) dst(%arg15 : memref<5x125xi32, #tpu.memory_space<vmem>>)
        %dma_start3A_358 = arith.constant 0 : i32
        %dma_start3A_359 = arith.constant 0 : i32
        %dma_start3A_360 = tpu.memref_slice %arg14[%dma_start3A_358, %dma_start3A_359] : memref<5x125xi32, #tpu.memory_space<vmem>> -> memref<1x125xi32, #tpu.memory_space<vmem>>
        %dma_start3A_361 = tpu.memref_squeeze %dma_start3A_360 : memref<1x125xi32, #tpu.memory_space<vmem>> -> memref<125xi32, #tpu.memory_space<vmem>>
        %dma_start3A_362 = arith.constant 0 : i32
        %dma_start3A_363 = arith.constant 0 : i32
        %dma_start3A_364 = tpu.memref_slice %arg3[%dma_start3A_362, %dma_start3A_363] : memref<10000x128xf32, #tpu.memory_space<hbm>> -> memref<10000x128xf32, #tpu.memory_space<hbm>>
        tpu.enqueue_indirect_dma source(%dma_start3A_364 : memref<10000x128xf32, #tpu.memory_space<hbm>>) target(%arg17 : memref<125x128xf32, #tpu.memory_space<vmem>>) offsets(%dma_start3A_361 : memref<125xi32, #tpu.memory_space<vmem>>) semaphore(%arg19 : memref<!tpu.dma_semaphore, #tpu.memory_space<semaphore_mem>>)
        %dma_wait3A_365 = arith.constant 0 : i32
        %dma_wait3A_366 = arith.constant 0 : i32
        %dma_wait3A_367 = tpu.memref_slice %arg14[%dma_wait3A_365, %dma_wait3A_366] : memref<5x125xi32, #tpu.memory_space<vmem>> -> memref<1x125xi32, #tpu.memory_space<vmem>>
        %dma_wait3A_368 = tpu.memref_squeeze %dma_wait3A_367 : memref<1x125xi32, #tpu.memory_space<vmem>> -> memref<125xi32, #tpu.memory_space<vmem>>
        %dma_wait3A_369 = arith.constant 0 : i32
        %dma_wait3A_370 = arith.constant 0 : i32
        %dma_wait3A_371 = tpu.memref_slice %arg3[%dma_wait3A_369, %dma_wait3A_370] : memref<10000x128xf32, #tpu.memory_space<hbm>> -> memref<10000x128xf32, #tpu.memory_space<hbm>>
        tpu.wait_indirect_dma semaphore(%arg19 : memref<!tpu.dma_semaphore, #tpu.memory_space<semaphore_mem>>) src(%dma_wait3A_371 : memref<10000x128xf32, #tpu.memory_space<hbm>>) dst(%arg17 : memref<125x128xf32, #tpu.memory_space<vmem>>)
        %dma_start3A_372 = arith.constant 0 : i32
        %dma_start3A_373 = arith.constant 0 : i32
        %dma_start3A_374 = tpu.memref_slice %arg15[%dma_start3A_372, %dma_start3A_373] : memref<5x125xi32, #tpu.memory_space<vmem>> -> memref<1x125xi32, #tpu.memory_space<vmem>>
        %dma_start3A_375 = tpu.memref_squeeze %dma_start3A_374 : memref<1x125xi32, #tpu.memory_space<vmem>> -> memref<125xi32, #tpu.memory_space<vmem>>
        %dma_start3A_376 = arith.constant 0 : i32
        %dma_start3A_377 = arith.constant 0 : i32
        %dma_start3A_378 = tpu.memref_slice %arg11[%dma_start3A_376, %dma_start3A_377] : memref<10000x128xf32, #tpu.memory_space<vmem_shared>> -> memref<10000x128xf32, #tpu.memory_space<vmem_shared>>
        tpu.enqueue_indirect_dma source(%arg17 : memref<125x128xf32, #tpu.memory_space<vmem>>) target(%dma_start3A_378 : memref<10000x128xf32, #tpu.memory_space<vmem_shared>>) offsets(%dma_start3A_375 : memref<125xi32, #tpu.memory_space<vmem>>) semaphore(%arg21 : memref<!tpu.dma_semaphore, #tpu.memory_space<semaphore_mem>>) {add = true}
        %dma_start3A_379 = arith.constant 0 : i32
        %dma_start3A_380 = arith.constant 0 : i32
        %dma_start3A_381 = tpu.memref_slice %arg26[%dma_start3A_380] : memref<128xf32, #tpu.memory_space<vmem>> -> memref<125xf32, #tpu.memory_space<vmem>>
        %dma_start3A_382 = arith.constant 0 : i32
        %dma_start3A_383 = tpu.memref_slice %arg15[%dma_start3A_379, %dma_start3A_382] : memref<5x125xi32, #tpu.memory_space<vmem>> -> memref<1x125xi32, #tpu.memory_space<vmem>>
        %dma_start3A_384 = tpu.memref_squeeze %dma_start3A_383 : memref<1x125xi32, #tpu.memory_space<vmem>> -> memref<125xi32, #tpu.memory_space<vmem>>
        %dma_start3A_385 = arith.constant 0 : i32
        %dma_start3A_386 = tpu.memref_slice %arg25[%dma_start3A_385] : memref<10000xf32, #tpu.memory_space<vmem_shared>> -> memref<10000xf32, #tpu.memory_space<vmem_shared>>
        tpu.enqueue_indirect_dma source(%dma_start3A_381 : memref<125xf32, #tpu.memory_space<vmem>>) target(%dma_start3A_386 : memref<10000xf32, #tpu.memory_space<vmem_shared>>) offsets(%dma_start3A_384 : memref<125xi32, #tpu.memory_space<vmem>>) semaphore(%arg23 : memref<!tpu.dma_semaphore, #tpu.memory_space<semaphore_mem>>) {add = true}
        %dma_wait3A_387 = arith.constant 0 : i32
        %dma_wait3A_388 = arith.constant 0 : i32
        %dma_wait3A_389 = tpu.memref_slice %arg15[%dma_wait3A_387, %dma_wait3A_388] : memref<5x125xi32, #tpu.memory_space<vmem>> -> memref<1x125xi32, #tpu.memory_space<vmem>>
        %dma_wait3A_390 = tpu.memref_squeeze %dma_wait3A_389 : memref<1x125xi32, #tpu.memory_space<vmem>> -> memref<125xi32, #tpu.memory_space<vmem>>
        %dma_wait3A_391 = arith.constant 0 : i32
        %dma_wait3A_392 = arith.constant 0 : i32
        %dma_wait3A_393 = tpu.memref_slice %arg11[%dma_wait3A_391, %dma_wait3A_392] : memref<10000x128xf32, #tpu.memory_space<vmem_shared>> -> memref<10000x128xf32, #tpu.memory_space<vmem_shared>>
        tpu.wait_indirect_dma semaphore(%arg20 : memref<!tpu.dma_semaphore, #tpu.memory_space<semaphore_mem>>) src(%arg16 : memref<125x128xf32, #tpu.memory_space<vmem>>) dst(%dma_wait3A_393 : memref<10000x128xf32, #tpu.memory_space<vmem_shared>>)
        %dma_wait3A_394 = arith.constant 0 : i32
        %dma_wait3A_395 = arith.constant 0 : i32
        %dma_wait3A_396 = tpu.memref_slice %arg26[%dma_wait3A_395] : memref<128xf32, #tpu.memory_space<vmem>> -> memref<125xf32, #tpu.memory_space<vmem>>
        %dma_wait3A_397 = arith.constant 0 : i32
        %dma_wait3A_398 = tpu.memref_slice %arg15[%dma_wait3A_394, %dma_wait3A_397] : memref<5x125xi32, #tpu.memory_space<vmem>> -> memref<1x125xi32, #tpu.memory_space<vmem>>
        %dma_wait3A_399 = tpu.memref_squeeze %dma_wait3A_398 : memref<1x125xi32, #tpu.memory_space<vmem>> -> memref<125xi32, #tpu.memory_space<vmem>>
        %dma_wait3A_400 = arith.constant 0 : i32
        %dma_wait3A_401 = tpu.memref_slice %arg25[%dma_wait3A_400] : memref<10000xf32, #tpu.memory_space<vmem_shared>> -> memref<10000xf32, #tpu.memory_space<vmem_shared>>
        tpu.wait_indirect_dma semaphore(%arg22 : memref<!tpu.dma_semaphore, #tpu.memory_space<semaphore_mem>>) src(%dma_wait3A_396 : memref<125xf32, #tpu.memory_space<vmem>>) dst(%dma_wait3A_401 : memref<10000xf32, #tpu.memory_space<vmem_shared>>)
        %dma_start3A_402 = arith.constant 1 : i32
        %dma_start3A_403 = arith.constant 0 : i32
        %dma_start3A_404 = tpu.memref_slice %arg14[%dma_start3A_402, %dma_start3A_403] : memref<5x125xi32, #tpu.memory_space<vmem>> -> memref<1x125xi32, #tpu.memory_space<vmem>>
        %dma_start3A_405 = tpu.memref_squeeze %dma_start3A_404 : memref<1x125xi32, #tpu.memory_space<vmem>> -> memref<125xi32, #tpu.memory_space<vmem>>
        %dma_start3A_406 = arith.constant 0 : i32
        %dma_start3A_407 = arith.constant 0 : i32
        %dma_start3A_408 = tpu.memref_slice %arg3[%dma_start3A_406, %dma_start3A_407] : memref<10000x128xf32, #tpu.memory_space<hbm>> -> memref<10000x128xf32, #tpu.memory_space<hbm>>
        tpu.enqueue_indirect_dma source(%dma_start3A_408 : memref<10000x128xf32, #tpu.memory_space<hbm>>) target(%arg16 : memref<125x128xf32, #tpu.memory_space<vmem>>) offsets(%dma_start3A_405 : memref<125xi32, #tpu.memory_space<vmem>>) semaphore(%arg18 : memref<!tpu.dma_semaphore, #tpu.memory_space<semaphore_mem>>)
        %dma_wait3A_409 = arith.constant 1 : i32
        %dma_wait3A_410 = arith.constant 0 : i32
        %dma_wait3A_411 = tpu.memref_slice %arg14[%dma_wait3A_409, %dma_wait3A_410] : memref<5x125xi32, #tpu.memory_space<vmem>> -> memref<1x125xi32, #tpu.memory_space<vmem>>
        %dma_wait3A_412 = tpu.memref_squeeze %dma_wait3A_411 : memref<1x125xi32, #tpu.memory_space<vmem>> -> memref<125xi32, #tpu.memory_space<vmem>>
        %dma_wait3A_413 = arith.constant 0 : i32
        %dma_wait3A_414 = arith.constant 0 : i32
        %dma_wait3A_415 = tpu.memref_slice %arg3[%dma_wait3A_413, %dma_wait3A_414] : memref<10000x128xf32, #tpu.memory_space<hbm>> -> memref<10000x128xf32, #tpu.memory_space<hbm>>
        tpu.wait_indirect_dma semaphore(%arg18 : memref<!tpu.dma_semaphore, #tpu.memory_space<semaphore_mem>>) src(%dma_wait3A_415 : memref<10000x128xf32, #tpu.memory_space<hbm>>) dst(%arg16 : memref<125x128xf32, #tpu.memory_space<vmem>>)
        %dma_start3A_416 = arith.constant 1 : i32
        %dma_start3A_417 = arith.constant 0 : i32
        %dma_start3A_418 = tpu.memref_slice %arg15[%dma_start3A_416, %dma_start3A_417] : memref<5x125xi32, #tpu.memory_space<vmem>> -> memref<1x125xi32, #tpu.memory_space<vmem>>
        %dma_start3A_419 = tpu.memref_squeeze %dma_start3A_418 : memref<1x125xi32, #tpu.memory_space<vmem>> -> memref<125xi32, #tpu.memory_space<vmem>>
        %dma_start3A_420 = arith.constant 0 : i32
        %dma_start3A_421 = arith.constant 0 : i32
        %dma_start3A_422 = tpu.memref_slice %arg11[%dma_start3A_420, %dma_start3A_421] : memref<10000x128xf32, #tpu.memory_space<vmem_shared>> -> memref<10000x128xf32, #tpu.memory_space<vmem_shared>>
        tpu.enqueue_indirect_dma source(%arg16 : memref<125x128xf32, #tpu.memory_space<vmem>>) target(%dma_start3A_422 : memref<10000x128xf32, #tpu.memory_space<vmem_shared>>) offsets(%dma_start3A_419 : memref<125xi32, #tpu.memory_space<vmem>>) semaphore(%arg20 : memref<!tpu.dma_semaphore, #tpu.memory_space<semaphore_mem>>) {add = true}
        %dma_start3A_423 = arith.constant 1 : i32
        %dma_start3A_424 = arith.constant 0 : i32
        %dma_start3A_425 = tpu.memref_slice %arg26[%dma_start3A_424] : memref<128xf32, #tpu.memory_space<vmem>> -> memref<125xf32, #tpu.memory_space<vmem>>
        %dma_start3A_426 = arith.constant 0 : i32
        %dma_start3A_427 = tpu.memref_slice %arg15[%dma_start3A_423, %dma_start3A_426] : memref<5x125xi32, #tpu.memory_space<vmem>> -> memref<1x125xi32, #tpu.memory_space<vmem>>
        %dma_start3A_428 = tpu.memref_squeeze %dma_start3A_427 : memref<1x125xi32, #tpu.memory_space<vmem>> -> memref<125xi32, #tpu.memory_space<vmem>>
        %dma_start3A_429 = arith.constant 0 : i32
        %dma_start3A_430 = tpu.memref_slice %arg25[%dma_start3A_429] : memref<10000xf32, #tpu.memory_space<vmem_shared>> -> memref<10000xf32, #tpu.memory_space<vmem_shared>>
        tpu.enqueue_indirect_dma source(%dma_start3A_425 : memref<125xf32, #tpu.memory_space<vmem>>) target(%dma_start3A_430 : memref<10000xf32, #tpu.memory_space<vmem_shared>>) offsets(%dma_start3A_428 : memref<125xi32, #tpu.memory_space<vmem>>) semaphore(%arg22 : memref<!tpu.dma_semaphore, #tpu.memory_space<semaphore_mem>>) {add = true}
        %lt3A_431 = arith.constant 15 : i32
        %lt3A_432 = arith.cmpi slt, %add3A_107, %lt3A_431 : i32
        %convert_element_type3A_433 = arith.extui %lt3A_432 : i1 to i32
        %cond3A_434 = arith.constant 0 : i32
        %cond3A_435 = arith.cmpi ne, %convert_element_type3A_433, %cond3A_434 : i32
        scf.if %cond3A_435 {
          %mul3A_573 = arith.constant 2 : i32
          %mul3A_574 = arith.muli %mul3A_573, %add3A_107 : i32
          %add3A_575 = arith.constant 2 : i32
          %add3A_576 = arith.addi %mul3A_574, %add3A_575 : i32
          %dma_start3A_577 = arith.constant 0 : i32
          %dma_start3A_578 = arith.constant 0 : i32
          %dma_start3A_579 = tpu.memref_slice %arg6[%arg1, %add3A_576, %dma_start3A_577, %dma_start3A_578] : memref<16x32x5x125xi32, #tpu.memory_space<hbm>> -> memref<1x1x5x125xi32, #tpu.memory_space<hbm>>
          %dma_start3A_580 = tpu.memref_squeeze %dma_start3A_579 : memref<1x1x5x125xi32, #tpu.memory_space<hbm>> -> memref<5x125xi32, #tpu.memory_space<hbm>>
          %dma_start3A_581 = arith.constant 0 : i32
          %dma_start3A_582 = arith.constant 0 : i32
          %dma_start3A_583 = tpu.memref_slice %arg6[%arg1, %add3A_576, %dma_start3A_581, %dma_start3A_582] : memref<16x32x5x125xi32, #tpu.memory_space<hbm>> -> memref<1x1x5x125xi32, #tpu.memory_space<hbm>>
          %dma_start3A_584 = tpu.memref_squeeze %dma_start3A_583 : memref<1x1x5x125xi32, #tpu.memory_space<hbm>> -> memref<5x125xi32, #tpu.memory_space<hbm>>
          tpu.enqueue_dma source(%dma_start3A_584 : memref<5x125xi32, #tpu.memory_space<hbm>>) target(%arg12 : memref<5x125xi32, #tpu.memory_space<vmem>>) target_semaphore(%arg24 : memref<!tpu.dma_semaphore, #tpu.memory_space<semaphore_mem>>)
          %mul3A_585 = arith.constant 2 : i32
          %mul3A_586 = arith.muli %mul3A_585, %add3A_107 : i32
          %add3A_587 = arith.constant 2 : i32
          %add3A_588 = arith.addi %mul3A_586, %add3A_587 : i32
          %dma_start3A_589 = arith.constant 0 : i32
          %dma_start3A_590 = arith.constant 0 : i32
          %dma_start3A_591 = tpu.memref_slice %arg7[%arg1, %add3A_588, %dma_start3A_589, %dma_start3A_590] : memref<16x32x5x125xi32, #tpu.memory_space<hbm>> -> memref<1x1x5x125xi32, #tpu.memory_space<hbm>>
          %dma_start3A_592 = tpu.memref_squeeze %dma_start3A_591 : memref<1x1x5x125xi32, #tpu.memory_space<hbm>> -> memref<5x125xi32, #tpu.memory_space<hbm>>
          %dma_start3A_593 = arith.constant 0 : i32
          %dma_start3A_594 = arith.constant 0 : i32
          %dma_start3A_595 = tpu.memref_slice %arg7[%arg1, %add3A_588, %dma_start3A_593, %dma_start3A_594] : memref<16x32x5x125xi32, #tpu.memory_space<hbm>> -> memref<1x1x5x125xi32, #tpu.memory_space<hbm>>
          %dma_start3A_596 = tpu.memref_squeeze %dma_start3A_595 : memref<1x1x5x125xi32, #tpu.memory_space<hbm>> -> memref<5x125xi32, #tpu.memory_space<hbm>>
          tpu.enqueue_dma source(%dma_start3A_596 : memref<5x125xi32, #tpu.memory_space<hbm>>) target(%arg13 : memref<5x125xi32, #tpu.memory_space<vmem>>) target_semaphore(%arg24 : memref<!tpu.dma_semaphore, #tpu.memory_space<semaphore_mem>>)
        } else {
        }
        %dma_wait3A_436 = arith.constant 1 : i32
        %dma_wait3A_437 = arith.constant 0 : i32
        %dma_wait3A_438 = tpu.memref_slice %arg15[%dma_wait3A_436, %dma_wait3A_437] : memref<5x125xi32, #tpu.memory_space<vmem>> -> memref<1x125xi32, #tpu.memory_space<vmem>>
        %dma_wait3A_439 = tpu.memref_squeeze %dma_wait3A_438 : memref<1x125xi32, #tpu.memory_space<vmem>> -> memref<125xi32, #tpu.memory_space<vmem>>
        %dma_wait3A_440 = arith.constant 0 : i32
        %dma_wait3A_441 = arith.constant 0 : i32
        %dma_wait3A_442 = tpu.memref_slice %arg11[%dma_wait3A_440, %dma_wait3A_441] : memref<10000x128xf32, #tpu.memory_space<vmem_shared>> -> memref<10000x128xf32, #tpu.memory_space<vmem_shared>>
        tpu.wait_indirect_dma semaphore(%arg21 : memref<!tpu.dma_semaphore, #tpu.memory_space<semaphore_mem>>) src(%arg17 : memref<125x128xf32, #tpu.memory_space<vmem>>) dst(%dma_wait3A_442 : memref<10000x128xf32, #tpu.memory_space<vmem_shared>>)
        %dma_wait3A_443 = arith.constant 1 : i32
        %dma_wait3A_444 = arith.constant 0 : i32
        %dma_wait3A_445 = tpu.memref_slice %arg26[%dma_wait3A_444] : memref<128xf32, #tpu.memory_space<vmem>> -> memref<125xf32, #tpu.memory_space<vmem>>
        %dma_wait3A_446 = arith.constant 0 : i32
        %dma_wait3A_447 = tpu.memref_slice %arg15[%dma_wait3A_443, %dma_wait3A_446] : memref<5x125xi32, #tpu.memory_space<vmem>> -> memref<1x125xi32, #tpu.memory_space<vmem>>
        %dma_wait3A_448 = tpu.memref_squeeze %dma_wait3A_447 : memref<1x125xi32, #tpu.memory_space<vmem>> -> memref<125xi32, #tpu.memory_space<vmem>>
        %dma_wait3A_449 = arith.constant 0 : i32
        %dma_wait3A_450 = tpu.memref_slice %arg25[%dma_wait3A_449] : memref<10000xf32, #tpu.memory_space<vmem_shared>> -> memref<10000xf32, #tpu.memory_space<vmem_shared>>
        tpu.wait_indirect_dma semaphore(%arg23 : memref<!tpu.dma_semaphore, #tpu.memory_space<semaphore_mem>>) src(%dma_wait3A_445 : memref<125xf32, #tpu.memory_space<vmem>>) dst(%dma_wait3A_450 : memref<10000xf32, #tpu.memory_space<vmem_shared>>)
        %dma_start3A_451 = arith.constant 2 : i32
        %dma_start3A_452 = arith.constant 0 : i32
        %dma_start3A_453 = tpu.memref_slice %arg14[%dma_start3A_451, %dma_start3A_452] : memref<5x125xi32, #tpu.memory_space<vmem>> -> memref<1x125xi32, #tpu.memory_space<vmem>>
        %dma_start3A_454 = tpu.memref_squeeze %dma_start3A_453 : memref<1x125xi32, #tpu.memory_space<vmem>> -> memref<125xi32, #tpu.memory_space<vmem>>
        %dma_start3A_455 = arith.constant 0 : i32
        %dma_start3A_456 = arith.constant 0 : i32
        %dma_start3A_457 = tpu.memref_slice %arg3[%dma_start3A_455, %dma_start3A_456] : memref<10000x128xf32, #tpu.memory_space<hbm>> -> memref<10000x128xf32, #tpu.memory_space<hbm>>
        tpu.enqueue_indirect_dma source(%dma_start3A_457 : memref<10000x128xf32, #tpu.memory_space<hbm>>) target(%arg17 : memref<125x128xf32, #tpu.memory_space<vmem>>) offsets(%dma_start3A_454 : memref<125xi32, #tpu.memory_space<vmem>>) semaphore(%arg19 : memref<!tpu.dma_semaphore, #tpu.memory_space<semaphore_mem>>)
        %dma_wait3A_458 = arith.constant 2 : i32
        %dma_wait3A_459 = arith.constant 0 : i32
        %dma_wait3A_460 = tpu.memref_slice %arg14[%dma_wait3A_458, %dma_wait3A_459] : memref<5x125xi32, #tpu.memory_space<vmem>> -> memref<1x125xi32, #tpu.memory_space<vmem>>
        %dma_wait3A_461 = tpu.memref_squeeze %dma_wait3A_460 : memref<1x125xi32, #tpu.memory_space<vmem>> -> memref<125xi32, #tpu.memory_space<vmem>>
        %dma_wait3A_462 = arith.constant 0 : i32
        %dma_wait3A_463 = arith.constant 0 : i32
        %dma_wait3A_464 = tpu.memref_slice %arg3[%dma_wait3A_462, %dma_wait3A_463] : memref<10000x128xf32, #tpu.memory_space<hbm>> -> memref<10000x128xf32, #tpu.memory_space<hbm>>
        tpu.wait_indirect_dma semaphore(%arg19 : memref<!tpu.dma_semaphore, #tpu.memory_space<semaphore_mem>>) src(%dma_wait3A_464 : memref<10000x128xf32, #tpu.memory_space<hbm>>) dst(%arg17 : memref<125x128xf32, #tpu.memory_space<vmem>>)
        %dma_start3A_465 = arith.constant 2 : i32
        %dma_start3A_466 = arith.constant 0 : i32
        %dma_start3A_467 = tpu.memref_slice %arg15[%dma_start3A_465, %dma_start3A_466] : memref<5x125xi32, #tpu.memory_space<vmem>> -> memref<1x125xi32, #tpu.memory_space<vmem>>
        %dma_start3A_468 = tpu.memref_squeeze %dma_start3A_467 : memref<1x125xi32, #tpu.memory_space<vmem>> -> memref<125xi32, #tpu.memory_space<vmem>>
        %dma_start3A_469 = arith.constant 0 : i32
        %dma_start3A_470 = arith.constant 0 : i32
        %dma_start3A_471 = tpu.memref_slice %arg11[%dma_start3A_469, %dma_start3A_470] : memref<10000x128xf32, #tpu.memory_space<vmem_shared>> -> memref<10000x128xf32, #tpu.memory_space<vmem_shared>>
        tpu.enqueue_indirect_dma source(%arg17 : memref<125x128xf32, #tpu.memory_space<vmem>>) target(%dma_start3A_471 : memref<10000x128xf32, #tpu.memory_space<vmem_shared>>) offsets(%dma_start3A_468 : memref<125xi32, #tpu.memory_space<vmem>>) semaphore(%arg21 : memref<!tpu.dma_semaphore, #tpu.memory_space<semaphore_mem>>) {add = true}
        %dma_start3A_472 = arith.constant 2 : i32
        %dma_start3A_473 = arith.constant 0 : i32
        %dma_start3A_474 = tpu.memref_slice %arg26[%dma_start3A_473] : memref<128xf32, #tpu.memory_space<vmem>> -> memref<125xf32, #tpu.memory_space<vmem>>
        %dma_start3A_475 = arith.constant 0 : i32
        %dma_start3A_476 = tpu.memref_slice %arg15[%dma_start3A_472, %dma_start3A_475] : memref<5x125xi32, #tpu.memory_space<vmem>> -> memref<1x125xi32, #tpu.memory_space<vmem>>
        %dma_start3A_477 = tpu.memref_squeeze %dma_start3A_476 : memref<1x125xi32, #tpu.memory_space<vmem>> -> memref<125xi32, #tpu.memory_space<vmem>>
        %dma_start3A_478 = arith.constant 0 : i32
        %dma_start3A_479 = tpu.memref_slice %arg25[%dma_start3A_478] : memref<10000xf32, #tpu.memory_space<vmem_shared>> -> memref<10000xf32, #tpu.memory_space<vmem_shared>>
        tpu.enqueue_indirect_dma source(%dma_start3A_474 : memref<125xf32, #tpu.memory_space<vmem>>) target(%dma_start3A_479 : memref<10000xf32, #tpu.memory_space<vmem_shared>>) offsets(%dma_start3A_477 : memref<125xi32, #tpu.memory_space<vmem>>) semaphore(%arg23 : memref<!tpu.dma_semaphore, #tpu.memory_space<semaphore_mem>>) {add = true}
        %dma_wait3A_480 = arith.constant 2 : i32
        %dma_wait3A_481 = arith.constant 0 : i32
        %dma_wait3A_482 = tpu.memref_slice %arg15[%dma_wait3A_480, %dma_wait3A_481] : memref<5x125xi32, #tpu.memory_space<vmem>> -> memref<1x125xi32, #tpu.memory_space<vmem>>
        %dma_wait3A_483 = tpu.memref_squeeze %dma_wait3A_482 : memref<1x125xi32, #tpu.memory_space<vmem>> -> memref<125xi32, #tpu.memory_space<vmem>>
        %dma_wait3A_484 = arith.constant 0 : i32
        %dma_wait3A_485 = arith.constant 0 : i32
        %dma_wait3A_486 = tpu.memref_slice %arg11[%dma_wait3A_484, %dma_wait3A_485] : memref<10000x128xf32, #tpu.memory_space<vmem_shared>> -> memref<10000x128xf32, #tpu.memory_space<vmem_shared>>
        tpu.wait_indirect_dma semaphore(%arg20 : memref<!tpu.dma_semaphore, #tpu.memory_space<semaphore_mem>>) src(%arg16 : memref<125x128xf32, #tpu.memory_space<vmem>>) dst(%dma_wait3A_486 : memref<10000x128xf32, #tpu.memory_space<vmem_shared>>)
        %dma_wait3A_487 = arith.constant 2 : i32
        %dma_wait3A_488 = arith.constant 0 : i32
        %dma_wait3A_489 = tpu.memref_slice %arg26[%dma_wait3A_488] : memref<128xf32, #tpu.memory_space<vmem>> -> memref<125xf32, #tpu.memory_space<vmem>>
        %dma_wait3A_490 = arith.constant 0 : i32
        %dma_wait3A_491 = tpu.memref_slice %arg15[%dma_wait3A_487, %dma_wait3A_490] : memref<5x125xi32, #tpu.memory_space<vmem>> -> memref<1x125xi32, #tpu.memory_space<vmem>>
        %dma_wait3A_492 = tpu.memref_squeeze %dma_wait3A_491 : memref<1x125xi32, #tpu.memory_space<vmem>> -> memref<125xi32, #tpu.memory_space<vmem>>
        %dma_wait3A_493 = arith.constant 0 : i32
        %dma_wait3A_494 = tpu.memref_slice %arg25[%dma_wait3A_493] : memref<10000xf32, #tpu.memory_space<vmem_shared>> -> memref<10000xf32, #tpu.memory_space<vmem_shared>>
        tpu.wait_indirect_dma semaphore(%arg22 : memref<!tpu.dma_semaphore, #tpu.memory_space<semaphore_mem>>) src(%dma_wait3A_489 : memref<125xf32, #tpu.memory_space<vmem>>) dst(%dma_wait3A_494 : memref<10000xf32, #tpu.memory_space<vmem_shared>>)
        %dma_start3A_495 = arith.constant 3 : i32
        %dma_start3A_496 = arith.constant 0 : i32
        %dma_start3A_497 = tpu.memref_slice %arg14[%dma_start3A_495, %dma_start3A_496] : memref<5x125xi32, #tpu.memory_space<vmem>> -> memref<1x125xi32, #tpu.memory_space<vmem>>
        %dma_start3A_498 = tpu.memref_squeeze %dma_start3A_497 : memref<1x125xi32, #tpu.memory_space<vmem>> -> memref<125xi32, #tpu.memory_space<vmem>>
        %dma_start3A_499 = arith.constant 0 : i32
        %dma_start3A_500 = arith.constant 0 : i32
        %dma_start3A_501 = tpu.memref_slice %arg3[%dma_start3A_499, %dma_start3A_500] : memref<10000x128xf32, #tpu.memory_space<hbm>> -> memref<10000x128xf32, #tpu.memory_space<hbm>>
        tpu.enqueue_indirect_dma source(%dma_start3A_501 : memref<10000x128xf32, #tpu.memory_space<hbm>>) target(%arg16 : memref<125x128xf32, #tpu.memory_space<vmem>>) offsets(%dma_start3A_498 : memref<125xi32, #tpu.memory_space<vmem>>) semaphore(%arg18 : memref<!tpu.dma_semaphore, #tpu.memory_space<semaphore_mem>>)
        %dma_wait3A_502 = arith.constant 3 : i32
        %dma_wait3A_503 = arith.constant 0 : i32
        %dma_wait3A_504 = tpu.memref_slice %arg14[%dma_wait3A_502, %dma_wait3A_503] : memref<5x125xi32, #tpu.memory_space<vmem>> -> memref<1x125xi32, #tpu.memory_space<vmem>>
        %dma_wait3A_505 = tpu.memref_squeeze %dma_wait3A_504 : memref<1x125xi32, #tpu.memory_space<vmem>> -> memref<125xi32, #tpu.memory_space<vmem>>
        %dma_wait3A_506 = arith.constant 0 : i32
        %dma_wait3A_507 = arith.constant 0 : i32
        %dma_wait3A_508 = tpu.memref_slice %arg3[%dma_wait3A_506, %dma_wait3A_507] : memref<10000x128xf32, #tpu.memory_space<hbm>> -> memref<10000x128xf32, #tpu.memory_space<hbm>>
        tpu.wait_indirect_dma semaphore(%arg18 : memref<!tpu.dma_semaphore, #tpu.memory_space<semaphore_mem>>) src(%dma_wait3A_508 : memref<10000x128xf32, #tpu.memory_space<hbm>>) dst(%arg16 : memref<125x128xf32, #tpu.memory_space<vmem>>)
        %dma_start3A_509 = arith.constant 3 : i32
        %dma_start3A_510 = arith.constant 0 : i32
        %dma_start3A_511 = tpu.memref_slice %arg15[%dma_start3A_509, %dma_start3A_510] : memref<5x125xi32, #tpu.memory_space<vmem>> -> memref<1x125xi32, #tpu.memory_space<vmem>>
        %dma_start3A_512 = tpu.memref_squeeze %dma_start3A_511 : memref<1x125xi32, #tpu.memory_space<vmem>> -> memref<125xi32, #tpu.memory_space<vmem>>
        %dma_start3A_513 = arith.constant 0 : i32
        %dma_start3A_514 = arith.constant 0 : i32
        %dma_start3A_515 = tpu.memref_slice %arg11[%dma_start3A_513, %dma_start3A_514] : memref<10000x128xf32, #tpu.memory_space<vmem_shared>> -> memref<10000x128xf32, #tpu.memory_space<vmem_shared>>
        tpu.enqueue_indirect_dma source(%arg16 : memref<125x128xf32, #tpu.memory_space<vmem>>) target(%dma_start3A_515 : memref<10000x128xf32, #tpu.memory_space<vmem_shared>>) offsets(%dma_start3A_512 : memref<125xi32, #tpu.memory_space<vmem>>) semaphore(%arg20 : memref<!tpu.dma_semaphore, #tpu.memory_space<semaphore_mem>>) {add = true}
        %dma_start3A_516 = arith.constant 3 : i32
        %dma_start3A_517 = arith.constant 0 : i32
        %dma_start3A_518 = tpu.memref_slice %arg26[%dma_start3A_517] : memref<128xf32, #tpu.memory_space<vmem>> -> memref<125xf32, #tpu.memory_space<vmem>>
        %dma_start3A_519 = arith.constant 0 : i32
        %dma_start3A_520 = tpu.memref_slice %arg15[%dma_start3A_516, %dma_start3A_519] : memref<5x125xi32, #tpu.memory_space<vmem>> -> memref<1x125xi32, #tpu.memory_space<vmem>>
        %dma_start3A_521 = tpu.memref_squeeze %dma_start3A_520 : memref<1x125xi32, #tpu.memory_space<vmem>> -> memref<125xi32, #tpu.memory_space<vmem>>
        %dma_start3A_522 = arith.constant 0 : i32
        %dma_start3A_523 = tpu.memref_slice %arg25[%dma_start3A_522] : memref<10000xf32, #tpu.memory_space<vmem_shared>> -> memref<10000xf32, #tpu.memory_space<vmem_shared>>
        tpu.enqueue_indirect_dma source(%dma_start3A_518 : memref<125xf32, #tpu.memory_space<vmem>>) target(%dma_start3A_523 : memref<10000xf32, #tpu.memory_space<vmem_shared>>) offsets(%dma_start3A_521 : memref<125xi32, #tpu.memory_space<vmem>>) semaphore(%arg22 : memref<!tpu.dma_semaphore, #tpu.memory_space<semaphore_mem>>) {add = true}
        %dma_wait3A_524 = arith.constant 3 : i32
        %dma_wait3A_525 = arith.constant 0 : i32
        %dma_wait3A_526 = tpu.memref_slice %arg15[%dma_wait3A_524, %dma_wait3A_525] : memref<5x125xi32, #tpu.memory_space<vmem>> -> memref<1x125xi32, #tpu.memory_space<vmem>>
        %dma_wait3A_527 = tpu.memref_squeeze %dma_wait3A_526 : memref<1x125xi32, #tpu.memory_space<vmem>> -> memref<125xi32, #tpu.memory_space<vmem>>
        %dma_wait3A_528 = arith.constant 0 : i32
        %dma_wait3A_529 = arith.constant 0 : i32
        %dma_wait3A_530 = tpu.memref_slice %arg11[%dma_wait3A_528, %dma_wait3A_529] : memref<10000x128xf32, #tpu.memory_space<vmem_shared>> -> memref<10000x128xf32, #tpu.memory_space<vmem_shared>>
        tpu.wait_indirect_dma semaphore(%arg21 : memref<!tpu.dma_semaphore, #tpu.memory_space<semaphore_mem>>) src(%arg17 : memref<125x128xf32, #tpu.memory_space<vmem>>) dst(%dma_wait3A_530 : memref<10000x128xf32, #tpu.memory_space<vmem_shared>>)
        %dma_wait3A_531 = arith.constant 3 : i32
        %dma_wait3A_532 = arith.constant 0 : i32
        %dma_wait3A_533 = tpu.memref_slice %arg26[%dma_wait3A_532] : memref<128xf32, #tpu.memory_space<vmem>> -> memref<125xf32, #tpu.memory_space<vmem>>
        %dma_wait3A_534 = arith.constant 0 : i32
        %dma_wait3A_535 = tpu.memref_slice %arg15[%dma_wait3A_531, %dma_wait3A_534] : memref<5x125xi32, #tpu.memory_space<vmem>> -> memref<1x125xi32, #tpu.memory_space<vmem>>
        %dma_wait3A_536 = tpu.memref_squeeze %dma_wait3A_535 : memref<1x125xi32, #tpu.memory_space<vmem>> -> memref<125xi32, #tpu.memory_space<vmem>>
        %dma_wait3A_537 = arith.constant 0 : i32
        %dma_wait3A_538 = tpu.memref_slice %arg25[%dma_wait3A_537] : memref<10000xf32, #tpu.memory_space<vmem_shared>> -> memref<10000xf32, #tpu.memory_space<vmem_shared>>
        tpu.wait_indirect_dma semaphore(%arg23 : memref<!tpu.dma_semaphore, #tpu.memory_space<semaphore_mem>>) src(%dma_wait3A_533 : memref<125xf32, #tpu.memory_space<vmem>>) dst(%dma_wait3A_538 : memref<10000xf32, #tpu.memory_space<vmem_shared>>)
        %dma_start3A_539 = arith.constant 4 : i32
        %dma_start3A_540 = arith.constant 0 : i32
        %dma_start3A_541 = tpu.memref_slice %arg14[%dma_start3A_539, %dma_start3A_540] : memref<5x125xi32, #tpu.memory_space<vmem>> -> memref<1x125xi32, #tpu.memory_space<vmem>>
        %dma_start3A_542 = tpu.memref_squeeze %dma_start3A_541 : memref<1x125xi32, #tpu.memory_space<vmem>> -> memref<125xi32, #tpu.memory_space<vmem>>
        %dma_start3A_543 = arith.constant 0 : i32
        %dma_start3A_544 = arith.constant 0 : i32
        %dma_start3A_545 = tpu.memref_slice %arg3[%dma_start3A_543, %dma_start3A_544] : memref<10000x128xf32, #tpu.memory_space<hbm>> -> memref<10000x128xf32, #tpu.memory_space<hbm>>
        tpu.enqueue_indirect_dma source(%dma_start3A_545 : memref<10000x128xf32, #tpu.memory_space<hbm>>) target(%arg17 : memref<125x128xf32, #tpu.memory_space<vmem>>) offsets(%dma_start3A_542 : memref<125xi32, #tpu.memory_space<vmem>>) semaphore(%arg19 : memref<!tpu.dma_semaphore, #tpu.memory_space<semaphore_mem>>)
        %dma_wait3A_546 = arith.constant 4 : i32
        %dma_wait3A_547 = arith.constant 0 : i32
        %dma_wait3A_548 = tpu.memref_slice %arg14[%dma_wait3A_546, %dma_wait3A_547] : memref<5x125xi32, #tpu.memory_space<vmem>> -> memref<1x125xi32, #tpu.memory_space<vmem>>
        %dma_wait3A_549 = tpu.memref_squeeze %dma_wait3A_548 : memref<1x125xi32, #tpu.memory_space<vmem>> -> memref<125xi32, #tpu.memory_space<vmem>>
        %dma_wait3A_550 = arith.constant 0 : i32
        %dma_wait3A_551 = arith.constant 0 : i32
        %dma_wait3A_552 = tpu.memref_slice %arg3[%dma_wait3A_550, %dma_wait3A_551] : memref<10000x128xf32, #tpu.memory_space<hbm>> -> memref<10000x128xf32, #tpu.memory_space<hbm>>
        tpu.wait_indirect_dma semaphore(%arg19 : memref<!tpu.dma_semaphore, #tpu.memory_space<semaphore_mem>>) src(%dma_wait3A_552 : memref<10000x128xf32, #tpu.memory_space<hbm>>) dst(%arg17 : memref<125x128xf32, #tpu.memory_space<vmem>>)
        %dma_start3A_553 = arith.constant 4 : i32
        %dma_start3A_554 = arith.constant 0 : i32
        %dma_start3A_555 = tpu.memref_slice %arg15[%dma_start3A_553, %dma_start3A_554] : memref<5x125xi32, #tpu.memory_space<vmem>> -> memref<1x125xi32, #tpu.memory_space<vmem>>
        %dma_start3A_556 = tpu.memref_squeeze %dma_start3A_555 : memref<1x125xi32, #tpu.memory_space<vmem>> -> memref<125xi32, #tpu.memory_space<vmem>>
        %dma_start3A_557 = arith.constant 0 : i32
        %dma_start3A_558 = arith.constant 0 : i32
        %dma_start3A_559 = tpu.memref_slice %arg11[%dma_start3A_557, %dma_start3A_558] : memref<10000x128xf32, #tpu.memory_space<vmem_shared>> -> memref<10000x128xf32, #tpu.memory_space<vmem_shared>>
        tpu.enqueue_indirect_dma source(%arg17 : memref<125x128xf32, #tpu.memory_space<vmem>>) target(%dma_start3A_559 : memref<10000x128xf32, #tpu.memory_space<vmem_shared>>) offsets(%dma_start3A_556 : memref<125xi32, #tpu.memory_space<vmem>>) semaphore(%arg21 : memref<!tpu.dma_semaphore, #tpu.memory_space<semaphore_mem>>) {add = true}
        %dma_start3A_560 = arith.constant 4 : i32
        %dma_start3A_561 = arith.constant 0 : i32
        %dma_start3A_562 = tpu.memref_slice %arg26[%dma_start3A_561] : memref<128xf32, #tpu.memory_space<vmem>> -> memref<125xf32, #tpu.memory_space<vmem>>
        %dma_start3A_563 = arith.constant 0 : i32
        %dma_start3A_564 = tpu.memref_slice %arg15[%dma_start3A_560, %dma_start3A_563] : memref<5x125xi32, #tpu.memory_space<vmem>> -> memref<1x125xi32, #tpu.memory_space<vmem>>
        %dma_start3A_565 = tpu.memref_squeeze %dma_start3A_564 : memref<1x125xi32, #tpu.memory_space<vmem>> -> memref<125xi32, #tpu.memory_space<vmem>>
        %dma_start3A_566 = arith.constant 0 : i32
        %dma_start3A_567 = tpu.memref_slice %arg25[%dma_start3A_566] : memref<10000xf32, #tpu.memory_space<vmem_shared>> -> memref<10000xf32, #tpu.memory_space<vmem_shared>>
        tpu.enqueue_indirect_dma source(%dma_start3A_562 : memref<125xf32, #tpu.memory_space<vmem>>) target(%dma_start3A_567 : memref<10000xf32, #tpu.memory_space<vmem_shared>>) offsets(%dma_start3A_565 : memref<125xi32, #tpu.memory_space<vmem>>) semaphore(%arg23 : memref<!tpu.dma_semaphore, #tpu.memory_space<semaphore_mem>>) {add = true}
        %lt3A_568 = arith.constant 15 : i32
        %lt3A_569 = arith.cmpi slt, %add3A_107, %lt3A_568 : i32
        %convert_element_type3A_570 = arith.extui %lt3A_569 : i1 to i32
        %cond3A_571 = arith.constant 0 : i32
        %cond3A_572 = arith.cmpi ne, %convert_element_type3A_570, %cond3A_571 : i32
        scf.if %cond3A_572 {
          %dma_wait3A_573 = arith.constant 4 : i32
          %dma_wait3A_574 = arith.constant 0 : i32
          %dma_wait3A_575 = tpu.memref_slice %arg15[%dma_wait3A_573, %dma_wait3A_574] : memref<5x125xi32, #tpu.memory_space<vmem>> -> memref<1x125xi32, #tpu.memory_space<vmem>>
          %dma_wait3A_576 = tpu.memref_squeeze %dma_wait3A_575 : memref<1x125xi32, #tpu.memory_space<vmem>> -> memref<125xi32, #tpu.memory_space<vmem>>
          %dma_wait3A_577 = arith.constant 0 : i32
          %dma_wait3A_578 = arith.constant 0 : i32
          %dma_wait3A_579 = tpu.memref_slice %arg11[%dma_wait3A_577, %dma_wait3A_578] : memref<10000x128xf32, #tpu.memory_space<vmem_shared>> -> memref<10000x128xf32, #tpu.memory_space<vmem_shared>>
          tpu.wait_indirect_dma semaphore(%arg20 : memref<!tpu.dma_semaphore, #tpu.memory_space<semaphore_mem>>) src(%arg16 : memref<125x128xf32, #tpu.memory_space<vmem>>) dst(%dma_wait3A_579 : memref<10000x128xf32, #tpu.memory_space<vmem_shared>>)
          %dma_wait3A_580 = arith.constant 4 : i32
          %dma_wait3A_581 = arith.constant 0 : i32
          %dma_wait3A_582 = tpu.memref_slice %arg26[%dma_wait3A_581] : memref<128xf32, #tpu.memory_space<vmem>> -> memref<125xf32, #tpu.memory_space<vmem>>
          %dma_wait3A_583 = arith.constant 0 : i32
          %dma_wait3A_584 = tpu.memref_slice %arg15[%dma_wait3A_580, %dma_wait3A_583] : memref<5x125xi32, #tpu.memory_space<vmem>> -> memref<1x125xi32, #tpu.memory_space<vmem>>
          %dma_wait3A_585 = tpu.memref_squeeze %dma_wait3A_584 : memref<1x125xi32, #tpu.memory_space<vmem>> -> memref<125xi32, #tpu.memory_space<vmem>>
          %dma_wait3A_586 = arith.constant 0 : i32
          %dma_wait3A_587 = tpu.memref_slice %arg25[%dma_wait3A_586] : memref<10000xf32, #tpu.memory_space<vmem_shared>> -> memref<10000xf32, #tpu.memory_space<vmem_shared>>
          tpu.wait_indirect_dma semaphore(%arg22 : memref<!tpu.dma_semaphore, #tpu.memory_space<semaphore_mem>>) src(%dma_wait3A_582 : memref<125xf32, #tpu.memory_space<vmem>>) dst(%dma_wait3A_587 : memref<10000xf32, #tpu.memory_space<vmem_shared>>)
          %mul3A_588 = arith.constant 2 : i32
          %mul3A_589 = arith.muli %mul3A_588, %add3A_107 : i32
          %add3A_590 = arith.constant 2 : i32
          %add3A_591 = arith.addi %mul3A_589, %add3A_590 : i32
          %dma_wait3A_592 = arith.constant 0 : i32
          %dma_wait3A_593 = arith.constant 0 : i32
          %dma_wait3A_594 = tpu.memref_slice %arg6[%arg1, %add3A_591, %dma_wait3A_592, %dma_wait3A_593] : memref<16x32x5x125xi32, #tpu.memory_space<hbm>> -> memref<1x1x5x125xi32, #tpu.memory_space<hbm>>
          %dma_wait3A_595 = tpu.memref_squeeze %dma_wait3A_594 : memref<1x1x5x125xi32, #tpu.memory_space<hbm>> -> memref<5x125xi32, #tpu.memory_space<hbm>>
          %dma_wait3A_596 = arith.constant 0 : i32
          %dma_wait3A_597 = arith.constant 0 : i32
          %dma_wait3A_598 = tpu.memref_slice %arg6[%arg1, %add3A_591, %dma_wait3A_596, %dma_wait3A_597] : memref<16x32x5x125xi32, #tpu.memory_space<hbm>> -> memref<1x1x5x125xi32, #tpu.memory_space<hbm>>
          %dma_wait3A_599 = tpu.memref_squeeze %dma_wait3A_598 : memref<1x1x5x125xi32, #tpu.memory_space<hbm>> -> memref<5x125xi32, #tpu.memory_space<hbm>>
          tpu.wait_dma2 semaphore(%arg24 : memref<!tpu.dma_semaphore, #tpu.memory_space<semaphore_mem>>) src(%dma_wait3A_599 : memref<5x125xi32, #tpu.memory_space<hbm>>) dst(%arg12 : memref<5x125xi32, #tpu.memory_space<vmem>>)
          %mul3A_600 = arith.constant 2 : i32
          %mul3A_601 = arith.muli %mul3A_600, %add3A_107 : i32
          %add3A_602 = arith.constant 2 : i32
          %add3A_603 = arith.addi %mul3A_601, %add3A_602 : i32
          %dma_wait3A_604 = arith.constant 0 : i32
          %dma_wait3A_605 = arith.constant 0 : i32
          %dma_wait3A_606 = tpu.memref_slice %arg7[%arg1, %add3A_603, %dma_wait3A_604, %dma_wait3A_605] : memref<16x32x5x125xi32, #tpu.memory_space<hbm>> -> memref<1x1x5x125xi32, #tpu.memory_space<hbm>>
          %dma_wait3A_607 = tpu.memref_squeeze %dma_wait3A_606 : memref<1x1x5x125xi32, #tpu.memory_space<hbm>> -> memref<5x125xi32, #tpu.memory_space<hbm>>
          %dma_wait3A_608 = arith.constant 0 : i32
          %dma_wait3A_609 = arith.constant 0 : i32
          %dma_wait3A_610 = tpu.memref_slice %arg7[%arg1, %add3A_603, %dma_wait3A_608, %dma_wait3A_609] : memref<16x32x5x125xi32, #tpu.memory_space<hbm>> -> memref<1x1x5x125xi32, #tpu.memory_space<hbm>>
          %dma_wait3A_611 = tpu.memref_squeeze %dma_wait3A_610 : memref<1x1x5x125xi32, #tpu.memory_space<hbm>> -> memref<5x125xi32, #tpu.memory_space<hbm>>
          tpu.wait_dma2 semaphore(%arg24 : memref<!tpu.dma_semaphore, #tpu.memory_space<semaphore_mem>>) src(%dma_wait3A_611 : memref<5x125xi32, #tpu.memory_space<hbm>>) dst(%arg13 : memref<5x125xi32, #tpu.memory_space<vmem>>)
          %dma_start3A_612 = arith.constant 0 : i32
          %dma_start3A_613 = arith.constant 0 : i32
          %dma_start3A_614 = tpu.memref_slice %arg12[%dma_start3A_612, %dma_start3A_613] : memref<5x125xi32, #tpu.memory_space<vmem>> -> memref<1x125xi32, #tpu.memory_space<vmem>>
          %dma_start3A_615 = tpu.memref_squeeze %dma_start3A_614 : memref<1x125xi32, #tpu.memory_space<vmem>> -> memref<125xi32, #tpu.memory_space<vmem>>
          %dma_start3A_616 = arith.constant 0 : i32
          %dma_start3A_617 = arith.constant 0 : i32
          %dma_start3A_618 = tpu.memref_slice %arg3[%dma_start3A_616, %dma_start3A_617] : memref<10000x128xf32, #tpu.memory_space<hbm>> -> memref<10000x128xf32, #tpu.memory_space<hbm>>
          tpu.enqueue_indirect_dma source(%dma_start3A_618 : memref<10000x128xf32, #tpu.memory_space<hbm>>) target(%arg16 : memref<125x128xf32, #tpu.memory_space<vmem>>) offsets(%dma_start3A_615 : memref<125xi32, #tpu.memory_space<vmem>>) semaphore(%arg18 : memref<!tpu.dma_semaphore, #tpu.memory_space<semaphore_mem>>)
        } else {
        }
      }
      %scan3A_74 = arith.constant 16 : i32
      %dma_wait3A = arith.constant 3 : i32
      %dma_wait3A_75 = arith.constant 0 : i32
      %dma_wait3A_76 = tpu.memref_slice %arg15[%dma_wait3A, %dma_wait3A_75] : memref<5x125xi32, #tpu.memory_space<vmem>> -> memref<1x125xi32, #tpu.memory_space<vmem>>
      %dma_wait3A_77 = tpu.memref_squeeze %dma_wait3A_76 : memref<1x125xi32, #tpu.memory_space<vmem>> -> memref<125xi32, #tpu.memory_space<vmem>>
      %dma_wait3A_78 = arith.constant 0 : i32
      %dma_wait3A_79 = arith.constant 0 : i32
      %dma_wait3A_80 = tpu.memref_slice %arg11[%dma_wait3A_78, %dma_wait3A_79] : memref<10000x128xf32, #tpu.memory_space<vmem_shared>> -> memref<10000x128xf32, #tpu.memory_space<vmem_shared>>
      tpu.wait_indirect_dma semaphore(%arg20 : memref<!tpu.dma_semaphore, #tpu.memory_space<semaphore_mem>>) src(%arg16 : memref<125x128xf32, #tpu.memory_space<vmem>>) dst(%dma_wait3A_80 : memref<10000x128xf32, #tpu.memory_space<vmem_shared>>)
      %dma_wait3A_81 = arith.constant 4 : i32
      %dma_wait3A_82 = arith.constant 0 : i32
      %dma_wait3A_83 = tpu.memref_slice %arg15[%dma_wait3A_81, %dma_wait3A_82] : memref<5x125xi32, #tpu.memory_space<vmem>> -> memref<1x125xi32, #tpu.memory_space<vmem>>
      %dma_wait3A_84 = tpu.memref_squeeze %dma_wait3A_83 : memref<1x125xi32, #tpu.memory_space<vmem>> -> memref<125xi32, #tpu.memory_space<vmem>>
      %dma_wait3A_85 = arith.constant 0 : i32
      %dma_wait3A_86 = arith.constant 0 : i32
      %dma_wait3A_87 = tpu.memref_slice %arg11[%dma_wait3A_85, %dma_wait3A_86] : memref<10000x128xf32, #tpu.memory_space<vmem_shared>> -> memref<10000x128xf32, #tpu.memory_space<vmem_shared>>
      tpu.wait_indirect_dma semaphore(%arg21 : memref<!tpu.dma_semaphore, #tpu.memory_space<semaphore_mem>>) src(%arg17 : memref<125x128xf32, #tpu.memory_space<vmem>>) dst(%dma_wait3A_87 : memref<10000x128xf32, #tpu.memory_space<vmem_shared>>)
      %dma_wait3A_88 = arith.constant 3 : i32
      %dma_wait3A_89 = arith.constant 0 : i32
      %dma_wait3A_90 = tpu.memref_slice %arg26[%dma_wait3A_89] : memref<128xf32, #tpu.memory_space<vmem>> -> memref<125xf32, #tpu.memory_space<vmem>>
      %dma_wait3A_91 = arith.constant 0 : i32
      %dma_wait3A_92 = tpu.memref_slice %arg15[%dma_wait3A_88, %dma_wait3A_91] : memref<5x125xi32, #tpu.memory_space<vmem>> -> memref<1x125xi32, #tpu.memory_space<vmem>>
      %dma_wait3A_93 = tpu.memref_squeeze %dma_wait3A_92 : memref<1x125xi32, #tpu.memory_space<vmem>> -> memref<125xi32, #tpu.memory_space<vmem>>
      %dma_wait3A_94 = arith.constant 0 : i32
      %dma_wait3A_95 = tpu.memref_slice %arg25[%dma_wait3A_94] : memref<10000xf32, #tpu.memory_space<vmem_shared>> -> memref<10000xf32, #tpu.memory_space<vmem_shared>>
      tpu.wait_indirect_dma semaphore(%arg22 : memref<!tpu.dma_semaphore, #tpu.memory_space<semaphore_mem>>) src(%dma_wait3A_90 : memref<125xf32, #tpu.memory_space<vmem>>) dst(%dma_wait3A_95 : memref<10000xf32, #tpu.memory_space<vmem_shared>>)
      %dma_wait3A_96 = arith.constant 4 : i32
      %dma_wait3A_97 = arith.constant 0 : i32
      %dma_wait3A_98 = tpu.memref_slice %arg26[%dma_wait3A_97] : memref<128xf32, #tpu.memory_space<vmem>> -> memref<125xf32, #tpu.memory_space<vmem>>
      %dma_wait3A_99 = arith.constant 0 : i32
      %dma_wait3A_100 = tpu.memref_slice %arg15[%dma_wait3A_96, %dma_wait3A_99] : memref<5x125xi32, #tpu.memory_space<vmem>> -> memref<1x125xi32, #tpu.memory_space<vmem>>
      %dma_wait3A_101 = tpu.memref_squeeze %dma_wait3A_100 : memref<1x125xi32, #tpu.memory_space<vmem>> -> memref<125xi32, #tpu.memory_space<vmem>>
      %dma_wait3A_102 = arith.constant 0 : i32
      %dma_wait3A_103 = tpu.memref_slice %arg25[%dma_wait3A_102] : memref<10000xf32, #tpu.memory_space<vmem_shared>> -> memref<10000xf32, #tpu.memory_space<vmem_shared>>
      tpu.wait_indirect_dma semaphore(%arg23 : memref<!tpu.dma_semaphore, #tpu.memory_space<semaphore_mem>>) src(%dma_wait3A_98 : memref<125xf32, #tpu.memory_space<vmem>>) dst(%dma_wait3A_103 : memref<10000xf32, #tpu.memory_space<vmem_shared>>)
    } else {
    }
    %barrier3A_31 = arith.constant 0 : index
    tpu.barrier barrier_id(%barrier3A_31)
    %eq3A_32 = arith.constant 0 : i32
    %eq3A_33 = arith.cmpi eq, %arg0, %eq3A_32 : i32
    %lt3A_34 = arith.constant 15 : i32
    %lt3A_35 = arith.cmpi slt, %arg1, %lt3A_34 : i32
    %and3A = arith.andi %eq3A_33, %lt3A_35 : i1
    %convert_element_type3A_36 = arith.extui %and3A : i1 to i32
    %cond3A_37 = arith.constant 0 : i32
    %cond3A_38 = arith.cmpi ne, %convert_element_type3A_36, %cond3A_37 : i32
    scf.if %cond3A_38 {
      %run_scoped3A = arith.constant 0 : i32
      "tpu.region"() ({
        %run_scoped3A_63 = tpu.sem_alloc : memref<!tpu.dma_semaphore, #tpu.memory_space<semaphore_mem>>
        %dma_start3A = arith.constant 0 : i32
        %dma_start3A_64 = tpu.memref_slice %arg8[%run_scoped3A, %mul3A_0, %dma_start3A] : memref<2x10000x128xf32, #tpu.memory_space<hbm>> -> memref<1x632x128xf32, #tpu.memory_space<hbm>>
        %dma_start3A_65 = tpu.memref_squeeze %dma_start3A_64 : memref<1x632x128xf32, #tpu.memory_space<hbm>> -> memref<632x128xf32, #tpu.memory_space<hbm>>
        %dma_start3A_66 = arith.constant 0 : i32
        %dma_start3A_67 = tpu.memref_slice %arg11[%mul3A_0, %dma_start3A_66] : memref<10000x128xf32, #tpu.memory_space<vmem_shared>> -> memref<632x128xf32, #tpu.memory_space<vmem_shared>>
        tpu.enqueue_dma source(%dma_start3A_67 : memref<632x128xf32, #tpu.memory_space<vmem_shared>>) target(%dma_start3A_65 : memref<632x128xf32, #tpu.memory_space<hbm>>) target_semaphore(%run_scoped3A_63 : memref<!tpu.dma_semaphore, #tpu.memory_space<semaphore_mem>>)
        %dma_wait3A = arith.constant 0 : i32
        %dma_wait3A_68 = tpu.memref_slice %arg8[%run_scoped3A, %mul3A_0, %dma_wait3A] : memref<2x10000x128xf32, #tpu.memory_space<hbm>> -> memref<1x632x128xf32, #tpu.memory_space<hbm>>
        %dma_wait3A_69 = tpu.memref_squeeze %dma_wait3A_68 : memref<1x632x128xf32, #tpu.memory_space<hbm>> -> memref<632x128xf32, #tpu.memory_space<hbm>>
        %dma_wait3A_70 = arith.constant 0 : i32
        %dma_wait3A_71 = tpu.memref_slice %arg11[%mul3A_0, %dma_wait3A_70] : memref<10000x128xf32, #tpu.memory_space<vmem_shared>> -> memref<632x128xf32, #tpu.memory_space<vmem_shared>>
        tpu.wait_dma2 semaphore(%run_scoped3A_63 : memref<!tpu.dma_semaphore, #tpu.memory_space<semaphore_mem>>) src(%dma_wait3A_71 : memref<632x128xf32, #tpu.memory_space<vmem_shared>>) dst(%dma_wait3A_69 : memref<632x128xf32, #tpu.memory_space<hbm>>)
        tpu.yield
      }) : () -> ()
      "tpu.region"() ({
        %run_scoped3A_63 = tpu.sem_alloc : memref<!tpu.dma_semaphore, #tpu.memory_space<semaphore_mem>>
        %dma_start3A = arith.constant 0 : i32
        %dma_start3A_64 = tpu.memref_slice %arg27[%dma_start3A] : memref<640xf32, #tpu.memory_space<vmem>> -> memref<632xf32, #tpu.memory_space<vmem>>
        %dma_start3A_65 = tpu.memref_slice %arg25[%mul3A_0] : memref<10000xf32, #tpu.memory_space<vmem_shared>> -> memref<632xf32, #tpu.memory_space<vmem_shared>>
        %dma_start3A_66 = arith.constant 0 : i32
        %dma_start3A_67 = tpu.memref_slice %arg27[%dma_start3A_66] : memref<640xf32, #tpu.memory_space<vmem>> -> memref<632xf32, #tpu.memory_space<vmem>>
        %dma_start3A_68 = tpu.memref_slice %arg25[%mul3A_0] : memref<10000xf32, #tpu.memory_space<vmem_shared>> -> memref<632xf32, #tpu.memory_space<vmem_shared>>
        tpu.enqueue_dma source(%dma_start3A_68 : memref<632xf32, #tpu.memory_space<vmem_shared>>) target(%dma_start3A_67 : memref<632xf32, #tpu.memory_space<vmem>>) target_semaphore(%run_scoped3A_63 : memref<!tpu.dma_semaphore, #tpu.memory_space<semaphore_mem>>)
        %dma_wait3A = arith.constant 0 : i32
        %dma_wait3A_69 = tpu.memref_slice %arg27[%dma_wait3A] : memref<640xf32, #tpu.memory_space<vmem>> -> memref<632xf32, #tpu.memory_space<vmem>>
        %dma_wait3A_70 = tpu.memref_slice %arg25[%mul3A_0] : memref<10000xf32, #tpu.memory_space<vmem_shared>> -> memref<632xf32, #tpu.memory_space<vmem_shared>>
        %dma_wait3A_71 = arith.constant 0 : i32
        %dma_wait3A_72 = tpu.memref_slice %arg27[%dma_wait3A_71] : memref<640xf32, #tpu.memory_space<vmem>> -> memref<632xf32, #tpu.memory_space<vmem>>
        %dma_wait3A_73 = tpu.memref_slice %arg25[%mul3A_0] : memref<10000xf32, #tpu.memory_space<vmem_shared>> -> memref<632xf32, #tpu.memory_space<vmem_shared>>
        tpu.wait_dma2 semaphore(%run_scoped3A_63 : memref<!tpu.dma_semaphore, #tpu.memory_space<semaphore_mem>>) src(%dma_wait3A_73 : memref<632xf32, #tpu.memory_space<vmem_shared>>) dst(%dma_wait3A_72 : memref<632xf32, #tpu.memory_space<vmem>>)
        tpu.yield
      }) : () -> ()
      "tpu.region"() ({
        %run_scoped3A_63 = tpu.sem_alloc : memref<!tpu.dma_semaphore, #tpu.memory_space<semaphore_mem>>
        %dma_start3A = arith.constant 0 : i32
        %dma_start3A_64 = tpu.memref_slice %arg27[%dma_start3A] : memref<640xf32, #tpu.memory_space<vmem>> -> memref<632xf32, #tpu.memory_space<vmem>>
        %dma_start3A_65 = tpu.memref_slice %arg9[%mul3A_0] : memref<10000xf32, #tpu.memory_space<hbm>> -> memref<632xf32, #tpu.memory_space<hbm>>
        %dma_start3A_66 = tpu.memref_slice %arg9[%mul3A_0] : memref<10000xf32, #tpu.memory_space<hbm>> -> memref<632xf32, #tpu.memory_space<hbm>>
        %dma_start3A_67 = arith.constant 0 : i32
        %dma_start3A_68 = tpu.memref_slice %arg27[%dma_start3A_67] : memref<640xf32, #tpu.memory_space<vmem>> -> memref<632xf32, #tpu.memory_space<vmem>>
        tpu.enqueue_dma source(%dma_start3A_68 : memref<632xf32, #tpu.memory_space<vmem>>) target(%dma_start3A_66 : memref<632xf32, #tpu.memory_space<hbm>>) target_semaphore(%run_scoped3A_63 : memref<!tpu.dma_semaphore, #tpu.memory_space<semaphore_mem>>)
        %dma_wait3A = arith.constant 0 : i32
        %dma_wait3A_69 = tpu.memref_slice %arg27[%dma_wait3A] : memref<640xf32, #tpu.memory_space<vmem>> -> memref<632xf32, #tpu.memory_space<vmem>>
        %dma_wait3A_70 = tpu.memref_slice %arg9[%mul3A_0] : memref<10000xf32, #tpu.memory_space<hbm>> -> memref<632xf32, #tpu.memory_space<hbm>>
        %dma_wait3A_71 = tpu.memref_slice %arg9[%mul3A_0] : memref<10000xf32, #tpu.memory_space<hbm>> -> memref<632xf32, #tpu.memory_space<hbm>>
        %dma_wait3A_72 = arith.constant 0 : i32
        %dma_wait3A_73 = tpu.memref_slice %arg27[%dma_wait3A_72] : memref<640xf32, #tpu.memory_space<vmem>> -> memref<632xf32, #tpu.memory_space<vmem>>
        tpu.wait_dma2 semaphore(%run_scoped3A_63 : memref<!tpu.dma_semaphore, #tpu.memory_space<semaphore_mem>>) src(%dma_wait3A_73 : memref<632xf32, #tpu.memory_space<vmem>>) dst(%dma_wait3A_71 : memref<632xf32, #tpu.memory_space<hbm>>)
        tpu.yield
      }) : () -> ()
    } else {
    }
    %eq3A_39 = arith.constant 0 : i32
    %eq3A_40 = arith.cmpi eq, %arg0, %eq3A_39 : i32
    %eq3A_41 = arith.constant 15 : i32
    %eq3A_42 = arith.cmpi eq, %arg1, %eq3A_41 : i32
    %and3A_43 = arith.andi %eq3A_40, %eq3A_42 : i1
    %convert_element_type3A_44 = arith.extui %and3A_43 : i1 to i32
    %cond3A_45 = arith.constant 0 : i32
    %cond3A_46 = arith.cmpi ne, %convert_element_type3A_44, %cond3A_45 : i32
    scf.if %cond3A_46 {
      %run_scoped3A = arith.constant 0 : i32
      "tpu.region"() ({
        %run_scoped3A_63 = tpu.sem_alloc : memref<!tpu.dma_semaphore, #tpu.memory_space<semaphore_mem>>
        %dma_start3A = arith.constant 0 : i32
        %dma_start3A_64 = tpu.memref_slice %arg8[%run_scoped3A, %mul3A_0, %dma_start3A] : memref<2x10000x128xf32, #tpu.memory_space<hbm>> -> memref<1x520x128xf32, #tpu.memory_space<hbm>>
        %dma_start3A_65 = tpu.memref_squeeze %dma_start3A_64 : memref<1x520x128xf32, #tpu.memory_space<hbm>> -> memref<520x128xf32, #tpu.memory_space<hbm>>
        %dma_start3A_66 = arith.constant 0 : i32
        %dma_start3A_67 = tpu.memref_slice %arg11[%mul3A_0, %dma_start3A_66] : memref<10000x128xf32, #tpu.memory_space<vmem_shared>> -> memref<520x128xf32, #tpu.memory_space<vmem_shared>>
        tpu.enqueue_dma source(%dma_start3A_67 : memref<520x128xf32, #tpu.memory_space<vmem_shared>>) target(%dma_start3A_65 : memref<520x128xf32, #tpu.memory_space<hbm>>) target_semaphore(%run_scoped3A_63 : memref<!tpu.dma_semaphore, #tpu.memory_space<semaphore_mem>>)
        %dma_wait3A = arith.constant 0 : i32
        %dma_wait3A_68 = tpu.memref_slice %arg8[%run_scoped3A, %mul3A_0, %dma_wait3A] : memref<2x10000x128xf32, #tpu.memory_space<hbm>> -> memref<1x520x128xf32, #tpu.memory_space<hbm>>
        %dma_wait3A_69 = tpu.memref_squeeze %dma_wait3A_68 : memref<1x520x128xf32, #tpu.memory_space<hbm>> -> memref<520x128xf32, #tpu.memory_space<hbm>>
        %dma_wait3A_70 = arith.constant 0 : i32
        %dma_wait3A_71 = tpu.memref_slice %arg11[%mul3A_0, %dma_wait3A_70] : memref<10000x128xf32, #tpu.memory_space<vmem_shared>> -> memref<520x128xf32, #tpu.memory_space<vmem_shared>>
        tpu.wait_dma2 semaphore(%run_scoped3A_63 : memref<!tpu.dma_semaphore, #tpu.memory_space<semaphore_mem>>) src(%dma_wait3A_71 : memref<520x128xf32, #tpu.memory_space<vmem_shared>>) dst(%dma_wait3A_69 : memref<520x128xf32, #tpu.memory_space<hbm>>)
        tpu.yield
      }) : () -> ()
      "tpu.region"() ({
        %run_scoped3A_63 = tpu.sem_alloc : memref<!tpu.dma_semaphore, #tpu.memory_space<semaphore_mem>>
        %dma_start3A = arith.constant 0 : i32
        %dma_start3A_64 = tpu.memref_slice %arg27[%dma_start3A] : memref<640xf32, #tpu.memory_space<vmem>> -> memref<520xf32, #tpu.memory_space<vmem>>
        %dma_start3A_65 = tpu.memref_slice %arg25[%mul3A_0] : memref<10000xf32, #tpu.memory_space<vmem_shared>> -> memref<520xf32, #tpu.memory_space<vmem_shared>>
        %dma_start3A_66 = arith.constant 0 : i32
        %dma_start3A_67 = tpu.memref_slice %arg27[%dma_start3A_66] : memref<640xf32, #tpu.memory_space<vmem>> -> memref<520xf32, #tpu.memory_space<vmem>>
        %dma_start3A_68 = tpu.memref_slice %arg25[%mul3A_0] : memref<10000xf32, #tpu.memory_space<vmem_shared>> -> memref<520xf32, #tpu.memory_space<vmem_shared>>
        tpu.enqueue_dma source(%dma_start3A_68 : memref<520xf32, #tpu.memory_space<vmem_shared>>) target(%dma_start3A_67 : memref<520xf32, #tpu.memory_space<vmem>>) target_semaphore(%run_scoped3A_63 : memref<!tpu.dma_semaphore, #tpu.memory_space<semaphore_mem>>)
        %dma_wait3A = arith.constant 0 : i32
        %dma_wait3A_69 = tpu.memref_slice %arg27[%dma_wait3A] : memref<640xf32, #tpu.memory_space<vmem>> -> memref<520xf32, #tpu.memory_space<vmem>>
        %dma_wait3A_70 = tpu.memref_slice %arg25[%mul3A_0] : memref<10000xf32, #tpu.memory_space<vmem_shared>> -> memref<520xf32, #tpu.memory_space<vmem_shared>>
        %dma_wait3A_71 = arith.constant 0 : i32
        %dma_wait3A_72 = tpu.memref_slice %arg27[%dma_wait3A_71] : memref<640xf32, #tpu.memory_space<vmem>> -> memref<520xf32, #tpu.memory_space<vmem>>
        %dma_wait3A_73 = tpu.memref_slice %arg25[%mul3A_0] : memref<10000xf32, #tpu.memory_space<vmem_shared>> -> memref<520xf32, #tpu.memory_space<vmem_shared>>
        tpu.wait_dma2 semaphore(%run_scoped3A_63 : memref<!tpu.dma_semaphore, #tpu.memory_space<semaphore_mem>>) src(%dma_wait3A_73 : memref<520xf32, #tpu.memory_space<vmem_shared>>) dst(%dma_wait3A_72 : memref<520xf32, #tpu.memory_space<vmem>>)
        tpu.yield
      }) : () -> ()
      "tpu.region"() ({
        %run_scoped3A_63 = tpu.sem_alloc : memref<!tpu.dma_semaphore, #tpu.memory_space<semaphore_mem>>
        %dma_start3A = arith.constant 0 : i32
        %dma_start3A_64 = tpu.memref_slice %arg27[%dma_start3A] : memref<640xf32, #tpu.memory_space<vmem>> -> memref<520xf32, #tpu.memory_space<vmem>>
        %dma_start3A_65 = tpu.memref_slice %arg9[%mul3A_0] : memref<10000xf32, #tpu.memory_space<hbm>> -> memref<520xf32, #tpu.memory_space<hbm>>
        %dma_start3A_66 = tpu.memref_slice %arg9[%mul3A_0] : memref<10000xf32, #tpu.memory_space<hbm>> -> memref<520xf32, #tpu.memory_space<hbm>>
        %dma_start3A_67 = arith.constant 0 : i32
        %dma_start3A_68 = tpu.memref_slice %arg27[%dma_start3A_67] : memref<640xf32, #tpu.memory_space<vmem>> -> memref<520xf32, #tpu.memory_space<vmem>>
        tpu.enqueue_dma source(%dma_start3A_68 : memref<520xf32, #tpu.memory_space<vmem>>) target(%dma_start3A_66 : memref<520xf32, #tpu.memory_space<hbm>>) target_semaphore(%run_scoped3A_63 : memref<!tpu.dma_semaphore, #tpu.memory_space<semaphore_mem>>)
        %dma_wait3A = arith.constant 0 : i32
        %dma_wait3A_69 = tpu.memref_slice %arg27[%dma_wait3A] : memref<640xf32, #tpu.memory_space<vmem>> -> memref<520xf32, #tpu.memory_space<vmem>>
        %dma_wait3A_70 = tpu.memref_slice %arg9[%mul3A_0] : memref<10000xf32, #tpu.memory_space<hbm>> -> memref<520xf32, #tpu.memory_space<hbm>>
        %dma_wait3A_71 = tpu.memref_slice %arg9[%mul3A_0] : memref<10000xf32, #tpu.memory_space<hbm>> -> memref<520xf32, #tpu.memory_space<hbm>>
        %dma_wait3A_72 = arith.constant 0 : i32
        %dma_wait3A_73 = tpu.memref_slice %arg27[%dma_wait3A_72] : memref<640xf32, #tpu.memory_space<vmem>> -> memref<520xf32, #tpu.memory_space<vmem>>
        tpu.wait_dma2 semaphore(%run_scoped3A_63 : memref<!tpu.dma_semaphore, #tpu.memory_space<semaphore_mem>>) src(%dma_wait3A_73 : memref<520xf32, #tpu.memory_space<vmem>>) dst(%dma_wait3A_71 : memref<520xf32, #tpu.memory_space<hbm>>)
        tpu.yield
      }) : () -> ()
    } else {
    }
    %eq3A_47 = arith.constant 1 : i32
    %eq3A_48 = arith.cmpi eq, %arg0, %eq3A_47 : i32
    %lt3A_49 = arith.constant 15 : i32
    %lt3A_50 = arith.cmpi slt, %arg1, %lt3A_49 : i32
    %and3A_51 = arith.andi %eq3A_48, %lt3A_50 : i1
    %convert_element_type3A_52 = arith.extui %and3A_51 : i1 to i32
    %cond3A_53 = arith.constant 0 : i32
    %cond3A_54 = arith.cmpi ne, %convert_element_type3A_52, %cond3A_53 : i32
    scf.if %cond3A_54 {
      %run_scoped3A = arith.constant 1 : i32
      "tpu.region"() ({
        %run_scoped3A_63 = tpu.sem_alloc : memref<!tpu.dma_semaphore, #tpu.memory_space<semaphore_mem>>
        %dma_start3A = arith.constant 0 : i32
        %dma_start3A_64 = tpu.memref_slice %arg8[%run_scoped3A, %mul3A_0, %dma_start3A] : memref<2x10000x128xf32, #tpu.memory_space<hbm>> -> memref<1x632x128xf32, #tpu.memory_space<hbm>>
        %dma_start3A_65 = tpu.memref_squeeze %dma_start3A_64 : memref<1x632x128xf32, #tpu.memory_space<hbm>> -> memref<632x128xf32, #tpu.memory_space<hbm>>
        %dma_start3A_66 = arith.constant 0 : i32
        %dma_start3A_67 = tpu.memref_slice %arg11[%mul3A_0, %dma_start3A_66] : memref<10000x128xf32, #tpu.memory_space<vmem_shared>> -> memref<632x128xf32, #tpu.memory_space<vmem_shared>>
        tpu.enqueue_dma source(%dma_start3A_67 : memref<632x128xf32, #tpu.memory_space<vmem_shared>>) target(%dma_start3A_65 : memref<632x128xf32, #tpu.memory_space<hbm>>) target_semaphore(%run_scoped3A_63 : memref<!tpu.dma_semaphore, #tpu.memory_space<semaphore_mem>>)
        %dma_wait3A = arith.constant 0 : i32
        %dma_wait3A_68 = tpu.memref_slice %arg8[%run_scoped3A, %mul3A_0, %dma_wait3A] : memref<2x10000x128xf32, #tpu.memory_space<hbm>> -> memref<1x632x128xf32, #tpu.memory_space<hbm>>
        %dma_wait3A_69 = tpu.memref_squeeze %dma_wait3A_68 : memref<1x632x128xf32, #tpu.memory_space<hbm>> -> memref<632x128xf32, #tpu.memory_space<hbm>>
        %dma_wait3A_70 = arith.constant 0 : i32
        %dma_wait3A_71 = tpu.memref_slice %arg11[%mul3A_0, %dma_wait3A_70] : memref<10000x128xf32, #tpu.memory_space<vmem_shared>> -> memref<632x128xf32, #tpu.memory_space<vmem_shared>>
        tpu.wait_dma2 semaphore(%run_scoped3A_63 : memref<!tpu.dma_semaphore, #tpu.memory_space<semaphore_mem>>) src(%dma_wait3A_71 : memref<632x128xf32, #tpu.memory_space<vmem_shared>>) dst(%dma_wait3A_69 : memref<632x128xf32, #tpu.memory_space<hbm>>)
        tpu.yield
      }) : () -> ()
      "tpu.region"() ({
        %run_scoped3A_63 = tpu.sem_alloc : memref<!tpu.dma_semaphore, #tpu.memory_space<semaphore_mem>>
        %dma_start3A = arith.constant 0 : i32
        %dma_start3A_64 = tpu.memref_slice %arg27[%dma_start3A] : memref<640xf32, #tpu.memory_space<vmem>> -> memref<632xf32, #tpu.memory_space<vmem>>
        %dma_start3A_65 = tpu.memref_slice %arg25[%mul3A_0] : memref<10000xf32, #tpu.memory_space<vmem_shared>> -> memref<632xf32, #tpu.memory_space<vmem_shared>>
        %dma_start3A_66 = arith.constant 0 : i32
        %dma_start3A_67 = tpu.memref_slice %arg27[%dma_start3A_66] : memref<640xf32, #tpu.memory_space<vmem>> -> memref<632xf32, #tpu.memory_space<vmem>>
        %dma_start3A_68 = tpu.memref_slice %arg25[%mul3A_0] : memref<10000xf32, #tpu.memory_space<vmem_shared>> -> memref<632xf32, #tpu.memory_space<vmem_shared>>
        tpu.enqueue_dma source(%dma_start3A_68 : memref<632xf32, #tpu.memory_space<vmem_shared>>) target(%dma_start3A_67 : memref<632xf32, #tpu.memory_space<vmem>>) target_semaphore(%run_scoped3A_63 : memref<!tpu.dma_semaphore, #tpu.memory_space<semaphore_mem>>)
        %dma_wait3A = arith.constant 0 : i32
        %dma_wait3A_69 = tpu.memref_slice %arg27[%dma_wait3A] : memref<640xf32, #tpu.memory_space<vmem>> -> memref<632xf32, #tpu.memory_space<vmem>>
        %dma_wait3A_70 = tpu.memref_slice %arg25[%mul3A_0] : memref<10000xf32, #tpu.memory_space<vmem_shared>> -> memref<632xf32, #tpu.memory_space<vmem_shared>>
        %dma_wait3A_71 = arith.constant 0 : i32
        %dma_wait3A_72 = tpu.memref_slice %arg27[%dma_wait3A_71] : memref<640xf32, #tpu.memory_space<vmem>> -> memref<632xf32, #tpu.memory_space<vmem>>
        %dma_wait3A_73 = tpu.memref_slice %arg25[%mul3A_0] : memref<10000xf32, #tpu.memory_space<vmem_shared>> -> memref<632xf32, #tpu.memory_space<vmem_shared>>
        tpu.wait_dma2 semaphore(%run_scoped3A_63 : memref<!tpu.dma_semaphore, #tpu.memory_space<semaphore_mem>>) src(%dma_wait3A_73 : memref<632xf32, #tpu.memory_space<vmem_shared>>) dst(%dma_wait3A_72 : memref<632xf32, #tpu.memory_space<vmem>>)
        tpu.yield
      }) : () -> ()
      "tpu.region"() ({
        %run_scoped3A_63 = tpu.sem_alloc : memref<!tpu.dma_semaphore, #tpu.memory_space<semaphore_mem>>
        %dma_start3A = arith.constant 0 : i32
        %dma_start3A_64 = tpu.memref_slice %arg27[%dma_start3A] : memref<640xf32, #tpu.memory_space<vmem>> -> memref<632xf32, #tpu.memory_space<vmem>>
        %dma_start3A_65 = tpu.memref_slice %arg10[%mul3A_0] : memref<10000xf32, #tpu.memory_space<hbm>> -> memref<632xf32, #tpu.memory_space<hbm>>
        %dma_start3A_66 = tpu.memref_slice %arg10[%mul3A_0] : memref<10000xf32, #tpu.memory_space<hbm>> -> memref<632xf32, #tpu.memory_space<hbm>>
        %dma_start3A_67 = arith.constant 0 : i32
        %dma_start3A_68 = tpu.memref_slice %arg27[%dma_start3A_67] : memref<640xf32, #tpu.memory_space<vmem>> -> memref<632xf32, #tpu.memory_space<vmem>>
        tpu.enqueue_dma source(%dma_start3A_68 : memref<632xf32, #tpu.memory_space<vmem>>) target(%dma_start3A_66 : memref<632xf32, #tpu.memory_space<hbm>>) target_semaphore(%run_scoped3A_63 : memref<!tpu.dma_semaphore, #tpu.memory_space<semaphore_mem>>)
        %dma_wait3A = arith.constant 0 : i32
        %dma_wait3A_69 = tpu.memref_slice %arg27[%dma_wait3A] : memref<640xf32, #tpu.memory_space<vmem>> -> memref<632xf32, #tpu.memory_space<vmem>>
        %dma_wait3A_70 = tpu.memref_slice %arg10[%mul3A_0] : memref<10000xf32, #tpu.memory_space<hbm>> -> memref<632xf32, #tpu.memory_space<hbm>>
        %dma_wait3A_71 = tpu.memref_slice %arg10[%mul3A_0] : memref<10000xf32, #tpu.memory_space<hbm>> -> memref<632xf32, #tpu.memory_space<hbm>>
        %dma_wait3A_72 = arith.constant 0 : i32
        %dma_wait3A_73 = tpu.memref_slice %arg27[%dma_wait3A_72] : memref<640xf32, #tpu.memory_space<vmem>> -> memref<632xf32, #tpu.memory_space<vmem>>
        tpu.wait_dma2 semaphore(%run_scoped3A_63 : memref<!tpu.dma_semaphore, #tpu.memory_space<semaphore_mem>>) src(%dma_wait3A_73 : memref<632xf32, #tpu.memory_space<vmem>>) dst(%dma_wait3A_71 : memref<632xf32, #tpu.memory_space<hbm>>)
        tpu.yield
      }) : () -> ()
    } else {
    }
    %eq3A_55 = arith.constant 1 : i32
    %eq3A_56 = arith.cmpi eq, %arg0, %eq3A_55 : i32
    %eq3A_57 = arith.constant 15 : i32
    %eq3A_58 = arith.cmpi eq, %arg1, %eq3A_57 : i32
    %and3A_59 = arith.andi %eq3A_56, %eq3A_58 : i1
    %convert_element_type3A_60 = arith.extui %and3A_59 : i1 to i32
    %cond3A_61 = arith.constant 0 : i32
    %cond3A_62 = arith.cmpi ne, %convert_element_type3A_60, %cond3A_61 : i32
    scf.if %cond3A_62 {
      %run_scoped3A = arith.constant 1 : i32
      "tpu.region"() ({
        %run_scoped3A_63 = tpu.sem_alloc : memref<!tpu.dma_semaphore, #tpu.memory_space<semaphore_mem>>
        %dma_start3A = arith.constant 0 : i32
        %dma_start3A_64 = tpu.memref_slice %arg8[%run_scoped3A, %mul3A_0, %dma_start3A] : memref<2x10000x128xf32, #tpu.memory_space<hbm>> -> memref<1x520x128xf32, #tpu.memory_space<hbm>>
        %dma_start3A_65 = tpu.memref_squeeze %dma_start3A_64 : memref<1x520x128xf32, #tpu.memory_space<hbm>> -> memref<520x128xf32, #tpu.memory_space<hbm>>
        %dma_start3A_66 = arith.constant 0 : i32
        %dma_start3A_67 = tpu.memref_slice %arg11[%mul3A_0, %dma_start3A_66] : memref<10000x128xf32, #tpu.memory_space<vmem_shared>> -> memref<520x128xf32, #tpu.memory_space<vmem_shared>>
        tpu.enqueue_dma source(%dma_start3A_67 : memref<520x128xf32, #tpu.memory_space<vmem_shared>>) target(%dma_start3A_65 : memref<520x128xf32, #tpu.memory_space<hbm>>) target_semaphore(%run_scoped3A_63 : memref<!tpu.dma_semaphore, #tpu.memory_space<semaphore_mem>>)
        %dma_wait3A = arith.constant 0 : i32
        %dma_wait3A_68 = tpu.memref_slice %arg8[%run_scoped3A, %mul3A_0, %dma_wait3A] : memref<2x10000x128xf32, #tpu.memory_space<hbm>> -> memref<1x520x128xf32, #tpu.memory_space<hbm>>
        %dma_wait3A_69 = tpu.memref_squeeze %dma_wait3A_68 : memref<1x520x128xf32, #tpu.memory_space<hbm>> -> memref<520x128xf32, #tpu.memory_space<hbm>>
        %dma_wait3A_70 = arith.constant 0 : i32
        %dma_wait3A_71 = tpu.memref_slice %arg11[%mul3A_0, %dma_wait3A_70] : memref<10000x128xf32, #tpu.memory_space<vmem_shared>> -> memref<520x128xf32, #tpu.memory_space<vmem_shared>>
        tpu.wait_dma2 semaphore(%run_scoped3A_63 : memref<!tpu.dma_semaphore, #tpu.memory_space<semaphore_mem>>) src(%dma_wait3A_71 : memref<520x128xf32, #tpu.memory_space<vmem_shared>>) dst(%dma_wait3A_69 : memref<520x128xf32, #tpu.memory_space<hbm>>)
        tpu.yield
      }) : () -> ()
      "tpu.region"() ({
        %run_scoped3A_63 = tpu.sem_alloc : memref<!tpu.dma_semaphore, #tpu.memory_space<semaphore_mem>>
        %dma_start3A = arith.constant 0 : i32
        %dma_start3A_64 = tpu.memref_slice %arg27[%dma_start3A] : memref<640xf32, #tpu.memory_space<vmem>> -> memref<520xf32, #tpu.memory_space<vmem>>
        %dma_start3A_65 = tpu.memref_slice %arg25[%mul3A_0] : memref<10000xf32, #tpu.memory_space<vmem_shared>> -> memref<520xf32, #tpu.memory_space<vmem_shared>>
        %dma_start3A_66 = arith.constant 0 : i32
        %dma_start3A_67 = tpu.memref_slice %arg27[%dma_start3A_66] : memref<640xf32, #tpu.memory_space<vmem>> -> memref<520xf32, #tpu.memory_space<vmem>>
        %dma_start3A_68 = tpu.memref_slice %arg25[%mul3A_0] : memref<10000xf32, #tpu.memory_space<vmem_shared>> -> memref<520xf32, #tpu.memory_space<vmem_shared>>
        tpu.enqueue_dma source(%dma_start3A_68 : memref<520xf32, #tpu.memory_space<vmem_shared>>) target(%dma_start3A_67 : memref<520xf32, #tpu.memory_space<vmem>>) target_semaphore(%run_scoped3A_63 : memref<!tpu.dma_semaphore, #tpu.memory_space<semaphore_mem>>)
        %dma_wait3A = arith.constant 0 : i32
        %dma_wait3A_69 = tpu.memref_slice %arg27[%dma_wait3A] : memref<640xf32, #tpu.memory_space<vmem>> -> memref<520xf32, #tpu.memory_space<vmem>>
        %dma_wait3A_70 = tpu.memref_slice %arg25[%mul3A_0] : memref<10000xf32, #tpu.memory_space<vmem_shared>> -> memref<520xf32, #tpu.memory_space<vmem_shared>>
        %dma_wait3A_71 = arith.constant 0 : i32
        %dma_wait3A_72 = tpu.memref_slice %arg27[%dma_wait3A_71] : memref<640xf32, #tpu.memory_space<vmem>> -> memref<520xf32, #tpu.memory_space<vmem>>
        %dma_wait3A_73 = tpu.memref_slice %arg25[%mul3A_0] : memref<10000xf32, #tpu.memory_space<vmem_shared>> -> memref<520xf32, #tpu.memory_space<vmem_shared>>
        tpu.wait_dma2 semaphore(%run_scoped3A_63 : memref<!tpu.dma_semaphore, #tpu.memory_space<semaphore_mem>>) src(%dma_wait3A_73 : memref<520xf32, #tpu.memory_space<vmem_shared>>) dst(%dma_wait3A_72 : memref<520xf32, #tpu.memory_space<vmem>>)
        tpu.yield
      }) : () -> ()
      "tpu.region"() ({
        %run_scoped3A_63 = tpu.sem_alloc : memref<!tpu.dma_semaphore, #tpu.memory_space<semaphore_mem>>
        %dma_start3A = arith.constant 0 : i32
        %dma_start3A_64 = tpu.memref_slice %arg27[%dma_start3A] : memref<640xf32, #tpu.memory_space<vmem>> -> memref<520xf32, #tpu.memory_space<vmem>>
        %dma_start3A_65 = tpu.memref_slice %arg10[%mul3A_0] : memref<10000xf32, #tpu.memory_space<hbm>> -> memref<520xf32, #tpu.memory_space<hbm>>
        %dma_start3A_66 = tpu.memref_slice %arg10[%mul3A_0] : memref<10000xf32, #tpu.memory_space<hbm>> -> memref<520xf32, #tpu.memory_space<hbm>>
        %dma_start3A_67 = arith.constant 0 : i32
        %dma_start3A_68 = tpu.memref_slice %arg27[%dma_start3A_67] : memref<640xf32, #tpu.memory_space<vmem>> -> memref<520xf32, #tpu.memory_space<vmem>>
        tpu.enqueue_dma source(%dma_start3A_68 : memref<520xf32, #tpu.memory_space<vmem>>) target(%dma_start3A_66 : memref<520xf32, #tpu.memory_space<hbm>>) target_semaphore(%run_scoped3A_63 : memref<!tpu.dma_semaphore, #tpu.memory_space<semaphore_mem>>)
        %dma_wait3A = arith.constant 0 : i32
        %dma_wait3A_69 = tpu.memref_slice %arg27[%dma_wait3A] : memref<640xf32, #tpu.memory_space<vmem>> -> memref<520xf32, #tpu.memory_space<vmem>>
        %dma_wait3A_70 = tpu.memref_slice %arg10[%mul3A_0] : memref<10000xf32, #tpu.memory_space<hbm>> -> memref<520xf32, #tpu.memory_space<hbm>>
        %dma_wait3A_71 = tpu.memref_slice %arg10[%mul3A_0] : memref<10000xf32, #tpu.memory_space<hbm>> -> memref<520xf32, #tpu.memory_space<hbm>>
        %dma_wait3A_72 = arith.constant 0 : i32
        %dma_wait3A_73 = tpu.memref_slice %arg27[%dma_wait3A_72] : memref<640xf32, #tpu.memory_space<vmem>> -> memref<520xf32, #tpu.memory_space<vmem>>
        tpu.wait_dma2 semaphore(%run_scoped3A_63 : memref<!tpu.dma_semaphore, #tpu.memory_space<semaphore_mem>>) src(%dma_wait3A_73 : memref<520xf32, #tpu.memory_space<vmem>>) dst(%dma_wait3A_71 : memref<520xf32, #tpu.memory_space<hbm>>)
        tpu.yield
      }) : () -> ()
    } else {
    }
    return
  }
}

module attributes {stable_mosaic.version = 14 : i64} {
  func.func @_dense_body(%arg0: i32, %arg1: i32, %arg2: memref<1x2000x128xf32, #tpu.memory_space<vmem>>, %arg3: memref<1x2000x1xf32, #tpu.memory_space<vmem>>, %arg4: memref<1x2000x128xf32, #tpu.memory_space<vmem>>, %arg5: memref<1x128x128xf32, #tpu.memory_space<vmem>>, %arg6: memref<1x1x128xf32, #tpu.memory_space<vmem>>, %arg7: memref<1x128x128xf32, #tpu.memory_space<vmem>>, %arg8: memref<1x2000x128xf32, #tpu.memory_space<vmem>>) attributes {dimension_semantics = [#tpu.dimension_semantics<arbitrary>, #tpu.dimension_semantics<arbitrary>], iteration_bounds = array<i64: 2, 5>, scalar_prefetch = 0 : i64, scratch_operands = 0 : i64, tpu.core_type = #tpu.core_type<tc>, window_params = [{transform_indices = @transform_0, window_bounds = array<i64: 1, 2000, 128>}, {transform_indices = @transform_1, window_bounds = array<i64: 1, 2000, 1>}, {transform_indices = @transform_2, window_bounds = array<i64: 1, 2000, 128>}, {transform_indices = @transform_3, window_bounds = array<i64: 1, 128, 128>}, {transform_indices = @transform_4, window_bounds = array<i64: 1, 1, 128>}, {transform_indices = @transform_5, window_bounds = array<i64: 1, 128, 128>}, {transform_indices = @transform_6, window_bounds = array<i64: 1, 2000, 128>}]} {
    %get3A = arith.constant 0 : index
    %get3A_0 = arith.constant 0 : index
    %get3A_1 = arith.constant 0 : index
    %get3A_2 = vector.load %arg3[%get3A, %get3A_0, %get3A_1] : memref<1x2000x1xf32, #tpu.memory_space<vmem>>, vector<1x2000x1xf32>
    %get3A_3 = vector.shape_cast %get3A_2 : vector<1x2000x1xf32> to vector<2000x1xf32>
    %get3A_4 = arith.constant 0 : index
    %get3A_5 = arith.constant 0 : index
    %get3A_6 = arith.constant 0 : index
    %get3A_7 = vector.load %arg2[%get3A_4, %get3A_5, %get3A_6] : memref<1x2000x128xf32, #tpu.memory_space<vmem>>, vector<1x2000x128xf32>
    %get3A_8 = vector.shape_cast %get3A_7 : vector<1x2000x128xf32> to vector<2000x128xf32>
    %max3A = arith.constant 1.000000e+00 : f32
    %max3A_9 = vector.broadcast %max3A : f32 to vector<2000x1xf32>
    %max3A_10 = arith.maximumf %get3A_3, %max3A_9 : vector<2000x1xf32>
    %div3A = arith.constant 1.000000e+00 : f32
    %div3A_11 = vector.broadcast %div3A : f32 to vector<2000x1xf32>
    %div3A_12 = arith.divf %div3A_11, %max3A_10 : vector<2000x1xf32>
    %mul3A = vector.broadcast %div3A_12 : vector<2000x1xf32> to vector<2000x128xf32>
    %mul3A_13 = arith.mulf %get3A_8, %mul3A : vector<2000x128xf32>
    %get3A_14 = arith.constant 0 : index
    %get3A_15 = arith.constant 0 : index
    %get3A_16 = arith.constant 0 : index
    %get3A_17 = vector.load %arg5[%get3A_14, %get3A_15, %get3A_16] : memref<1x128x128xf32, #tpu.memory_space<vmem>>, vector<1x128x128xf32>
    %get3A_18 = vector.shape_cast %get3A_17 : vector<1x128x128xf32> to vector<128x128xf32>
    %dot_general3A = arith.constant dense<0.000000e+00> : vector<2000x128xf32>
    %dot_general3A_19 = tpu.matmul %mul3A_13, %get3A_18, %dot_general3A {dimension_numbers = #tpu.dot_dimension_numbers<[1], [0], [0], [1], [0, 0, 1, 1], [], []>, precision = #tpu.contract_precision<fp32>, transpose_lhs_hint = false} : vector<2000x128xf32>, vector<128x128xf32>, vector<2000x128xf32> -> vector<2000x128xf32>
    %get3A_20 = arith.constant 0 : index
    %get3A_21 = arith.constant 0 : index
    %get3A_22 = arith.constant 0 : index
    %get3A_23 = vector.load %arg6[%get3A_20, %get3A_21, %get3A_22] : memref<1x1x128xf32, #tpu.memory_space<vmem>>, vector<1x1x128xf32>
    %get3A_24 = vector.shape_cast %get3A_23 : vector<1x1x128xf32> to vector<1x128xf32>
    %add3A = vector.broadcast %get3A_24 : vector<1x128xf32> to vector<2000x128xf32>
    %add3A_25 = arith.addf %dot_general3A_19, %add3A : vector<2000x128xf32>
    %get3A_26 = arith.constant 0 : index
    %get3A_27 = arith.constant 0 : index
    %get3A_28 = arith.constant 0 : index
    %get3A_29 = vector.load %arg4[%get3A_26, %get3A_27, %get3A_28] : memref<1x2000x128xf32, #tpu.memory_space<vmem>>, vector<1x2000x128xf32>
    %get3A_30 = vector.shape_cast %get3A_29 : vector<1x2000x128xf32> to vector<2000x128xf32>
    %get3A_31 = arith.constant 0 : index
    %get3A_32 = arith.constant 0 : index
    %get3A_33 = arith.constant 0 : index
    %get3A_34 = vector.load %arg7[%get3A_31, %get3A_32, %get3A_33] : memref<1x128x128xf32, #tpu.memory_space<vmem>>, vector<1x128x128xf32>
    %get3A_35 = vector.shape_cast %get3A_34 : vector<1x128x128xf32> to vector<128x128xf32>
    %dot_general3A_36 = arith.constant dense<0.000000e+00> : vector<2000x128xf32>
    %dot_general3A_37 = tpu.matmul %get3A_30, %get3A_35, %dot_general3A_36 {dimension_numbers = #tpu.dot_dimension_numbers<[1], [0], [0], [1], [0, 0, 1, 1], [], []>, precision = #tpu.contract_precision<fp32>, transpose_lhs_hint = false} : vector<2000x128xf32>, vector<128x128xf32>, vector<2000x128xf32> -> vector<2000x128xf32>
    %add3A_38 = arith.addf %add3A_25, %dot_general3A_37 : vector<2000x128xf32>
    %max3A_39 = arith.constant 0.000000e+00 : f32
    %max3A_40 = vector.broadcast %max3A_39 : f32 to vector<2000x128xf32>
    %max3A_41 = arith.maximumf %add3A_38, %max3A_40 : vector<2000x128xf32>
    %swap3A = arith.constant 0 : index
    %swap3A_42 = arith.constant 0 : index
    %swap3A_43 = arith.constant 0 : index
    %swap3A_44 = vector.load %arg8[%swap3A, %swap3A_42, %swap3A_43] : memref<1x2000x128xf32, #tpu.memory_space<vmem>>, vector<1x2000x128xf32>
    %swap3A_45 = vector.shape_cast %swap3A_44 : vector<1x2000x128xf32> to vector<2000x128xf32>
    %swap3A_46 = vector.shape_cast %max3A_41 : vector<2000x128xf32> to vector<1x2000x128xf32>
    tpu.vector_store %arg8[%swap3A, %swap3A_42, %swap3A_43], %swap3A_46 {strides = array<i32>} : memref<1x2000x128xf32, #tpu.memory_space<vmem>>, vector<1x2000x128xf32>,
    return
  }
  func.func @transform_0(%arg0: i32, %arg1: i32) -> (i32, i32, i32) {
    %c0_i32 = arith.constant 0 : i32
    %c0_i32_0 = arith.constant 0 : i32
    return %arg0, %arg1, %c0_i32 : i32, i32, i32
  }
  func.func @transform_1(%arg0: i32, %arg1: i32) -> (i32, i32, i32) {
    %c0_i32 = arith.constant 0 : i32
    %c0_i32_0 = arith.constant 0 : i32
    return %arg0, %arg1, %c0_i32 : i32, i32, i32
  }
  func.func @transform_2(%arg0: i32, %arg1: i32) -> (i32, i32, i32) {
    %c0_i32 = arith.constant 0 : i32
    %c0_i32_0 = arith.constant 0 : i32
    return %arg0, %arg1, %c0_i32 : i32, i32, i32
  }
  func.func @transform_3(%arg0: i32, %arg1: i32) -> (i32, i32, i32) {
    %c0_i32 = arith.constant 0 : i32
    %c0_i32_0 = arith.constant 0 : i32
    %c0_i32_1 = arith.constant 0 : i32
    return %arg0, %c0_i32, %c0_i32_0 : i32, i32, i32
  }
  func.func @transform_4(%arg0: i32, %arg1: i32) -> (i32, i32, i32) {
    %c0_i32 = arith.constant 0 : i32
    %c0_i32_0 = arith.constant 0 : i32
    %c0_i32_1 = arith.constant 0 : i32
    return %arg0, %c0_i32, %c0_i32_0 : i32, i32, i32
  }
  func.func @transform_5(%arg0: i32, %arg1: i32) -> (i32, i32, i32) {
    %c0_i32 = arith.constant 0 : i32
    %c0_i32_0 = arith.constant 0 : i32
    %c0_i32_1 = arith.constant 0 : i32
    return %arg0, %c0_i32, %c0_i32_0 : i32, i32, i32
  }
  func.func @transform_6(%arg0: i32, %arg1: i32) -> (i32, i32, i32) {
    %c0_i32 = arith.constant 0 : i32
    %c0_i32_0 = arith.constant 0 : i32
    return %arg0, %arg1, %c0_i32 : i32, i32, i32
  }
}

</mosaic_0001>

<sc_bundles>
// kernel: sage_agg_0.3.cloned.1.call-start
scs
__scs_entry_jumppad:
0x0: {  	(pc) =	sbr.rel $0x88, $3  }
0x1: {  	(tag) =	ssettag $0x0;
	lr =	simm.s32 $0x1  }
0x2: {  	[smem:$0x3F91] =	sst lr;
	_ =	strace $0xD0000000  }
0x3: {  	_ = 	snop  }
0x4: {  	_ = 	snop  }
0x5: {  	_ = 	snop  }
0x6: {  	_ = 	snop  }
0x7: {  	_ = 	snop  }
__scs_overlays_trampoline_lowered:
0x8: {  	[smem:$0x3FA0] =	sst s0  }
0x9: {  	[smem:$0x3FA1] =	sst s1  }
0xa: {  	[smem:$0x3FA2] =	sst s2  }
0xb: {  	[smem:$0x3FA3] =	sst s3  }
0xc: {  	[smem:$0x3FA4] =	sst s4  }
0xd: {  	[smem:$0x3FA5] =	sst s5  }
0xe: {  	[smem:$0x3FA6] =	sst s6  }
0xf: {  	[smem:$0x3FA7] =	sst s7  }
0x10: {  	[smem:$0x3FA8] =	sst s8  }
0x11: {  	[smem:$0x3FA9] =	sst s9;
	s0 =	simm.s32 @!p0 $0x0  }
0x12: {  	s1 =	sld [smem:$0x3F8F];
	s0 =	simm.s32 @p0 $0x1  }
0x13: {  	[smem:$0x3FAA] =	sst s0;
	s0 =	simm.s32 @!p1 $0x0  }
0x14: {  	s2 =	sld [smem:$0x3F8E];
	s0 =	simm.s32 @p1 $0x1  }
0x15: {  	[smem:$0x3FAB] =	sst s0;
	s0 =	simm.s32 @!p2 $0x0  }
0x16: {  	s3 =	sld [smem:$0x3FDB];
	s0 =	simm.s32 @p2 $0x1  }
0x17: {  	s4 =	simm.s32 $0x1BF5;
	[smem:$0x3FAD] =	sst s0  }
0x18: {  	s0 =	sld [smem:$0x3F90];
	_ =	swait.ge [sflag:s4], $0x0  }
0x19: {  	s7 =	sld [smem:$0x3F91]  }
0x1a: {  	s8 =	sadd.s32 $0xFFFFE003, lr  }
0x1b: {  	s9 =	sadd.s32 $0xFFFFFEF7, lr;
	s5 =	simm.s32 $0xFFFFFFFF;
	p2 =	slt.u32 s8, $0xFFFFF086  }
0x1c: {  	p1 =	slt.u32 s9, $0xF7A;
	s5 =	simm.s32 @!p2 $0x0  }
0x1d: {  	s5 =	simm.s32 @p1 $0x1;
	p0 =	seq.s32 s7, s2  }
0x1e: {  	s7 =	smul.u32 @!p0 $0xF7A, s2;
	p2 =	seq.s32 @!p0 s5, $0x0  }
0x1f: {  	s9 =	smul.u32 $0xF7A, s1;
	s8 =	simm.s32 @!p0 $0x1BF5;
	p2 =	por !p2, p0  }
0x20: {  	[sflag:s8] =	ssyncset.s32 @!p0 $0xFFFFF086;
	s6 =	sadd.s32 @!p0 s3, s7;
	s7 =	simm.s32 @!p0 $0x108  }
0x21: {  	s3 =	sadd.s32 s3, s9;
	s6 =	sadd.s32 @!p0 $0x88, s6;
	s7 =	simm.s32 @p2 $0x1082  }
0x22: {  	[simem:s7], [sflag:s8] =	dma.local @!p0 [hbm:s6], $0xF7A  }
0x23: {  	s9 =	sor.u32 $0xD0000000, s2;
	s6 =	simm.s32 $0x108;
	_ =	swait.ge @!p0 [sflag:s8], $0x0  }
0x24: {  	s3 =	sadd.s32 $0x88, s3;
	s6 =	simm.s32 @!p1 $0x1082;
	[sflag:s4] =	ssyncset.s32 $0xFFFFF086  }
0x25: {  	[simem:s6], [sflag:s4] =	dma.local [hbm:s3], $0xF7A  }
0x26: {  	[smem:$0x3F91] =	sst s1;
	(tag) =	ssettag s2;
	_ =	strace s9  }
0x27: {  	s1 =	sld [smem:$0x3FA1]  }
0x28: {  	s2 =	sld [smem:$0x3FA2]  }
0x29: {  	s4 =	sld [smem:$0x3FA4]  }
0x2a: {  	p0 =	seq.s32 s5, $0x0;
	s5 =	sld [smem:$0x3FA5]  }
0x2b: {  	s6 =	sld [smem:$0x3FA6]  }
0x2c: {  	s7 =	sld [smem:$0x3FA7]  }
0x2d: {  	s3 =	simm.s32 $0x108;
	s8 =	sld [smem:$0x3FA8]  }
0x2e: {  	s3 =	simm.s32 @!p0 $0x1082;
	s9 =	sld [smem:$0x3FA9]  }
0x2f: {  	lr =	sadd.s32 s0, s3;
	s0 =	sld [smem:$0x3FA0]  }
0x30: {  	s3 =	sld [smem:$0x3FA3]  }
0x31: {  	[smem:$0x3FAC] =	sst s10  }
0x32: {  	s10 =	sld [smem:$0x3FAA];
	_ =	sdelay $0x3  }
0x33: {  	p0 =	seq.s32 s10, $0x1;
	s10 =	sld [smem:$0x3FAC];
	_ =	sdelay $0x3  }
0x34: {  	[smem:$0x3FAC] =	sst s10  }
0x35: {  	s10 =	sld [smem:$0x3FAB];
	_ =	sdelay $0x3  }
0x36: {  	p1 =	seq.s32 s10, $0x1;
	s10 =	sld [smem:$0x3FAC];
	_ =	sdelay $0x3  }
0x37: {  	[smem:$0x3FAC] =	sst s10  }
0x38: {  	s10 =	sld [smem:$0x3FAD]  }
0x39: {  	_ = 	snop;
	(pc) =	sbr.ind lr, $3  }
0x3a: {  	_ = 	snop  }
0x3b: {  	_ = 	snop  }
0x3c: {  	p2 =	seq.s32 s10, $0x1;
	s10 =	sld [smem:$0x3FAC]  }
0x3d: {  	_ =	shalt  }
0x3e: {  	_ =	shalt  }
0x3f: {  	_ =	shalt  }
0x40: {  	_ =	shalt  }
0x41: {  	_ =	shalt  }
0x42: {  	_ =	shalt  }
0x43: {  	_ =	shalt  }
0x44: {  	_ =	shalt  }
0x45: {  	_ =	shalt  }
0x46: {  	_ =	shalt  }
0x47: {  	_ =	shalt  }
0x48: {  	_ =	shalt  }
0x49: {  	_ =	shalt  }
0x4a: {  	_ =	shalt  }
0x4b: {  	_ =	shalt  }
0x4c: {  	_ =	shalt  }
0x4d: {  	_ =	shalt  }
0x4e: {  	_ =	shalt  }
0x4f: {  	_ =	shalt  }
0x50: {  	_ =	shalt  }
0x51: {  	_ =	shalt  }
0x52: {  	_ =	shalt  }
0x53: {  	_ =	shalt  }
0x54: {  	_ =	shalt  }
0x55: {  	_ =	shalt  }
0x56: {  	_ =	shalt  }
0x57: {  	_ =	shalt  }
0x58: {  	_ =	shalt  }
0x59: {  	_ =	shalt  }
0x5a: {  	_ =	shalt  }
0x5b: {  	_ =	shalt  }
0x5c: {  	_ =	shalt  }
0x5d: {  	_ =	shalt  }
0x5e: {  	_ =	shalt  }
0x5f: {  	_ =	shalt  }
0x60: {  	_ =	shalt  }
0x61: {  	_ =	shalt  }
0x62: {  	_ =	shalt  }
0x63: {  	_ =	shalt  }
0x64: {  	_ =	shalt  }
0x65: {  	_ =	shalt  }
0x66: {  	_ =	shalt  }
0x67: {  	_ =	shalt  }
0x68: {  	_ =	shalt  }
0x69: {  	_ =	shalt  }
0x6a: {  	_ =	shalt  }
0x6b: {  	_ =	shalt  }
0x6c: {  	_ =	shalt  }
0x6d: {  	_ =	shalt  }
0x6e: {  	_ =	shalt  }
0x6f: {  	_ =	shalt  }
0x70: {  	_ =	shalt  }
0x71: {  	_ =	shalt  }
0x72: {  	_ =	shalt  }
0x73: {  	_ =	shalt  }
0x74: {  	_ =	shalt  }
0x75: {  	_ =	shalt  }
0x76: {  	_ =	shalt  }
0x77: {  	_ =	shalt  }
0x78: {  	_ =	shalt  }
0x79: {  	_ =	shalt  }
0x7a: {  	_ =	shalt  }
0x7b: {  	_ =	shalt  }
0x7c: {  	_ =	shalt  }
0x7d: {  	_ =	shalt  }
0x7e: {  	_ =	shalt  }
0x7f: {  	_ =	shalt  }
0x80: {  	_ =	shalt  }
0x81: {  	_ =	shalt  }
0x82: {  	_ =	shalt  }
0x83: {  	_ =	shalt  }
0x84: {  	_ =	shalt  }
0x85: {  	_ =	shalt  }
0x86: {  	_ =	shalt  }
0x87: {  	_ =	shalt  }
.Lfunc_end0:
.L_simem_size_0:
called_computation.1_lowered:
.L_overlay_start_0:
0x88: {  	s2 =	sld [smem:$0x3FD9]  }
0x89: {  	s3 =	sld [smem:$0x3FFE];
	_ =	sdelay $0x1  }
0x8a: {  	s1 =	srdreg.scid  }
0x8b: {  	s0 =	sand.u32 $0x1, s1  }
0x8c: {  	s14 =	sshll.u32 s0, $0xA;
	s2 =	sadd.s32 s3, s2  }
0x8d: {  	s2 =	sadd.s32 s2, s14  }
0x8e: {  	[smem:$0x3FB8] =	sst s2  }
0x8f: {  	_ = 	snop  }
0x90: {  	s2 =	sld [smem:$0x3FD0];
	_ =	sdelay $0x2  }
0x91: {  	s15 =	simm.s32 $0xA;
	s4 =	simm.s32 $0x10  }
0x92: {  	[smem:s4], [sflag:s15] =	dma.local [hbm:s2], $0x1  }
0x93: {  	_ =	swait.eq [sflag:s15], $0x1  }
0x94: {  	[sflag:s15] =	ssyncset.done $0x0  }
0x95: {  	s16 =	sld [smem:$0x10];
	[sflag:s15] =	ssyncadd.s32 $0xFFFFFFFF  }
0x96: {  	s17 =	sld [smem:$0x11];
	(tm) =	ssettm $0x1  }
0x97: {  	s18 =	sld [smem:$0x3FFB];
	_ =	sdelay $0x3  }
0x98: {  	_ =	strace s18  }
0x99: {  	s4 =	sld [smem:$0x3FFC];
	_ =	sdelay $0x3  }
0x9a: {  	_ =	strace s4  }
0x9b: {  	s4 =	sld [smem:$0x3FFD];
	_ =	sdelay $0x3  }
0x9c: {  	_ =	strace s4  }
0x9d: {  	_ =	strace $0x8FFFFFFF  }
0x9e: {  	s19 =	sld [smem:$0x3FDB];
	_ =	sdelay $0x1  }
0x9f: {  	s5 =	simm.s32 $_scs_section_size  }
0xa0: {  	s6 =	simm.s32 $_size__tile_overlayer_lowered;
	s7 =	simm.s32 $_tile_overlayer_lowered  }
0xa1: {  	s22 =	simm.s32 $0x1BFF;
	s21 =	sshll.u32 s7, $0x1;
	s4 =	sadd.s32 s5, s19  }
0xa2: {  	s8 =	simm.s32 $0x0;
	s20 =	sshll.u32 s6, $0x1;
	s6 =	sadd.s32 s21, s4  }
0xa3: {  	[timem:s8], [sflag:s22] =	dma.local [hbm:s6], s20  }
0xa4: {  	_ =	swait.ge [sflag:s22], s20  }
0xa5: {  	s5 =	ssub.s32 $0x0, s20;
	[sflag:s22] =	ssyncset.done $0x0  }
0xa6: {  	[sflag:s22] =	ssyncadd.s32 s5;
	_ =	sdelay $0x1  }
0xa7: {  	s23 =	simm.s32 $0x1B8B  }
0xa8: {  	_ =	swait.ge [sflag:s23], $0x1  }
0xa9: {  	[sflag:s23] =	ssyncset.done $0x0  }
0xaa: {  	s25 =	simm.s32 $0x1B8E;
	s24 =	sld [smem:$0x3FFE];
	[sflag:s23] =	ssyncadd.s32 $0xFFFFFFFF  }
0xab: {  	s26 =	simm.s32 $execute0_lowered;
	[smem:$0x3FD2] =	sst s25  }
0xac: {  	s6 =	sshll.u32 s26, $0x1;
	_ =	strace $0x80000049;
	[dreg:$0x1] =	wrdreg $0xFFFFFFFF  }
0xad: {  	s28 =	simm.s32 $_size_execute0_lowered;
	s4 =	sadd.s32 s4, s6;
	[dreg:$0x0] =	wrdreg $0x0  }
0xae: {  	s6 =	sshll.u32 s28, $0x1;
	[dreg:$0x2] =	wrdreg s4  }
0xaf: {  	[dreg:$0x3] =	wrdreg s6  }
0xb0: {  	[dreg:$0x4] =	wrdreg $0xC0  }
0xb1: {  	_ =	task [dreg:s8], $0x5FFFF  }
0xb2: {  	[dreg:$0x1] =	wrdreg $0xFFFFFFFF  }
0xb3: {  	[dreg:$0x0] =	wrdreg $0x60  }
0xb4: {  	[dreg:$0x2] =	wrdreg s24  }
0xb5: {  	[dreg:$0x3] =	wrdreg s16  }
0xb6: {  	[dreg:$0x4] =	wrdreg s17  }
0xb7: {  	[dreg:$0x5] =	wrdreg $0x0  }
0xb8: {  	[dreg:$0x6] =	wrdreg $0x9  }
0xb9: {  	_ =	task.clear_ibuf [dreg:s8], $0x7FFFF;
	_ =	strace $0x90000049  }
0xba: {  	s29 =	simm.s32 $0x9;
	_ =	strace $0x8000004B  }
0xbb: {  	_ =	swait.ge [sflag:s29], $0x1  }
0xbc: {  	[sflag:s29] =	ssyncadd.s32 $0xFFFFFFFF  }
0xbd: {  	_ =	strace $0x9000004B  }
0xbe: {  	_ =	sfence  }
0xbf: {  	s30 =	sld [smem:$0x0];
	_ =	sdelay $0x2  }
0xc0: {  	s31 =	sshll.u32 s1, $0xD;
	s1 =	sshrl.u32 s1, $0x2  }
0xc1: {  	s3 =	sand.u32 $0x4000, s31;
	s1 =	sadd.s32 s1, s30  }
0xc2: {  	s0 =	sor.u32 s3, s0;
	s1 =	sshll.u32 s1, $0x11  }
0xc3: {  	s0 =	sor.u32 s1, s0  }
0xc4: {  	s0 =	sadd.s32 $0x8F2B, s0  }
0xc5: {  	[sflag:s0] =	ssyncadd.remote.s32 $0x1  }
0xc6: {  	_ =	sfence.sel $0xFFFF  }
0xc7: {  	[dreg:$0x0] =	wrdreg $0xFFFFFFFF;
	(pc) =	sbr.abs _section_cstart, $3  }
0xc8: {  	[dreg:$0x1] =	wrdreg $0xFFFFFFFF  }
0xc9: {  	_ =	task.clear_ibuf [dreg:s8], $0x2FFFF;
	_ =	strace $0x9FFFFFFF  }
0xca: {  	(tm) =	ssettm $0x7FFFFFFF  }
0xcb: {  	_ =	shalt  }
tec
execute0_lowered:
.L_overlay_start_1:
0x0: {  	(tag) =	ssettag $0x1  }
0x1: {  	s0 =	rddreg [dreg:$0x0]  }
0x2: {  	s2 =	rddreg [dreg:$0x1]  }
0x3: {  	s5 =	rddreg [dreg:$0x2]  }
0x4: {  	s1 =	rddreg [dreg:$0x3];
	s3 =	simm.s32 $0x0  }
0x5: {  	s15 =	stileid.u32;
	s4 =	srdreg.scid;
	s28 =	simm.s32 $0x5  }
0x6: {  	s30 =	simm.s32 $0x14180;
	s29 =	simm.s32 $0x14680;
	[smem:$0x7FF] =	sst s3  }
0x7: {  	s6 =	sshll.u32 s15, $0xC;
	s7 =	sand.u32 $0x1, s4;
	s8 =	smul.u32 $0x4F000, s15  }
0x8: {  	s4 =	sadd.s32 $0x23000, s0;
	s13 =	sadd.s32 $0x71200, s0;
	p3 =	sne.s32 s15, $0xF  }
0x9: {  	p0 =	seq.s32 s15, $0xF;
	s23 =	sadd.s32 $0x137400, s1;
	s24 =	smul.u32 $0x2780, s15  }
0xa: {  	s26 =	sadd.s32 $0x96280, s0;
	_ =	strace $0x8000004A;
	[dreg:$0x7] =	wrdreg s23  }
0xb: {  	s25 =	smul.u32 $0x13C00, s15;
	s31 =	sadd.s32 $0x128400, s1;
	[dreg:$0x8] =	wrdreg s26  }
0xc: {  	s18 =	sadd.s32 $0x12B400, s1;
	s19 =	sadd.s32 $0x12E400, s1;
	[dreg:$0x9] =	wrdreg s31  }
0xd: {  	s20 =	sadd.s32 $0x131400, s1;
	s22 =	sadd.s32 $0x134400, s1;
	[dreg:$0xd] =	wrdreg s18  }
0xe: {  	s12 =	sadd.s32 s6, s0;
	s9 =	ssub.s32 $0x2, s7;
	[dreg:$0xe] =	wrdreg s19  }
0xf: {  	p4 =	seq.s32 s7, $0x0;
	p1 =	seq.s32 s7, $0x1;
	[dreg:$0xf] =	wrdreg s20  }
0x10: {  	[dreg:$0x11] =	wrdreg s22;
	s18 =	simm.s32 $0x14480;
	s19 =	simm.s32 $0x3  }
0x11: {  	s22 =	simm.s32 $0x4;
	s20 =	simm.s32 $0x14600;
	s10 =	sshrl.u32 s9, $0x1  }
0x12: {  	s8 =	sshrl.u32 s8, $0x2;
	s11 =	sadd.s32 $0x3000, s12;
	s12 =	sadd.s32 $0x13000, s12  }
0x13: {  	p2 =	por !p4, !p3;
	p4 =	por !p4, !p0;
	p3 =	por !p3, !p1  }
0x14: {  	s15 =	sshrl.u32 s25, $0x3;
	p6 =	por !p0, !p1;
	s14 =	ssub.s32 s9, s10  }
0x15: {  	s16 =	sadd.s32 s8, s1;
	s9 =	sadd.s32 s5, s6;
	s10 =	sadd.s32 $0x4A100, s0  }
0x16: {  	p2 =	por !p2, !p2;
	p4 =	por !p4, !p4;
	s0 =	sadd.s32 $0xBD380, s0  }
0x17: {  	p5 =	por !p6, !p6;
	p6 =	sne.s32 s7, $0x0;
	[dreg:$0xb] =	wrdreg s0  }
0x18: {  	s7 =	simm.s32 $0x14080;
	s8 =	sadd.s32 $0x12000, s16;
	[dreg:$0x5] =	wrdreg s16  }
0x19: {  	s5 =	simm.s32 $0x14500;
	s21 =	smax.u32 s14, $0x1;
	[dreg:$0x6] =	wrdreg s8  }
0x1a: {  	s23 =	sadd.s32 $0x3000, s16;
	s25 =	sadd.s32 $0x9000, s16;
	[dreg:$0x10] =	wrdreg s21  }
0x1b: {  	s26 =	sadd.s32 $0xC000, s16;
	s31 =	sadd.s32 $0xF000, s16;
	[dreg:$0x12] =	wrdreg s23  }
0x1c: {  	s0 =	simm.s32 $0x7D;
	s14 =	simm.s32 $0x14100;
	[dreg:$0x14] =	wrdreg s25  }
0x1d: {  	s8 =	sadd.s32 s2, s6;
	s6 =	simm.s32 @!p4 $0x0;
	[dreg:$0x15] =	wrdreg s26  }
0x1e: {  	s2 =	sadd.s32 s13, s24;
	s24 =	sadd.s32 $0x6000, s16;
	[dreg:$0x16] =	wrdreg s31  }
0x1f: {  	s26 =	simm.s32 $0x6;
	s16 =	simm.s32 $0x2;
	s21 =	simm.s32 $0x14280  }
.Ltmp0:
0x20: {  	s6 =	simm.s32 @p4 $0x1;
	[dreg:$0xa] =	wrdreg s2;
	(pc) =	sbr.rel .LBB2_1-.Ltmp0, $4  }
0x21: {  	p4 =	por !p3, !p3;
	s2 =	sadd.s32 s13, s15;
	[dreg:$0x13] =	wrdreg s24  }
0x22: {  	s13 =	simm.s32 $0x14880;
	s15 =	simm.s32 $0x18880;
	s24 =	simm.s32 $0x0  }
0x23: {  	[smem:$0x7FD] =	sst s6;
	s17 =	sadd.s32 $0x27100, s2;
	s2 =	simm.s32 $0x14580  }
0x24: {  	v0 =	vimm.f32 $0.0e+00;
	s6 =	simm.s32 $0x14200;
	[dreg:$0xc] =	wrdreg s17;
	s17 =	simm.s32 $0x1  }
.LBB2_18:
0x25: {  	s23 =	rddreg [dreg:$0x9]  }
0x26: {  	s24 =	rddreg [dreg:$0x8];
	s25 =	simm.s32 $0x1FC6;
	s23 =	sshrl.u32 s23, $0x3  }
0x27: {  	[hbm:s24], [sflag:s25] =	dma.local [spmem:s23], $0x2080  }
0x28: {  	_ =	swait.ge [sflag:s26], $0x2080  }
0x29: {  	[sflag:s26] =	ssyncset.done $0x0  }
0x2a: {  	[sflag:s26] =	ssyncadd.s32 $0xFFFFDF80  }
.LBB2_19:
0x2b: {  	s23 =	rddreg [dreg:$0x9]  }
0x2c: {  	s24 =	simm.s32 @p5 $0x1FC6;
	s25 =	rddreg [dreg:$0xb];
	s23 =	sshrl.u32 @p5 s23, $0x3  }
0x2d: {  	[hbm:s25], [sflag:s24] =	dma.local @p5 [spmem:s23], $0x2080  }
0x2e: {  	s23 =	simm.s32 @p5 $0x6  }
0x2f: {  	_ =	swait.ge @p5 [sflag:s23], $0x2080  }
0x30: {  	[sflag:s23] =	ssyncset.done @p5 $0x0  }
0x31: {  	s24 =	rddreg [dreg:$0x17];
	[sflag:s23] =	ssyncadd.s32 @p5 $0xFFFFDF80  }
.LBB2_20:
0x32: {  	s24 =	sadd.s32 $0x1, s24;
	s23 =	rddreg [dreg:$0x10]  }
0x33: {  	p3 =	sne.s32 s24, s23  }
.Ltmp1:
0x34: {  	_ = 	snop;
	(pc) =	sbr.rel @!p3 .LBB2_21-.Ltmp1, $1  }
0x35: {  	_ =	sdelay $0x3  }
.LBB2_1:
0x36: {  	[dreg:$0x17] =	wrdreg s24;
	s31 =	simm.s32 $0x70;
	s23 =	simm.s32 $0x3C0  }
.LBB2_2:
0x37: {  	p3 =	sne.s32 s23, $0xBFC0;
	[tilespmem:s31+$0x14880] =	vst v0  }
0x38: {  	[tilespmem:s31+$0x14810] =	vst v0  }
0x39: {  	[tilespmem:s31+$0x14820] =	vst v0  }
.Ltmp2:
0x3a: {  	[tilespmem:s31+$0x14830] =	vst v0;
	(pc) =	sbr.rel @p3 .LBB2_2-.Ltmp2, $4  }
0x3b: {  	[tilespmem:s31+$0x14840] =	vst v0  }
0x3c: {  	[tilespmem:s31+$0x14850] =	vst v0  }
0x3d: {  	[tilespmem:s31+$0x14860] =	vst v0  }
0x3e: {  	[tilespmem:s31+$0x14870] =	vst v0;
	s31 =	sshra.s32 s23, $0x2;
	s23 =	sadd.s32 $0x200, s23  }
0x3f: {  	[tilespmem:s31+$0x14880] =	vst v0  }
0x40: {  	[tilespmem:s31+$0x14810] =	vst v0  }
0x41: {  	[tilespmem:s31+$0x14820] =	vst v0  }
0x42: {  	[tilespmem:s31+$0x14830] =	vst v0  }
0x43: {  	[tilespmem:s31+$0x14840] =	vst v0  }
0x44: {  	[tilespmem:s31+$0x14850] =	vst v0  }
0x45: {  	[tilespmem:s31+$0x14860] =	vst v0  }
0x46: {  	[tilespmem:s31+$0x14870] =	vst v0;
	s23 =	simm.s32 @p0 $0x14880;
	s24 =	rddreg [dreg:$0x9];
	s31 =	simm.s32 @p0 $0x6  }
0x47: {  	[spmem:s24] =	stream.linear.scatter @p0 [tilespmem:s23], [sflag:$0x6], $0x3000, $0x38;
	[tilespmem:$0x1C880] =	vst v63  }
0x48: {  	_ =	swait.ge @p0 [sflag:s31], $0x3000  }
0x49: {  	[sflag:s31] =	ssyncset.done @p0 $0x0  }
0x4a: {  	s24 =	rddreg [dreg:$0xd];
	[sflag:s31] =	ssyncadd.s32 @p0 $0xFFFFD000  }
0x4b: {  	[spmem:s24] =	stream.linear.scatter @p0 [tilespmem:s23], [sflag:$0x6], $0x3000, $0x38;
	[tilespmem:$0x1C880] =	vst v63  }
0x4c: {  	_ =	swait.ge @p0 [sflag:s31], $0x3000  }
0x4d: {  	[sflag:s31] =	ssyncset.done @p0 $0x0  }
0x4e: {  	s24 =	rddreg [dreg:$0xe];
	[sflag:s31] =	ssyncadd.s32 @p0 $0xFFFFD000  }
0x4f: {  	[spmem:s24] =	stream.linear.scatter @p0 [tilespmem:s23], [sflag:$0x6], $0x3000, $0x38;
	[tilespmem:$0x1C880] =	vst v63  }
0x50: {  	_ =	swait.ge @p0 [sflag:s31], $0x3000  }
0x51: {  	[sflag:s31] =	ssyncset.done @p0 $0x0  }
0x52: {  	s24 =	rddreg [dreg:$0xf];
	[sflag:s31] =	ssyncadd.s32 @p0 $0xFFFFD000  }
0x53: {  	[spmem:s24] =	stream.linear.scatter @p0 [tilespmem:s23], [sflag:$0x6], $0x3000, $0x38;
	[tilespmem:$0x1C880] =	vst v63  }
0x54: {  	_ =	swait.ge @p0 [sflag:s31], $0x3000  }
0x55: {  	[sflag:s31] =	ssyncset.done @p0 $0x0  }
0x56: {  	s24 =	rddreg [dreg:$0x11];
	[sflag:s31] =	ssyncadd.s32 @p0 $0xFFFFD000  }
0x57: {  	[spmem:s24] =	stream.linear.scatter @p0 [tilespmem:s23], [sflag:$0x6], $0x3000, $0x38;
	[tilespmem:$0x1C880] =	vst v63  }
0x58: {  	_ =	swait.ge @p0 [sflag:s31], $0x3000  }
0x59: {  	[sflag:s31] =	ssyncset.done @p0 $0x0  }
0x5a: {  	s24 =	rddreg [dreg:$0x7];
	[sflag:s31] =	ssyncadd.s32 @p0 $0xFFFFD000  }
0x5b: {  	[spmem:s24] =	stream.linear.scatter @p0 [tilespmem:s23], [sflag:$0x6], $0x1400, $0x38;
	[tilespmem:$0x1C880] =	vst v63  }
0x5c: {  	_ =	swait.ge @p0 [sflag:s31], $0x1400  }
0x5d: {  	s23 =	simm.s32 @!p0 $0x14880;
	[sflag:s31] =	ssyncset.done @p0 $0x0  }
0x5e: {  	s24 =	rddreg [dreg:$0x5];
	[sflag:s31] =	ssyncadd.s32 @p0 $0xFFFFEC00;
	s31 =	simm.s32 @!p0 $0x6  }
0x5f: {  	[spmem:s24] =	stream.linear.scatter @!p0 [tilespmem:s23], [sflag:$0x6], $0x3000, $0x38;
	[tilespmem:$0x1C880] =	vst v63  }
0x60: {  	_ =	swait.ge @!p0 [sflag:s31], $0x3000  }
0x61: {  	[sflag:s31] =	ssyncset.done @!p0 $0x0  }
0x62: {  	s24 =	rddreg [dreg:$0x12];
	[sflag:s31] =	ssyncadd.s32 @!p0 $0xFFFFD000  }
0x63: {  	[spmem:s24] =	stream.linear.scatter @!p0 [tilespmem:s23], [sflag:$0x6], $0x3000, $0x38;
	[tilespmem:$0x1C880] =	vst v63  }
0x64: {  	_ =	swait.ge @!p0 [sflag:s31], $0x3000  }
0x65: {  	[sflag:s31] =	ssyncset.done @!p0 $0x0  }
0x66: {  	s24 =	rddreg [dreg:$0x13];
	[sflag:s31] =	ssyncadd.s32 @!p0 $0xFFFFD000  }
0x67: {  	[spmem:s24] =	stream.linear.scatter @!p0 [tilespmem:s23], [sflag:$0x6], $0x3000, $0x38;
	[tilespmem:$0x1C880] =	vst v63  }
0x68: {  	_ =	swait.ge @!p0 [sflag:s31], $0x3000  }
0x69: {  	[sflag:s31] =	ssyncset.done @!p0 $0x0  }
0x6a: {  	s24 =	rddreg [dreg:$0x14];
	[sflag:s31] =	ssyncadd.s32 @!p0 $0xFFFFD000  }
0x6b: {  	[spmem:s24] =	stream.linear.scatter @!p0 [tilespmem:s23], [sflag:$0x6], $0x3000, $0x38;
	[tilespmem:$0x1C880] =	vst v63  }
0x6c: {  	_ =	swait.ge @!p0 [sflag:s31], $0x3000  }
0x6d: {  	[sflag:s31] =	ssyncset.done @!p0 $0x0  }
0x6e: {  	s24 =	rddreg [dreg:$0x15];
	[sflag:s31] =	ssyncadd.s32 @!p0 $0xFFFFD000  }
0x6f: {  	[spmem:s24] =	stream.linear.scatter @!p0 [tilespmem:s23], [sflag:$0x6], $0x3000, $0x38;
	[tilespmem:$0x1C880] =	vst v63  }
0x70: {  	_ =	swait.ge @!p0 [sflag:s31], $0x3000  }
0x71: {  	[sflag:s31] =	ssyncset.done @!p0 $0x0  }
0x72: {  	s24 =	rddreg [dreg:$0x16];
	[sflag:s31] =	ssyncadd.s32 @!p0 $0xFFFFD000  }
0x73: {  	[spmem:s24] =	stream.linear.scatter @!p0 [tilespmem:s23], [sflag:$0x6], $0x3000, $0x38;
	[tilespmem:$0x1C880] =	vst v63  }
0x74: {  	_ =	swait.ge @!p0 [sflag:s31], $0x3000  }
0x75: {  	[sflag:s31] =	ssyncset.done @!p0 $0x0  }
0x76: {  	s24 =	rddreg [dreg:$0x6];
	[sflag:s31] =	ssyncadd.s32 @!p0 $0xFFFFD000  }
0x77: {  	[spmem:s24] =	stream.linear.scatter @!p0 [tilespmem:s23], [sflag:$0x6], $0x1C00, $0x38;
	[tilespmem:$0x1C880] =	vst v63  }
.Ltmp3:
0x78: {  	_ =	swait.ge @!p0 [sflag:s31], $0x1C00;
	(pc) =	sbr.rel @p6 .LBB2_8-.Ltmp3, $3  }
0x79: {  	[sflag:s31] =	ssyncset.done @!p0 $0x0  }
0x7a: {  	[sflag:s31] =	ssyncadd.s32 @!p0 $0xFFFFE400  }
0x7b: {  	[bflag:$0x0] =	sbarrier.arrive $0xFFFF;
	_ =	sdelay $0x1  }
0x7c: {  	s31 =	simm.s32 $0x0;
	s23 =	simm.s32 $0x13880  }
0x7d: {  	[tilespmem:s23], [sflag:$0x6] =	stream.linear.gather [hbm4b:s8+s31], $0x280, $0x38;
	[tilespmem:$0x1C880] =	vst v63  }
0x7e: {  	_ =	swait.ge [sflag:s26], $0x280  }
0x7f: {  	[sflag:s26] =	ssyncset.done $0x0  }
0x80: {  	s24 =	simm.s32 $0x13C80;
	[sflag:s26] =	ssyncadd.s32 $0xFFFFFD80  }
0x81: {  	[tilespmem:s24], [sflag:$0x6] =	stream.linear.gather [hbm4b:s9+s31], $0x280, $0x38;
	[tilespmem:$0x1C880] =	vst v63  }
0x82: {  	_ =	swait.ge [sflag:s26], $0x280  }
0x83: {  	[sflag:s26] =	ssyncset.done $0x0  }
0x84: {  	[sflag:s26] =	ssyncadd.s32 $0xFFFFFD80;
	s26 =	simm.s32 $0x13880  }
0x85: {  	[tilespmem:s13], [sflag:$0x1] =	stream.indirect.gather [hbm4b:s10+s0], $0x80, s23, s0, $0xb8;
	[tilespmem:$0x1C880] =	vst v63  }
.LBB2_5:
0x86: {  	_ =	swait.ge [sflag:s17], $0x3E80  }
0x87: {  	[sflag:s17] =	ssyncset.done $0x0  }
0x88: {  	s23 =	simm.s32 $0x13C80;
	p3 =	seq.s32 s31, $0x0;
	[sflag:s17] =	ssyncadd.s32 $0xFFFFC180  }
0x89: {  	[spmem:s1] =	stream.indirect.scatter.add.f32 [tilespmem:s13], [sflag:$0x3], $0x80, s23, s0, $0xb8;
	[tilespmem:$0x1C880] =	vst v63  }
0x8a: {  	s23 =	simm.s32 @!p3 $0x4  }
0x8b: {  	_ =	swait.ge @!p3 [sflag:s23], $0x3E80  }
0x8c: {  	[sflag:s23] =	ssyncset.done @!p3 $0x0  }
0x8d: {  	s24 =	simm.s32 $0x13900;
	[sflag:s23] =	ssyncadd.s32 @!p3 $0xFFFFC180  }
0x8e: {  	[tilespmem:s15], [sflag:$0x2] =	stream.indirect.gather [hbm4b:s10+s0], $0x80, s24, s0, $0xb8;
	[tilespmem:$0x1C880] =	vst v63  }
0x8f: {  	_ =	swait.ge [sflag:s16], $0x3E80  }
0x90: {  	[sflag:s16] =	ssyncset.done $0x0  }
0x91: {  	s25 =	simm.s32 $0x13D00;
	s24 =	sadd.s32 s31, s8;
	[sflag:s16] =	ssyncadd.s32 $0xFFFFC180  }
0x92: {  	[spmem:s1] =	stream.indirect.scatter.add.f32 [tilespmem:s15], [sflag:$0x4], $0x80, s25, s0, $0xb8;
	[tilespmem:$0x1C880] =	vst v63  }
0x93: {  	s23 =	sadd.s32 $0x80, s24;
	s25 =	sadd.s32 s31, s9  }
0x94: {  	[tilespmem:s7], [sflag:$0x5] =	stream.linear.gather [hbm4b:s23+s3], $0x280, $0x38;
	[tilespmem:$0x1C880] =	vst v63  }
0x95: {  	s23 =	sadd.s32 $0x80, s25  }
0x96: {  	[tilespmem:s18], [sflag:$0x5] =	stream.linear.gather [hbm4b:s23+s3], $0x280, $0x38;
	[tilespmem:$0x1C880] =	vst v63  }
0x97: {  	_ =	swait.ge [sflag:s19], $0x3E80  }
0x98: {  	[sflag:s19] =	ssyncset.done $0x0  }
0x99: {  	s24 =	simm.s32 $0x13980;
	[sflag:s19] =	ssyncadd.s32 $0xFFFFC180  }
0x9a: {  	[tilespmem:s13], [sflag:$0x1] =	stream.indirect.gather [hbm4b:s10+s0], $0x80, s24, s0, $0xb8;
	[tilespmem:$0x1C880] =	vst v63  }
0x9b: {  	_ =	swait.ge [sflag:s17], $0x3E80  }
0x9c: {  	[sflag:s17] =	ssyncset.done $0x0  }
0x9d: {  	s25 =	simm.s32 $0x13D80;
	[sflag:s17] =	ssyncadd.s32 $0xFFFFC180  }
0x9e: {  	[spmem:s1] =	stream.indirect.scatter.add.f32 [tilespmem:s13], [sflag:$0x3], $0x80, s25, s0, $0xb8;
	[tilespmem:$0x1C880] =	vst v63  }
0x9f: {  	_ =	swait.ge [sflag:s22], $0x3E80  }
0xa0: {  	[sflag:s22] =	ssyncset.done $0x0  }
0xa1: {  	s24 =	simm.s32 $0x13A00;
	[sflag:s22] =	ssyncadd.s32 $0xFFFFC180  }
0xa2: {  	[tilespmem:s15], [sflag:$0x2] =	stream.indirect.gather [hbm4b:s10+s0], $0x80, s24, s0, $0xb8;
	[tilespmem:$0x1C880] =	vst v63  }
0xa3: {  	_ =	swait.ge [sflag:s16], $0x3E80  }
0xa4: {  	[sflag:s16] =	ssyncset.done $0x0  }
0xa5: {  	s25 =	simm.s32 $0x13E00;
	[sflag:s16] =	ssyncadd.s32 $0xFFFFC180  }
0xa6: {  	[spmem:s1] =	stream.indirect.scatter.add.f32 [tilespmem:s15], [sflag:$0x4], $0x80, s25, s0, $0xb8;
	[tilespmem:$0x1C880] =	vst v63  }
0xa7: {  	_ =	swait.ge [sflag:s19], $0x3E80  }
0xa8: {  	[sflag:s19] =	ssyncset.done $0x0  }
0xa9: {  	s24 =	simm.s32 $0x13A80;
	[sflag:s19] =	ssyncadd.s32 $0xFFFFC180  }
0xaa: {  	[tilespmem:s13], [sflag:$0x1] =	stream.indirect.gather [hbm4b:s10+s0], $0x80, s24, s0, $0xb8;
	[tilespmem:$0x1C880] =	vst v63  }
0xab: {  	_ =	swait.ge [sflag:s17], $0x3E80  }
0xac: {  	[sflag:s17] =	ssyncset.done $0x0  }
0xad: {  	s25 =	simm.s32 $0x13E80;
	[sflag:s17] =	ssyncadd.s32 $0xFFFFC180  }
0xae: {  	[spmem:s1] =	stream.indirect.scatter.add.f32 [tilespmem:s13], [sflag:$0x3], $0x80, s25, s0, $0xb8;
	[tilespmem:$0x1C880] =	vst v63  }
0xaf: {  	_ =	swait.ge [sflag:s22], $0x3E80  }
0xb0: {  	[sflag:s22] =	ssyncset.done $0x0  }
0xb1: {  	[sflag:s22] =	ssyncadd.s32 $0xFFFFC180  }
0xb2: {  	_ =	swait.ge [sflag:s28], $0x280  }
0xb3: {  	[sflag:s28] =	ssyncset.done $0x0  }
0xb4: {  	[sflag:s28] =	ssyncadd.s32 $0xFFFFFD80  }
0xb5: {  	_ =	swait.ge [sflag:s28], $0x280  }
0xb6: {  	[sflag:s28] =	ssyncset.done $0x0  }
0xb7: {  	[sflag:s28] =	ssyncadd.s32 $0xFFFFFD80  }
0xb8: {  	[tilespmem:s15], [sflag:$0x2] =	stream.indirect.gather [hbm4b:s10+s0], $0x80, s7, s0, $0xb8;
	[tilespmem:$0x1C880] =	vst v63  }
0xb9: {  	_ =	swait.ge [sflag:s16], $0x3E80  }
0xba: {  	[sflag:s16] =	ssyncset.done $0x0  }
0xbb: {  	[sflag:s16] =	ssyncadd.s32 $0xFFFFC180  }
0xbc: {  	[spmem:s1] =	stream.indirect.scatter.add.f32 [tilespmem:s15], [sflag:$0x4], $0x80, s18, s0, $0xb8;
	[tilespmem:$0x1C880] =	vst v63  }
0xbd: {  	_ =	swait.ge [sflag:s19], $0x3E80  }
0xbe: {  	[sflag:s19] =	ssyncset.done $0x0  }
0xbf: {  	[sflag:s19] =	ssyncadd.s32 $0xFFFFC180  }
0xc0: {  	[tilespmem:s13], [sflag:$0x1] =	stream.indirect.gather [hbm4b:s10+s0], $0x80, s14, s0, $0xb8;
	[tilespmem:$0x1C880] =	vst v63  }
0xc1: {  	_ =	swait.ge [sflag:s17], $0x3E80  }
0xc2: {  	p3 =	seq.s32 s31, $0xF00;
	[sflag:s17] =	ssyncset.done $0x0  }
0xc3: {  	s23 =	sadd.s32 @!p3 s31, s8;
	[sflag:s17] =	ssyncadd.s32 $0xFFFFC180  }
0xc4: {  	[spmem:s1] =	stream.indirect.scatter.add.f32 [tilespmem:s13], [sflag:$0x3], $0x80, s5, s0, $0xb8;
	[tilespmem:$0x1C880] =	vst v63  }
0xc5: {  	s23 =	sadd.s32 @!p3 $0x100, s23;
	s24 =	simm.s32 @!p3 $0x0;
	s25 =	simm.s32 @!p3 $0x13880  }
0xc6: {  	[tilespmem:s25], [sflag:$0x5] =	stream.linear.gather @!p3 [hbm4b:s23+s24], $0x280, $0x38;
	[tilespmem:$0x1C880] =	vst v63  }
0xc7: {  	s23 =	sadd.s32 @!p3 s31, s9  }
0xc8: {  	s25 =	simm.s32 @!p3 $0x13C80;
	s23 =	sadd.s32 @!p3 $0x100, s23  }
0xc9: {  	[tilespmem:s25], [sflag:$0x5] =	stream.linear.gather @!p3 [hbm4b:s23+s24], $0x280, $0x38;
	[tilespmem:$0x1C880] =	vst v63  }
0xca: {  	_ =	swait.ge [sflag:s22], $0x3E80  }
0xcb: {  	[sflag:s22] =	ssyncset.done $0x0  }
0xcc: {  	[sflag:s22] =	ssyncadd.s32 $0xFFFFC180  }
0xcd: {  	[tilespmem:s15], [sflag:$0x2] =	stream.indirect.gather [hbm4b:s10+s0], $0x80, s30, s0, $0xb8;
	[tilespmem:$0x1C880] =	vst v63  }
0xce: {  	_ =	swait.ge [sflag:s16], $0x3E80  }
0xcf: {  	[sflag:s16] =	ssyncset.done $0x0  }
0xd0: {  	[sflag:s16] =	ssyncadd.s32 $0xFFFFC180  }
0xd1: {  	[spmem:s1] =	stream.indirect.scatter.add.f32 [tilespmem:s15], [sflag:$0x4], $0x80, s2, s0, $0xb8;
	[tilespmem:$0x1C880] =	vst v63  }
0xd2: {  	_ =	swait.ge [sflag:s19], $0x3E80  }
0xd3: {  	[sflag:s19] =	ssyncset.done $0x0  }
0xd4: {  	[sflag:s19] =	ssyncadd.s32 $0xFFFFC180  }
0xd5: {  	[tilespmem:s13], [sflag:$0x1] =	stream.indirect.gather [hbm4b:s10+s0], $0x80, s6, s0, $0xb8;
	[tilespmem:$0x1C880] =	vst v63  }
0xd6: {  	_ =	swait.ge [sflag:s17], $0x3E80  }
0xd7: {  	[sflag:s17] =	ssyncset.done $0x0  }
0xd8: {  	[sflag:s17] =	ssyncadd.s32 $0xFFFFC180  }
0xd9: {  	[spmem:s1] =	stream.indirect.scatter.add.f32 [tilespmem:s13], [sflag:$0x3], $0x80, s20, s0, $0xb8;
	[tilespmem:$0x1C880] =	vst v63  }
0xda: {  	_ =	swait.ge [sflag:s22], $0x3E80  }
0xdb: {  	[sflag:s22] =	ssyncset.done $0x0  }
0xdc: {  	[sflag:s22] =	ssyncadd.s32 $0xFFFFC180  }
0xdd: {  	[tilespmem:s15], [sflag:$0x2] =	stream.indirect.gather [hbm4b:s10+s0], $0x80, s21, s0, $0xb8;
	[tilespmem:$0x1C880] =	vst v63  }
0xde: {  	_ =	swait.ge [sflag:s16], $0x3E80  }
0xdf: {  	[sflag:s16] =	ssyncset.done $0x0  }
.Ltmp4:
0xe0: {  	[sflag:s16] =	ssyncadd.s32 $0xFFFFC180;
	(pc) =	sbr.rel @p3 .LBB2_7-.Ltmp4, $4  }
0xe1: {  	[spmem:s1] =	stream.indirect.scatter.add.f32 [tilespmem:s15], [sflag:$0x4], $0x80, s29, s0, $0xb8;
	[tilespmem:$0x1C880] =	vst v63  }
0xe2: {  	_ =	swait.ge [sflag:s19], $0x3E80  }
0xe3: {  	[sflag:s19] =	ssyncset.done $0x0  }
0xe4: {  	[sflag:s19] =	ssyncadd.s32 $0xFFFFC180  }
0xe5: {  	_ =	swait.ge [sflag:s28], $0x280  }
0xe6: {  	[sflag:s28] =	ssyncset.done $0x0  }
.Ltmp5:
0xe7: {  	[sflag:s28] =	ssyncadd.s32 $0xFFFFFD80;
	(pc) =	sbr.rel .LBB2_5-.Ltmp5, $4  }
0xe8: {  	_ =	swait.ge [sflag:s28], $0x280  }
0xe9: {  	[sflag:s28] =	ssyncset.done $0x0  }
0xea: {  	s31 =	sadd.s32 $0x100, s31;
	[sflag:s28] =	ssyncadd.s32 $0xFFFFFD80  }
0xeb: {  	[tilespmem:s13], [sflag:$0x1] =	stream.indirect.gather [hbm4b:s10+s0], $0x80, s26, s0, $0xb8;
	[tilespmem:$0x1C880] =	vst v63  }
.LBB2_7:
0xec: {  	_ =	swait.ge [sflag:s22], $0x3E80  }
0xed: {  	[sflag:s22] =	ssyncset.done $0x0  }
0xee: {  	s26 =	simm.s32 $0x6;
	[sflag:s22] =	ssyncadd.s32 $0xFFFFC180  }
.LBB2_8:
.Ltmp6:
0xef: {  	(pc) =	sbr.rel @!p1 .LBB2_13-.Ltmp6, $1  }
0xf0: {  	_ =	sdelay $0x3  }
0xf1: {  	s31 =	simm.s32 $0x0;
	s23 =	simm.s32 $0x13880  }
0xf2: {  	[tilespmem:s23], [sflag:$0x6] =	stream.linear.gather [hbm4b:s11+s31], $0x280, $0x38;
	[tilespmem:$0x1C880] =	vst v63  }
0xf3: {  	_ =	swait.ge [sflag:s26], $0x280  }
0xf4: {  	[sflag:s26] =	ssyncset.done $0x0  }
0xf5: {  	s24 =	simm.s32 $0x13C80;
	[sflag:s26] =	ssyncadd.s32 $0xFFFFFD80  }
0xf6: {  	[tilespmem:s24], [sflag:$0x6] =	stream.linear.gather [hbm4b:s12+s31], $0x280, $0x38;
	[tilespmem:$0x1C880] =	vst v63  }
0xf7: {  	_ =	swait.ge [sflag:s26], $0x280  }
0xf8: {  	[sflag:s26] =	ssyncset.done $0x0  }
0xf9: {  	[sflag:s26] =	ssyncadd.s32 $0xFFFFFD80;
	s26 =	simm.s32 $0x13880  }
0xfa: {  	[tilespmem:s13], [sflag:$0x1] =	stream.indirect.gather [hbm4b:s4+s0], $0x80, s23, s0, $0xb8;
	[tilespmem:$0x1C880] =	vst v63  }
.LBB2_10:
0xfb: {  	_ =	swait.ge [sflag:s17], $0x3E80  }
0xfc: {  	[sflag:s17] =	ssyncset.done $0x0  }
0xfd: {  	s23 =	simm.s32 $0x13C80;
	p3 =	seq.s32 s31, $0x0;
	[sflag:s17] =	ssyncadd.s32 $0xFFFFC180  }
0xfe: {  	[spmem:s1] =	stream.indirect.scatter.add.f32 [tilespmem:s13], [sflag:$0x3], $0x80, s23, s0, $0xb8;
	[tilespmem:$0x1C880] =	vst v63  }
0xff: {  	s23 =	simm.s32 @!p3 $0x4  }
0x100: {  	_ =	swait.ge @!p3 [sflag:s23], $0x3E80  }
0x101: {  	[sflag:s23] =	ssyncset.done @!p3 $0x0  }
0x102: {  	s24 =	simm.s32 $0x13900;
	[sflag:s23] =	ssyncadd.s32 @!p3 $0xFFFFC180  }
0x103: {  	[tilespmem:s15], [sflag:$0x2] =	stream.indirect.gather [hbm4b:s4+s0], $0x80, s24, s0, $0xb8;
	[tilespmem:$0x1C880] =	vst v63  }
0x104: {  	_ =	swait.ge [sflag:s16], $0x3E80  }
0x105: {  	[sflag:s16] =	ssyncset.done $0x0  }
0x106: {  	s25 =	simm.s32 $0x13D00;
	s24 =	sadd.s32 s31, s11;
	[sflag:s16] =	ssyncadd.s32 $0xFFFFC180  }
0x107: {  	[spmem:s1] =	stream.indirect.scatter.add.f32 [tilespmem:s15], [sflag:$0x4], $0x80, s25, s0, $0xb8;
	[tilespmem:$0x1C880] =	vst v63  }
0x108: {  	s23 =	sadd.s32 $0x80, s24;
	s25 =	sadd.s32 s31, s12  }
0x109: {  	[tilespmem:s7], [sflag:$0x5] =	stream.linear.gather [hbm4b:s23+s3], $0x280, $0x38;
	[tilespmem:$0x1C880] =	vst v63  }
0x10a: {  	s23 =	sadd.s32 $0x80, s25  }
0x10b: {  	[tilespmem:s18], [sflag:$0x5] =	stream.linear.gather [hbm4b:s23+s3], $0x280, $0x38;
	[tilespmem:$0x1C880] =	vst v63  }
0x10c: {  	_ =	swait.ge [sflag:s19], $0x3E80  }
0x10d: {  	[sflag:s19] =	ssyncset.done $0x0  }
0x10e: {  	s24 =	simm.s32 $0x13980;
	[sflag:s19] =	ssyncadd.s32 $0xFFFFC180  }
0x10f: {  	[tilespmem:s13], [sflag:$0x1] =	stream.indirect.gather [hbm4b:s4+s0], $0x80, s24, s0, $0xb8;
	[tilespmem:$0x1C880] =	vst v63  }
0x110: {  	_ =	swait.ge [sflag:s17], $0x3E80  }
0x111: {  	[sflag:s17] =	ssyncset.done $0x0  }
0x112: {  	s25 =	simm.s32 $0x13D80;
	[sflag:s17] =	ssyncadd.s32 $0xFFFFC180  }
0x113: {  	[spmem:s1] =	stream.indirect.scatter.add.f32 [tilespmem:s13], [sflag:$0x3], $0x80, s25, s0, $0xb8;
	[tilespmem:$0x1C880] =	vst v63  }
0x114: {  	_ =	swait.ge [sflag:s22], $0x3E80  }
0x115: {  	[sflag:s22] =	ssyncset.done $0x0  }
0x116: {  	s24 =	simm.s32 $0x13A00;
	[sflag:s22] =	ssyncadd.s32 $0xFFFFC180  }
0x117: {  	[tilespmem:s15], [sflag:$0x2] =	stream.indirect.gather [hbm4b:s4+s0], $0x80, s24, s0, $0xb8;
	[tilespmem:$0x1C880] =	vst v63  }
0x118: {  	_ =	swait.ge [sflag:s16], $0x3E80  }
0x119: {  	[sflag:s16] =	ssyncset.done $0x0  }
0x11a: {  	s25 =	simm.s32 $0x13E00;
	[sflag:s16] =	ssyncadd.s32 $0xFFFFC180  }
0x11b: {  	[spmem:s1] =	stream.indirect.scatter.add.f32 [tilespmem:s15], [sflag:$0x4], $0x80, s25, s0, $0xb8;
	[tilespmem:$0x1C880] =	vst v63  }
0x11c: {  	_ =	swait.ge [sflag:s19], $0x3E80  }
0x11d: {  	[sflag:s19] =	ssyncset.done $0x0  }
0x11e: {  	s24 =	simm.s32 $0x13A80;
	[sflag:s19] =	ssyncadd.s32 $0xFFFFC180  }
0x11f: {  	[tilespmem:s13], [sflag:$0x1] =	stream.indirect.gather [hbm4b:s4+s0], $0x80, s24, s0, $0xb8;
	[tilespmem:$0x1C880] =	vst v63  }
0x120: {  	_ =	swait.ge [sflag:s17], $0x3E80  }
0x121: {  	[sflag:s17] =	ssyncset.done $0x0  }
0x122: {  	s25 =	simm.s32 $0x13E80;
	[sflag:s17] =	ssyncadd.s32 $0xFFFFC180  }
0x123: {  	[spmem:s1] =	stream.indirect.scatter.add.f32 [tilespmem:s13], [sflag:$0x3], $0x80, s25, s0, $0xb8;
	[tilespmem:$0x1C880] =	vst v63  }
0x124: {  	_ =	swait.ge [sflag:s22], $0x3E80  }
0x125: {  	[sflag:s22] =	ssyncset.done $0x0  }
0x126: {  	[sflag:s22] =	ssyncadd.s32 $0xFFFFC180  }
0x127: {  	_ =	swait.ge [sflag:s28], $0x280  }
0x128: {  	[sflag:s28] =	ssyncset.done $0x0  }
0x129: {  	[sflag:s28] =	ssyncadd.s32 $0xFFFFFD80  }
0x12a: {  	_ =	swait.ge [sflag:s28], $0x280  }
0x12b: {  	[sflag:s28] =	ssyncset.done $0x0  }
0x12c: {  	[sflag:s28] =	ssyncadd.s32 $0xFFFFFD80  }
0x12d: {  	[tilespmem:s15], [sflag:$0x2] =	stream.indirect.gather [hbm4b:s4+s0], $0x80, s7, s0, $0xb8;
	[tilespmem:$0x1C880] =	vst v63  }
0x12e: {  	_ =	swait.ge [sflag:s16], $0x3E80  }
0x12f: {  	[sflag:s16] =	ssyncset.done $0x0  }
0x130: {  	[sflag:s16] =	ssyncadd.s32 $0xFFFFC180  }
0x131: {  	[spmem:s1] =	stream.indirect.scatter.add.f32 [tilespmem:s15], [sflag:$0x4], $0x80, s18, s0, $0xb8;
	[tilespmem:$0x1C880] =	vst v63  }
0x132: {  	_ =	swait.ge [sflag:s19], $0x3E80  }
0x133: {  	[sflag:s19] =	ssyncset.done $0x0  }
0x134: {  	[sflag:s19] =	ssyncadd.s32 $0xFFFFC180  }
0x135: {  	[tilespmem:s13], [sflag:$0x1] =	stream.indirect.gather [hbm4b:s4+s0], $0x80, s14, s0, $0xb8;
	[tilespmem:$0x1C880] =	vst v63  }
0x136: {  	_ =	swait.ge [sflag:s17], $0x3E80  }
0x137: {  	p3 =	seq.s32 s31, $0xF00;
	[sflag:s17] =	ssyncset.done $0x0  }
0x138: {  	s23 =	sadd.s32 @!p3 s31, s11;
	[sflag:s17] =	ssyncadd.s32 $0xFFFFC180  }
0x139: {  	[spmem:s1] =	stream.indirect.scatter.add.f32 [tilespmem:s13], [sflag:$0x3], $0x80, s5, s0, $0xb8;
	[tilespmem:$0x1C880] =	vst v63  }
0x13a: {  	s23 =	sadd.s32 @!p3 $0x100, s23;
	s24 =	simm.s32 @!p3 $0x0;
	s25 =	simm.s32 @!p3 $0x13880  }
0x13b: {  	[tilespmem:s25], [sflag:$0x5] =	stream.linear.gather @!p3 [hbm4b:s23+s24], $0x280, $0x38;
	[tilespmem:$0x1C880] =	vst v63  }
0x13c: {  	s23 =	sadd.s32 @!p3 s31, s12  }
0x13d: {  	s25 =	simm.s32 @!p3 $0x13C80;
	s23 =	sadd.s32 @!p3 $0x100, s23  }
0x13e: {  	[tilespmem:s25], [sflag:$0x5] =	stream.linear.gather @!p3 [hbm4b:s23+s24], $0x280, $0x38;
	[tilespmem:$0x1C880] =	vst v63  }
0x13f: {  	_ =	swait.ge [sflag:s22], $0x3E80  }
0x140: {  	[sflag:s22] =	ssyncset.done $0x0  }
0x141: {  	[sflag:s22] =	ssyncadd.s32 $0xFFFFC180  }
0x142: {  	[tilespmem:s15], [sflag:$0x2] =	stream.indirect.gather [hbm4b:s4+s0], $0x80, s30, s0, $0xb8;
	[tilespmem:$0x1C880] =	vst v63  }
0x143: {  	_ =	swait.ge [sflag:s16], $0x3E80  }
0x144: {  	[sflag:s16] =	ssyncset.done $0x0  }
0x145: {  	[sflag:s16] =	ssyncadd.s32 $0xFFFFC180  }
0x146: {  	[spmem:s1] =	stream.indirect.scatter.add.f32 [tilespmem:s15], [sflag:$0x4], $0x80, s2, s0, $0xb8;
	[tilespmem:$0x1C880] =	vst v63  }
0x147: {  	_ =	swait.ge [sflag:s19], $0x3E80  }
0x148: {  	[sflag:s19] =	ssyncset.done $0x0  }
0x149: {  	[sflag:s19] =	ssyncadd.s32 $0xFFFFC180  }
0x14a: {  	[tilespmem:s13], [sflag:$0x1] =	stream.indirect.gather [hbm4b:s4+s0], $0x80, s6, s0, $0xb8;
	[tilespmem:$0x1C880] =	vst v63  }
0x14b: {  	_ =	swait.ge [sflag:s17], $0x3E80  }
0x14c: {  	[sflag:s17] =	ssyncset.done $0x0  }
0x14d: {  	[sflag:s17] =	ssyncadd.s32 $0xFFFFC180  }
0x14e: {  	[spmem:s1] =	stream.indirect.scatter.add.f32 [tilespmem:s13], [sflag:$0x3], $0x80, s20, s0, $0xb8;
	[tilespmem:$0x1C880] =	vst v63  }
0x14f: {  	_ =	swait.ge [sflag:s22], $0x3E80  }
0x150: {  	[sflag:s22] =	ssyncset.done $0x0  }
0x151: {  	[sflag:s22] =	ssyncadd.s32 $0xFFFFC180  }
0x152: {  	[tilespmem:s15], [sflag:$0x2] =	stream.indirect.gather [hbm4b:s4+s0], $0x80, s21, s0, $0xb8;
	[tilespmem:$0x1C880] =	vst v63  }
0x153: {  	_ =	swait.ge [sflag:s16], $0x3E80  }
0x154: {  	[sflag:s16] =	ssyncset.done $0x0  }
.Ltmp7:
0x155: {  	[sflag:s16] =	ssyncadd.s32 $0xFFFFC180;
	(pc) =	sbr.rel @p3 .LBB2_12-.Ltmp7, $4  }
0x156: {  	[spmem:s1] =	stream.indirect.scatter.add.f32 [tilespmem:s15], [sflag:$0x4], $0x80, s29, s0, $0xb8;
	[tilespmem:$0x1C880] =	vst v63  }
0x157: {  	_ =	swait.ge [sflag:s19], $0x3E80  }
0x158: {  	[sflag:s19] =	ssyncset.done $0x0  }
0x159: {  	[sflag:s19] =	ssyncadd.s32 $0xFFFFC180  }
0x15a: {  	_ =	swait.ge [sflag:s28], $0x280  }
0x15b: {  	[sflag:s28] =	ssyncset.done $0x0  }
.Ltmp8:
0x15c: {  	[sflag:s28] =	ssyncadd.s32 $0xFFFFFD80;
	(pc) =	sbr.rel .LBB2_10-.Ltmp8, $4  }
0x15d: {  	_ =	swait.ge [sflag:s28], $0x280  }
0x15e: {  	[sflag:s28] =	ssyncset.done $0x0  }
0x15f: {  	s31 =	sadd.s32 $0x100, s31;
	[sflag:s28] =	ssyncadd.s32 $0xFFFFFD80  }
0x160: {  	[tilespmem:s13], [sflag:$0x1] =	stream.indirect.gather [hbm4b:s4+s0], $0x80, s26, s0, $0xb8;
	[tilespmem:$0x1C880] =	vst v63  }
.LBB2_12:
0x161: {  	_ =	swait.ge [sflag:s22], $0x3E80  }
0x162: {  	[sflag:s22] =	ssyncset.done $0x0  }
0x163: {  	s26 =	simm.s32 $0x6;
	[sflag:s22] =	ssyncadd.s32 $0xFFFFC180  }
.LBB2_13:
.Ltmp9:
0x164: {  	(pc) =	sbr.rel @!p2 .LBB2_17-.Ltmp9, $2  }
0x165: {  	_ =	sdelay $0x1  }
0x166: {  	[bflag:$0x0] =	sbarrier.arrive $0xFFFF;
	_ =	sdelay $0x1  }
0x167: {  	s23 =	stileid.u32;
	s24 =	rddreg [dreg:$0x5]  }
0x168: {  	s25 =	rddreg [dreg:$0xa];
	s23 =	sshll.u32 s23, $0x6  }
.Ltmp10:
0x169: {  	s24 =	sshrl.u32 s24, $0x3;
	s23 =	sor.u32 $0x1C06, s23;
	(pc) =	sbr.rel .LBB2_15-.Ltmp10, $4  }
0x16a: {  	[hbm:s25], [sflag:s23] =	dma.local [spmem:s24], $0x2780  }
0x16b: {  	_ =	swait.ge [sflag:s26], $0x2780  }
0x16c: {  	[sflag:s26] =	ssyncset.done $0x0  }
0x16d: {  	[sflag:s26] =	ssyncadd.s32 $0xFFFFD880  }
.LBB2_17:
0x16e: {  	s23 =	sld [smem:$0x7FD];
	_ =	sdelay $0x2  }
0x16f: {  	p3 =	seq.s32 s23, $0x1  }
.Ltmp11:
0x170: {  	_ = 	snop;
	(pc) =	sbr.rel @p3 .LBB2_18-.Ltmp11, $1  }
0x171: {  	_ =	sdelay $0x3  }
.LBB2_15:
.Ltmp12:
0x172: {  	(pc) =	sbr.rel @!p4 .LBB2_19-.Ltmp12, $1  }
0x173: {  	_ =	sdelay $0x3  }
0x174: {  	s23 =	stileid.u32;
	s24 =	rddreg [dreg:$0x5]  }
0x175: {  	s25 =	rddreg [dreg:$0xc];
	s23 =	sshll.u32 s23, $0x6  }
.Ltmp13:
0x176: {  	s24 =	sshrl.u32 s24, $0x3;
	s23 =	sor.u32 $0x1C06, s23;
	(pc) =	sbr.rel .LBB2_20-.Ltmp13, $4  }
0x177: {  	[hbm:s25], [sflag:s23] =	dma.local [spmem:s24], $0x2780  }
0x178: {  	_ =	swait.ge [sflag:s26], $0x2780  }
0x179: {  	[sflag:s26] =	ssyncset.done $0x0  }
0x17a: {  	s24 =	rddreg [dreg:$0x17];
	[sflag:s26] =	ssyncadd.s32 $0xFFFFD880  }
.LBB2_21:
0x17b: {  	_ =	sfence.sel $0x180000  }
0x17c: {  	[bflag:$0x0] =	sbarrier.arrive $0xFFFF  }
0x17d: {  	_ =	strace $0x9000004A  }
0x17e: {  	s0 =	stileid.u32;
	[bflag:$0x2] =	sbarrier.arrive $0xFFFF  }
0x17f: {  	p0 =	sne.s32 s0, $0x0;
	s0 =	rddreg [dreg:$0x4]  }
0x180: {  	s0 =	sadd.s32 @!p0 $0x100000, s0  }
0x181: {  	[sflag:s0] =	ssyncadd.tile.s32 @!p0 $0x1;
	_ =	shalt  }
.Lfunc_end2:
_tile_overlayer_lowered:
.L_overlay_start_2:
0x182: {  	(tag) =	ssettag $0x2  }
0x183: {  	s0 =	rddreg [dreg:$0x0];
	s2 =	stileid.u32  }
0x184: {  	s1 =	rddreg [dreg:$0x1];
	p0 =	sne.s32 s2, $0x0  }
0x185: {  	s3 =	rddreg [dreg:$0x2];
	[bflag:$0x3] =	sbarrier.arrive $0xFFFF;
	s2 =	simm.s32 @!p0 $0x1C06  }
0x186: {  	[timem:s3], [sflag:s2] =	dma.local @!p0 [hbm:s0], s1  }
0x187: {  	s0 =	simm.s32 @!p0 $0x6  }
0x188: {  	_ =	swait.ge @!p0 [sflag:s0], s1  }
0x189: {  	s1 =	ssub.s32 @!p0 $0x0, s1;
	[sflag:s0] =	ssyncset.done @!p0 $0x0  }
0x18a: {  	[sflag:s0] =	ssyncadd.s32 @!p0 s1  }
0x18b: {  	[bflag:$0x3] =	sbarrier.arrive $0xFFFF  }
0x18c: {  	_ =	shalt  }

// kernel: sage_agg_1.3.cloned.1.call-start
scs
__scs_entry_jumppad:
0x0: {  	(pc) =	sbr.rel $0x88, $3  }
0x1: {  	(tag) =	ssettag $0x0;
	lr =	simm.s32 $0x1  }
0x2: {  	[smem:$0x3F91] =	sst lr;
	_ =	strace $0xD0000000  }
0x3: {  	_ = 	snop  }
0x4: {  	_ = 	snop  }
0x5: {  	_ = 	snop  }
0x6: {  	_ = 	snop  }
0x7: {  	_ = 	snop  }
__scs_overlays_trampoline_lowered:
0x8: {  	[smem:$0x3FA0] =	sst s0  }
0x9: {  	[smem:$0x3FA1] =	sst s1  }
0xa: {  	[smem:$0x3FA2] =	sst s2  }
0xb: {  	[smem:$0x3FA3] =	sst s3  }
0xc: {  	[smem:$0x3FA4] =	sst s4  }
0xd: {  	[smem:$0x3FA5] =	sst s5  }
0xe: {  	[smem:$0x3FA6] =	sst s6  }
0xf: {  	[smem:$0x3FA7] =	sst s7  }
0x10: {  	[smem:$0x3FA8] =	sst s8  }
0x11: {  	[smem:$0x3FA9] =	sst s9;
	s0 =	simm.s32 @!p0 $0x0  }
0x12: {  	s1 =	sld [smem:$0x3F8F];
	s0 =	simm.s32 @p0 $0x1  }
0x13: {  	[smem:$0x3FAA] =	sst s0;
	s0 =	simm.s32 @!p1 $0x0  }
0x14: {  	s2 =	sld [smem:$0x3F8E];
	s0 =	simm.s32 @p1 $0x1  }
0x15: {  	[smem:$0x3FAB] =	sst s0;
	s0 =	simm.s32 @!p2 $0x0  }
0x16: {  	s3 =	sld [smem:$0x3FDB];
	s0 =	simm.s32 @p2 $0x1  }
0x17: {  	s4 =	simm.s32 $0x1BF5;
	[smem:$0x3FAD] =	sst s0  }
0x18: {  	s0 =	sld [smem:$0x3F90];
	_ =	swait.ge [sflag:s4], $0x0  }
0x19: {  	s7 =	sld [smem:$0x3F91]  }
0x1a: {  	s8 =	sadd.s32 $0xFFFFE003, lr  }
0x1b: {  	s9 =	sadd.s32 $0xFFFFFEF7, lr;
	s5 =	simm.s32 $0xFFFFFFFF;
	p2 =	slt.u32 s8, $0xFFFFF086  }
0x1c: {  	p1 =	slt.u32 s9, $0xF7A;
	s5 =	simm.s32 @!p2 $0x0  }
0x1d: {  	s5 =	simm.s32 @p1 $0x1;
	p0 =	seq.s32 s7, s2  }
0x1e: {  	s7 =	smul.u32 @!p0 $0xF7A, s2;
	p2 =	seq.s32 @!p0 s5, $0x0  }
0x1f: {  	s9 =	smul.u32 $0xF7A, s1;
	s8 =	simm.s32 @!p0 $0x1BF5;
	p2 =	por !p2, p0  }
0x20: {  	[sflag:s8] =	ssyncset.s32 @!p0 $0xFFFFF086;
	s6 =	sadd.s32 @!p0 s3, s7;
	s7 =	simm.s32 @!p0 $0x108  }
0x21: {  	s3 =	sadd.s32 s3, s9;
	s6 =	sadd.s32 @!p0 $0x88, s6;
	s7 =	simm.s32 @p2 $0x1082  }
0x22: {  	[simem:s7], [sflag:s8] =	dma.local @!p0 [hbm:s6], $0xF7A  }
0x23: {  	s9 =	sor.u32 $0xD0000000, s2;
	s6 =	simm.s32 $0x108;
	_ =	swait.ge @!p0 [sflag:s8], $0x0  }
0x24: {  	s3 =	sadd.s32 $0x88, s3;
	s6 =	simm.s32 @!p1 $0x1082;
	[sflag:s4] =	ssyncset.s32 $0xFFFFF086  }
0x25: {  	[simem:s6], [sflag:s4] =	dma.local [hbm:s3], $0xF7A  }
0x26: {  	[smem:$0x3F91] =	sst s1;
	(tag) =	ssettag s2;
	_ =	strace s9  }
0x27: {  	s1 =	sld [smem:$0x3FA1]  }
0x28: {  	s2 =	sld [smem:$0x3FA2]  }
0x29: {  	s4 =	sld [smem:$0x3FA4]  }
0x2a: {  	p0 =	seq.s32 s5, $0x0;
	s5 =	sld [smem:$0x3FA5]  }
0x2b: {  	s6 =	sld [smem:$0x3FA6]  }
0x2c: {  	s7 =	sld [smem:$0x3FA7]  }
0x2d: {  	s3 =	simm.s32 $0x108;
	s8 =	sld [smem:$0x3FA8]  }
0x2e: {  	s3 =	simm.s32 @!p0 $0x1082;
	s9 =	sld [smem:$0x3FA9]  }
0x2f: {  	lr =	sadd.s32 s0, s3;
	s0 =	sld [smem:$0x3FA0]  }
0x30: {  	s3 =	sld [smem:$0x3FA3]  }
0x31: {  	[smem:$0x3FAC] =	sst s10  }
0x32: {  	s10 =	sld [smem:$0x3FAA];
	_ =	sdelay $0x3  }
0x33: {  	p0 =	seq.s32 s10, $0x1;
	s10 =	sld [smem:$0x3FAC];
	_ =	sdelay $0x3  }
0x34: {  	[smem:$0x3FAC] =	sst s10  }
0x35: {  	s10 =	sld [smem:$0x3FAB];
	_ =	sdelay $0x3  }
0x36: {  	p1 =	seq.s32 s10, $0x1;
	s10 =	sld [smem:$0x3FAC];
	_ =	sdelay $0x3  }
0x37: {  	[smem:$0x3FAC] =	sst s10  }
0x38: {  	s10 =	sld [smem:$0x3FAD]  }
0x39: {  	_ = 	snop;
	(pc) =	sbr.ind lr, $3  }
0x3a: {  	_ = 	snop  }
0x3b: {  	_ = 	snop  }
0x3c: {  	p2 =	seq.s32 s10, $0x1;
	s10 =	sld [smem:$0x3FAC]  }
0x3d: {  	_ =	shalt  }
0x3e: {  	_ =	shalt  }
0x3f: {  	_ =	shalt  }
0x40: {  	_ =	shalt  }
0x41: {  	_ =	shalt  }
0x42: {  	_ =	shalt  }
0x43: {  	_ =	shalt  }
0x44: {  	_ =	shalt  }
0x45: {  	_ =	shalt  }
0x46: {  	_ =	shalt  }
0x47: {  	_ =	shalt  }
0x48: {  	_ =	shalt  }
0x49: {  	_ =	shalt  }
0x4a: {  	_ =	shalt  }
0x4b: {  	_ =	shalt  }
0x4c: {  	_ =	shalt  }
0x4d: {  	_ =	shalt  }
0x4e: {  	_ =	shalt  }
0x4f: {  	_ =	shalt  }
0x50: {  	_ =	shalt  }
0x51: {  	_ =	shalt  }
0x52: {  	_ =	shalt  }
0x53: {  	_ =	shalt  }
0x54: {  	_ =	shalt  }
0x55: {  	_ =	shalt  }
0x56: {  	_ =	shalt  }
0x57: {  	_ =	shalt  }
0x58: {  	_ =	shalt  }
0x59: {  	_ =	shalt  }
0x5a: {  	_ =	shalt  }
0x5b: {  	_ =	shalt  }
0x5c: {  	_ =	shalt  }
0x5d: {  	_ =	shalt  }
0x5e: {  	_ =	shalt  }
0x5f: {  	_ =	shalt  }
0x60: {  	_ =	shalt  }
0x61: {  	_ =	shalt  }
0x62: {  	_ =	shalt  }
0x63: {  	_ =	shalt  }
0x64: {  	_ =	shalt  }
0x65: {  	_ =	shalt  }
0x66: {  	_ =	shalt  }
0x67: {  	_ =	shalt  }
0x68: {  	_ =	shalt  }
0x69: {  	_ =	shalt  }
0x6a: {  	_ =	shalt  }
0x6b: {  	_ =	shalt  }
0x6c: {  	_ =	shalt  }
0x6d: {  	_ =	shalt  }
0x6e: {  	_ =	shalt  }
0x6f: {  	_ =	shalt  }
0x70: {  	_ =	shalt  }
0x71: {  	_ =	shalt  }
0x72: {  	_ =	shalt  }
0x73: {  	_ =	shalt  }
0x74: {  	_ =	shalt  }
0x75: {  	_ =	shalt  }
0x76: {  	_ =	shalt  }
0x77: {  	_ =	shalt  }
0x78: {  	_ =	shalt  }
0x79: {  	_ =	shalt  }
0x7a: {  	_ =	shalt  }
0x7b: {  	_ =	shalt  }
0x7c: {  	_ =	shalt  }
0x7d: {  	_ =	shalt  }
0x7e: {  	_ =	shalt  }
0x7f: {  	_ =	shalt  }
0x80: {  	_ =	shalt  }
0x81: {  	_ =	shalt  }
0x82: {  	_ =	shalt  }
0x83: {  	_ =	shalt  }
0x84: {  	_ =	shalt  }
0x85: {  	_ =	shalt  }
0x86: {  	_ =	shalt  }
0x87: {  	_ =	shalt  }
.Lfunc_end0:
.L_simem_size_0:
called_computation_lowered:
.L_overlay_start_0:
0x88: {  	s2 =	sld [smem:$0x3FD9]  }
0x89: {  	s3 =	sld [smem:$0x3FFE];
	_ =	sdelay $0x1  }
0x8a: {  	s1 =	srdreg.scid  }
0x8b: {  	s0 =	sand.u32 $0x1, s1  }
0x8c: {  	s14 =	sshll.u32 s0, $0xA;
	s2 =	sadd.s32 s3, s2  }
0x8d: {  	s2 =	sadd.s32 s2, s14  }
0x8e: {  	[smem:$0x3FB8] =	sst s2  }
0x8f: {  	_ = 	snop  }
0x90: {  	s2 =	sld [smem:$0x3FD0];
	_ =	sdelay $0x1  }
0x91: {  	s15 =	sld [smem:$0x3FC9]  }
0x92: {  	s5 =	simm.s32 $0xA;
	s6 =	simm.s32 $0x10;
	s4 =	sld [smem:$0x3FC8]  }
0x93: {  	[smem:s6], [sflag:s5] =	dma.local [hbm:s2], $0x1  }
0x94: {  	_ =	swait.eq [sflag:s5], $0x1  }
0x95: {  	[sflag:s5] =	ssyncset.done $0x0  }
0x96: {  	s16 =	sld [smem:$0x10];
	[sflag:s5] =	ssyncadd.s32 $0xFFFFFFFF  }
0x97: {  	s17 =	sld [smem:$0x11];
	(tm) =	ssettm $0x1  }
0x98: {  	s18 =	sld [smem:$0x3FFB];
	_ =	sdelay $0x3  }
0x99: {  	_ =	strace s18  }
0x9a: {  	s6 =	sld [smem:$0x3FFC];
	_ =	sdelay $0x3  }
0x9b: {  	_ =	strace s6  }
0x9c: {  	s6 =	sld [smem:$0x3FFD];
	_ =	sdelay $0x3  }
0x9d: {  	_ =	strace s6  }
0x9e: {  	_ =	strace $0x8FFFFFFF  }
0x9f: {  	s19 =	sld [smem:$0x3FDB];
	_ =	sdelay $0x1  }
0xa0: {  	s7 =	simm.s32 $_scs_section_size  }
0xa1: {  	s8 =	simm.s32 $_size__tile_overlayer_lowered;
	s9 =	simm.s32 $_tile_overlayer_lowered  }
0xa2: {  	s22 =	simm.s32 $0x1BFF;
	s21 =	sshll.u32 s9, $0x1;
	s6 =	sadd.s32 s7, s19  }
0xa3: {  	s10 =	simm.s32 $0x0;
	s20 =	sshll.u32 s8, $0x1;
	s8 =	sadd.s32 s21, s6  }
0xa4: {  	[timem:s10], [sflag:s22] =	dma.local [hbm:s8], s20  }
0xa5: {  	_ =	swait.ge [sflag:s22], s20  }
0xa6: {  	s7 =	ssub.s32 $0x0, s20;
	[sflag:s22] =	ssyncset.done $0x0  }
0xa7: {  	[sflag:s22] =	ssyncadd.s32 s7;
	_ =	sdelay $0x1  }
0xa8: {  	s23 =	simm.s32 $0x1B8B  }
0xa9: {  	_ =	swait.ge [sflag:s23], $0x1  }
0xaa: {  	[sflag:s23] =	ssyncset.done $0x0  }
0xab: {  	s25 =	simm.s32 $0x1B8E;
	s24 =	sld [smem:$0x3FFE];
	[sflag:s23] =	ssyncadd.s32 $0xFFFFFFFF  }
0xac: {  	s26 =	simm.s32 $execute0_lowered;
	[smem:$0x3FD2] =	sst s25  }
0xad: {  	s8 =	sshll.u32 s26, $0x1;
	_ =	strace $0x80000046;
	[dreg:$0x1] =	wrdreg $0xFFFFFFFF  }
0xae: {  	s28 =	simm.s32 $_size_execute0_lowered;
	s6 =	sadd.s32 s6, s8;
	[dreg:$0x0] =	wrdreg $0x0  }
0xaf: {  	s8 =	sshll.u32 s28, $0x1;
	[dreg:$0x2] =	wrdreg s6  }
0xb0: {  	[dreg:$0x3] =	wrdreg s8  }
0xb1: {  	[dreg:$0x4] =	wrdreg $0xC0  }
0xb2: {  	_ =	task [dreg:s10], $0x5FFFF  }
0xb3: {  	[dreg:$0x1] =	wrdreg $0xFFFFFFFF  }
0xb4: {  	[dreg:$0x0] =	wrdreg $0x60  }
0xb5: {  	[dreg:$0x2] =	wrdreg s15  }
0xb6: {  	[dreg:$0x3] =	wrdreg s4  }
0xb7: {  	[dreg:$0x4] =	wrdreg s16  }
0xb8: {  	[dreg:$0x5] =	wrdreg s17  }
0xb9: {  	[dreg:$0x6] =	wrdreg s24  }
0xba: {  	[dreg:$0x7] =	wrdreg $0x0  }
0xbb: {  	[dreg:$0x8] =	wrdreg $0x1C8800  }
0xbc: {  	[dreg:$0x9] =	wrdreg $0x9  }
0xbd: {  	_ =	task.clear_ibuf [dreg:s10], $0xAFFFF;
	_ =	strace $0x90000046  }
0xbe: {  	s29 =	simm.s32 $0x9;
	_ =	strace $0x80000048  }
0xbf: {  	_ =	swait.ge [sflag:s29], $0x1  }
0xc0: {  	[sflag:s29] =	ssyncadd.s32 $0xFFFFFFFF  }
0xc1: {  	_ =	strace $0x90000048  }
0xc2: {  	_ =	sfence  }
0xc3: {  	s30 =	sld [smem:$0x0];
	_ =	sdelay $0x2  }
0xc4: {  	s31 =	sshll.u32 s1, $0xD;
	s1 =	sshrl.u32 s1, $0x2  }
0xc5: {  	s3 =	sand.u32 $0x4000, s31;
	s1 =	sadd.s32 s1, s30  }
0xc6: {  	s0 =	sor.u32 s3, s0;
	s1 =	sshll.u32 s1, $0x11  }
0xc7: {  	s0 =	sor.u32 s1, s0  }
0xc8: {  	s0 =	sadd.s32 $0x8F2B, s0  }
0xc9: {  	[sflag:s0] =	ssyncadd.remote.s32 $0x1  }
0xca: {  	_ =	sfence.sel $0xFFFF  }
0xcb: {  	[dreg:$0x0] =	wrdreg $0xFFFFFFFF;
	(pc) =	sbr.abs _section_cstart, $3  }
0xcc: {  	[dreg:$0x1] =	wrdreg $0xFFFFFFFF  }
0xcd: {  	_ =	task.clear_ibuf [dreg:s10], $0x2FFFF;
	_ =	strace $0x9FFFFFFF  }
0xce: {  	(tm) =	ssettm $0x7FFFFFFF  }
0xcf: {  	_ =	shalt  }
tec
execute0_lowered:
.L_overlay_start_1:
0x0: {  	(tag) =	ssettag $0x1  }
0x1: {  	s0 =	rddreg [dreg:$0x0]  }
0x2: {  	s2 =	rddreg [dreg:$0x1]  }
0x3: {  	s1 =	rddreg [dreg:$0x2]  }
0x4: {  	s4 =	rddreg [dreg:$0x3]  }
0x5: {  	s6 =	rddreg [dreg:$0x4]  }
0x6: {  	s3 =	rddreg [dreg:$0x5]  }
0x7: {  	s5 =	rddreg [dreg:$0x6]  }
0x8: {  	s7 =	simm.s32 $0x0;
	s13 =	simm.s32 $0x0;
	s17 =	stileid.u32  }
0x9: {  	s9 =	srdreg.scid;
	s28 =	simm.s32 $0x14480;
	s29 =	simm.s32 $0x3  }
0xa: {  	s30 =	simm.s32 $0x5;
	s31 =	simm.s32 $0x14680;
	[smem:$0x7FF] =	sst s7  }
0xb: {  	s23 =	sshll.u32 s17, $0xC;
	s8 =	smul.u32 $0x278, s17;
	s9 =	sand.u32 $0x1, s9  }
0xc: {  	s18 =	smul.u32 $0x4F000, s17;
	s14 =	sadd.s32 $0x23C00, s6;
	p3 =	sne.s32 s17, $0xF  }
0xd: {  	p0 =	seq.s32 s17, $0xF;
	s26 =	sadd.s32 $0x137400, s3;
	s20 =	smul.u32 $0x2780, s17  }
0xe: {  	s21 =	sadd.s32 $0x48C80, s6;
	s22 =	smul.u32 $0x13C00, s17;
	s7 =	sadd.s32 $0x6FD80, s6  }
0xf: {  	s17 =	sadd.s32 $0x131400, s3;
	_ =	strace $0x80000047;
	[dreg:$0xa] =	wrdreg s26  }
0x10: {  	s10 =	sadd.s32 s23, s6;
	s12 =	ssub.s32 $0x2, s9;
	[dreg:$0xf] =	wrdreg s21  }
0x11: {  	p2 =	seq.s32 s9, $0x0;
	s1 =	sadd.s32 s1, s23;
	[dreg:$0x14] =	wrdreg s7  }
0x12: {  	p1 =	seq.s32 s9, $0x1;
	s26 =	sadd.s32 $0x128400, s3;
	[dreg:$0x1b] =	wrdreg s17  }
0x13: {  	s17 =	simm.s32 $0x13C80;
	s7 =	simm.s32 $0x13E00;
	s11 =	sshrl.u32 s8, $0x3  }
0x14: {  	s24 =	sshrl.u32 s12, $0x1;
	s25 =	sshrl.u32 s18, $0x2;
	[dreg:$0xb] =	wrdreg s1  }
0x15: {  	s18 =	sadd.s32 s4, s23;
	s19 =	sadd.s32 $0x13000, s10;
	[dreg:$0x10] =	wrdreg s26  }
0x16: {  	p4 =	por !p2, !p3;
	p5 =	por !p2, !p0;
	[dreg:$0xc] =	wrdreg s18  }
0x17: {  	s23 =	sadd.s32 $0x234A1, s6;
	s16 =	ssub.s32 s12, s24;
	[dreg:$0xe] =	wrdreg s19  }
0x18: {  	s12 =	sadd.s32 s8, s5;
	[dreg:$0x11] =	wrdreg s23;
	s8 =	sadd.s32 $0x23AA1, s6  }
0x19: {  	p3 =	por !p3, !p1;
	s19 =	sadd.s32 $0x134400, s3;
	[dreg:$0x15] =	wrdreg s8  }
0x1a: {  	s15 =	sadd.s32 s11, s6;
	s11 =	sadd.s32 s25, s3;
	[dreg:$0x1d] =	wrdreg s19  }
0x1b: {  	p6 =	por !p0, !p1;
	s4 =	sshrl.u32 s22, $0x3;
	[dreg:$0x8] =	wrdreg s11  }
0x1c: {  	s25 =	sadd.s32 $0x3000, s10;
	p2 =	por !p4, !p4;
	[dreg:$0x9] =	wrdreg s12  }
0x1d: {  	p4 =	por !p5, !p5;
	s24 =	sadd.s32 $0x23000, s15;
	[dreg:$0xd] =	wrdreg s25  }
0x1e: {  	p5 =	por !p6, !p6;
	s10 =	sadd.s32 $0x23600, s15;
	[dreg:$0x13] =	wrdreg s24  }
0x1f: {  	p6 =	sne.s32 s9, $0x0;
	s15 =	sadd.s32 $0x12B400, s3;
	[dreg:$0x17] =	wrdreg s10  }
0x20: {  	s9 =	simm.s32 $0x7;
	s18 =	sadd.s32 $0x12000, s11;
	[dreg:$0x19] =	wrdreg s15  }
0x21: {  	s1 =	simm.s32 @!p4 $0x0;
	s21 =	sadd.s32 $0x6000, s11;
	[dreg:$0x1c] =	wrdreg s18  }
0x22: {  	s22 =	sadd.s32 $0x9000, s11;
	s23 =	sadd.s32 $0xC000, s11;
	[dreg:$0x1f] =	wrdreg s21  }
0x23: {  	s19 =	simm.s32 $0x1;
	s8 =	simm.s32 $0x14580;
	[smem:$0x7FB] =	sst s22  }
0x24: {  	s1 =	simm.s32 @p4 $0x1;
	p4 =	por !p3, !p3;
	[smem:$0x7FC] =	sst s23  }
0x25: {  	s24 =	sadd.s32 $0xF000, s11;
	s18 =	simm.s32 $0x7D;
	s23 =	simm.s32 $0x18880  }
0x26: {  	s22 =	simm.s32 $0x13E80;
	s15 =	simm.s32 $0x14500;
	s21 =	simm.s32 $0x14600  }
0x27: {  	s10 =	simm.s32 $0x0;
	[smem:$0x7FA] =	sst s1;
	s1 =	sadd.s32 s14, s20  }
0x28: {  	s20 =	sadd.s32 $0x3000, s11;
	[smem:$0x7FD] =	sst s24;
	s24 =	simm.s32 $0x2  }
.Ltmp0:
0x29: {  	[dreg:$0x12] =	wrdreg s1;
	s1 =	sadd.s32 s14, s4;
	(pc) =	sbr.rel .LBB2_1-.Ltmp0, $4  }
0x2a: {  	s14 =	smax.u32 s16, $0x1;
	s16 =	sadd.s32 $0x12E400, s3;
	[dreg:$0x1e] =	wrdreg s20  }
0x2b: {  	s4 =	simm.s32 $0x14880;
	s20 =	simm.s32 $0x1CAF8;
	[dreg:$0x18] =	wrdreg s14  }
0x2c: {  	s1 =	sadd.s32 $0x27100, s1;
	[dreg:$0x1a] =	wrdreg s16;
	s14 =	simm.s32 $0x4  }
0x2d: {  	v0 =	vimm.f32 $0.0e+00;
	v1 =	vimm.f32 $1.000000000e+00;
	s16 =	simm.s32 $0x6;
	[dreg:$0x16] =	wrdreg s1;
	s1 =	simm.s32 $0x13D80  }
.LBB2_18:
0x2e: {  	s6 =	sshrl.u32 s26, $0x3;
	s10 =	rddreg [dreg:$0xf];
	s11 =	simm.s32 $0x1FC8  }
0x2f: {  	[hbm:s10], [sflag:s11] =	dma.local [spmem:s6], $0x2080  }
0x30: {  	s10 =	simm.s32 $0x8  }
0x31: {  	_ =	swait.ge [sflag:s10], $0x2080  }
0x32: {  	[sflag:s10] =	ssyncset.done $0x0  }
0x33: {  	s11 =	simm.s32 $0x1CB78;
	[sflag:s10] =	ssyncadd.s32 $0xFFFFDF80  }
0x34: {  	[tilespmem:s11], [sflag:$0x8] =	stream.linear.gather [spmem:s12], $0x208, $0x38;
	[tilespmem:$0x1CDF8] =	vst v63  }
0x35: {  	_ =	swait.ge [sflag:s10], $0x208  }
0x36: {  	[sflag:s10] =	ssyncset.done $0x0  }
0x37: {  	s6 =	rddreg [dreg:$0x11];
	[sflag:s10] =	ssyncadd.s32 $0xFFFFFDF8  }
0x38: {  	[hbm4b:s6+s13] =	stream.linear.scatter [tilespmem:s11], [sflag:$0x8], $0x208, $0x38;
	[tilespmem:$0x1CDF8] =	vst v63  }
0x39: {  	_ =	swait.ge [sflag:s10], $0x208  }
0x3a: {  	[sflag:s10] =	ssyncset.done $0x0  }
0x3b: {  	[sflag:s10] =	ssyncadd.s32 $0xFFFFFDF8  }
.LBB2_19:
0x3c: {  	s6 =	sshrl.u32 @p5 s26, $0x3;
	s10 =	simm.s32 @p5 $0x1FC8;
	s11 =	rddreg [dreg:$0x14]  }
0x3d: {  	[hbm:s11], [sflag:s10] =	dma.local @p5 [spmem:s6], $0x2080  }
0x3e: {  	s6 =	simm.s32 @p5 $0x8  }
0x3f: {  	_ =	swait.ge @p5 [sflag:s6], $0x2080  }
0x40: {  	[sflag:s6] =	ssyncset.done @p5 $0x0  }
0x41: {  	s10 =	simm.s32 @p5 $0x1CB78;
	[sflag:s6] =	ssyncadd.s32 @p5 $0xFFFFDF80  }
0x42: {  	[tilespmem:s10], [sflag:$0x8] =	stream.linear.gather @p5 [spmem:s12], $0x208, $0x38;
	[tilespmem:$0x1CDF8] =	vst v63  }
0x43: {  	_ =	swait.ge @p5 [sflag:s6], $0x208  }
0x44: {  	s11 =	simm.s32 @p5 $0x0;
	s12 =	smov.u32 s26;
	[sflag:s6] =	ssyncset.done @p5 $0x0  }
0x45: {  	s10 =	simm.s32 @p5 $0x1CB78;
	s26 =	rddreg [dreg:$0x15];
	[sflag:s6] =	ssyncadd.s32 @p5 $0xFFFFFDF8  }
0x46: {  	[hbm4b:s26+s11] =	stream.linear.scatter @p5 [tilespmem:s10], [sflag:$0x8], $0x208, $0x38;
	[tilespmem:$0x1CDF8] =	vst v63  }
0x47: {  	s26 =	smov.u32 s12;
	s12 =	rddreg [dreg:$0x9];
	_ =	swait.ge @p5 [sflag:s6], $0x208  }
0x48: {  	[sflag:s6] =	ssyncset.done @p5 $0x0  }
0x49: {  	s10 =	sld [smem:$0x7F9];
	[sflag:s6] =	ssyncadd.s32 @p5 $0xFFFFFDF8  }
.LBB2_20:
0x4a: {  	_ =	sdelay $0x1  }
0x4b: {  	s6 =	rddreg [dreg:$0x18];
	s10 =	sadd.s32 $0x1, s10  }
0x4c: {  	p3 =	sne.s32 s10, s6  }
.Ltmp1:
0x4d: {  	_ = 	snop;
	(pc) =	sbr.rel @!p3 .LBB2_21-.Ltmp1, $1  }
0x4e: {  	_ =	sdelay $0x3  }
.LBB2_1:
0x4f: {  	[smem:$0x7F9] =	sst s10;
	s6 =	simm.s32 $0x70;
	s10 =	simm.s32 $0x3C0  }
.LBB2_2:
0x50: {  	p3 =	sne.s32 s10, $0xBFC0;
	[tilespmem:s6+$0x14880] =	vst v0  }
0x51: {  	[tilespmem:s6+$0x14810] =	vst v0  }
0x52: {  	[tilespmem:s6+$0x14820] =	vst v0  }
.Ltmp2:
0x53: {  	[tilespmem:s6+$0x14830] =	vst v0;
	(pc) =	sbr.rel @p3 .LBB2_2-.Ltmp2, $4  }
0x54: {  	[tilespmem:s6+$0x14840] =	vst v0  }
0x55: {  	[tilespmem:s6+$0x14850] =	vst v0  }
0x56: {  	[tilespmem:s6+$0x14860] =	vst v0  }
0x57: {  	[tilespmem:s6+$0x14870] =	vst v0;
	s6 =	sshra.s32 s10, $0x2;
	s10 =	sadd.s32 $0x200, s10  }
0x58: {  	[tilespmem:s6+$0x14880] =	vst v0  }
0x59: {  	[tilespmem:s6+$0x14810] =	vst v0  }
0x5a: {  	[tilespmem:s6+$0x14820] =	vst v0  }
0x5b: {  	[tilespmem:s6+$0x14830] =	vst v0  }
0x5c: {  	[tilespmem:s6+$0x14840] =	vst v0  }
0x5d: {  	[tilespmem:s6+$0x14850] =	vst v0  }
0x5e: {  	[tilespmem:s6+$0x14860] =	vst v0  }
0x5f: {  	[tilespmem:s6+$0x14870] =	vst v0  }
0x60: {  	[tilespmem:$0x1CAF8] =	vst v1  }
0x61: {  	[tilespmem:$0x1CB08] =	vst v1  }
0x62: {  	[tilespmem:$0x1CB18] =	vst v1  }
0x63: {  	[tilespmem:$0x1CB28] =	vst v1  }
0x64: {  	[tilespmem:$0x1CB38] =	vst v1  }
0x65: {  	[tilespmem:$0x1CB48] =	vst v1  }
0x66: {  	[tilespmem:$0x1CB58] =	vst v1  }
0x67: {  	[tilespmem:$0x1CB68] =	vst v1  }
0x68: {  	[tilespmem:$0x1CB78] =	vst v0  }
0x69: {  	[tilespmem:$0x1CB88] =	vst v0  }
0x6a: {  	[tilespmem:$0x1CB98] =	vst v0  }
0x6b: {  	[tilespmem:$0x1CBA8] =	vst v0  }
0x6c: {  	[tilespmem:$0x1CBB8] =	vst v0  }
0x6d: {  	[tilespmem:$0x1CBC8] =	vst v0  }
0x6e: {  	[tilespmem:$0x1CBD8] =	vst v0  }
0x6f: {  	[tilespmem:$0x1CBE8] =	vst v0  }
0x70: {  	[tilespmem:$0x1CBF8] =	vst v0  }
0x71: {  	[tilespmem:$0x1CC08] =	vst v0  }
0x72: {  	[tilespmem:$0x1CC18] =	vst v0  }
0x73: {  	[tilespmem:$0x1CC28] =	vst v0  }
0x74: {  	[tilespmem:$0x1CC38] =	vst v0  }
0x75: {  	[tilespmem:$0x1CC48] =	vst v0  }
0x76: {  	[tilespmem:$0x1CC58] =	vst v0  }
0x77: {  	[tilespmem:$0x1CC68] =	vst v0  }
0x78: {  	[tilespmem:$0x1CC78] =	vst v0  }
0x79: {  	[tilespmem:$0x1CC88] =	vst v0  }
0x7a: {  	[tilespmem:$0x1CC98] =	vst v0  }
0x7b: {  	[tilespmem:$0x1CCA8] =	vst v0  }
0x7c: {  	[tilespmem:$0x1CCB8] =	vst v0  }
0x7d: {  	[tilespmem:$0x1CCC8] =	vst v0  }
0x7e: {  	[tilespmem:$0x1CCD8] =	vst v0  }
0x7f: {  	[tilespmem:$0x1CCE8] =	vst v0  }
0x80: {  	[tilespmem:$0x1CCF8] =	vst v0  }
0x81: {  	[tilespmem:$0x1CD08] =	vst v0  }
0x82: {  	[tilespmem:$0x1CD18] =	vst v0  }
0x83: {  	[tilespmem:$0x1CD28] =	vst v0  }
0x84: {  	[tilespmem:$0x1CD38] =	vst v0  }
0x85: {  	[tilespmem:$0x1CD48] =	vst v0  }
0x86: {  	[tilespmem:$0x1CD58] =	vst v0  }
0x87: {  	[tilespmem:$0x1CD68] =	vst v0  }
0x88: {  	[tilespmem:$0x1CD78] =	vst v0  }
0x89: {  	[tilespmem:$0x1CD88] =	vst v0  }
0x8a: {  	[tilespmem:$0x1CD98] =	vst v0  }
0x8b: {  	[tilespmem:$0x1CDA8] =	vst v0  }
0x8c: {  	[tilespmem:$0x1CDB8] =	vst v0  }
0x8d: {  	[tilespmem:$0x1CDC8] =	vst v0  }
0x8e: {  	[tilespmem:$0x1CDD8] =	vst v0  }
0x8f: {  	s6 =	simm.s32 @p0 $0x14880;
	s10 =	simm.s32 @p0 $0x8;
	[tilespmem:$0x1CDE8] =	vst v0  }
0x90: {  	[spmem:s26] =	stream.linear.scatter @p0 [tilespmem:s6], [sflag:$0x8], $0x3000, $0x38;
	[tilespmem:$0x1CDF8] =	vst v63  }
0x91: {  	_ =	swait.ge @p0 [sflag:s10], $0x3000  }
0x92: {  	[sflag:s10] =	ssyncset.done @p0 $0x0  }
0x93: {  	s11 =	rddreg [dreg:$0x19];
	[sflag:s10] =	ssyncadd.s32 @p0 $0xFFFFD000  }
0x94: {  	[spmem:s11] =	stream.linear.scatter @p0 [tilespmem:s6], [sflag:$0x8], $0x3000, $0x38;
	[tilespmem:$0x1CDF8] =	vst v63  }
0x95: {  	_ =	swait.ge @p0 [sflag:s10], $0x3000  }
0x96: {  	[sflag:s10] =	ssyncset.done @p0 $0x0  }
0x97: {  	s11 =	rddreg [dreg:$0x1a];
	[sflag:s10] =	ssyncadd.s32 @p0 $0xFFFFD000  }
0x98: {  	[spmem:s11] =	stream.linear.scatter @p0 [tilespmem:s6], [sflag:$0x8], $0x3000, $0x38;
	[tilespmem:$0x1CDF8] =	vst v63  }
0x99: {  	_ =	swait.ge @p0 [sflag:s10], $0x3000  }
0x9a: {  	[sflag:s10] =	ssyncset.done @p0 $0x0  }
0x9b: {  	s11 =	rddreg [dreg:$0x1b];
	[sflag:s10] =	ssyncadd.s32 @p0 $0xFFFFD000  }
0x9c: {  	[spmem:s11] =	stream.linear.scatter @p0 [tilespmem:s6], [sflag:$0x8], $0x3000, $0x38;
	[tilespmem:$0x1CDF8] =	vst v63  }
0x9d: {  	_ =	swait.ge @p0 [sflag:s10], $0x3000  }
0x9e: {  	[sflag:s10] =	ssyncset.done @p0 $0x0  }
0x9f: {  	s11 =	rddreg [dreg:$0x1d];
	[sflag:s10] =	ssyncadd.s32 @p0 $0xFFFFD000  }
0xa0: {  	[spmem:s11] =	stream.linear.scatter @p0 [tilespmem:s6], [sflag:$0x8], $0x3000, $0x38;
	[tilespmem:$0x1CDF8] =	vst v63  }
0xa1: {  	_ =	swait.ge @p0 [sflag:s10], $0x3000  }
0xa2: {  	[sflag:s10] =	ssyncset.done @p0 $0x0  }
0xa3: {  	s11 =	rddreg [dreg:$0xa];
	[sflag:s10] =	ssyncadd.s32 @p0 $0xFFFFD000  }
0xa4: {  	[spmem:s11] =	stream.linear.scatter @p0 [tilespmem:s6], [sflag:$0x8], $0x1400, $0x38;
	[tilespmem:$0x1CDF8] =	vst v63  }
0xa5: {  	_ =	swait.ge @p0 [sflag:s10], $0x1400  }
0xa6: {  	[sflag:s10] =	ssyncset.done @p0 $0x0  }
0xa7: {  	s6 =	simm.s32 @p0 $0x1CB78;
	[sflag:s10] =	ssyncadd.s32 @p0 $0xFFFFEC00  }
0xa8: {  	[spmem:s12] =	stream.linear.scatter @p0 [tilespmem:s6], [sflag:$0x8], $0x208, $0x38;
	[tilespmem:$0x1CDF8] =	vst v63  }
0xa9: {  	_ =	swait.ge @p0 [sflag:s10], $0x208  }
0xaa: {  	[sflag:s10] =	ssyncset.done @p0 $0x0  }
0xab: {  	s6 =	simm.s32 @!p0 $0x14880;
	[sflag:s10] =	ssyncadd.s32 @p0 $0xFFFFFDF8;
	s10 =	rddreg [dreg:$0x8]  }
0xac: {  	[spmem:s10] =	stream.linear.scatter @!p0 [tilespmem:s6], [sflag:$0x8], $0x3000, $0x38;
	[tilespmem:$0x1CDF8] =	vst v63  }
0xad: {  	s10 =	simm.s32 @!p0 $0x8  }
0xae: {  	_ =	swait.ge @!p0 [sflag:s10], $0x3000  }
0xaf: {  	[sflag:s10] =	ssyncset.done @!p0 $0x0  }
0xb0: {  	s11 =	rddreg [dreg:$0x1e];
	[sflag:s10] =	ssyncadd.s32 @!p0 $0xFFFFD000  }
0xb1: {  	[spmem:s11] =	stream.linear.scatter @!p0 [tilespmem:s6], [sflag:$0x8], $0x3000, $0x38;
	[tilespmem:$0x1CDF8] =	vst v63  }
0xb2: {  	_ =	swait.ge @!p0 [sflag:s10], $0x3000  }
0xb3: {  	[sflag:s10] =	ssyncset.done @!p0 $0x0  }
0xb4: {  	s11 =	rddreg [dreg:$0x1f];
	[sflag:s10] =	ssyncadd.s32 @!p0 $0xFFFFD000  }
0xb5: {  	[spmem:s11] =	stream.linear.scatter @!p0 [tilespmem:s6], [sflag:$0x8], $0x3000, $0x38;
	[tilespmem:$0x1CDF8] =	vst v63  }
0xb6: {  	_ =	swait.ge @!p0 [sflag:s10], $0x3000  }
0xb7: {  	s11 =	sld [smem:$0x7FB]  }
0xb8: {  	[sflag:s10] =	ssyncset.done @!p0 $0x0  }
0xb9: {  	[sflag:s10] =	ssyncadd.s32 @!p0 $0xFFFFD000  }
0xba: {  	[spmem:s11] =	stream.linear.scatter @!p0 [tilespmem:s6], [sflag:$0x8], $0x3000, $0x38;
	[tilespmem:$0x1CDF8] =	vst v63  }
0xbb: {  	_ =	swait.ge @!p0 [sflag:s10], $0x3000  }
0xbc: {  	s11 =	sld [smem:$0x7FC]  }
0xbd: {  	[sflag:s10] =	ssyncset.done @!p0 $0x0  }
0xbe: {  	[sflag:s10] =	ssyncadd.s32 @!p0 $0xFFFFD000  }
0xbf: {  	[spmem:s11] =	stream.linear.scatter @!p0 [tilespmem:s6], [sflag:$0x8], $0x3000, $0x38;
	[tilespmem:$0x1CDF8] =	vst v63  }
0xc0: {  	_ =	swait.ge @!p0 [sflag:s10], $0x3000  }
0xc1: {  	s11 =	sld [smem:$0x7FD]  }
0xc2: {  	[sflag:s10] =	ssyncset.done @!p0 $0x0  }
0xc3: {  	[sflag:s10] =	ssyncadd.s32 @!p0 $0xFFFFD000  }
0xc4: {  	[spmem:s11] =	stream.linear.scatter @!p0 [tilespmem:s6], [sflag:$0x8], $0x3000, $0x38;
	[tilespmem:$0x1CDF8] =	vst v63  }
0xc5: {  	_ =	swait.ge @!p0 [sflag:s10], $0x3000  }
0xc6: {  	[sflag:s10] =	ssyncset.done @!p0 $0x0  }
0xc7: {  	s11 =	rddreg [dreg:$0x1c];
	[sflag:s10] =	ssyncadd.s32 @!p0 $0xFFFFD000  }
0xc8: {  	[spmem:s11] =	stream.linear.scatter @!p0 [tilespmem:s6], [sflag:$0x8], $0x1C00, $0x38;
	[tilespmem:$0x1CDF8] =	vst v63  }
0xc9: {  	_ =	swait.ge @!p0 [sflag:s10], $0x1C00  }
0xca: {  	[sflag:s10] =	ssyncset.done @!p0 $0x0  }
0xcb: {  	s6 =	simm.s32 @!p0 $0x1CB78;
	[sflag:s10] =	ssyncadd.s32 @!p0 $0xFFFFE400  }
0xcc: {  	[spmem:s12] =	stream.linear.scatter @!p0 [tilespmem:s6], [sflag:$0x8], $0x278, $0x38;
	[tilespmem:$0x1CDF8] =	vst v63  }
.Ltmp3:
0xcd: {  	_ =	swait.ge @!p0 [sflag:s10], $0x278;
	(pc) =	sbr.rel @p6 .LBB2_8-.Ltmp3, $3  }
0xce: {  	[sflag:s10] =	ssyncset.done @!p0 $0x0  }
0xcf: {  	[sflag:s10] =	ssyncadd.s32 @!p0 $0xFFFFFD88  }
0xd0: {  	[bflag:$0x0] =	sbarrier.arrive $0xFFFF;
	_ =	sdelay $0x1  }
0xd1: {  	s6 =	simm.s32 $0x0  }
0xd2: {  	s10 =	rddreg [dreg:$0xb];
	s11 =	simm.s32 $0x13880;
	s12 =	simm.s32 $0x8  }
0xd3: {  	[tilespmem:s11], [sflag:$0x8] =	stream.linear.gather [hbm4b:s10+s6], $0x280, $0x38;
	[tilespmem:$0x1CDF8] =	vst v63  }
0xd4: {  	_ =	swait.ge [sflag:s12], $0x280  }
0xd5: {  	[sflag:s12] =	ssyncset.done $0x0  }
0xd6: {  	s26 =	rddreg [dreg:$0xc];
	[sflag:s12] =	ssyncadd.s32 $0xFFFFFD80  }
0xd7: {  	[tilespmem:s17], [sflag:$0x8] =	stream.linear.gather [hbm4b:s26+s6], $0x280, $0x38;
	[tilespmem:$0x1CDF8] =	vst v63  }
0xd8: {  	_ =	swait.ge [sflag:s12], $0x280  }
0xd9: {  	[sflag:s12] =	ssyncset.done $0x0  }
0xda: {  	[sflag:s12] =	ssyncadd.s32 $0xFFFFFD80  }
0xdb: {  	[tilespmem:s4], [sflag:$0x1] =	stream.indirect.gather [hbm4b:s0+s18], $0x80, s11, s18, $0xb8;
	[tilespmem:$0x1CDF8] =	vst v63  }
.LBB2_5:
0xdc: {  	_ =	swait.ge [sflag:s19], $0x3E80  }
0xdd: {  	[sflag:s19] =	ssyncset.done $0x0  }
0xde: {  	p3 =	seq.s32 s6, $0x0;
	[sflag:s19] =	ssyncadd.s32 $0xFFFFC180  }
0xdf: {  	[spmem:s3] =	stream.indirect.scatter.add.f32 [tilespmem:s4], [sflag:$0x3], $0x80, s17, s18, $0xb8;
	[tilespmem:$0x1CDF8] =	vst v63  }
0xe0: {  	s10 =	simm.s32 @!p3 $0x4  }
0xe1: {  	[spmem:s5] =	stream.indirect.scatter.add.f32 [tilespmem:s20], [sflag:$0x5], $0x1, s17, s18, $0xb8;
	[tilespmem:$0x1CDF8] =	vst v63  }
0xe2: {  	_ =	swait.ge @!p3 [sflag:s10], $0x3E80  }
0xe3: {  	[sflag:s10] =	ssyncset.done @!p3 $0x0  }
0xe4: {  	[sflag:s10] =	ssyncadd.s32 @!p3 $0xFFFFC180;
	s10 =	simm.s32 @!p3 $0x6  }
0xe5: {  	_ =	swait.ge @!p3 [sflag:s10], $0x7D  }
0xe6: {  	[sflag:s10] =	ssyncset.done @!p3 $0x0  }
0xe7: {  	s25 =	simm.s32 $0x13900;
	[sflag:s10] =	ssyncadd.s32 @!p3 $0xFFFFFF83  }
0xe8: {  	[tilespmem:s23], [sflag:$0x2] =	stream.indirect.gather [hbm4b:s0+s18], $0x80, s25, s18, $0xb8;
	[tilespmem:$0x1CDF8] =	vst v63  }
0xe9: {  	_ =	swait.ge [sflag:s24], $0x3E80  }
0xea: {  	[sflag:s24] =	ssyncset.done $0x0;
	s12 =	rddreg [dreg:$0xb]  }
0xeb: {  	s26 =	simm.s32 $0x13D00;
	s25 =	rddreg [dreg:$0xc];
	[sflag:s24] =	ssyncadd.s32 $0xFFFFC180  }
0xec: {  	[spmem:s3] =	stream.indirect.scatter.add.f32 [tilespmem:s23], [sflag:$0x4], $0x80, s26, s18, $0xb8;
	[tilespmem:$0x1CDF8] =	vst v63  }
0xed: {  	s11 =	sadd.s32 s6, s12;
	s13 =	sadd.s32 s6, s25  }
0xee: {  	[spmem:s5] =	stream.indirect.scatter.add.f32 [tilespmem:s20], [sflag:$0x6], $0x1, s26, s18, $0xb8;
	[tilespmem:$0x1CDF8] =	vst v63  }
0xef: {  	s10 =	sadd.s32 $0x80, s11;
	s11 =	simm.s32 $0x0;
	s26 =	simm.s32 $0x14080  }
0xf0: {  	[tilespmem:s26], [sflag:$0x7] =	stream.linear.gather [hbm4b:s10+s11], $0x280, $0x38;
	[tilespmem:$0x1CDF8] =	vst v63  }
0xf1: {  	s10 =	sadd.s32 $0x80, s13  }
0xf2: {  	[tilespmem:s28], [sflag:$0x7] =	stream.linear.gather [hbm4b:s10+s11], $0x280, $0x38;
	[tilespmem:$0x1CDF8] =	vst v63  }
0xf3: {  	_ =	swait.ge [sflag:s29], $0x3E80  }
0xf4: {  	[sflag:s29] =	ssyncset.done $0x0  }
0xf5: {  	[sflag:s29] =	ssyncadd.s32 $0xFFFFC180  }
0xf6: {  	_ =	swait.ge [sflag:s30], $0x7D  }
0xf7: {  	[sflag:s30] =	ssyncset.done $0x0  }
0xf8: {  	s11 =	simm.s32 $0x13980;
	[sflag:s30] =	ssyncadd.s32 $0xFFFFFF83  }
0xf9: {  	[tilespmem:s4], [sflag:$0x1] =	stream.indirect.gather [hbm4b:s0+s18], $0x80, s11, s18, $0xb8;
	[tilespmem:$0x1CDF8] =	vst v63  }
0xfa: {  	_ =	swait.ge [sflag:s19], $0x3E80  }
0xfb: {  	[sflag:s19] =	ssyncset.done $0x0  }
0xfc: {  	[sflag:s19] =	ssyncadd.s32 $0xFFFFC180  }
0xfd: {  	[spmem:s3] =	stream.indirect.scatter.add.f32 [tilespmem:s4], [sflag:$0x3], $0x80, s1, s18, $0xb8;
	[tilespmem:$0x1CDF8] =	vst v63  }
0xfe: {  	_ = 	snop  }
0xff: {  	[spmem:s5] =	stream.indirect.scatter.add.f32 [tilespmem:s20], [sflag:$0x5], $0x1, s1, s18, $0xb8;
	[tilespmem:$0x1CDF8] =	vst v63  }
0x100: {  	_ =	swait.ge [sflag:s14], $0x3E80  }
0x101: {  	[sflag:s14] =	ssyncset.done $0x0  }
0x102: {  	[sflag:s14] =	ssyncadd.s32 $0xFFFFC180  }
0x103: {  	_ =	swait.ge [sflag:s16], $0x7D  }
0x104: {  	[sflag:s16] =	ssyncset.done $0x0  }
0x105: {  	s11 =	simm.s32 $0x13A00;
	[sflag:s16] =	ssyncadd.s32 $0xFFFFFF83  }
0x106: {  	[tilespmem:s23], [sflag:$0x2] =	stream.indirect.gather [hbm4b:s0+s18], $0x80, s11, s18, $0xb8;
	[tilespmem:$0x1CDF8] =	vst v63  }
0x107: {  	_ =	swait.ge [sflag:s24], $0x3E80  }
0x108: {  	[sflag:s24] =	ssyncset.done $0x0  }
0x109: {  	[sflag:s24] =	ssyncadd.s32 $0xFFFFC180  }
0x10a: {  	[spmem:s3] =	stream.indirect.scatter.add.f32 [tilespmem:s23], [sflag:$0x4], $0x80, s7, s18, $0xb8;
	[tilespmem:$0x1CDF8] =	vst v63  }
0x10b: {  	_ = 	snop  }
0x10c: {  	[spmem:s5] =	stream.indirect.scatter.add.f32 [tilespmem:s20], [sflag:$0x6], $0x1, s7, s18, $0xb8;
	[tilespmem:$0x1CDF8] =	vst v63  }
0x10d: {  	_ =	swait.ge [sflag:s29], $0x3E80  }
0x10e: {  	[sflag:s29] =	ssyncset.done $0x0  }
0x10f: {  	[sflag:s29] =	ssyncadd.s32 $0xFFFFC180  }
0x110: {  	_ =	swait.ge [sflag:s30], $0x7D  }
0x111: {  	[sflag:s30] =	ssyncset.done $0x0  }
0x112: {  	s11 =	simm.s32 $0x13A80;
	[sflag:s30] =	ssyncadd.s32 $0xFFFFFF83  }
0x113: {  	[tilespmem:s4], [sflag:$0x1] =	stream.indirect.gather [hbm4b:s0+s18], $0x80, s11, s18, $0xb8;
	[tilespmem:$0x1CDF8] =	vst v63  }
0x114: {  	_ =	swait.ge [sflag:s19], $0x3E80  }
0x115: {  	[sflag:s19] =	ssyncset.done $0x0  }
0x116: {  	[sflag:s19] =	ssyncadd.s32 $0xFFFFC180  }
0x117: {  	[spmem:s3] =	stream.indirect.scatter.add.f32 [tilespmem:s4], [sflag:$0x3], $0x80, s22, s18, $0xb8;
	[tilespmem:$0x1CDF8] =	vst v63  }
0x118: {  	_ = 	snop  }
0x119: {  	[spmem:s5] =	stream.indirect.scatter.add.f32 [tilespmem:s20], [sflag:$0x5], $0x1, s22, s18, $0xb8;
	[tilespmem:$0x1CDF8] =	vst v63  }
0x11a: {  	_ =	swait.ge [sflag:s14], $0x3E80  }
0x11b: {  	[sflag:s14] =	ssyncset.done $0x0  }
0x11c: {  	[sflag:s14] =	ssyncadd.s32 $0xFFFFC180  }
0x11d: {  	_ =	swait.ge [sflag:s16], $0x7D  }
0x11e: {  	[sflag:s16] =	ssyncset.done $0x0  }
0x11f: {  	[sflag:s16] =	ssyncadd.s32 $0xFFFFFF83  }
0x120: {  	_ =	swait.ge [sflag:s9], $0x280  }
0x121: {  	[sflag:s9] =	ssyncset.done $0x0  }
0x122: {  	[sflag:s9] =	ssyncadd.s32 $0xFFFFFD80  }
0x123: {  	_ =	swait.ge [sflag:s9], $0x280  }
0x124: {  	[sflag:s9] =	ssyncset.done $0x0  }
0x125: {  	[sflag:s9] =	ssyncadd.s32 $0xFFFFFD80  }
0x126: {  	[tilespmem:s23], [sflag:$0x2] =	stream.indirect.gather [hbm4b:s0+s18], $0x80, s26, s18, $0xb8;
	[tilespmem:$0x1CDF8] =	vst v63  }
0x127: {  	_ =	swait.ge [sflag:s24], $0x3E80  }
0x128: {  	[sflag:s24] =	ssyncset.done $0x0  }
0x129: {  	[sflag:s24] =	ssyncadd.s32 $0xFFFFC180  }
0x12a: {  	[spmem:s3] =	stream.indirect.scatter.add.f32 [tilespmem:s23], [sflag:$0x4], $0x80, s28, s18, $0xb8;
	[tilespmem:$0x1CDF8] =	vst v63  }
0x12b: {  	_ = 	snop  }
0x12c: {  	[spmem:s5] =	stream.indirect.scatter.add.f32 [tilespmem:s20], [sflag:$0x6], $0x1, s28, s18, $0xb8;
	[tilespmem:$0x1CDF8] =	vst v63  }
0x12d: {  	_ =	swait.ge [sflag:s29], $0x3E80  }
0x12e: {  	[sflag:s29] =	ssyncset.done $0x0  }
0x12f: {  	[sflag:s29] =	ssyncadd.s32 $0xFFFFC180  }
0x130: {  	_ =	swait.ge [sflag:s30], $0x7D  }
0x131: {  	[sflag:s30] =	ssyncset.done $0x0  }
0x132: {  	s11 =	simm.s32 $0x14100;
	[sflag:s30] =	ssyncadd.s32 $0xFFFFFF83  }
0x133: {  	[tilespmem:s4], [sflag:$0x1] =	stream.indirect.gather [hbm4b:s0+s18], $0x80, s11, s18, $0xb8;
	[tilespmem:$0x1CDF8] =	vst v63  }
0x134: {  	_ =	swait.ge [sflag:s19], $0x3E80  }
0x135: {  	[sflag:s19] =	ssyncset.done $0x0  }
0x136: {  	p3 =	seq.s32 s6, $0xF00;
	[sflag:s19] =	ssyncadd.s32 $0xFFFFC180  }
0x137: {  	[spmem:s3] =	stream.indirect.scatter.add.f32 [tilespmem:s4], [sflag:$0x3], $0x80, s15, s18, $0xb8;
	[tilespmem:$0x1CDF8] =	vst v63  }
0x138: {  	s10 =	sadd.s32 @!p3 s6, s12  }
0x139: {  	[spmem:s5] =	stream.indirect.scatter.add.f32 [tilespmem:s20], [sflag:$0x5], $0x1, s15, s18, $0xb8;
	[tilespmem:$0x1CDF8] =	vst v63  }
0x13a: {  	s12 =	simm.s32 @!p3 $0x13880;
	s10 =	sadd.s32 @!p3 $0x100, s10;
	s11 =	simm.s32 @!p3 $0x0  }
0x13b: {  	[tilespmem:s12], [sflag:$0x7] =	stream.linear.gather @!p3 [hbm4b:s10+s11], $0x280, $0x38;
	[tilespmem:$0x1CDF8] =	vst v63  }
0x13c: {  	s10 =	sadd.s32 @!p3 s6, s25  }
0x13d: {  	s12 =	simm.s32 @!p3 $0x13C80;
	s10 =	sadd.s32 @!p3 $0x100, s10  }
0x13e: {  	[tilespmem:s12], [sflag:$0x7] =	stream.linear.gather @!p3 [hbm4b:s10+s11], $0x280, $0x38;
	[tilespmem:$0x1CDF8] =	vst v63  }
0x13f: {  	_ =	swait.ge [sflag:s14], $0x3E80  }
0x140: {  	[sflag:s14] =	ssyncset.done $0x0  }
0x141: {  	[sflag:s14] =	ssyncadd.s32 $0xFFFFC180  }
0x142: {  	_ =	swait.ge [sflag:s16], $0x7D  }
0x143: {  	[sflag:s16] =	ssyncset.done $0x0  }
0x144: {  	s12 =	simm.s32 $0x14180;
	[sflag:s16] =	ssyncadd.s32 $0xFFFFFF83  }
0x145: {  	[tilespmem:s23], [sflag:$0x2] =	stream.indirect.gather [hbm4b:s0+s18], $0x80, s12, s18, $0xb8;
	[tilespmem:$0x1CDF8] =	vst v63  }
0x146: {  	_ =	swait.ge [sflag:s24], $0x3E80  }
0x147: {  	[sflag:s24] =	ssyncset.done $0x0  }
0x148: {  	[sflag:s24] =	ssyncadd.s32 $0xFFFFC180  }
0x149: {  	[spmem:s3] =	stream.indirect.scatter.add.f32 [tilespmem:s23], [sflag:$0x4], $0x80, s8, s18, $0xb8;
	[tilespmem:$0x1CDF8] =	vst v63  }
0x14a: {  	_ = 	snop  }
0x14b: {  	[spmem:s5] =	stream.indirect.scatter.add.f32 [tilespmem:s20], [sflag:$0x6], $0x1, s8, s18, $0xb8;
	[tilespmem:$0x1CDF8] =	vst v63  }
0x14c: {  	_ =	swait.ge [sflag:s29], $0x3E80  }
0x14d: {  	[sflag:s29] =	ssyncset.done $0x0  }
0x14e: {  	[sflag:s29] =	ssyncadd.s32 $0xFFFFC180  }
0x14f: {  	_ =	swait.ge [sflag:s30], $0x7D  }
0x150: {  	[sflag:s30] =	ssyncset.done $0x0  }
0x151: {  	s25 =	simm.s32 $0x14200;
	[sflag:s30] =	ssyncadd.s32 $0xFFFFFF83  }
0x152: {  	[tilespmem:s4], [sflag:$0x1] =	stream.indirect.gather [hbm4b:s0+s18], $0x80, s25, s18, $0xb8;
	[tilespmem:$0x1CDF8] =	vst v63  }
0x153: {  	_ =	swait.ge [sflag:s19], $0x3E80  }
0x154: {  	[sflag:s19] =	ssyncset.done $0x0  }
0x155: {  	[sflag:s19] =	ssyncadd.s32 $0xFFFFC180  }
0x156: {  	[spmem:s3] =	stream.indirect.scatter.add.f32 [tilespmem:s4], [sflag:$0x3], $0x80, s21, s18, $0xb8;
	[tilespmem:$0x1CDF8] =	vst v63  }
0x157: {  	_ = 	snop  }
0x158: {  	[spmem:s5] =	stream.indirect.scatter.add.f32 [tilespmem:s20], [sflag:$0x5], $0x1, s21, s18, $0xb8;
	[tilespmem:$0x1CDF8] =	vst v63  }
0x159: {  	_ =	swait.ge [sflag:s14], $0x3E80  }
0x15a: {  	[sflag:s14] =	ssyncset.done $0x0  }
0x15b: {  	[sflag:s14] =	ssyncadd.s32 $0xFFFFC180  }
0x15c: {  	_ =	swait.ge [sflag:s16], $0x7D  }
0x15d: {  	[sflag:s16] =	ssyncset.done $0x0  }
0x15e: {  	s26 =	simm.s32 $0x14280;
	[sflag:s16] =	ssyncadd.s32 $0xFFFFFF83  }
0x15f: {  	[tilespmem:s23], [sflag:$0x2] =	stream.indirect.gather [hbm4b:s0+s18], $0x80, s26, s18, $0xb8;
	[tilespmem:$0x1CDF8] =	vst v63  }
0x160: {  	_ =	swait.ge [sflag:s24], $0x3E80  }
0x161: {  	[sflag:s24] =	ssyncset.done $0x0  }
0x162: {  	[sflag:s24] =	ssyncadd.s32 $0xFFFFC180  }
0x163: {  	[spmem:s3] =	stream.indirect.scatter.add.f32 [tilespmem:s23], [sflag:$0x4], $0x80, s31, s18, $0xb8;
	[tilespmem:$0x1CDF8] =	vst v63  }
.Ltmp4:
0x164: {  	_ = 	snop;
	(pc) =	sbr.rel @p3 .LBB2_7-.Ltmp4, $4  }
0x165: {  	[spmem:s5] =	stream.indirect.scatter.add.f32 [tilespmem:s20], [sflag:$0x6], $0x1, s31, s18, $0xb8;
	[tilespmem:$0x1CDF8] =	vst v63  }
0x166: {  	_ =	swait.ge [sflag:s29], $0x3E80  }
0x167: {  	[sflag:s29] =	ssyncset.done $0x0  }
0x168: {  	s13 =	simm.s32 $0x0;
	[sflag:s29] =	ssyncadd.s32 $0xFFFFC180  }
0x169: {  	_ =	swait.ge [sflag:s30], $0x7D  }
0x16a: {  	[sflag:s30] =	ssyncset.done $0x0  }
0x16b: {  	[sflag:s30] =	ssyncadd.s32 $0xFFFFFF83  }
0x16c: {  	_ =	swait.ge [sflag:s9], $0x280  }
0x16d: {  	[sflag:s9] =	ssyncset.done $0x0  }
.Ltmp5:
0x16e: {  	[sflag:s9] =	ssyncadd.s32 $0xFFFFFD80;
	(pc) =	sbr.rel .LBB2_5-.Ltmp5, $4  }
0x16f: {  	_ =	swait.ge [sflag:s9], $0x280  }
0x170: {  	[sflag:s9] =	ssyncset.done $0x0  }
0x171: {  	s10 =	simm.s32 $0x13880;
	s6 =	sadd.s32 $0x100, s6;
	[sflag:s9] =	ssyncadd.s32 $0xFFFFFD80  }
0x172: {  	[tilespmem:s4], [sflag:$0x1] =	stream.indirect.gather [hbm4b:s0+s18], $0x80, s10, s18, $0xb8;
	[tilespmem:$0x1CDF8] =	vst v63  }
.LBB2_7:
0x173: {  	_ =	swait.ge [sflag:s14], $0x3E80  }
0x174: {  	[sflag:s14] =	ssyncset.done $0x0  }
0x175: {  	[sflag:s14] =	ssyncadd.s32 $0xFFFFC180  }
0x176: {  	_ =	swait.ge [sflag:s30], $0x7D  }
0x177: {  	[sflag:s30] =	ssyncset.done $0x0  }
0x178: {  	[sflag:s30] =	ssyncadd.s32 $0xFFFFFF83  }
0x179: {  	_ =	swait.ge [sflag:s16], $0x7D  }
0x17a: {  	s12 =	rddreg [dreg:$0x9]  }
0x17b: {  	[sflag:s16] =	ssyncset.done $0x0;
	s25 =	rddreg [dreg:$0xd]  }
0x17c: {  	s26 =	rddreg [dreg:$0x10];
	[sflag:s16] =	ssyncadd.s32 $0xFFFFFF83  }
.LBB2_8:
.Ltmp6:
0x17d: {  	(pc) =	sbr.rel @!p1 .LBB2_13-.Ltmp6, $1  }
0x17e: {  	_ =	sdelay $0x3  }
0x17f: {  	s6 =	simm.s32 $0x0;
	s11 =	simm.s32 $0x13880;
	s12 =	simm.s32 $0x8  }
0x180: {  	[tilespmem:s11], [sflag:$0x8] =	stream.linear.gather [hbm4b:s25+s6], $0x280, $0x38;
	[tilespmem:$0x1CDF8] =	vst v63  }
0x181: {  	_ =	swait.ge [sflag:s12], $0x280  }
0x182: {  	[sflag:s12] =	ssyncset.done $0x0  }
0x183: {  	s10 =	rddreg [dreg:$0xe];
	[sflag:s12] =	ssyncadd.s32 $0xFFFFFD80  }
0x184: {  	[tilespmem:s17], [sflag:$0x8] =	stream.linear.gather [hbm4b:s10+s6], $0x280, $0x38;
	[tilespmem:$0x1CDF8] =	vst v63  }
0x185: {  	_ =	swait.ge [sflag:s12], $0x280  }
0x186: {  	[sflag:s12] =	ssyncset.done $0x0  }
0x187: {  	[sflag:s12] =	ssyncadd.s32 $0xFFFFFD80  }
0x188: {  	[tilespmem:s4], [sflag:$0x1] =	stream.indirect.gather [hbm4b:s2+s18], $0x80, s11, s18, $0xb8;
	[tilespmem:$0x1CDF8] =	vst v63  }
.LBB2_10:
0x189: {  	_ =	swait.ge [sflag:s19], $0x3E80  }
0x18a: {  	[sflag:s19] =	ssyncset.done $0x0  }
0x18b: {  	p3 =	seq.s32 s6, $0x0;
	[sflag:s19] =	ssyncadd.s32 $0xFFFFC180  }
0x18c: {  	[spmem:s3] =	stream.indirect.scatter.add.f32 [tilespmem:s4], [sflag:$0x3], $0x80, s17, s18, $0xb8;
	[tilespmem:$0x1CDF8] =	vst v63  }
0x18d: {  	s10 =	simm.s32 @!p3 $0x4  }
0x18e: {  	[spmem:s5] =	stream.indirect.scatter.add.f32 [tilespmem:s20], [sflag:$0x5], $0x1, s17, s18, $0xb8;
	[tilespmem:$0x1CDF8] =	vst v63  }
0x18f: {  	_ =	swait.ge @!p3 [sflag:s10], $0x3E80  }
0x190: {  	[sflag:s10] =	ssyncset.done @!p3 $0x0  }
0x191: {  	[sflag:s10] =	ssyncadd.s32 @!p3 $0xFFFFC180;
	s10 =	simm.s32 @!p3 $0x6  }
0x192: {  	_ =	swait.ge @!p3 [sflag:s10], $0x7D  }
0x193: {  	[sflag:s10] =	ssyncset.done @!p3 $0x0  }
0x194: {  	s26 =	simm.s32 $0x13900;
	[sflag:s10] =	ssyncadd.s32 @!p3 $0xFFFFFF83  }
0x195: {  	[tilespmem:s23], [sflag:$0x2] =	stream.indirect.gather [hbm4b:s2+s18], $0x80, s26, s18, $0xb8;
	[tilespmem:$0x1CDF8] =	vst v63  }
0x196: {  	_ =	swait.ge [sflag:s24], $0x3E80  }
0x197: {  	[sflag:s24] =	ssyncset.done $0x0  }
0x198: {  	s11 =	simm.s32 $0x13D00;
	s12 =	sadd.s32 s6, s25;
	[sflag:s24] =	ssyncadd.s32 $0xFFFFC180  }
0x199: {  	[spmem:s3] =	stream.indirect.scatter.add.f32 [tilespmem:s23], [sflag:$0x4], $0x80, s11, s18, $0xb8;
	[tilespmem:$0x1CDF8] =	vst v63  }
0x19a: {  	s10 =	sadd.s32 $0x80, s12;
	s26 =	rddreg [dreg:$0xe]  }
0x19b: {  	[spmem:s5] =	stream.indirect.scatter.add.f32 [tilespmem:s20], [sflag:$0x6], $0x1, s11, s18, $0xb8;
	[tilespmem:$0x1CDF8] =	vst v63  }
0x19c: {  	s12 =	simm.s32 $0x14080;
	s13 =	sadd.s32 s6, s26;
	s11 =	simm.s32 $0x0  }
0x19d: {  	[tilespmem:s12], [sflag:$0x7] =	stream.linear.gather [hbm4b:s10+s11], $0x280, $0x38;
	[tilespmem:$0x1CDF8] =	vst v63  }
0x19e: {  	s10 =	sadd.s32 $0x80, s13  }
0x19f: {  	[tilespmem:s28], [sflag:$0x7] =	stream.linear.gather [hbm4b:s10+s11], $0x280, $0x38;
	[tilespmem:$0x1CDF8] =	vst v63  }
0x1a0: {  	_ =	swait.ge [sflag:s29], $0x3E80  }
0x1a1: {  	[sflag:s29] =	ssyncset.done $0x0  }
0x1a2: {  	[sflag:s29] =	ssyncadd.s32 $0xFFFFC180  }
0x1a3: {  	_ =	swait.ge [sflag:s30], $0x7D  }
0x1a4: {  	[sflag:s30] =	ssyncset.done $0x0  }
0x1a5: {  	s11 =	simm.s32 $0x13980;
	[sflag:s30] =	ssyncadd.s32 $0xFFFFFF83  }
0x1a6: {  	[tilespmem:s4], [sflag:$0x1] =	stream.indirect.gather [hbm4b:s2+s18], $0x80, s11, s18, $0xb8;
	[tilespmem:$0x1CDF8] =	vst v63  }
0x1a7: {  	_ =	swait.ge [sflag:s19], $0x3E80  }
0x1a8: {  	[sflag:s19] =	ssyncset.done $0x0  }
0x1a9: {  	[sflag:s19] =	ssyncadd.s32 $0xFFFFC180  }
0x1aa: {  	[spmem:s3] =	stream.indirect.scatter.add.f32 [tilespmem:s4], [sflag:$0x3], $0x80, s1, s18, $0xb8;
	[tilespmem:$0x1CDF8] =	vst v63  }
0x1ab: {  	_ = 	snop  }
0x1ac: {  	[spmem:s5] =	stream.indirect.scatter.add.f32 [tilespmem:s20], [sflag:$0x5], $0x1, s1, s18, $0xb8;
	[tilespmem:$0x1CDF8] =	vst v63  }
0x1ad: {  	_ =	swait.ge [sflag:s14], $0x3E80  }
0x1ae: {  	[sflag:s14] =	ssyncset.done $0x0  }
0x1af: {  	[sflag:s14] =	ssyncadd.s32 $0xFFFFC180  }
0x1b0: {  	_ =	swait.ge [sflag:s16], $0x7D  }
0x1b1: {  	[sflag:s16] =	ssyncset.done $0x0  }
0x1b2: {  	s11 =	simm.s32 $0x13A00;
	[sflag:s16] =	ssyncadd.s32 $0xFFFFFF83  }
0x1b3: {  	[tilespmem:s23], [sflag:$0x2] =	stream.indirect.gather [hbm4b:s2+s18], $0x80, s11, s18, $0xb8;
	[tilespmem:$0x1CDF8] =	vst v63  }
0x1b4: {  	_ =	swait.ge [sflag:s24], $0x3E80  }
0x1b5: {  	[sflag:s24] =	ssyncset.done $0x0  }
0x1b6: {  	[sflag:s24] =	ssyncadd.s32 $0xFFFFC180  }
0x1b7: {  	[spmem:s3] =	stream.indirect.scatter.add.f32 [tilespmem:s23], [sflag:$0x4], $0x80, s7, s18, $0xb8;
	[tilespmem:$0x1CDF8] =	vst v63  }
0x1b8: {  	_ = 	snop  }
0x1b9: {  	[spmem:s5] =	stream.indirect.scatter.add.f32 [tilespmem:s20], [sflag:$0x6], $0x1, s7, s18, $0xb8;
	[tilespmem:$0x1CDF8] =	vst v63  }
0x1ba: {  	_ =	swait.ge [sflag:s29], $0x3E80  }
0x1bb: {  	[sflag:s29] =	ssyncset.done $0x0  }
0x1bc: {  	[sflag:s29] =	ssyncadd.s32 $0xFFFFC180  }
0x1bd: {  	_ =	swait.ge [sflag:s30], $0x7D  }
0x1be: {  	[sflag:s30] =	ssyncset.done $0x0  }
0x1bf: {  	s11 =	simm.s32 $0x13A80;
	[sflag:s30] =	ssyncadd.s32 $0xFFFFFF83  }
0x1c0: {  	[tilespmem:s4], [sflag:$0x1] =	stream.indirect.gather [hbm4b:s2+s18], $0x80, s11, s18, $0xb8;
	[tilespmem:$0x1CDF8] =	vst v63  }
0x1c1: {  	_ =	swait.ge [sflag:s19], $0x3E80  }
0x1c2: {  	[sflag:s19] =	ssyncset.done $0x0  }
0x1c3: {  	[sflag:s19] =	ssyncadd.s32 $0xFFFFC180  }
0x1c4: {  	[spmem:s3] =	stream.indirect.scatter.add.f32 [tilespmem:s4], [sflag:$0x3], $0x80, s22, s18, $0xb8;
	[tilespmem:$0x1CDF8] =	vst v63  }
0x1c5: {  	_ = 	snop  }
0x1c6: {  	[spmem:s5] =	stream.indirect.scatter.add.f32 [tilespmem:s20], [sflag:$0x5], $0x1, s22, s18, $0xb8;
	[tilespmem:$0x1CDF8] =	vst v63  }
0x1c7: {  	_ =	swait.ge [sflag:s14], $0x3E80  }
0x1c8: {  	[sflag:s14] =	ssyncset.done $0x0  }
0x1c9: {  	[sflag:s14] =	ssyncadd.s32 $0xFFFFC180  }
0x1ca: {  	_ =	swait.ge [sflag:s16], $0x7D  }
0x1cb: {  	[sflag:s16] =	ssyncset.done $0x0  }
0x1cc: {  	[sflag:s16] =	ssyncadd.s32 $0xFFFFFF83  }
0x1cd: {  	_ =	swait.ge [sflag:s9], $0x280  }
0x1ce: {  	[sflag:s9] =	ssyncset.done $0x0  }
0x1cf: {  	[sflag:s9] =	ssyncadd.s32 $0xFFFFFD80  }
0x1d0: {  	_ =	swait.ge [sflag:s9], $0x280  }
0x1d1: {  	[sflag:s9] =	ssyncset.done $0x0  }
0x1d2: {  	[sflag:s9] =	ssyncadd.s32 $0xFFFFFD80  }
0x1d3: {  	[tilespmem:s23], [sflag:$0x2] =	stream.indirect.gather [hbm4b:s2+s18], $0x80, s12, s18, $0xb8;
	[tilespmem:$0x1CDF8] =	vst v63  }
0x1d4: {  	_ =	swait.ge [sflag:s24], $0x3E80  }
0x1d5: {  	[sflag:s24] =	ssyncset.done $0x0  }
0x1d6: {  	[sflag:s24] =	ssyncadd.s32 $0xFFFFC180  }
0x1d7: {  	[spmem:s3] =	stream.indirect.scatter.add.f32 [tilespmem:s23], [sflag:$0x4], $0x80, s28, s18, $0xb8;
	[tilespmem:$0x1CDF8] =	vst v63  }
0x1d8: {  	_ = 	snop  }
0x1d9: {  	[spmem:s5] =	stream.indirect.scatter.add.f32 [tilespmem:s20], [sflag:$0x6], $0x1, s28, s18, $0xb8;
	[tilespmem:$0x1CDF8] =	vst v63  }
0x1da: {  	_ =	swait.ge [sflag:s29], $0x3E80  }
0x1db: {  	[sflag:s29] =	ssyncset.done $0x0  }
0x1dc: {  	[sflag:s29] =	ssyncadd.s32 $0xFFFFC180  }
0x1dd: {  	_ =	swait.ge [sflag:s30], $0x7D  }
0x1de: {  	[sflag:s30] =	ssyncset.done $0x0  }
0x1df: {  	s12 =	simm.s32 $0x14100;
	[sflag:s30] =	ssyncadd.s32 $0xFFFFFF83  }
0x1e0: {  	[tilespmem:s4], [sflag:$0x1] =	stream.indirect.gather [hbm4b:s2+s18], $0x80, s12, s18, $0xb8;
	[tilespmem:$0x1CDF8] =	vst v63  }
0x1e1: {  	_ =	swait.ge [sflag:s19], $0x3E80  }
0x1e2: {  	[sflag:s19] =	ssyncset.done $0x0  }
0x1e3: {  	p3 =	seq.s32 s6, $0xF00;
	[sflag:s19] =	ssyncadd.s32 $0xFFFFC180  }
0x1e4: {  	[spmem:s3] =	stream.indirect.scatter.add.f32 [tilespmem:s4], [sflag:$0x3], $0x80, s15, s18, $0xb8;
	[tilespmem:$0x1CDF8] =	vst v63  }
0x1e5: {  	s10 =	sadd.s32 @!p3 s6, s25  }
0x1e6: {  	[spmem:s5] =	stream.indirect.scatter.add.f32 [tilespmem:s20], [sflag:$0x5], $0x1, s15, s18, $0xb8;
	[tilespmem:$0x1CDF8] =	vst v63  }
0x1e7: {  	s10 =	sadd.s32 @!p3 $0x100, s10;
	s11 =	simm.s32 @!p3 $0x0;
	s12 =	simm.s32 @!p3 $0x13880  }
0x1e8: {  	[tilespmem:s12], [sflag:$0x7] =	stream.linear.gather @!p3 [hbm4b:s10+s11], $0x280, $0x38;
	[tilespmem:$0x1CDF8] =	vst v63  }
0x1e9: {  	s10 =	sadd.s32 @!p3 s6, s26  }
0x1ea: {  	s12 =	simm.s32 @!p3 $0x13C80;
	s10 =	sadd.s32 @!p3 $0x100, s10  }
0x1eb: {  	[tilespmem:s12], [sflag:$0x7] =	stream.linear.gather @!p3 [hbm4b:s10+s11], $0x280, $0x38;
	[tilespmem:$0x1CDF8] =	vst v63  }
0x1ec: {  	_ =	swait.ge [sflag:s14], $0x3E80  }
0x1ed: {  	[sflag:s14] =	ssyncset.done $0x0  }
0x1ee: {  	[sflag:s14] =	ssyncadd.s32 $0xFFFFC180  }
0x1ef: {  	_ =	swait.ge [sflag:s16], $0x7D  }
0x1f0: {  	[sflag:s16] =	ssyncset.done $0x0  }
0x1f1: {  	s11 =	simm.s32 $0x14180;
	[sflag:s16] =	ssyncadd.s32 $0xFFFFFF83  }
0x1f2: {  	[tilespmem:s23], [sflag:$0x2] =	stream.indirect.gather [hbm4b:s2+s18], $0x80, s11, s18, $0xb8;
	[tilespmem:$0x1CDF8] =	vst v63  }
0x1f3: {  	_ =	swait.ge [sflag:s24], $0x3E80  }
0x1f4: {  	[sflag:s24] =	ssyncset.done $0x0  }
0x1f5: {  	[sflag:s24] =	ssyncadd.s32 $0xFFFFC180  }
0x1f6: {  	[spmem:s3] =	stream.indirect.scatter.add.f32 [tilespmem:s23], [sflag:$0x4], $0x80, s8, s18, $0xb8;
	[tilespmem:$0x1CDF8] =	vst v63  }
0x1f7: {  	_ = 	snop  }
0x1f8: {  	[spmem:s5] =	stream.indirect.scatter.add.f32 [tilespmem:s20], [sflag:$0x6], $0x1, s8, s18, $0xb8;
	[tilespmem:$0x1CDF8] =	vst v63  }
0x1f9: {  	_ =	swait.ge [sflag:s29], $0x3E80  }
0x1fa: {  	[sflag:s29] =	ssyncset.done $0x0  }
0x1fb: {  	[sflag:s29] =	ssyncadd.s32 $0xFFFFC180  }
0x1fc: {  	_ =	swait.ge [sflag:s30], $0x7D  }
0x1fd: {  	[sflag:s30] =	ssyncset.done $0x0  }
0x1fe: {  	s12 =	simm.s32 $0x14200;
	[sflag:s30] =	ssyncadd.s32 $0xFFFFFF83  }
0x1ff: {  	[tilespmem:s4], [sflag:$0x1] =	stream.indirect.gather [hbm4b:s2+s18], $0x80, s12, s18, $0xb8;
	[tilespmem:$0x1CDF8] =	vst v63  }
0x200: {  	_ =	swait.ge [sflag:s19], $0x3E80  }
0x201: {  	[sflag:s19] =	ssyncset.done $0x0  }
0x202: {  	[sflag:s19] =	ssyncadd.s32 $0xFFFFC180  }
0x203: {  	[spmem:s3] =	stream.indirect.scatter.add.f32 [tilespmem:s4], [sflag:$0x3], $0x80, s21, s18, $0xb8;
	[tilespmem:$0x1CDF8] =	vst v63  }
0x204: {  	_ = 	snop  }
0x205: {  	[spmem:s5] =	stream.indirect.scatter.add.f32 [tilespmem:s20], [sflag:$0x5], $0x1, s21, s18, $0xb8;
	[tilespmem:$0x1CDF8] =	vst v63  }
0x206: {  	_ =	swait.ge [sflag:s14], $0x3E80  }
0x207: {  	[sflag:s14] =	ssyncset.done $0x0  }
0x208: {  	[sflag:s14] =	ssyncadd.s32 $0xFFFFC180  }
0x209: {  	_ =	swait.ge [sflag:s16], $0x7D  }
0x20a: {  	[sflag:s16] =	ssyncset.done $0x0  }
0x20b: {  	s26 =	simm.s32 $0x14280;
	[sflag:s16] =	ssyncadd.s32 $0xFFFFFF83  }
0x20c: {  	[tilespmem:s23], [sflag:$0x2] =	stream.indirect.gather [hbm4b:s2+s18], $0x80, s26, s18, $0xb8;
	[tilespmem:$0x1CDF8] =	vst v63  }
0x20d: {  	_ =	swait.ge [sflag:s24], $0x3E80  }
0x20e: {  	[sflag:s24] =	ssyncset.done $0x0  }
0x20f: {  	[sflag:s24] =	ssyncadd.s32 $0xFFFFC180  }
0x210: {  	[spmem:s3] =	stream.indirect.scatter.add.f32 [tilespmem:s23], [sflag:$0x4], $0x80, s31, s18, $0xb8;
	[tilespmem:$0x1CDF8] =	vst v63  }
.Ltmp7:
0x211: {  	_ = 	snop;
	(pc) =	sbr.rel @p3 .LBB2_12-.Ltmp7, $4  }
0x212: {  	[spmem:s5] =	stream.indirect.scatter.add.f32 [tilespmem:s20], [sflag:$0x6], $0x1, s31, s18, $0xb8;
	[tilespmem:$0x1CDF8] =	vst v63  }
0x213: {  	_ =	swait.ge [sflag:s29], $0x3E80  }
0x214: {  	[sflag:s29] =	ssyncset.done $0x0  }
0x215: {  	s13 =	simm.s32 $0x0;
	[sflag:s29] =	ssyncadd.s32 $0xFFFFC180  }
0x216: {  	_ =	swait.ge [sflag:s30], $0x7D  }
0x217: {  	[sflag:s30] =	ssyncset.done $0x0  }
0x218: {  	[sflag:s30] =	ssyncadd.s32 $0xFFFFFF83  }
0x219: {  	_ =	swait.ge [sflag:s9], $0x280  }
0x21a: {  	[sflag:s9] =	ssyncset.done $0x0  }
.Ltmp8:
0x21b: {  	[sflag:s9] =	ssyncadd.s32 $0xFFFFFD80;
	(pc) =	sbr.rel .LBB2_10-.Ltmp8, $4  }
0x21c: {  	_ =	swait.ge [sflag:s9], $0x280  }
0x21d: {  	[sflag:s9] =	ssyncset.done $0x0  }
0x21e: {  	s10 =	simm.s32 $0x13880;
	s6 =	sadd.s32 $0x100, s6;
	[sflag:s9] =	ssyncadd.s32 $0xFFFFFD80  }
0x21f: {  	[tilespmem:s4], [sflag:$0x1] =	stream.indirect.gather [hbm4b:s2+s18], $0x80, s10, s18, $0xb8;
	[tilespmem:$0x1CDF8] =	vst v63  }
.LBB2_12:
0x220: {  	_ =	swait.ge [sflag:s14], $0x3E80  }
0x221: {  	[sflag:s14] =	ssyncset.done $0x0  }
0x222: {  	[sflag:s14] =	ssyncadd.s32 $0xFFFFC180  }
0x223: {  	_ =	swait.ge [sflag:s30], $0x7D  }
0x224: {  	[sflag:s30] =	ssyncset.done $0x0  }
0x225: {  	[sflag:s30] =	ssyncadd.s32 $0xFFFFFF83  }
0x226: {  	_ =	swait.ge [sflag:s16], $0x7D  }
0x227: {  	[sflag:s16] =	ssyncset.done $0x0;
	s12 =	rddreg [dreg:$0x9]  }
0x228: {  	s26 =	rddreg [dreg:$0x10];
	[sflag:s16] =	ssyncadd.s32 $0xFFFFFF83  }
.LBB2_13:
.Ltmp9:
0x229: {  	(pc) =	sbr.rel @!p2 .LBB2_17-.Ltmp9, $2  }
0x22a: {  	_ =	sdelay $0x1  }
0x22b: {  	[bflag:$0x0] =	sbarrier.arrive $0xFFFF;
	_ =	sdelay $0x1  }
0x22c: {  	s6 =	stileid.u32  }
0x22d: {  	s10 =	rddreg [dreg:$0x8];
	s6 =	sshll.u32 s6, $0x6  }
0x22e: {  	s11 =	rddreg [dreg:$0x12];
	s10 =	sshrl.u32 s10, $0x3;
	s6 =	sor.u32 $0x1C08, s6  }
0x22f: {  	[hbm:s11], [sflag:s6] =	dma.local [spmem:s10], $0x2780  }
0x230: {  	s10 =	simm.s32 $0x8  }
0x231: {  	_ =	swait.ge [sflag:s10], $0x2780  }
0x232: {  	[sflag:s10] =	ssyncset.done $0x0  }
0x233: {  	s11 =	simm.s32 $0x1CB78;
	[sflag:s10] =	ssyncadd.s32 $0xFFFFD880  }
0x234: {  	[tilespmem:s11], [sflag:$0x8] =	stream.linear.gather [spmem:s12], $0x278, $0x38;
	[tilespmem:$0x1CDF8] =	vst v63  }
0x235: {  	_ =	swait.ge [sflag:s10], $0x278  }
0x236: {  	[sflag:s10] =	ssyncset.done $0x0  }
.Ltmp10:
0x237: {  	s6 =	rddreg [dreg:$0x13];
	[sflag:s10] =	ssyncadd.s32 $0xFFFFFD88;
	(pc) =	sbr.rel .LBB2_15-.Ltmp10, $4  }
0x238: {  	[hbm4b:s6+s13] =	stream.linear.scatter [tilespmem:s11], [sflag:$0x8], $0x278, $0x38;
	[tilespmem:$0x1CDF8] =	vst v63  }
0x239: {  	_ =	swait.ge [sflag:s10], $0x278  }
0x23a: {  	[sflag:s10] =	ssyncset.done $0x0  }
0x23b: {  	[sflag:s10] =	ssyncadd.s32 $0xFFFFFD88  }
.LBB2_17:
0x23c: {  	s6 =	sld [smem:$0x7FA];
	_ =	sdelay $0x2  }
0x23d: {  	p3 =	seq.s32 s6, $0x1  }
.Ltmp11:
0x23e: {  	_ = 	snop;
	(pc) =	sbr.rel @p3 .LBB2_18-.Ltmp11, $1  }
0x23f: {  	_ =	sdelay $0x3  }
.LBB2_15:
.Ltmp12:
0x240: {  	(pc) =	sbr.rel @!p4 .LBB2_19-.Ltmp12, $1  }
0x241: {  	_ =	sdelay $0x3  }
0x242: {  	s6 =	stileid.u32  }
0x243: {  	s10 =	rddreg [dreg:$0x8];
	s6 =	sshll.u32 s6, $0x6  }
0x244: {  	s11 =	rddreg [dreg:$0x16];
	s10 =	sshrl.u32 s10, $0x3;
	s6 =	sor.u32 $0x1C08, s6  }
0x245: {  	[hbm:s11], [sflag:s6] =	dma.local [spmem:s10], $0x2780  }
0x246: {  	s10 =	simm.s32 $0x8  }
0x247: {  	_ =	swait.ge [sflag:s10], $0x2780  }
0x248: {  	[sflag:s10] =	ssyncset.done $0x0  }
0x249: {  	s11 =	simm.s32 $0x1CB78;
	[sflag:s10] =	ssyncadd.s32 $0xFFFFD880  }
0x24a: {  	[tilespmem:s11], [sflag:$0x8] =	stream.linear.gather [spmem:s12], $0x278, $0x38;
	[tilespmem:$0x1CDF8] =	vst v63  }
0x24b: {  	_ =	swait.ge [sflag:s10], $0x278  }
0x24c: {  	[sflag:s10] =	ssyncset.done $0x0  }
.Ltmp13:
0x24d: {  	s6 =	rddreg [dreg:$0x17];
	[sflag:s10] =	ssyncadd.s32 $0xFFFFFD88;
	(pc) =	sbr.rel .LBB2_20-.Ltmp13, $4  }
0x24e: {  	[hbm4b:s6+s13] =	stream.linear.scatter [tilespmem:s11], [sflag:$0x8], $0x278, $0x38;
	[tilespmem:$0x1CDF8] =	vst v63  }
0x24f: {  	_ =	swait.ge [sflag:s10], $0x278  }
0x250: {  	[sflag:s10] =	ssyncset.done $0x0  }
0x251: {  	[sflag:s10] =	ssyncadd.s32 $0xFFFFFD88;
	s10 =	sld [smem:$0x7F9]  }
.LBB2_21:
0x252: {  	_ =	sfence.sel $0x180000  }
0x253: {  	[bflag:$0x0] =	sbarrier.arrive $0xFFFF  }
0x254: {  	_ =	strace $0x90000047  }
0x255: {  	s0 =	stileid.u32;
	[bflag:$0x2] =	sbarrier.arrive $0xFFFF  }
0x256: {  	p0 =	sne.s32 s0, $0x0;
	s0 =	rddreg [dreg:$0x7]  }
0x257: {  	s0 =	sadd.s32 @!p0 $0x100000, s0  }
0x258: {  	[sflag:s0] =	ssyncadd.tile.s32 @!p0 $0x1;
	_ =	shalt  }
.Lfunc_end2:
_tile_overlayer_lowered:
.L_overlay_start_2:
0x259: {  	(tag) =	ssettag $0x2  }
0x25a: {  	s0 =	rddreg [dreg:$0x0];
	s2 =	stileid.u32  }
0x25b: {  	s1 =	rddreg [dreg:$0x1];
	p0 =	sne.s32 s2, $0x0  }
0x25c: {  	s3 =	rddreg [dreg:$0x2];
	[bflag:$0x3] =	sbarrier.arrive $0xFFFF;
	s2 =	simm.s32 @!p0 $0x1C08  }
0x25d: {  	[timem:s3], [sflag:s2] =	dma.local @!p0 [hbm:s0], s1  }
0x25e: {  	s0 =	simm.s32 @!p0 $0x8  }
0x25f: {  	_ =	swait.ge @!p0 [sflag:s0], s1  }
0x260: {  	s1 =	ssub.s32 @!p0 $0x0, s1;
	[sflag:s0] =	ssyncset.done @!p0 $0x0  }
0x261: {  	[sflag:s0] =	ssyncadd.s32 @!p0 s1  }
0x262: {  	[bflag:$0x3] =	sbarrier.arrive $0xFFFF  }
0x263: {  	_ =	shalt  }

</sc_bundles>
